<compile_context>
chip_gen: v7x
topology: tpu7x:2x2x1
jax: 0.10.2.dev20260603
libtpu: 0.0.44.dev20260713+nightly
codegen_flags: <defaults>
</compile_context>

<pallas_src>
import functools

import numpy as np

import jax
import jax.numpy as jnp
from jax import lax
from jax.experimental import pallas as pl
from jax.experimental.pallas import tpu as pltpu
from jax.experimental.pallas import tpu_sc as plsc

N = 10000
NP = 10240
EG = 320000
F = 64
IN_DIM = 128
EDGE_DIM = 4

BLK = 512
NBLK = NP // BLK

NEG = np.float32(-1e30)
F32_0 = np.float32(0.0)
Z = np.int32(0)

NC = 2
NS = 16
NTILE = NC * NS
NROW = NP // NS

E_ALL = EG + N
KS = 256
WS = 41
EPAD = NTILE * KS * WS


def _layer_prep_body(x_ref, w_ref, as_ref, ad_ref, h_ref, a_ref, amax_ref):
    i = pl.program_id(0)
    h = jnp.dot(x_ref[...], w_ref[...], preferred_element_type=jnp.float32)
    h_ref[...] = h
    a_s = jnp.sum(h * as_ref[...], axis=1)
    a_d = jnp.sum(h * ad_ref[...], axis=1)
    a_ref[...] = jnp.concatenate([a_s[None, :], a_d[None, :]], axis=0)

    rid = lax.broadcasted_iota(jnp.int32, (BLK,), 0) + i * BLK
    valid = rid < N
    cur = jnp.concatenate(
        [jnp.max(jnp.where(valid, a_s, NEG)).reshape(1, 1),
         jnp.max(jnp.where(valid, a_d, NEG)).reshape(1, 1)], axis=1)

    @pl.when(i == 0)
    def _():
        amax_ref[...] = cur

    @pl.when(i > 0)
    def _():
        amax_ref[...] = jnp.maximum(amax_ref[...], cur)


def _layer_prep(x, W, att_src, att_dst, din):
    return pl.pallas_call(
        _layer_prep_body,
        grid=(NBLK,),
        in_specs=[
            pl.BlockSpec((BLK, din), lambda i: (i, Z)),
            pl.BlockSpec((din, F), lambda i: (Z, Z)),
            pl.BlockSpec((1, F), lambda i: (Z, Z)),
            pl.BlockSpec((1, F), lambda i: (Z, Z)),
        ],
        out_specs=[
            pl.BlockSpec((BLK, F), lambda i: (i, Z)),
            pl.BlockSpec((2, BLK), lambda i: (Z, i)),
            pl.BlockSpec((1, 2), lambda i: (Z, Z)),
        ],
        out_shape=[
            jax.ShapeDtypeStruct((NP, F), jnp.float32),
            jax.ShapeDtypeStruct((2, NP), jnp.float32),
            jax.ShapeDtypeStruct((1, 2), jnp.float32),
        ],
    )(x, W, att_src, att_dst)


EBLK = 2560
NEBLK = EG // EBLK


def _edge_b_body(eaT_ref, we_ref, ae_ref, b_ref, bmax_ref):
    i = pl.program_id(0)
    w4 = jnp.dot(we_ref[...], ae_ref[...].T,
                 preferred_element_type=jnp.float32)
    b = jnp.sum(eaT_ref[...] * w4, axis=0, keepdims=True)
    b_ref[...] = b
    cur = jnp.max(b).reshape(1, 1)

    @pl.when(i == 0)
    def _():
        bmax_ref[...] = cur

    @pl.when(i > 0)
    def _():
        bmax_ref[...] = jnp.maximum(bmax_ref[...], cur)


def _edge_b(eaT, W_edge, att_edge):
    return pl.pallas_call(
        _edge_b_body,
        grid=(NEBLK,),
        in_specs=[
            pl.BlockSpec((EDGE_DIM, EBLK), lambda i: (Z, i)),
            pl.BlockSpec((EDGE_DIM, F), lambda i: (Z, Z)),
            pl.BlockSpec((1, F), lambda i: (Z, Z)),
        ],
        out_specs=[
            pl.BlockSpec((1, EBLK), lambda i: (Z, i)),
            pl.BlockSpec((1, 1), lambda i: (Z, Z)),
        ],
        out_shape=[
            jax.ShapeDtypeStruct((1, EG), jnp.float32),
            jax.ShapeDtypeStruct((1, 1), jnp.float32),
        ],
    )(eaT, W_edge, att_edge)


def _rows8_ea_body(eaT_ref, out_ref):
    ea = eaT_ref[...].T
    ones = jnp.ones((EBLK, 1), jnp.float32)
    zer = jnp.zeros((EBLK, 3), jnp.float32)
    out_ref[...] = jnp.concatenate([ea, ones, zer], axis=1)


def _rows8_ea(eaT):
    return pl.pallas_call(
        _rows8_ea_body,
        grid=(NEBLK,),
        in_specs=[pl.BlockSpec((EDGE_DIM, EBLK), lambda i: (Z, i))],
        out_specs=pl.BlockSpec((EBLK, 8), lambda i: (i, Z)),
        out_shape=jax.ShapeDtypeStruct((EG, 8), jnp.float32),
    )(eaT)


XBLK = 4096
NXBLK = EPAD // XBLK


def _rows8_ex_body(ex_ref, out_ref):
    e = ex_ref[...].reshape(XBLK, 1)
    out_ref[...] = jnp.concatenate(
        [e, jnp.zeros((XBLK, 7), jnp.float32)], axis=1)


def _rows8_ex(ex):
    return pl.pallas_call(
        _rows8_ex_body,
        grid=(NXBLK,),
        in_specs=[pl.BlockSpec((1, XBLK), lambda i: (Z, i))],
        out_specs=pl.BlockSpec((XBLK, 8), lambda i: (i, Z)),
        out_shape=jax.ShapeDtypeStruct((EPAD, 8), jnp.float32),
    )(ex.reshape(1, EPAD))


def _loop_b_body(ed_ref, we_ref, ae_ref, b_ref, bmax_ref):
    i = pl.program_id(0)
    w4 = jnp.dot(we_ref[...], ae_ref[...].T,
                 preferred_element_type=jnp.float32)
    eb = ed_ref[0] + ed_ref[1]
    s = jnp.sum(eb[:, 0:EDGE_DIM] * w4[:, 0].reshape(1, EDGE_DIM), axis=1)
    deg = jnp.maximum(eb[:, EDGE_DIM], 1.0)
    b = (s / deg)[None, :]
    b_ref[...] = b
    cur = jnp.max(b).reshape(1, 1)

    @pl.when(i == 0)
    def _():
        bmax_ref[...] = cur

    @pl.when(i > 0)
    def _():
        bmax_ref[...] = jnp.maximum(bmax_ref[...], cur)


def _loop_b(ea_deg, W_edge, att_edge):
    return pl.pallas_call(
        _loop_b_body,
        grid=(NBLK,),
        in_specs=[
            pl.BlockSpec((2, BLK, 8), lambda i: (Z, i, Z)),
            pl.BlockSpec((EDGE_DIM, F), lambda i: (Z, Z)),
            pl.BlockSpec((1, F), lambda i: (Z, Z)),
        ],
        out_specs=[
            pl.BlockSpec((1, BLK), lambda i: (Z, i)),
            pl.BlockSpec((1, 1), lambda i: (Z, Z)),
        ],
        out_shape=[
            jax.ShapeDtypeStruct((1, NP), jnp.float32),
            jax.ShapeDtypeStruct((1, 1), jnp.float32),
        ],
    )(ea_deg, W_edge, att_edge)


def _combine_body(acc_ref, den_ref, bias_ref, g_ref, be_ref, mu_ref, var_ref,
                  out_ref):
    y = acc_ref[0] + acc_ref[1]
    d = den_ref[0, :, 0:1] + den_ref[1, :, 0:1]
    y = y / (d + 1e-16) + bias_ref[...]
    scale = g_ref[...] * lax.rsqrt(var_ref[...] + 1e-5)
    y = scale * (y - mu_ref[...]) + be_ref[...]
    i = pl.program_id(0)
    rid = lax.broadcasted_iota(jnp.int32, (BLK, 1), 0) + i * BLK
    out_ref[...] = jnp.where(rid < N, jnp.maximum(y, F32_0), F32_0)


def _combine(acc, den, bias, gamma, beta, mean, var):
    return pl.pallas_call(
        _combine_body,
        grid=(NBLK,),
        in_specs=[
            pl.BlockSpec((2, BLK, F), lambda i: (Z, i, Z)),
            pl.BlockSpec((2, BLK, 8), lambda i: (Z, i, Z)),
        ] + [pl.BlockSpec((1, F), lambda i: (Z, Z))] * 5,
        out_specs=pl.BlockSpec((BLK, F), lambda i: (i, Z)),
        out_shape=jax.ShapeDtypeStruct((NP, F), jnp.float32),
    )(acc, den, bias, gamma, beta, mean, var)


def _flash_body(xq_ref, xkv_ref, wq_ref, wk_ref, wv_ref, bq_ref, bk_ref,
                bv_ref, wo_ref, bo_ref, w1_ref, b1_ref, w2_ref, b2_ref,
                w3_ref, b3_ref, out_ref,
                macc, mrow, lrow, psum, pmax):
    qi = pl.program_id(0)
    kj = pl.program_id(1)
    nkv = pl.num_programs(1)

    @pl.when(kj == 0)
    def _():
        macc[...] = jnp.zeros_like(macc)
        mrow[...] = jnp.full_like(mrow, NEG)
        lrow[...] = jnp.zeros_like(lrow)

    q = (jnp.dot(xq_ref[...], wq_ref[...], preferred_element_type=jnp.float32)
         + bq_ref[...])
    k = (jnp.dot(xkv_ref[...], wk_ref[...], preferred_element_type=jnp.float32)
         + bk_ref[...])
    v = (jnp.dot(xkv_ref[...], wv_ref[...], preferred_element_type=jnp.float32)
         + bv_ref[...])
    s = lax.dot_general(q, k, (((1,), (1,)), ((), ())),
                        preferred_element_type=jnp.float32) * 0.125
    cid = lax.broadcasted_iota(jnp.int32, (BLK, BLK), 1) + kj * BLK
    s = jnp.where(cid < N, s, NEG)

    m_prev = mrow[...]
    m_new = jnp.maximum(m_prev, jnp.max(s, axis=1, keepdims=True))
    p = jnp.exp(s - m_new[:, 0:1])
    corr = jnp.exp(m_prev - m_new)
    lrow[...] = lrow[...] * corr + jnp.sum(p, axis=1, keepdims=True)
    macc[...] = (macc[...] * corr[:, 0:F]
                 + jnp.dot(p, v, preferred_element_type=jnp.float32))
    mrow[...] = m_new

    @pl.when(kj == nkv - 1)
    def _():
        attn = macc[...] / lrow[:, 0:1]
        y = xq_ref[...] + jnp.dot(attn, wo_ref[...],
                                  preferred_element_type=jnp.float32) + bo_ref[...]
        rid = lax.broadcasted_iota(jnp.int32, (BLK, 1), 0) + qi * BLK
        rvalid = rid < N
        cur_sum = jnp.sum(jnp.where(rvalid, y, F32_0), axis=0, keepdims=True)
        cur_max = jnp.max(jnp.where(rvalid, y, NEG), axis=0, keepdims=True)

        @pl.when(qi == 0)
        def _():
            psum[0:1, :] = cur_sum
            pmax[0:1, :] = cur_max

        @pl.when(qi > 0)
        def _():
            psum[0:1, :] = psum[0:1, :] + cur_sum
            pmax[0:1, :] = jnp.maximum(pmax[0:1, :], cur_max)

        @pl.when(qi == pl.num_programs(0) - 1)
        def _():
            g = jnp.concatenate(
                [psum[0:1, :] * (1.0 / N), pmax[0:1, :]], axis=1)
            h1 = jnp.maximum(
                jnp.dot(g, w1_ref[...], preferred_element_type=jnp.float32)
                + b1_ref[...], F32_0)
            h2 = jnp.maximum(
                jnp.dot(h1, w2_ref[...], preferred_element_type=jnp.float32)
                + b2_ref[...], F32_0)
            out_ref[...] = (jnp.dot(h2, w3_ref[...],
                                    preferred_element_type=jnp.float32)
                            + b3_ref[...])


def _flash(x3, attn_p, mlp_p):
    wq = attn_p["in_w"][0:F].T
    wk = attn_p["in_w"][F:2 * F].T
    wv = attn_p["in_w"][2 * F:].T
    bq = attn_p["in_b"][0:F].reshape(1, F)
    bk = attn_p["in_b"][F:2 * F].reshape(1, F)
    bv = attn_p["in_b"][2 * F:].reshape(1, F)
    wo = attn_p["out_w"].T
    bo = attn_p["out_b"].reshape(1, F)
    w1, b1 = mlp_p["W1"], mlp_p["b1"].reshape(1, -1)
    w2, b2 = mlp_p["W2"], mlp_p["b2"].reshape(1, -1)
    w3, b3 = mlp_p["W3"], mlp_p["b3"].reshape(1, -1)

    const = lambda shape: pl.BlockSpec(shape, lambda i, j: (Z,) * len(shape))
    return pl.pallas_call(
        _flash_body,
        grid=(NBLK, NBLK),
        in_specs=[
            pl.BlockSpec((BLK, F), lambda i, j: (i, Z)),
            pl.BlockSpec((BLK, F), lambda i, j: (j, Z)),
            const((F, F)), const((F, F)), const((F, F)),
            const((1, F)), const((1, F)), const((1, F)),
            const((F, F)), const((1, F)),
            const((2 * F, 128)), const((1, 128)),
            const((128, 64)), const((1, 64)),
            const((64, 192)), const((1, 192)),
        ],
        out_specs=pl.BlockSpec((1, 192), lambda i, j: (Z, Z)),
        out_shape=jax.ShapeDtypeStruct((1, 192), jnp.float32),
        scratch_shapes=[
            pltpu.VMEM((BLK, F), jnp.float32),
            pltpu.VMEM((BLK, 128), jnp.float32),
            pltpu.VMEM((BLK, 128), jnp.float32),
            pltpu.VMEM((8, F), jnp.float32),
            pltpu.VMEM((8, F), jnp.float32),
        ],
    )(x3, x3, wq, wk, wv, bq, bk, bv, wo, bo, w1, b1, w2, b2, w3, b3)


def _mesh():
    return plsc.VectorSubcoreMesh(core_axis_name="c", subcore_axis_name="s",
                                  num_cores=NC, num_subcores=NS)


def _sc_scatter8(rows8, idx, zrow, K, W):
    @functools.partial(
        pl.kernel,
        out_type=jax.ShapeDtypeStruct((NC, NP, 8), jnp.float32),
        mesh=_mesh(),
        compiler_params=pltpu.CompilerParams(use_tc_tiling_on_sc=False, needs_layout_passes=False),
        scratch_types=[
            pltpu.VMEM((K,), jnp.int32),
            pltpu.VMEM((K, 8), jnp.float32),
            pltpu.VMEM((NROW, 8), jnp.float32),
            pltpu.VMEM_SHARED((NP, 8), jnp.float32),
        ],
    )
    def k(rows_hbm, idx_hbm, zr_hbm, out_hbm, idx_v, rows_v, zrow_v, acc_s):
        c = lax.axis_index("c")
        s = lax.axis_index("s")
        s_row = s * np.int32(NROW)
        pltpu.sync_copy(zr_hbm, zrow_v)
        pltpu.sync_copy(zrow_v, acc_s.at[pl.ds(s_row, NROW)])
        plsc.subcore_barrier()

        tile_base = (c * np.int32(NS) + s) * np.int32(K * W)

        for w in range(W):
            base = tile_base + np.int32(w * K)
            pltpu.sync_copy(idx_hbm.at[pl.ds(base, K)], idx_v)
            pltpu.sync_copy(rows_hbm.at[pl.ds(base, K), :], rows_v)
            pltpu.sync_copy(rows_v, acc_s.at[idx_v], add=True)
        plsc.subcore_barrier()
        pltpu.sync_copy(acc_s.at[pl.ds(s_row, NROW)],
                        out_hbm.at[c, pl.ds(s_row, NROW), :])

    return k(rows8, idx, zrow)


def _sc_spmm(src_f, dst_f, b_all, a_src, a_dst, c16, h, zeros64):
    @functools.partial(
        pl.kernel,
        out_type=[
            jax.ShapeDtypeStruct((NC, NP, F), jnp.float32),
            jax.ShapeDtypeStruct((EPAD,), jnp.float32),
        ],
        mesh=_mesh(),
        compiler_params=pltpu.CompilerParams(use_tc_tiling_on_sc=False,
                                             needs_layout_passes=False),
        scratch_types=[
            pltpu.VMEM((NP,), jnp.float32),
            pltpu.VMEM((NP,), jnp.float32),
            pltpu.VMEM((16,), jnp.float32),
            pltpu.VMEM((KS,), jnp.int32),
            pltpu.VMEM((KS,), jnp.int32),
            pltpu.VMEM((KS,), jnp.float32),
            pltpu.VMEM((KS,), jnp.float32),
            pltpu.VMEM((KS, F), jnp.float32),
            pltpu.VMEM_SHARED((NP, F), jnp.float32),
            pltpu.SemaphoreType.DMA,
        ],
    )
    def k(src_hbm, dst_hbm, b_hbm, as_hbm, ad_hbm, c_hbm, h_hbm, z_hbm,
          out_hbm, ex_hbm,
          as_v, ad_v, c_v, src_v, dst_v, b_v, ex_v, rows_v,
          acc_s, gsem):
        c = lax.axis_index("c")
        s = lax.axis_index("s")
        s_row = s * np.int32(NROW)
        pltpu.sync_copy(as_hbm, as_v)
        pltpu.sync_copy(ad_hbm, ad_v)
        pltpu.sync_copy(c_hbm, c_v)
        pltpu.sync_copy(z_hbm, rows_v.at[pl.ds(0, NROW), :])
        pltpu.sync_copy(rows_v.at[pl.ds(0, NROW), :],
                        acc_s.at[pl.ds(s_row, NROW)])
        plsc.subcore_barrier()

        tile_base = (c * np.int32(NS) + s) * np.int32(KS * WS)
        cvec = c_v[...]

        def window(w, carry):
            base = tile_base + w * np.int32(KS)
            pltpu.sync_copy(src_hbm.at[pl.ds(base, KS)], src_v)
            pltpu.sync_copy(dst_hbm.at[pl.ds(base, KS)], dst_v)
            pltpu.sync_copy(b_hbm.at[pl.ds(base, KS)], b_v)
            gdma = pltpu.async_copy(h_hbm.at[src_v], rows_v, gsem)
            for g in range(KS // 16):
                sl = pl.ds(g * 16, 16)
                al = (plsc.load_gather(as_v, [src_v[sl]])
                      + plsc.load_gather(ad_v, [dst_v[sl]])
                      + b_v[sl])
                al = jnp.maximum(al, al * np.float32(0.2))
                ex_v[sl] = jnp.exp(al - cvec)
            gdma.wait()

            def rbody(kk, cc):
                m = plsc.load_gather(ex_v, [jnp.full((16,), 0, jnp.int32) + kk])
                for j in range(F // 16):
                    rows_v[kk, pl.ds(j * 16, 16)] = (
                        rows_v[kk, pl.ds(j * 16, 16)] * m)
                return cc

            lax.fori_loop(np.int32(0), np.int32(KS), rbody, np.int32(0))
            pltpu.sync_copy(rows_v, acc_s.at[dst_v], add=True)
            pltpu.sync_copy(ex_v, ex_hbm.at[pl.ds(base, KS)])
            return carry

        lax.fori_loop(np.int32(0), np.int32(WS), window, np.int32(0))
        plsc.subcore_barrier()
        pltpu.sync_copy(acc_s.at[pl.ds(s_row, NROW)],
                        out_hbm.at[c, pl.ds(s_row, NROW), :])

    return k(src_f, dst_f, b_all, a_src, a_dst, c16, h, zeros64)


def kernel(x, edge_index, edge_attr, params):
    with jax.enable_x64(False):
        return _kernel_impl(x, edge_index, edge_attr, params)


def _kernel_impl(x, edge_index, edge_attr, params):
    src = edge_index[0].astype(jnp.int32)
    dst = edge_index[1].astype(jnp.int32)
    loop = jnp.arange(N, dtype=jnp.int32)
    pad = jnp.zeros((EPAD - E_ALL,), jnp.int32)
    src_f = jnp.concatenate([src, loop, pad])
    dst_f = jnp.concatenate([dst, loop, pad])
    eaT = edge_attr.T
    zeros64 = jnp.zeros((NROW, F), jnp.float32)
    zrow = jnp.zeros((NROW, 8), jnp.float32)
    bpad = jnp.full((EPAD - E_ALL,), NEG, jnp.float32)

    ea_rows8 = _rows8_ea(eaT)
    ea_deg = _sc_scatter8(ea_rows8, dst, zrow, 10000, 1)

    x_cur = jnp.zeros((NP, IN_DIM), jnp.float32).at[:N].set(x)
    din = IN_DIM
    for i in range(3):
        gp = params["gat"][i]
        bp = params["bn"][i]
        h, a_vec, amax = _layer_prep(
            x_cur, gp["W"], gp["att_src"].reshape(1, F),
            gp["att_dst"].reshape(1, F), din)
        b_real, bmax1 = _edge_b(eaT, gp["W_edge"], gp["att_edge"].reshape(1, F))
        b_loop, bmax2 = _loop_b(ea_deg, gp["W_edge"],
                                gp["att_edge"].reshape(1, F))
        b_all = jnp.concatenate([b_real[0], b_loop[0, :N], bpad])
        c = amax[0, 0] + amax[0, 1] + jnp.maximum(bmax1[0, 0], bmax2[0, 0])
        c16 = jnp.full((16,), c, jnp.float32)
        acc, ex_all = _sc_spmm(src_f, dst_f, b_all, a_vec[0], a_vec[1], c16,
                               h, zeros64)
        ex_rows8 = _rows8_ex(ex_all)
        den = _sc_scatter8(ex_rows8, dst_f, zrow, EPAD // NTILE, 1)
        x_cur = _combine(acc, den, gp["bias"].reshape(1, F),
                         bp["gamma"].reshape(1, F), bp["beta"].reshape(1, F),
                         bp["mean"].reshape(1, F), bp["var"].reshape(1, F))
        din = F

    q = _flash(x_cur, params["attn"], params["mlp"])
    return q.reshape(1, 3, 64)

# --- scband reference (transcript-rebuilt; emitter-appended) ---
"""Pipeline reference for scband-gnnqnet-17617955848486 (READ-ONLY COPY).

The authoritative reference and input builder live on the scoring server;
editing this copy changes nothing except your own understanding.
"""

import jax, jax.numpy as jnp
import numpy as np

jax.config.update("jax_enable_x64", True)

H = 1
C = 64
NUM_COLUMNS = 64
EDGE_DIM = 4
IN_DIM = 128


def _init_params(key):
    keys = jax.random.split(key, 40)
    ki = iter(keys)

    def nrm(shape, scale=0.05):
        return (jax.random.normal(next(ki), shape, dtype=jnp.float32) * scale).astype(jnp.float32)

    dims = [IN_DIM, H * C, H * C]
    gat = []
    bn = []
    for i in range(3):
        gat.append({
            "W": nrm((dims[i], H * C)),
            "att_src": nrm((H, C)),
            "att_dst": nrm((H, C)),
            "W_edge": nrm((EDGE_DIM, H * C)),
            "att_edge": nrm((H, C)),
            "bias": jnp.zeros((H * C,), jnp.float32),
        })
        bn.append({
            "gamma": jnp.ones((H * C,), jnp.float32),
            "beta": jnp.zeros((H * C,), jnp.float32),
            "mean": jnp.zeros((H * C,), jnp.float32),
            "var": jnp.ones((H * C,), jnp.float32),
        })
    E = H * C
    attn = {
        "in_w": nrm((3 * E, E)),
        "in_b": jnp.zeros((3 * E,), jnp.float32),
        "out_w": nrm((E, E)),
        "out_b": jnp.zeros((E,), jnp.float32),
    }
    mlp = {
        "W1": nrm((2 * E, 128)), "b1": jnp.zeros((128,), jnp.float32),
        "W2": nrm((128, 64)), "b2": jnp.zeros((64,), jnp.float32),
        "W3": nrm((64, 3 * NUM_COLUMNS)), "b3": jnp.zeros((3 * NUM_COLUMNS,), jnp.float32),
    }
    return {"gat": gat, "bn": bn, "attn": attn, "mlp": mlp}


def _gat_conv(x, edge_index, edge_attr, p, N):
    src, dst = edge_index[0], edge_index[1]
    # add_self_loops with fill_value='mean': per-dst-node mean of incoming edge_attr
    deg = jax.ops.segment_sum(jnp.ones_like(dst, dtype=jnp.float32), dst, num_segments=N)
    mean_ea = jax.ops.segment_sum(edge_attr, dst, num_segments=N) / jnp.maximum(deg, 1.0)[:, None]
    loop = jnp.arange(N, dtype=src.dtype)
    src_f = jnp.concatenate([src, loop])
    dst_f = jnp.concatenate([dst, loop])
    ea_f = jnp.concatenate([edge_attr, mean_ea], axis=0)
    h = (x @ p["W"]).reshape(N, H, C)
    a_src = jnp.sum(h * p["att_src"][None], axis=-1)  # [N,H]
    a_dst = jnp.sum(h * p["att_dst"][None], axis=-1)
    e = (ea_f @ p["W_edge"]).reshape(-1, H, C)
    a_e = jnp.sum(e * p["att_edge"][None], axis=-1)
    alpha = a_src[src_f] + a_dst[dst_f] + a_e
    alpha = jax.nn.leaky_relu(alpha, 0.2)
    amax = jax.lax.stop_gradient(jax.ops.segment_max(alpha, dst_f, num_segments=N))
    ex = jnp.exp(alpha - amax[dst_f])
    denom = jax.ops.segment_sum(ex, dst_f, num_segments=N)
    alpha = ex / (denom[dst_f] + 1e-16)
    msg = h[src_f] * alpha[..., None]
    out = jax.ops.segment_sum(msg, dst_f, num_segments=N).reshape(N, H * C) + p["bias"]
    return out


def _bn_eval(x, p):
    return p["gamma"] * (x - p["mean"]) / jnp.sqrt(p["var"] + 1e-5) + p["beta"]


def _mha(x, p):
    # x viewed as (seq_len=N, batch=1, embed); num_heads=1 -> head_dim = embed
    E = x.shape[-1]
    qkv = x @ p["in_w"].T + p["in_b"]
    q, k, v = qkv[:, :E], qkv[:, E:2 * E], qkv[:, 2 * E:]
    scores = (q @ k.T) / jnp.sqrt(jnp.float32(E))
    attnw = jax.nn.softmax(scores, axis=-1)
    out = attnw @ v
    return out @ p["out_w"].T + p["out_b"]


def _forward(x, edge_attr, params, edge_index):
    N = x.shape[0]
    for i in range(3):
        x = _gat_conv(x, edge_index, edge_attr, params["gat"][i], N)
        x = _bn_eval(x, params["bn"][i])
        x = jax.nn.relu(x)
        # dropout disabled in eval mode
    x = x + _mha(x, params["attn"])
    x_mean = jnp.mean(x, axis=0, keepdims=True)
    x_max = jnp.max(x, axis=0, keepdims=True)
    g = jnp.concatenate([x_mean, x_max], axis=-1)
    m = params["mlp"]
    h1 = jax.nn.relu(g @ m["W1"] + m["b1"])
    h2 = jax.nn.relu(h1 @ m["W2"] + m["b2"])
    q_values = h2 @ m["W3"] + m["b3"]
    return q_values.reshape(-1, 3, NUM_COLUMNS)


def setup_inputs(seed: int = 0):
    key = jax.random.key(seed)
    k1, k2, k3, kp = jax.random.split(key, 4)
    N, Eg = 10000, 320000
    x = jax.random.normal(k1, (N, IN_DIM), dtype=jnp.float32)
    edge_index = jax.random.randint(k2, (2, Eg), 0, N, dtype=jnp.int64)
    edge_attr = jax.random.normal(k3, (Eg, EDGE_DIM), dtype=jnp.float32)
    params = _init_params(kp)
    return {"x": x, "edge_index": edge_index, "edge_attr": edge_attr, "params": params}


def reference(x, edge_index, edge_attr, params):
    return _forward(x, edge_attr, params, edge_index)

if __name__ == "__main__":
    import jax
    _d = setup_inputs()
    print(jax.jit(kernel)(*tuple(_d.values())))

</pallas_src>

<mosaic_0001>
#map = affine_map<(d0, d1) -> (0, 0)>
#map1 = affine_map<(d0, d1) -> (0)>
#map2 = affine_map<(d0, d1) -> (0, 0, 0)>
module attributes {stable_mosaic.version = 14 : i64} {
  func.func @k(%arg0: i32, %arg1: i32, %arg2: memref<320000x8xf32, #tpu.memory_space<hbm>>, %arg3: memref<320000xi32, #tpu.memory_space<hbm>>, %arg4: memref<640x8xf32, #tpu.memory_space<hbm>>, %arg5: memref<2x10240x8xf32, #tpu.memory_space<hbm>>, %arg6: memref<10000xi32, #tpu.memory_space<vmem>>, %arg7: memref<10000x8xf32, #tpu.memory_space<vmem>>, %arg8: memref<640x8xf32, #tpu.memory_space<vmem>>, %arg9: memref<10240x8xf32, #tpu.memory_space<vmem_shared>>) attributes {dimension_semantics = [#tpu.dimension_semantics<core_parallel>, #tpu.dimension_semantics<subcore_parallel>], iteration_bounds = array<i64: 2, 16>, scalar_prefetch = 0 : i64, scratch_operands = 4 : i64, tpu.core_type = #tpu.core_type<sc_vector_subcore>, window_params = [{transform_indices = #map}, {transform_indices = #map1}, {transform_indices = #map}, {transform_indices = #map2}]} {
    %mul3A = arith.constant 640 : i32
    %mul3A_0 = arith.muli %arg1, %mul3A : i32
    "tpu.region"() ({
      %run_scoped3A = tpu.sem_alloc : memref<!tpu.dma_semaphore, #tpu.memory_space<semaphore_mem>>
      tpu.enqueue_dma source(%arg4 : memref<640x8xf32, #tpu.memory_space<hbm>>) target(%arg8 : memref<640x8xf32, #tpu.memory_space<vmem>>) target_semaphore(%run_scoped3A : memref<!tpu.dma_semaphore, #tpu.memory_space<semaphore_mem>>)
      tpu.wait_dma2 semaphore(%run_scoped3A : memref<!tpu.dma_semaphore, #tpu.memory_space<semaphore_mem>>) src(%arg4 : memref<640x8xf32, #tpu.memory_space<hbm>>) dst(%arg8 : memref<640x8xf32, #tpu.memory_space<vmem>>)
      tpu.yield
    }) : () -> ()
    "tpu.region"() ({
      %run_scoped3A = tpu.sem_alloc : memref<!tpu.dma_semaphore, #tpu.memory_space<semaphore_mem>>
      %dma_start3A = arith.constant 0 : i32
      %dma_start3A_8 = tpu.memref_slice %arg9[%mul3A_0, %dma_start3A] : memref<10240x8xf32, #tpu.memory_space<vmem_shared>> -> memref<640x8xf32, #tpu.memory_space<vmem_shared>>
      %dma_start3A_9 = arith.constant 0 : i32
      %dma_start3A_10 = tpu.memref_slice %arg9[%mul3A_0, %dma_start3A_9] : memref<10240x8xf32, #tpu.memory_space<vmem_shared>> -> memref<640x8xf32, #tpu.memory_space<vmem_shared>>
      tpu.enqueue_dma source(%arg8 : memref<640x8xf32, #tpu.memory_space<vmem>>) target(%dma_start3A_10 : memref<640x8xf32, #tpu.memory_space<vmem_shared>>) target_semaphore(%run_scoped3A : memref<!tpu.dma_semaphore, #tpu.memory_space<semaphore_mem>>)
      %dma_wait3A = arith.constant 0 : i32
      %dma_wait3A_11 = tpu.memref_slice %arg9[%mul3A_0, %dma_wait3A] : memref<10240x8xf32, #tpu.memory_space<vmem_shared>> -> memref<640x8xf32, #tpu.memory_space<vmem_shared>>
      %dma_wait3A_12 = arith.constant 0 : i32
      %dma_wait3A_13 = tpu.memref_slice %arg9[%mul3A_0, %dma_wait3A_12] : memref<10240x8xf32, #tpu.memory_space<vmem_shared>> -> memref<640x8xf32, #tpu.memory_space<vmem_shared>>
      tpu.wait_dma2 semaphore(%run_scoped3A : memref<!tpu.dma_semaphore, #tpu.memory_space<semaphore_mem>>) src(%arg8 : memref<640x8xf32, #tpu.memory_space<vmem>>) dst(%dma_wait3A_13 : memref<640x8xf32, #tpu.memory_space<vmem_shared>>)
      tpu.yield
    }) : () -> ()
    %barrier3A = arith.constant 0 : index
    tpu.barrier barrier_id(%barrier3A)
    %mul3A_1 = arith.constant 16 : i32
    %mul3A_2 = arith.muli %arg0, %mul3A_1 : i32
    %add3A = arith.addi %mul3A_2, %arg1 : i32
    %mul3A_3 = arith.constant 10000 : i32
    %mul3A_4 = arith.muli %add3A, %mul3A_3 : i32
    %add3A_5 = arith.constant 0 : i32
    %add3A_6 = arith.addi %mul3A_4, %add3A_5 : i32
    "tpu.region"() ({
      %run_scoped3A = tpu.sem_alloc : memref<!tpu.dma_semaphore, #tpu.memory_space<semaphore_mem>>
      %dma_start3A = tpu.memref_slice %arg3[%add3A_6] : memref<320000xi32, #tpu.memory_space<hbm>> -> memref<10000xi32, #tpu.memory_space<hbm>>
      %dma_start3A_8 = tpu.memref_slice %arg3[%add3A_6] : memref<320000xi32, #tpu.memory_space<hbm>> -> memref<10000xi32, #tpu.memory_space<hbm>>
      tpu.enqueue_dma source(%dma_start3A_8 : memref<10000xi32, #tpu.memory_space<hbm>>) target(%arg6 : memref<10000xi32, #tpu.memory_space<vmem>>) target_semaphore(%run_scoped3A : memref<!tpu.dma_semaphore, #tpu.memory_space<semaphore_mem>>)
      %dma_wait3A = tpu.memref_slice %arg3[%add3A_6] : memref<320000xi32, #tpu.memory_space<hbm>> -> memref<10000xi32, #tpu.memory_space<hbm>>
      %dma_wait3A_9 = tpu.memref_slice %arg3[%add3A_6] : memref<320000xi32, #tpu.memory_space<hbm>> -> memref<10000xi32, #tpu.memory_space<hbm>>
      tpu.wait_dma2 semaphore(%run_scoped3A : memref<!tpu.dma_semaphore, #tpu.memory_space<semaphore_mem>>) src(%dma_wait3A_9 : memref<10000xi32, #tpu.memory_space<hbm>>) dst(%arg6 : memref<10000xi32, #tpu.memory_space<vmem>>)
      tpu.yield
    }) : () -> ()
    "tpu.region"() ({
      %run_scoped3A = tpu.sem_alloc : memref<!tpu.dma_semaphore, #tpu.memory_space<semaphore_mem>>
      %dma_start3A = arith.constant 0 : i32
      %dma_start3A_8 = tpu.memref_slice %arg2[%add3A_6, %dma_start3A] : memref<320000x8xf32, #tpu.memory_space<hbm>> -> memref<10000x8xf32, #tpu.memory_space<hbm>>
      %dma_start3A_9 = arith.constant 0 : i32
      %dma_start3A_10 = tpu.memref_slice %arg2[%add3A_6, %dma_start3A_9] : memref<320000x8xf32, #tpu.memory_space<hbm>> -> memref<10000x8xf32, #tpu.memory_space<hbm>>
      tpu.enqueue_dma source(%dma_start3A_10 : memref<10000x8xf32, #tpu.memory_space<hbm>>) target(%arg7 : memref<10000x8xf32, #tpu.memory_space<vmem>>) target_semaphore(%run_scoped3A : memref<!tpu.dma_semaphore, #tpu.memory_space<semaphore_mem>>)
      %dma_wait3A = arith.constant 0 : i32
      %dma_wait3A_11 = tpu.memref_slice %arg2[%add3A_6, %dma_wait3A] : memref<320000x8xf32, #tpu.memory_space<hbm>> -> memref<10000x8xf32, #tpu.memory_space<hbm>>
      %dma_wait3A_12 = arith.constant 0 : i32
      %dma_wait3A_13 = tpu.memref_slice %arg2[%add3A_6, %dma_wait3A_12] : memref<320000x8xf32, #tpu.memory_space<hbm>> -> memref<10000x8xf32, #tpu.memory_space<hbm>>
      tpu.wait_dma2 semaphore(%run_scoped3A : memref<!tpu.dma_semaphore, #tpu.memory_space<semaphore_mem>>) src(%dma_wait3A_13 : memref<10000x8xf32, #tpu.memory_space<hbm>>) dst(%arg7 : memref<10000x8xf32, #tpu.memory_space<vmem>>)
      tpu.yield
    }) : () -> ()
    "tpu.region"() ({
      %run_scoped3A = tpu.sem_alloc : memref<!tpu.dma_semaphore, #tpu.memory_space<semaphore_mem>>
      %dma_start3A = arith.constant 0 : i32
      %dma_start3A_8 = arith.constant 0 : i32
      %dma_start3A_9 = tpu.memref_slice %arg9[%dma_start3A, %dma_start3A_8] : memref<10240x8xf32, #tpu.memory_space<vmem_shared>> -> memref<10240x8xf32, #tpu.memory_space<vmem_shared>>
      tpu.enqueue_indirect_dma source(%arg7 : memref<10000x8xf32, #tpu.memory_space<vmem>>) target(%dma_start3A_9 : memref<10240x8xf32, #tpu.memory_space<vmem_shared>>) offsets(%arg6 : memref<10000xi32, #tpu.memory_space<vmem>>) semaphore(%run_scoped3A : memref<!tpu.dma_semaphore, #tpu.memory_space<semaphore_mem>>) {add = true}
      %dma_wait3A = arith.constant 0 : i32
      %dma_wait3A_10 = arith.constant 0 : i32
      %dma_wait3A_11 = tpu.memref_slice %arg9[%dma_wait3A, %dma_wait3A_10] : memref<10240x8xf32, #tpu.memory_space<vmem_shared>> -> memref<10240x8xf32, #tpu.memory_space<vmem_shared>>
      tpu.wait_indirect_dma semaphore(%run_scoped3A : memref<!tpu.dma_semaphore, #tpu.memory_space<semaphore_mem>>) src(%arg7 : memref<10000x8xf32, #tpu.memory_space<vmem>>) dst(%dma_wait3A_11 : memref<10240x8xf32, #tpu.memory_space<vmem_shared>>)
      tpu.yield
    }) : () -> ()
    %barrier3A_7 = arith.constant 0 : index
    tpu.barrier barrier_id(%barrier3A_7)
    "tpu.region"() ({
      %run_scoped3A = tpu.sem_alloc : memref<!tpu.dma_semaphore, #tpu.memory_space<semaphore_mem>>
      %dma_start3A = arith.constant 0 : i32
      %dma_start3A_8 = tpu.memref_slice %arg5[%arg0, %mul3A_0, %dma_start3A] : memref<2x10240x8xf32, #tpu.memory_space<hbm>> -> memref<1x640x8xf32, #tpu.memory_space<hbm>>
      %dma_start3A_9 = tpu.memref_squeeze %dma_start3A_8 : memref<1x640x8xf32, #tpu.memory_space<hbm>> -> memref<640x8xf32, #tpu.memory_space<hbm>>
      %dma_start3A_10 = arith.constant 0 : i32
      %dma_start3A_11 = tpu.memref_slice %arg9[%mul3A_0, %dma_start3A_10] : memref<10240x8xf32, #tpu.memory_space<vmem_shared>> -> memref<640x8xf32, #tpu.memory_space<vmem_shared>>
      tpu.enqueue_dma source(%dma_start3A_11 : memref<640x8xf32, #tpu.memory_space<vmem_shared>>) target(%dma_start3A_9 : memref<640x8xf32, #tpu.memory_space<hbm>>) target_semaphore(%run_scoped3A : memref<!tpu.dma_semaphore, #tpu.memory_space<semaphore_mem>>)
      %dma_wait3A = arith.constant 0 : i32
      %dma_wait3A_12 = tpu.memref_slice %arg5[%arg0, %mul3A_0, %dma_wait3A] : memref<2x10240x8xf32, #tpu.memory_space<hbm>> -> memref<1x640x8xf32, #tpu.memory_space<hbm>>
      %dma_wait3A_13 = tpu.memref_squeeze %dma_wait3A_12 : memref<1x640x8xf32, #tpu.memory_space<hbm>> -> memref<640x8xf32, #tpu.memory_space<hbm>>
      %dma_wait3A_14 = arith.constant 0 : i32
      %dma_wait3A_15 = tpu.memref_slice %arg9[%mul3A_0, %dma_wait3A_14] : memref<10240x8xf32, #tpu.memory_space<vmem_shared>> -> memref<640x8xf32, #tpu.memory_space<vmem_shared>>
      tpu.wait_dma2 semaphore(%run_scoped3A : memref<!tpu.dma_semaphore, #tpu.memory_space<semaphore_mem>>) src(%dma_wait3A_15 : memref<640x8xf32, #tpu.memory_space<vmem_shared>>) dst(%dma_wait3A_13 : memref<640x8xf32, #tpu.memory_space<hbm>>)
      tpu.yield
    }) : () -> ()
    return
  }
}

#map = affine_map<(d0, d1) -> (0, 0)>
#map1 = affine_map<(d0, d1) -> (0)>
#map2 = affine_map<(d0, d1) -> (0, 0, 0)>
module attributes {stable_mosaic.version = 14 : i64} {
  func.func @k(%arg0: i32, %arg1: i32, %arg2: memref<335872x8xf32, #tpu.memory_space<hbm>>, %arg3: memref<335872xi32, #tpu.memory_space<hbm>>, %arg4: memref<640x8xf32, #tpu.memory_space<hbm>>, %arg5: memref<2x10240x8xf32, #tpu.memory_space<hbm>>, %arg6: memref<10496xi32, #tpu.memory_space<vmem>>, %arg7: memref<10496x8xf32, #tpu.memory_space<vmem>>, %arg8: memref<640x8xf32, #tpu.memory_space<vmem>>, %arg9: memref<10240x8xf32, #tpu.memory_space<vmem_shared>>) attributes {dimension_semantics = [#tpu.dimension_semantics<core_parallel>, #tpu.dimension_semantics<subcore_parallel>], iteration_bounds = array<i64: 2, 16>, scalar_prefetch = 0 : i64, scratch_operands = 4 : i64, tpu.core_type = #tpu.core_type<sc_vector_subcore>, window_params = [{transform_indices = #map}, {transform_indices = #map1}, {transform_indices = #map}, {transform_indices = #map2}]} {
    %mul3A = arith.constant 640 : i32
    %mul3A_0 = arith.muli %arg1, %mul3A : i32
    "tpu.region"() ({
      %run_scoped3A = tpu.sem_alloc : memref<!tpu.dma_semaphore, #tpu.memory_space<semaphore_mem>>
      tpu.enqueue_dma source(%arg4 : memref<640x8xf32, #tpu.memory_space<hbm>>) target(%arg8 : memref<640x8xf32, #tpu.memory_space<vmem>>) target_semaphore(%run_scoped3A : memref<!tpu.dma_semaphore, #tpu.memory_space<semaphore_mem>>)
      tpu.wait_dma2 semaphore(%run_scoped3A : memref<!tpu.dma_semaphore, #tpu.memory_space<semaphore_mem>>) src(%arg4 : memref<640x8xf32, #tpu.memory_space<hbm>>) dst(%arg8 : memref<640x8xf32, #tpu.memory_space<vmem>>)
      tpu.yield
    }) : () -> ()
    "tpu.region"() ({
      %run_scoped3A = tpu.sem_alloc : memref<!tpu.dma_semaphore, #tpu.memory_space<semaphore_mem>>
      %dma_start3A = arith.constant 0 : i32
      %dma_start3A_8 = tpu.memref_slice %arg9[%mul3A_0, %dma_start3A] : memref<10240x8xf32, #tpu.memory_space<vmem_shared>> -> memref<640x8xf32, #tpu.memory_space<vmem_shared>>
      %dma_start3A_9 = arith.constant 0 : i32
      %dma_start3A_10 = tpu.memref_slice %arg9[%mul3A_0, %dma_start3A_9] : memref<10240x8xf32, #tpu.memory_space<vmem_shared>> -> memref<640x8xf32, #tpu.memory_space<vmem_shared>>
      tpu.enqueue_dma source(%arg8 : memref<640x8xf32, #tpu.memory_space<vmem>>) target(%dma_start3A_10 : memref<640x8xf32, #tpu.memory_space<vmem_shared>>) target_semaphore(%run_scoped3A : memref<!tpu.dma_semaphore, #tpu.memory_space<semaphore_mem>>)
      %dma_wait3A = arith.constant 0 : i32
      %dma_wait3A_11 = tpu.memref_slice %arg9[%mul3A_0, %dma_wait3A] : memref<10240x8xf32, #tpu.memory_space<vmem_shared>> -> memref<640x8xf32, #tpu.memory_space<vmem_shared>>
      %dma_wait3A_12 = arith.constant 0 : i32
      %dma_wait3A_13 = tpu.memref_slice %arg9[%mul3A_0, %dma_wait3A_12] : memref<10240x8xf32, #tpu.memory_space<vmem_shared>> -> memref<640x8xf32, #tpu.memory_space<vmem_shared>>
      tpu.wait_dma2 semaphore(%run_scoped3A : memref<!tpu.dma_semaphore, #tpu.memory_space<semaphore_mem>>) src(%arg8 : memref<640x8xf32, #tpu.memory_space<vmem>>) dst(%dma_wait3A_13 : memref<640x8xf32, #tpu.memory_space<vmem_shared>>)
      tpu.yield
    }) : () -> ()
    %barrier3A = arith.constant 0 : index
    tpu.barrier barrier_id(%barrier3A)
    %mul3A_1 = arith.constant 16 : i32
    %mul3A_2 = arith.muli %arg0, %mul3A_1 : i32
    %add3A = arith.addi %mul3A_2, %arg1 : i32
    %mul3A_3 = arith.constant 10496 : i32
    %mul3A_4 = arith.muli %add3A, %mul3A_3 : i32
    %add3A_5 = arith.constant 0 : i32
    %add3A_6 = arith.addi %mul3A_4, %add3A_5 : i32
    "tpu.region"() ({
      %run_scoped3A = tpu.sem_alloc : memref<!tpu.dma_semaphore, #tpu.memory_space<semaphore_mem>>
      %dma_start3A = tpu.memref_slice %arg3[%add3A_6] : memref<335872xi32, #tpu.memory_space<hbm>> -> memref<10496xi32, #tpu.memory_space<hbm>>
      %dma_start3A_8 = tpu.memref_slice %arg3[%add3A_6] : memref<335872xi32, #tpu.memory_space<hbm>> -> memref<10496xi32, #tpu.memory_space<hbm>>
      tpu.enqueue_dma source(%dma_start3A_8 : memref<10496xi32, #tpu.memory_space<hbm>>) target(%arg6 : memref<10496xi32, #tpu.memory_space<vmem>>) target_semaphore(%run_scoped3A : memref<!tpu.dma_semaphore, #tpu.memory_space<semaphore_mem>>)
      %dma_wait3A = tpu.memref_slice %arg3[%add3A_6] : memref<335872xi32, #tpu.memory_space<hbm>> -> memref<10496xi32, #tpu.memory_space<hbm>>
      %dma_wait3A_9 = tpu.memref_slice %arg3[%add3A_6] : memref<335872xi32, #tpu.memory_space<hbm>> -> memref<10496xi32, #tpu.memory_space<hbm>>
      tpu.wait_dma2 semaphore(%run_scoped3A : memref<!tpu.dma_semaphore, #tpu.memory_space<semaphore_mem>>) src(%dma_wait3A_9 : memref<10496xi32, #tpu.memory_space<hbm>>) dst(%arg6 : memref<10496xi32, #tpu.memory_space<vmem>>)
      tpu.yield
    }) : () -> ()
    "tpu.region"() ({
      %run_scoped3A = tpu.sem_alloc : memref<!tpu.dma_semaphore, #tpu.memory_space<semaphore_mem>>
      %dma_start3A = arith.constant 0 : i32
      %dma_start3A_8 = tpu.memref_slice %arg2[%add3A_6, %dma_start3A] : memref<335872x8xf32, #tpu.memory_space<hbm>> -> memref<10496x8xf32, #tpu.memory_space<hbm>>
      %dma_start3A_9 = arith.constant 0 : i32
      %dma_start3A_10 = tpu.memref_slice %arg2[%add3A_6, %dma_start3A_9] : memref<335872x8xf32, #tpu.memory_space<hbm>> -> memref<10496x8xf32, #tpu.memory_space<hbm>>
      tpu.enqueue_dma source(%dma_start3A_10 : memref<10496x8xf32, #tpu.memory_space<hbm>>) target(%arg7 : memref<10496x8xf32, #tpu.memory_space<vmem>>) target_semaphore(%run_scoped3A : memref<!tpu.dma_semaphore, #tpu.memory_space<semaphore_mem>>)
      %dma_wait3A = arith.constant 0 : i32
      %dma_wait3A_11 = tpu.memref_slice %arg2[%add3A_6, %dma_wait3A] : memref<335872x8xf32, #tpu.memory_space<hbm>> -> memref<10496x8xf32, #tpu.memory_space<hbm>>
      %dma_wait3A_12 = arith.constant 0 : i32
      %dma_wait3A_13 = tpu.memref_slice %arg2[%add3A_6, %dma_wait3A_12] : memref<335872x8xf32, #tpu.memory_space<hbm>> -> memref<10496x8xf32, #tpu.memory_space<hbm>>
      tpu.wait_dma2 semaphore(%run_scoped3A : memref<!tpu.dma_semaphore, #tpu.memory_space<semaphore_mem>>) src(%dma_wait3A_13 : memref<10496x8xf32, #tpu.memory_space<hbm>>) dst(%arg7 : memref<10496x8xf32, #tpu.memory_space<vmem>>)
      tpu.yield
    }) : () -> ()
    "tpu.region"() ({
      %run_scoped3A = tpu.sem_alloc : memref<!tpu.dma_semaphore, #tpu.memory_space<semaphore_mem>>
      %dma_start3A = arith.constant 0 : i32
      %dma_start3A_8 = arith.constant 0 : i32
      %dma_start3A_9 = tpu.memref_slice %arg9[%dma_start3A, %dma_start3A_8] : memref<10240x8xf32, #tpu.memory_space<vmem_shared>> -> memref<10240x8xf32, #tpu.memory_space<vmem_shared>>
      tpu.enqueue_indirect_dma source(%arg7 : memref<10496x8xf32, #tpu.memory_space<vmem>>) target(%dma_start3A_9 : memref<10240x8xf32, #tpu.memory_space<vmem_shared>>) offsets(%arg6 : memref<10496xi32, #tpu.memory_space<vmem>>) semaphore(%run_scoped3A : memref<!tpu.dma_semaphore, #tpu.memory_space<semaphore_mem>>) {add = true}
      %dma_wait3A = arith.constant 0 : i32
      %dma_wait3A_10 = arith.constant 0 : i32
      %dma_wait3A_11 = tpu.memref_slice %arg9[%dma_wait3A, %dma_wait3A_10] : memref<10240x8xf32, #tpu.memory_space<vmem_shared>> -> memref<10240x8xf32, #tpu.memory_space<vmem_shared>>
      tpu.wait_indirect_dma semaphore(%run_scoped3A : memref<!tpu.dma_semaphore, #tpu.memory_space<semaphore_mem>>) src(%arg7 : memref<10496x8xf32, #tpu.memory_space<vmem>>) dst(%dma_wait3A_11 : memref<10240x8xf32, #tpu.memory_space<vmem_shared>>)
      tpu.yield
    }) : () -> ()
    %barrier3A_7 = arith.constant 0 : index
    tpu.barrier barrier_id(%barrier3A_7)
    "tpu.region"() ({
      %run_scoped3A = tpu.sem_alloc : memref<!tpu.dma_semaphore, #tpu.memory_space<semaphore_mem>>
      %dma_start3A = arith.constant 0 : i32
      %dma_start3A_8 = tpu.memref_slice %arg5[%arg0, %mul3A_0, %dma_start3A] : memref<2x10240x8xf32, #tpu.memory_space<hbm>> -> memref<1x640x8xf32, #tpu.memory_space<hbm>>
      %dma_start3A_9 = tpu.memref_squeeze %dma_start3A_8 : memref<1x640x8xf32, #tpu.memory_space<hbm>> -> memref<640x8xf32, #tpu.memory_space<hbm>>
      %dma_start3A_10 = arith.constant 0 : i32
      %dma_start3A_11 = tpu.memref_slice %arg9[%mul3A_0, %dma_start3A_10] : memref<10240x8xf32, #tpu.memory_space<vmem_shared>> -> memref<640x8xf32, #tpu.memory_space<vmem_shared>>
      tpu.enqueue_dma source(%dma_start3A_11 : memref<640x8xf32, #tpu.memory_space<vmem_shared>>) target(%dma_start3A_9 : memref<640x8xf32, #tpu.memory_space<hbm>>) target_semaphore(%run_scoped3A : memref<!tpu.dma_semaphore, #tpu.memory_space<semaphore_mem>>)
      %dma_wait3A = arith.constant 0 : i32
      %dma_wait3A_12 = tpu.memref_slice %arg5[%arg0, %mul3A_0, %dma_wait3A] : memref<2x10240x8xf32, #tpu.memory_space<hbm>> -> memref<1x640x8xf32, #tpu.memory_space<hbm>>
      %dma_wait3A_13 = tpu.memref_squeeze %dma_wait3A_12 : memref<1x640x8xf32, #tpu.memory_space<hbm>> -> memref<640x8xf32, #tpu.memory_space<hbm>>
      %dma_wait3A_14 = arith.constant 0 : i32
      %dma_wait3A_15 = tpu.memref_slice %arg9[%mul3A_0, %dma_wait3A_14] : memref<10240x8xf32, #tpu.memory_space<vmem_shared>> -> memref<640x8xf32, #tpu.memory_space<vmem_shared>>
      tpu.wait_dma2 semaphore(%run_scoped3A : memref<!tpu.dma_semaphore, #tpu.memory_space<semaphore_mem>>) src(%dma_wait3A_15 : memref<640x8xf32, #tpu.memory_space<vmem_shared>>) dst(%dma_wait3A_13 : memref<640x8xf32, #tpu.memory_space<hbm>>)
      tpu.yield
    }) : () -> ()
    return
  }
}

#map = affine_map<(d0, d1) -> (0)>
#map1 = affine_map<(d0, d1) -> (0, 0)>
#map2 = affine_map<(d0, d1) -> (0, 0, 0)>
module attributes {stable_mosaic.version = 14 : i64} {
  func.func @k(%arg0: i32, %arg1: i32, %arg2: memref<335872xi32, #tpu.memory_space<hbm>>, %arg3: memref<335872xi32, #tpu.memory_space<hbm>>, %arg4: memref<335872xf32, #tpu.memory_space<hbm>>, %arg5: memref<10240xf32, #tpu.memory_space<hbm>>, %arg6: memref<10240xf32, #tpu.memory_space<hbm>>, %arg7: memref<16xf32, #tpu.memory_space<hbm>>, %arg8: memref<10240x64xf32, #tpu.memory_space<hbm>>, %arg9: memref<640x64xf32, #tpu.memory_space<hbm>>, %arg10: memref<2x10240x64xf32, #tpu.memory_space<hbm>>, %arg11: memref<335872xf32, #tpu.memory_space<hbm>>, %arg12: memref<10240xf32, #tpu.memory_space<vmem>>, %arg13: memref<10240xf32, #tpu.memory_space<vmem>>, %arg14: memref<16xf32, #tpu.memory_space<vmem>>, %arg15: memref<256xi32, #tpu.memory_space<vmem>>, %arg16: memref<256xi32, #tpu.memory_space<vmem>>, %arg17: memref<256xf32, #tpu.memory_space<vmem>>, %arg18: memref<256xf32, #tpu.memory_space<vmem>>, %arg19: memref<256x64xf32, #tpu.memory_space<vmem>>, %arg20: memref<10240x64xf32, #tpu.memory_space<vmem_shared>>, %arg21: memref<!tpu.dma_semaphore, #tpu.memory_space<semaphore_mem>>) attributes {dimension_semantics = [#tpu.dimension_semantics<core_parallel>, #tpu.dimension_semantics<subcore_parallel>], iteration_bounds = array<i64: 2, 16>, scalar_prefetch = 0 : i64, scratch_operands = 10 : i64, tpu.core_type = #tpu.core_type<sc_vector_subcore>, window_params = [{transform_indices = #map}, {transform_indices = #map}, {transform_indices = #map}, {transform_indices = #map}, {transform_indices = #map}, {transform_indices = #map}, {transform_indices = #map1}, {transform_indices = #map1}, {transform_indices = #map2}, {transform_indices = #map}]} {
    %mul3A = arith.constant 640 : i32
    %mul3A_0 = arith.muli %arg1, %mul3A : i32
    "tpu.region"() ({
      %run_scoped3A = tpu.sem_alloc : memref<!tpu.dma_semaphore, #tpu.memory_space<semaphore_mem>>
      tpu.enqueue_dma source(%arg5 : memref<10240xf32, #tpu.memory_space<hbm>>) target(%arg12 : memref<10240xf32, #tpu.memory_space<vmem>>) target_semaphore(%run_scoped3A : memref<!tpu.dma_semaphore, #tpu.memory_space<semaphore_mem>>)
      tpu.wait_dma2 semaphore(%run_scoped3A : memref<!tpu.dma_semaphore, #tpu.memory_space<semaphore_mem>>) src(%arg5 : memref<10240xf32, #tpu.memory_space<hbm>>) dst(%arg12 : memref<10240xf32, #tpu.memory_space<vmem>>)
      tpu.yield
    }) : () -> ()
    "tpu.region"() ({
      %run_scoped3A = tpu.sem_alloc : memref<!tpu.dma_semaphore, #tpu.memory_space<semaphore_mem>>
      tpu.enqueue_dma source(%arg6 : memref<10240xf32, #tpu.memory_space<hbm>>) target(%arg13 : memref<10240xf32, #tpu.memory_space<vmem>>) target_semaphore(%run_scoped3A : memref<!tpu.dma_semaphore, #tpu.memory_space<semaphore_mem>>)
      tpu.wait_dma2 semaphore(%run_scoped3A : memref<!tpu.dma_semaphore, #tpu.memory_space<semaphore_mem>>) src(%arg6 : memref<10240xf32, #tpu.memory_space<hbm>>) dst(%arg13 : memref<10240xf32, #tpu.memory_space<vmem>>)
      tpu.yield
    }) : () -> ()
    "tpu.region"() ({
      %run_scoped3A = tpu.sem_alloc : memref<!tpu.dma_semaphore, #tpu.memory_space<semaphore_mem>>
      tpu.enqueue_dma source(%arg7 : memref<16xf32, #tpu.memory_space<hbm>>) target(%arg14 : memref<16xf32, #tpu.memory_space<vmem>>) target_semaphore(%run_scoped3A : memref<!tpu.dma_semaphore, #tpu.memory_space<semaphore_mem>>)
      tpu.wait_dma2 semaphore(%run_scoped3A : memref<!tpu.dma_semaphore, #tpu.memory_space<semaphore_mem>>) src(%arg7 : memref<16xf32, #tpu.memory_space<hbm>>) dst(%arg14 : memref<16xf32, #tpu.memory_space<vmem>>)
      tpu.yield
    }) : () -> ()
    "tpu.region"() ({
      %run_scoped3A = tpu.sem_alloc : memref<!tpu.dma_semaphore, #tpu.memory_space<semaphore_mem>>
      %dma_start3A = arith.constant 0 : i32
      %dma_start3A_12 = arith.constant 0 : i32
      %dma_start3A_13 = tpu.memref_slice %arg19[%dma_start3A, %dma_start3A_12] : memref<256x64xf32, #tpu.memory_space<vmem>> -> memref<640x64xf32, #tpu.memory_space<vmem>>
      %dma_start3A_14 = arith.constant 0 : i32
      %dma_start3A_15 = arith.constant 0 : i32
      %dma_start3A_16 = tpu.memref_slice %arg19[%dma_start3A_14, %dma_start3A_15] : memref<256x64xf32, #tpu.memory_space<vmem>> -> memref<640x64xf32, #tpu.memory_space<vmem>>
      tpu.enqueue_dma source(%arg9 : memref<640x64xf32, #tpu.memory_space<hbm>>) target(%dma_start3A_16 : memref<640x64xf32, #tpu.memory_space<vmem>>) target_semaphore(%run_scoped3A : memref<!tpu.dma_semaphore, #tpu.memory_space<semaphore_mem>>)
      %dma_wait3A = arith.constant 0 : i32
      %dma_wait3A_17 = arith.constant 0 : i32
      %dma_wait3A_18 = tpu.memref_slice %arg19[%dma_wait3A, %dma_wait3A_17] : memref<256x64xf32, #tpu.memory_space<vmem>> -> memref<640x64xf32, #tpu.memory_space<vmem>>
      %dma_wait3A_19 = arith.constant 0 : i32
      %dma_wait3A_20 = arith.constant 0 : i32
      %dma_wait3A_21 = tpu.memref_slice %arg19[%dma_wait3A_19, %dma_wait3A_20] : memref<256x64xf32, #tpu.memory_space<vmem>> -> memref<640x64xf32, #tpu.memory_space<vmem>>
      tpu.wait_dma2 semaphore(%run_scoped3A : memref<!tpu.dma_semaphore, #tpu.memory_space<semaphore_mem>>) src(%arg9 : memref<640x64xf32, #tpu.memory_space<hbm>>) dst(%dma_wait3A_21 : memref<640x64xf32, #tpu.memory_space<vmem>>)
      tpu.yield
    }) : () -> ()
    "tpu.region"() ({
      %run_scoped3A = tpu.sem_alloc : memref<!tpu.dma_semaphore, #tpu.memory_space<semaphore_mem>>
      %dma_start3A = arith.constant 0 : i32
      %dma_start3A_12 = arith.constant 0 : i32
      %dma_start3A_13 = tpu.memref_slice %arg19[%dma_start3A, %dma_start3A_12] : memref<256x64xf32, #tpu.memory_space<vmem>> -> memref<640x64xf32, #tpu.memory_space<vmem>>
      %dma_start3A_14 = arith.constant 0 : i32
      %dma_start3A_15 = tpu.memref_slice %arg20[%mul3A_0, %dma_start3A_14] : memref<10240x64xf32, #tpu.memory_space<vmem_shared>> -> memref<640x64xf32, #tpu.memory_space<vmem_shared>>
      %dma_start3A_16 = arith.constant 0 : i32
      %dma_start3A_17 = tpu.memref_slice %arg20[%mul3A_0, %dma_start3A_16] : memref<10240x64xf32, #tpu.memory_space<vmem_shared>> -> memref<640x64xf32, #tpu.memory_space<vmem_shared>>
      %dma_start3A_18 = arith.constant 0 : i32
      %dma_start3A_19 = arith.constant 0 : i32
      %dma_start3A_20 = tpu.memref_slice %arg19[%dma_start3A_18, %dma_start3A_19] : memref<256x64xf32, #tpu.memory_space<vmem>> -> memref<640x64xf32, #tpu.memory_space<vmem>>
      tpu.enqueue_dma source(%dma_start3A_20 : memref<640x64xf32, #tpu.memory_space<vmem>>) target(%dma_start3A_17 : memref<640x64xf32, #tpu.memory_space<vmem_shared>>) target_semaphore(%run_scoped3A : memref<!tpu.dma_semaphore, #tpu.memory_space<semaphore_mem>>)
      %dma_wait3A = arith.constant 0 : i32
      %dma_wait3A_21 = arith.constant 0 : i32
      %dma_wait3A_22 = tpu.memref_slice %arg19[%dma_wait3A, %dma_wait3A_21] : memref<256x64xf32, #tpu.memory_space<vmem>> -> memref<640x64xf32, #tpu.memory_space<vmem>>
      %dma_wait3A_23 = arith.constant 0 : i32
      %dma_wait3A_24 = tpu.memref_slice %arg20[%mul3A_0, %dma_wait3A_23] : memref<10240x64xf32, #tpu.memory_space<vmem_shared>> -> memref<640x64xf32, #tpu.memory_space<vmem_shared>>
      %dma_wait3A_25 = arith.constant 0 : i32
      %dma_wait3A_26 = tpu.memref_slice %arg20[%mul3A_0, %dma_wait3A_25] : memref<10240x64xf32, #tpu.memory_space<vmem_shared>> -> memref<640x64xf32, #tpu.memory_space<vmem_shared>>
      %dma_wait3A_27 = arith.constant 0 : i32
      %dma_wait3A_28 = arith.constant 0 : i32
      %dma_wait3A_29 = tpu.memref_slice %arg19[%dma_wait3A_27, %dma_wait3A_28] : memref<256x64xf32, #tpu.memory_space<vmem>> -> memref<640x64xf32, #tpu.memory_space<vmem>>
      tpu.wait_dma2 semaphore(%run_scoped3A : memref<!tpu.dma_semaphore, #tpu.memory_space<semaphore_mem>>) src(%dma_wait3A_29 : memref<640x64xf32, #tpu.memory_space<vmem>>) dst(%dma_wait3A_26 : memref<640x64xf32, #tpu.memory_space<vmem_shared>>)
      tpu.yield
    }) : () -> ()
    %barrier3A = arith.constant 0 : index
    tpu.barrier barrier_id(%barrier3A)
    %mul3A_1 = arith.constant 16 : i32
    %mul3A_2 = arith.muli %arg0, %mul3A_1 : i32
    %add3A = arith.addi %mul3A_2, %arg1 : i32
    %mul3A_3 = arith.constant 10496 : i32
    %mul3A_4 = arith.muli %add3A, %mul3A_3 : i32
    %get3A = arith.constant 0 : index
    %get3A_5 = tpu.vector_load %arg14[%get3A] {strides = array<i32>} : memref<16xf32, #tpu.memory_space<vmem>>, vector<16xf32>,
    %scan3A = arith.constant 0 : i32
    %scan3A_6 = arith.constant 0 : i32
    %scan3A_7 = arith.constant 41 : i32
    %scan3A_8 = arith.addi %scan3A_6, %scan3A_7 : i32
    %scan3A_9 = arith.constant 1 : i32
    scf.for %scan3A_12 = %scan3A_6 to %scan3A_8 step %scan3A_9  : i32 {
      %mul3A_13 = arith.constant 256 : i32
      %mul3A_14 = arith.muli %scan3A_12, %mul3A_13 : i32
      %add3A_15 = arith.addi %mul3A_4, %mul3A_14 : i32
      "tpu.region"() ({
        %run_scoped3A = tpu.sem_alloc : memref<!tpu.dma_semaphore, #tpu.memory_space<semaphore_mem>>
        %dma_start3A_309 = tpu.memref_slice %arg2[%add3A_15] : memref<335872xi32, #tpu.memory_space<hbm>> -> memref<256xi32, #tpu.memory_space<hbm>>
        %dma_start3A_310 = tpu.memref_slice %arg2[%add3A_15] : memref<335872xi32, #tpu.memory_space<hbm>> -> memref<256xi32, #tpu.memory_space<hbm>>
        tpu.enqueue_dma source(%dma_start3A_310 : memref<256xi32, #tpu.memory_space<hbm>>) target(%arg15 : memref<256xi32, #tpu.memory_space<vmem>>) target_semaphore(%run_scoped3A : memref<!tpu.dma_semaphore, #tpu.memory_space<semaphore_mem>>)
        %dma_wait3A_311 = tpu.memref_slice %arg2[%add3A_15] : memref<335872xi32, #tpu.memory_space<hbm>> -> memref<256xi32, #tpu.memory_space<hbm>>
        %dma_wait3A_312 = tpu.memref_slice %arg2[%add3A_15] : memref<335872xi32, #tpu.memory_space<hbm>> -> memref<256xi32, #tpu.memory_space<hbm>>
        tpu.wait_dma2 semaphore(%run_scoped3A : memref<!tpu.dma_semaphore, #tpu.memory_space<semaphore_mem>>) src(%dma_wait3A_312 : memref<256xi32, #tpu.memory_space<hbm>>) dst(%arg15 : memref<256xi32, #tpu.memory_space<vmem>>)
        tpu.yield
      }) : () -> ()
      "tpu.region"() ({
        %run_scoped3A = tpu.sem_alloc : memref<!tpu.dma_semaphore, #tpu.memory_space<semaphore_mem>>
        %dma_start3A_309 = tpu.memref_slice %arg3[%add3A_15] : memref<335872xi32, #tpu.memory_space<hbm>> -> memref<256xi32, #tpu.memory_space<hbm>>
        %dma_start3A_310 = tpu.memref_slice %arg3[%add3A_15] : memref<335872xi32, #tpu.memory_space<hbm>> -> memref<256xi32, #tpu.memory_space<hbm>>
        tpu.enqueue_dma source(%dma_start3A_310 : memref<256xi32, #tpu.memory_space<hbm>>) target(%arg16 : memref<256xi32, #tpu.memory_space<vmem>>) target_semaphore(%run_scoped3A : memref<!tpu.dma_semaphore, #tpu.memory_space<semaphore_mem>>)
        %dma_wait3A_311 = tpu.memref_slice %arg3[%add3A_15] : memref<335872xi32, #tpu.memory_space<hbm>> -> memref<256xi32, #tpu.memory_space<hbm>>
        %dma_wait3A_312 = tpu.memref_slice %arg3[%add3A_15] : memref<335872xi32, #tpu.memory_space<hbm>> -> memref<256xi32, #tpu.memory_space<hbm>>
        tpu.wait_dma2 semaphore(%run_scoped3A : memref<!tpu.dma_semaphore, #tpu.memory_space<semaphore_mem>>) src(%dma_wait3A_312 : memref<256xi32, #tpu.memory_space<hbm>>) dst(%arg16 : memref<256xi32, #tpu.memory_space<vmem>>)
        tpu.yield
      }) : () -> ()
      "tpu.region"() ({
        %run_scoped3A = tpu.sem_alloc : memref<!tpu.dma_semaphore, #tpu.memory_space<semaphore_mem>>
        %dma_start3A_309 = tpu.memref_slice %arg4[%add3A_15] : memref<335872xf32, #tpu.memory_space<hbm>> -> memref<256xf32, #tpu.memory_space<hbm>>
        %dma_start3A_310 = tpu.memref_slice %arg4[%add3A_15] : memref<335872xf32, #tpu.memory_space<hbm>> -> memref<256xf32, #tpu.memory_space<hbm>>
        tpu.enqueue_dma source(%dma_start3A_310 : memref<256xf32, #tpu.memory_space<hbm>>) target(%arg17 : memref<256xf32, #tpu.memory_space<vmem>>) target_semaphore(%run_scoped3A : memref<!tpu.dma_semaphore, #tpu.memory_space<semaphore_mem>>)
        %dma_wait3A_311 = tpu.memref_slice %arg4[%add3A_15] : memref<335872xf32, #tpu.memory_space<hbm>> -> memref<256xf32, #tpu.memory_space<hbm>>
        %dma_wait3A_312 = tpu.memref_slice %arg4[%add3A_15] : memref<335872xf32, #tpu.memory_space<hbm>> -> memref<256xf32, #tpu.memory_space<hbm>>
        tpu.wait_dma2 semaphore(%run_scoped3A : memref<!tpu.dma_semaphore, #tpu.memory_space<semaphore_mem>>) src(%dma_wait3A_312 : memref<256xf32, #tpu.memory_space<hbm>>) dst(%arg17 : memref<256xf32, #tpu.memory_space<vmem>>)
        tpu.yield
      }) : () -> ()
      %dma_start3A = arith.constant 0 : i32
      %dma_start3A_16 = arith.constant 0 : i32
      %dma_start3A_17 = tpu.memref_slice %arg8[%dma_start3A, %dma_start3A_16] : memref<10240x64xf32, #tpu.memory_space<hbm>> -> memref<10240x64xf32, #tpu.memory_space<hbm>>
      tpu.enqueue_indirect_dma source(%dma_start3A_17 : memref<10240x64xf32, #tpu.memory_space<hbm>>) target(%arg19 : memref<256x64xf32, #tpu.memory_space<vmem>>) offsets(%arg15 : memref<256xi32, #tpu.memory_space<vmem>>) semaphore(%arg21 : memref<!tpu.dma_semaphore, #tpu.memory_space<semaphore_mem>>)
      %get3A_18 = arith.constant 0 : index
      %get3A_19 = tpu.vector_load %arg15[%get3A_18] {strides = array<i32>} : memref<256xi32, #tpu.memory_space<vmem>>, vector<16xi32>,
      %gather3A = tpu.vector_load_idx %arg12[%get3A_19] : memref<10240xf32, #tpu.memory_space<vmem>>[vector<16xi32>], vector<16xf32>,
      %get3A_20 = arith.constant 0 : index
      %get3A_21 = tpu.vector_load %arg16[%get3A_20] {strides = array<i32>} : memref<256xi32, #tpu.memory_space<vmem>>, vector<16xi32>,
      %gather3A_22 = tpu.vector_load_idx %arg13[%get3A_21] : memref<10240xf32, #tpu.memory_space<vmem>>[vector<16xi32>], vector<16xf32>,
      %add3A_23 = arith.addf %gather3A, %gather3A_22 : vector<16xf32>
      %get3A_24 = arith.constant 0 : index
      %get3A_25 = tpu.vector_load %arg17[%get3A_24] {strides = array<i32>} : memref<256xf32, #tpu.memory_space<vmem>>, vector<16xf32>,
      %add3A_26 = arith.addf %add3A_23, %get3A_25 : vector<16xf32>
      %mul3A_27 = arith.constant 2.000000e-01 : f32
      %mul3A_28 = vector.broadcast %mul3A_27 : f32 to vector<16xf32>
      %mul3A_29 = arith.mulf %add3A_26, %mul3A_28 : vector<16xf32>
      %max3A = arith.maximumf %add3A_26, %mul3A_29 : vector<16xf32>
      %sub3A = arith.subf %max3A, %get3A_5 : vector<16xf32>
      %exp3A = math.exp %sub3A : vector<16xf32>
      %swap3A = arith.constant 0 : index
      %swap3A_30 = tpu.vector_load %arg18[%swap3A] {strides = array<i32>} : memref<256xf32, #tpu.memory_space<vmem>>, vector<16xf32>,
      tpu.vector_store %arg18[%swap3A], %exp3A {strides = array<i32>} : memref<256xf32, #tpu.memory_space<vmem>>, vector<16xf32>,
      %get3A_31 = arith.constant 16 : index
      %get3A_32 = tpu.vector_load %arg15[%get3A_31] {strides = array<i32>} : memref<256xi32, #tpu.memory_space<vmem>>, vector<16xi32>,
      %gather3A_33 = tpu.vector_load_idx %arg12[%get3A_32] : memref<10240xf32, #tpu.memory_space<vmem>>[vector<16xi32>], vector<16xf32>,
      %get3A_34 = arith.constant 16 : index
      %get3A_35 = tpu.vector_load %arg16[%get3A_34] {strides = array<i32>} : memref<256xi32, #tpu.memory_space<vmem>>, vector<16xi32>,
      %gather3A_36 = tpu.vector_load_idx %arg13[%get3A_35] : memref<10240xf32, #tpu.memory_space<vmem>>[vector<16xi32>], vector<16xf32>,
      %add3A_37 = arith.addf %gather3A_33, %gather3A_36 : vector<16xf32>
      %get3A_38 = arith.constant 16 : index
      %get3A_39 = tpu.vector_load %arg17[%get3A_38] {strides = array<i32>} : memref<256xf32, #tpu.memory_space<vmem>>, vector<16xf32>,
      %add3A_40 = arith.addf %add3A_37, %get3A_39 : vector<16xf32>
      %mul3A_41 = arith.constant 2.000000e-01 : f32
      %mul3A_42 = vector.broadcast %mul3A_41 : f32 to vector<16xf32>
      %mul3A_43 = arith.mulf %add3A_40, %mul3A_42 : vector<16xf32>
      %max3A_44 = arith.maximumf %add3A_40, %mul3A_43 : vector<16xf32>
      %sub3A_45 = arith.subf %max3A_44, %get3A_5 : vector<16xf32>
      %exp3A_46 = math.exp %sub3A_45 : vector<16xf32>
      %swap3A_47 = arith.constant 16 : index
      %swap3A_48 = tpu.vector_load %arg18[%swap3A_47] {strides = array<i32>} : memref<256xf32, #tpu.memory_space<vmem>>, vector<16xf32>,
      tpu.vector_store %arg18[%swap3A_47], %exp3A_46 {strides = array<i32>} : memref<256xf32, #tpu.memory_space<vmem>>, vector<16xf32>,
      %get3A_49 = arith.constant 32 : index
      %get3A_50 = tpu.vector_load %arg15[%get3A_49] {strides = array<i32>} : memref<256xi32, #tpu.memory_space<vmem>>, vector<16xi32>,
      %gather3A_51 = tpu.vector_load_idx %arg12[%get3A_50] : memref<10240xf32, #tpu.memory_space<vmem>>[vector<16xi32>], vector<16xf32>,
      %get3A_52 = arith.constant 32 : index
      %get3A_53 = tpu.vector_load %arg16[%get3A_52] {strides = array<i32>} : memref<256xi32, #tpu.memory_space<vmem>>, vector<16xi32>,
      %gather3A_54 = tpu.vector_load_idx %arg13[%get3A_53] : memref<10240xf32, #tpu.memory_space<vmem>>[vector<16xi32>], vector<16xf32>,
      %add3A_55 = arith.addf %gather3A_51, %gather3A_54 : vector<16xf32>
      %get3A_56 = arith.constant 32 : index
      %get3A_57 = tpu.vector_load %arg17[%get3A_56] {strides = array<i32>} : memref<256xf32, #tpu.memory_space<vmem>>, vector<16xf32>,
      %add3A_58 = arith.addf %add3A_55, %get3A_57 : vector<16xf32>
      %mul3A_59 = arith.constant 2.000000e-01 : f32
      %mul3A_60 = vector.broadcast %mul3A_59 : f32 to vector<16xf32>
      %mul3A_61 = arith.mulf %add3A_58, %mul3A_60 : vector<16xf32>
      %max3A_62 = arith.maximumf %add3A_58, %mul3A_61 : vector<16xf32>
      %sub3A_63 = arith.subf %max3A_62, %get3A_5 : vector<16xf32>
      %exp3A_64 = math.exp %sub3A_63 : vector<16xf32>
      %swap3A_65 = arith.constant 32 : index
      %swap3A_66 = tpu.vector_load %arg18[%swap3A_65] {strides = array<i32>} : memref<256xf32, #tpu.memory_space<vmem>>, vector<16xf32>,
      tpu.vector_store %arg18[%swap3A_65], %exp3A_64 {strides = array<i32>} : memref<256xf32, #tpu.memory_space<vmem>>, vector<16xf32>,
      %get3A_67 = arith.constant 48 : index
      %get3A_68 = tpu.vector_load %arg15[%get3A_67] {strides = array<i32>} : memref<256xi32, #tpu.memory_space<vmem>>, vector<16xi32>,
      %gather3A_69 = tpu.vector_load_idx %arg12[%get3A_68] : memref<10240xf32, #tpu.memory_space<vmem>>[vector<16xi32>], vector<16xf32>,
      %get3A_70 = arith.constant 48 : index
      %get3A_71 = tpu.vector_load %arg16[%get3A_70] {strides = array<i32>} : memref<256xi32, #tpu.memory_space<vmem>>, vector<16xi32>,
      %gather3A_72 = tpu.vector_load_idx %arg13[%get3A_71] : memref<10240xf32, #tpu.memory_space<vmem>>[vector<16xi32>], vector<16xf32>,
      %add3A_73 = arith.addf %gather3A_69, %gather3A_72 : vector<16xf32>
      %get3A_74 = arith.constant 48 : index
      %get3A_75 = tpu.vector_load %arg17[%get3A_74] {strides = array<i32>} : memref<256xf32, #tpu.memory_space<vmem>>, vector<16xf32>,
      %add3A_76 = arith.addf %add3A_73, %get3A_75 : vector<16xf32>
      %mul3A_77 = arith.constant 2.000000e-01 : f32
      %mul3A_78 = vector.broadcast %mul3A_77 : f32 to vector<16xf32>
      %mul3A_79 = arith.mulf %add3A_76, %mul3A_78 : vector<16xf32>
      %max3A_80 = arith.maximumf %add3A_76, %mul3A_79 : vector<16xf32>
      %sub3A_81 = arith.subf %max3A_80, %get3A_5 : vector<16xf32>
      %exp3A_82 = math.exp %sub3A_81 : vector<16xf32>
      %swap3A_83 = arith.constant 48 : index
      %swap3A_84 = tpu.vector_load %arg18[%swap3A_83] {strides = array<i32>} : memref<256xf32, #tpu.memory_space<vmem>>, vector<16xf32>,
      tpu.vector_store %arg18[%swap3A_83], %exp3A_82 {strides = array<i32>} : memref<256xf32, #tpu.memory_space<vmem>>, vector<16xf32>,
      %get3A_85 = arith.constant 64 : index
      %get3A_86 = tpu.vector_load %arg15[%get3A_85] {strides = array<i32>} : memref<256xi32, #tpu.memory_space<vmem>>, vector<16xi32>,
      %gather3A_87 = tpu.vector_load_idx %arg12[%get3A_86] : memref<10240xf32, #tpu.memory_space<vmem>>[vector<16xi32>], vector<16xf32>,
      %get3A_88 = arith.constant 64 : index
      %get3A_89 = tpu.vector_load %arg16[%get3A_88] {strides = array<i32>} : memref<256xi32, #tpu.memory_space<vmem>>, vector<16xi32>,
      %gather3A_90 = tpu.vector_load_idx %arg13[%get3A_89] : memref<10240xf32, #tpu.memory_space<vmem>>[vector<16xi32>], vector<16xf32>,
      %add3A_91 = arith.addf %gather3A_87, %gather3A_90 : vector<16xf32>
      %get3A_92 = arith.constant 64 : index
      %get3A_93 = tpu.vector_load %arg17[%get3A_92] {strides = array<i32>} : memref<256xf32, #tpu.memory_space<vmem>>, vector<16xf32>,
      %add3A_94 = arith.addf %add3A_91, %get3A_93 : vector<16xf32>
      %mul3A_95 = arith.constant 2.000000e-01 : f32
      %mul3A_96 = vector.broadcast %mul3A_95 : f32 to vector<16xf32>
      %mul3A_97 = arith.mulf %add3A_94, %mul3A_96 : vector<16xf32>
      %max3A_98 = arith.maximumf %add3A_94, %mul3A_97 : vector<16xf32>
      %sub3A_99 = arith.subf %max3A_98, %get3A_5 : vector<16xf32>
      %exp3A_100 = math.exp %sub3A_99 : vector<16xf32>
      %swap3A_101 = arith.constant 64 : index
      %swap3A_102 = tpu.vector_load %arg18[%swap3A_101] {strides = array<i32>} : memref<256xf32, #tpu.memory_space<vmem>>, vector<16xf32>,
      tpu.vector_store %arg18[%swap3A_101], %exp3A_100 {strides = array<i32>} : memref<256xf32, #tpu.memory_space<vmem>>, vector<16xf32>,
      %get3A_103 = arith.constant 80 : index
      %get3A_104 = tpu.vector_load %arg15[%get3A_103] {strides = array<i32>} : memref<256xi32, #tpu.memory_space<vmem>>, vector<16xi32>,
      %gather3A_105 = tpu.vector_load_idx %arg12[%get3A_104] : memref<10240xf32, #tpu.memory_space<vmem>>[vector<16xi32>], vector<16xf32>,
      %get3A_106 = arith.constant 80 : index
      %get3A_107 = tpu.vector_load %arg16[%get3A_106] {strides = array<i32>} : memref<256xi32, #tpu.memory_space<vmem>>, vector<16xi32>,
      %gather3A_108 = tpu.vector_load_idx %arg13[%get3A_107] : memref<10240xf32, #tpu.memory_space<vmem>>[vector<16xi32>], vector<16xf32>,
      %add3A_109 = arith.addf %gather3A_105, %gather3A_108 : vector<16xf32>
      %get3A_110 = arith.constant 80 : index
      %get3A_111 = tpu.vector_load %arg17[%get3A_110] {strides = array<i32>} : memref<256xf32, #tpu.memory_space<vmem>>, vector<16xf32>,
      %add3A_112 = arith.addf %add3A_109, %get3A_111 : vector<16xf32>
      %mul3A_113 = arith.constant 2.000000e-01 : f32
      %mul3A_114 = vector.broadcast %mul3A_113 : f32 to vector<16xf32>
      %mul3A_115 = arith.mulf %add3A_112, %mul3A_114 : vector<16xf32>
      %max3A_116 = arith.maximumf %add3A_112, %mul3A_115 : vector<16xf32>
      %sub3A_117 = arith.subf %max3A_116, %get3A_5 : vector<16xf32>
      %exp3A_118 = math.exp %sub3A_117 : vector<16xf32>
      %swap3A_119 = arith.constant 80 : index
      %swap3A_120 = tpu.vector_load %arg18[%swap3A_119] {strides = array<i32>} : memref<256xf32, #tpu.memory_space<vmem>>, vector<16xf32>,
      tpu.vector_store %arg18[%swap3A_119], %exp3A_118 {strides = array<i32>} : memref<256xf32, #tpu.memory_space<vmem>>, vector<16xf32>,
      %get3A_121 = arith.constant 96 : index
      %get3A_122 = tpu.vector_load %arg15[%get3A_121] {strides = array<i32>} : memref<256xi32, #tpu.memory_space<vmem>>, vector<16xi32>,
      %gather3A_123 = tpu.vector_load_idx %arg12[%get3A_122] : memref<10240xf32, #tpu.memory_space<vmem>>[vector<16xi32>], vector<16xf32>,
      %get3A_124 = arith.constant 96 : index
      %get3A_125 = tpu.vector_load %arg16[%get3A_124] {strides = array<i32>} : memref<256xi32, #tpu.memory_space<vmem>>, vector<16xi32>,
      %gather3A_126 = tpu.vector_load_idx %arg13[%get3A_125] : memref<10240xf32, #tpu.memory_space<vmem>>[vector<16xi32>], vector<16xf32>,
      %add3A_127 = arith.addf %gather3A_123, %gather3A_126 : vector<16xf32>
      %get3A_128 = arith.constant 96 : index
      %get3A_129 = tpu.vector_load %arg17[%get3A_128] {strides = array<i32>} : memref<256xf32, #tpu.memory_space<vmem>>, vector<16xf32>,
      %add3A_130 = arith.addf %add3A_127, %get3A_129 : vector<16xf32>
      %mul3A_131 = arith.constant 2.000000e-01 : f32
      %mul3A_132 = vector.broadcast %mul3A_131 : f32 to vector<16xf32>
      %mul3A_133 = arith.mulf %add3A_130, %mul3A_132 : vector<16xf32>
      %max3A_134 = arith.maximumf %add3A_130, %mul3A_133 : vector<16xf32>
      %sub3A_135 = arith.subf %max3A_134, %get3A_5 : vector<16xf32>
      %exp3A_136 = math.exp %sub3A_135 : vector<16xf32>
      %swap3A_137 = arith.constant 96 : index
      %swap3A_138 = tpu.vector_load %arg18[%swap3A_137] {strides = array<i32>} : memref<256xf32, #tpu.memory_space<vmem>>, vector<16xf32>,
      tpu.vector_store %arg18[%swap3A_137], %exp3A_136 {strides = array<i32>} : memref<256xf32, #tpu.memory_space<vmem>>, vector<16xf32>,
      %get3A_139 = arith.constant 112 : index
      %get3A_140 = tpu.vector_load %arg15[%get3A_139] {strides = array<i32>} : memref<256xi32, #tpu.memory_space<vmem>>, vector<16xi32>,
      %gather3A_141 = tpu.vector_load_idx %arg12[%get3A_140] : memref<10240xf32, #tpu.memory_space<vmem>>[vector<16xi32>], vector<16xf32>,
      %get3A_142 = arith.constant 112 : index
      %get3A_143 = tpu.vector_load %arg16[%get3A_142] {strides = array<i32>} : memref<256xi32, #tpu.memory_space<vmem>>, vector<16xi32>,
      %gather3A_144 = tpu.vector_load_idx %arg13[%get3A_143] : memref<10240xf32, #tpu.memory_space<vmem>>[vector<16xi32>], vector<16xf32>,
      %add3A_145 = arith.addf %gather3A_141, %gather3A_144 : vector<16xf32>
      %get3A_146 = arith.constant 112 : index
      %get3A_147 = tpu.vector_load %arg17[%get3A_146] {strides = array<i32>} : memref<256xf32, #tpu.memory_space<vmem>>, vector<16xf32>,
      %add3A_148 = arith.addf %add3A_145, %get3A_147 : vector<16xf32>
      %mul3A_149 = arith.constant 2.000000e-01 : f32
      %mul3A_150 = vector.broadcast %mul3A_149 : f32 to vector<16xf32>
      %mul3A_151 = arith.mulf %add3A_148, %mul3A_150 : vector<16xf32>
      %max3A_152 = arith.maximumf %add3A_148, %mul3A_151 : vector<16xf32>
      %sub3A_153 = arith.subf %max3A_152, %get3A_5 : vector<16xf32>
      %exp3A_154 = math.exp %sub3A_153 : vector<16xf32>
      %swap3A_155 = arith.constant 112 : index
      %swap3A_156 = tpu.vector_load %arg18[%swap3A_155] {strides = array<i32>} : memref<256xf32, #tpu.memory_space<vmem>>, vector<16xf32>,
      tpu.vector_store %arg18[%swap3A_155], %exp3A_154 {strides = array<i32>} : memref<256xf32, #tpu.memory_space<vmem>>, vector<16xf32>,
      %get3A_157 = arith.constant 128 : index
      %get3A_158 = tpu.vector_load %arg15[%get3A_157] {strides = array<i32>} : memref<256xi32, #tpu.memory_space<vmem>>, vector<16xi32>,
      %gather3A_159 = tpu.vector_load_idx %arg12[%get3A_158] : memref<10240xf32, #tpu.memory_space<vmem>>[vector<16xi32>], vector<16xf32>,
      %get3A_160 = arith.constant 128 : index
      %get3A_161 = tpu.vector_load %arg16[%get3A_160] {strides = array<i32>} : memref<256xi32, #tpu.memory_space<vmem>>, vector<16xi32>,
      %gather3A_162 = tpu.vector_load_idx %arg13[%get3A_161] : memref<10240xf32, #tpu.memory_space<vmem>>[vector<16xi32>], vector<16xf32>,
      %add3A_163 = arith.addf %gather3A_159, %gather3A_162 : vector<16xf32>
      %get3A_164 = arith.constant 128 : index
      %get3A_165 = tpu.vector_load %arg17[%get3A_164] {strides = array<i32>} : memref<256xf32, #tpu.memory_space<vmem>>, vector<16xf32>,
      %add3A_166 = arith.addf %add3A_163, %get3A_165 : vector<16xf32>
      %mul3A_167 = arith.constant 2.000000e-01 : f32
      %mul3A_168 = vector.broadcast %mul3A_167 : f32 to vector<16xf32>
      %mul3A_169 = arith.mulf %add3A_166, %mul3A_168 : vector<16xf32>
      %max3A_170 = arith.maximumf %add3A_166, %mul3A_169 : vector<16xf32>
      %sub3A_171 = arith.subf %max3A_170, %get3A_5 : vector<16xf32>
      %exp3A_172 = math.exp %sub3A_171 : vector<16xf32>
      %swap3A_173 = arith.constant 128 : index
      %swap3A_174 = tpu.vector_load %arg18[%swap3A_173] {strides = array<i32>} : memref<256xf32, #tpu.memory_space<vmem>>, vector<16xf32>,
      tpu.vector_store %arg18[%swap3A_173], %exp3A_172 {strides = array<i32>} : memref<256xf32, #tpu.memory_space<vmem>>, vector<16xf32>,
      %get3A_175 = arith.constant 144 : index
      %get3A_176 = tpu.vector_load %arg15[%get3A_175] {strides = array<i32>} : memref<256xi32, #tpu.memory_space<vmem>>, vector<16xi32>,
      %gather3A_177 = tpu.vector_load_idx %arg12[%get3A_176] : memref<10240xf32, #tpu.memory_space<vmem>>[vector<16xi32>], vector<16xf32>,
      %get3A_178 = arith.constant 144 : index
      %get3A_179 = tpu.vector_load %arg16[%get3A_178] {strides = array<i32>} : memref<256xi32, #tpu.memory_space<vmem>>, vector<16xi32>,
      %gather3A_180 = tpu.vector_load_idx %arg13[%get3A_179] : memref<10240xf32, #tpu.memory_space<vmem>>[vector<16xi32>], vector<16xf32>,
      %add3A_181 = arith.addf %gather3A_177, %gather3A_180 : vector<16xf32>
      %get3A_182 = arith.constant 144 : index
      %get3A_183 = tpu.vector_load %arg17[%get3A_182] {strides = array<i32>} : memref<256xf32, #tpu.memory_space<vmem>>, vector<16xf32>,
      %add3A_184 = arith.addf %add3A_181, %get3A_183 : vector<16xf32>
      %mul3A_185 = arith.constant 2.000000e-01 : f32
      %mul3A_186 = vector.broadcast %mul3A_185 : f32 to vector<16xf32>
      %mul3A_187 = arith.mulf %add3A_184, %mul3A_186 : vector<16xf32>
      %max3A_188 = arith.maximumf %add3A_184, %mul3A_187 : vector<16xf32>
      %sub3A_189 = arith.subf %max3A_188, %get3A_5 : vector<16xf32>
      %exp3A_190 = math.exp %sub3A_189 : vector<16xf32>
      %swap3A_191 = arith.constant 144 : index
      %swap3A_192 = tpu.vector_load %arg18[%swap3A_191] {strides = array<i32>} : memref<256xf32, #tpu.memory_space<vmem>>, vector<16xf32>,
      tpu.vector_store %arg18[%swap3A_191], %exp3A_190 {strides = array<i32>} : memref<256xf32, #tpu.memory_space<vmem>>, vector<16xf32>,
      %get3A_193 = arith.constant 160 : index
      %get3A_194 = tpu.vector_load %arg15[%get3A_193] {strides = array<i32>} : memref<256xi32, #tpu.memory_space<vmem>>, vector<16xi32>,
      %gather3A_195 = tpu.vector_load_idx %arg12[%get3A_194] : memref<10240xf32, #tpu.memory_space<vmem>>[vector<16xi32>], vector<16xf32>,
      %get3A_196 = arith.constant 160 : index
      %get3A_197 = tpu.vector_load %arg16[%get3A_196] {strides = array<i32>} : memref<256xi32, #tpu.memory_space<vmem>>, vector<16xi32>,
      %gather3A_198 = tpu.vector_load_idx %arg13[%get3A_197] : memref<10240xf32, #tpu.memory_space<vmem>>[vector<16xi32>], vector<16xf32>,
      %add3A_199 = arith.addf %gather3A_195, %gather3A_198 : vector<16xf32>
      %get3A_200 = arith.constant 160 : index
      %get3A_201 = tpu.vector_load %arg17[%get3A_200] {strides = array<i32>} : memref<256xf32, #tpu.memory_space<vmem>>, vector<16xf32>,
      %add3A_202 = arith.addf %add3A_199, %get3A_201 : vector<16xf32>
      %mul3A_203 = arith.constant 2.000000e-01 : f32
      %mul3A_204 = vector.broadcast %mul3A_203 : f32 to vector<16xf32>
      %mul3A_205 = arith.mulf %add3A_202, %mul3A_204 : vector<16xf32>
      %max3A_206 = arith.maximumf %add3A_202, %mul3A_205 : vector<16xf32>
      %sub3A_207 = arith.subf %max3A_206, %get3A_5 : vector<16xf32>
      %exp3A_208 = math.exp %sub3A_207 : vector<16xf32>
      %swap3A_209 = arith.constant 160 : index
      %swap3A_210 = tpu.vector_load %arg18[%swap3A_209] {strides = array<i32>} : memref<256xf32, #tpu.memory_space<vmem>>, vector<16xf32>,
      tpu.vector_store %arg18[%swap3A_209], %exp3A_208 {strides = array<i32>} : memref<256xf32, #tpu.memory_space<vmem>>, vector<16xf32>,
      %get3A_211 = arith.constant 176 : index
      %get3A_212 = tpu.vector_load %arg15[%get3A_211] {strides = array<i32>} : memref<256xi32, #tpu.memory_space<vmem>>, vector<16xi32>,
      %gather3A_213 = tpu.vector_load_idx %arg12[%get3A_212] : memref<10240xf32, #tpu.memory_space<vmem>>[vector<16xi32>], vector<16xf32>,
      %get3A_214 = arith.constant 176 : index
      %get3A_215 = tpu.vector_load %arg16[%get3A_214] {strides = array<i32>} : memref<256xi32, #tpu.memory_space<vmem>>, vector<16xi32>,
      %gather3A_216 = tpu.vector_load_idx %arg13[%get3A_215] : memref<10240xf32, #tpu.memory_space<vmem>>[vector<16xi32>], vector<16xf32>,
      %add3A_217 = arith.addf %gather3A_213, %gather3A_216 : vector<16xf32>
      %get3A_218 = arith.constant 176 : index
      %get3A_219 = tpu.vector_load %arg17[%get3A_218] {strides = array<i32>} : memref<256xf32, #tpu.memory_space<vmem>>, vector<16xf32>,
      %add3A_220 = arith.addf %add3A_217, %get3A_219 : vector<16xf32>
      %mul3A_221 = arith.constant 2.000000e-01 : f32
      %mul3A_222 = vector.broadcast %mul3A_221 : f32 to vector<16xf32>
      %mul3A_223 = arith.mulf %add3A_220, %mul3A_222 : vector<16xf32>
      %max3A_224 = arith.maximumf %add3A_220, %mul3A_223 : vector<16xf32>
      %sub3A_225 = arith.subf %max3A_224, %get3A_5 : vector<16xf32>
      %exp3A_226 = math.exp %sub3A_225 : vector<16xf32>
      %swap3A_227 = arith.constant 176 : index
      %swap3A_228 = tpu.vector_load %arg18[%swap3A_227] {strides = array<i32>} : memref<256xf32, #tpu.memory_space<vmem>>, vector<16xf32>,
      tpu.vector_store %arg18[%swap3A_227], %exp3A_226 {strides = array<i32>} : memref<256xf32, #tpu.memory_space<vmem>>, vector<16xf32>,
      %get3A_229 = arith.constant 192 : index
      %get3A_230 = tpu.vector_load %arg15[%get3A_229] {strides = array<i32>} : memref<256xi32, #tpu.memory_space<vmem>>, vector<16xi32>,
      %gather3A_231 = tpu.vector_load_idx %arg12[%get3A_230] : memref<10240xf32, #tpu.memory_space<vmem>>[vector<16xi32>], vector<16xf32>,
      %get3A_232 = arith.constant 192 : index
      %get3A_233 = tpu.vector_load %arg16[%get3A_232] {strides = array<i32>} : memref<256xi32, #tpu.memory_space<vmem>>, vector<16xi32>,
      %gather3A_234 = tpu.vector_load_idx %arg13[%get3A_233] : memref<10240xf32, #tpu.memory_space<vmem>>[vector<16xi32>], vector<16xf32>,
      %add3A_235 = arith.addf %gather3A_231, %gather3A_234 : vector<16xf32>
      %get3A_236 = arith.constant 192 : index
      %get3A_237 = tpu.vector_load %arg17[%get3A_236] {strides = array<i32>} : memref<256xf32, #tpu.memory_space<vmem>>, vector<16xf32>,
      %add3A_238 = arith.addf %add3A_235, %get3A_237 : vector<16xf32>
      %mul3A_239 = arith.constant 2.000000e-01 : f32
      %mul3A_240 = vector.broadcast %mul3A_239 : f32 to vector<16xf32>
      %mul3A_241 = arith.mulf %add3A_238, %mul3A_240 : vector<16xf32>
      %max3A_242 = arith.maximumf %add3A_238, %mul3A_241 : vector<16xf32>
      %sub3A_243 = arith.subf %max3A_242, %get3A_5 : vector<16xf32>
      %exp3A_244 = math.exp %sub3A_243 : vector<16xf32>
      %swap3A_245 = arith.constant 192 : index
      %swap3A_246 = tpu.vector_load %arg18[%swap3A_245] {strides = array<i32>} : memref<256xf32, #tpu.memory_space<vmem>>, vector<16xf32>,
      tpu.vector_store %arg18[%swap3A_245], %exp3A_244 {strides = array<i32>} : memref<256xf32, #tpu.memory_space<vmem>>, vector<16xf32>,
      %get3A_247 = arith.constant 208 : index
      %get3A_248 = tpu.vector_load %arg15[%get3A_247] {strides = array<i32>} : memref<256xi32, #tpu.memory_space<vmem>>, vector<16xi32>,
      %gather3A_249 = tpu.vector_load_idx %arg12[%get3A_248] : memref<10240xf32, #tpu.memory_space<vmem>>[vector<16xi32>], vector<16xf32>,
      %get3A_250 = arith.constant 208 : index
      %get3A_251 = tpu.vector_load %arg16[%get3A_250] {strides = array<i32>} : memref<256xi32, #tpu.memory_space<vmem>>, vector<16xi32>,
      %gather3A_252 = tpu.vector_load_idx %arg13[%get3A_251] : memref<10240xf32, #tpu.memory_space<vmem>>[vector<16xi32>], vector<16xf32>,
      %add3A_253 = arith.addf %gather3A_249, %gather3A_252 : vector<16xf32>
      %get3A_254 = arith.constant 208 : index
      %get3A_255 = tpu.vector_load %arg17[%get3A_254] {strides = array<i32>} : memref<256xf32, #tpu.memory_space<vmem>>, vector<16xf32>,
      %add3A_256 = arith.addf %add3A_253, %get3A_255 : vector<16xf32>
      %mul3A_257 = arith.constant 2.000000e-01 : f32
      %mul3A_258 = vector.broadcast %mul3A_257 : f32 to vector<16xf32>
      %mul3A_259 = arith.mulf %add3A_256, %mul3A_258 : vector<16xf32>
      %max3A_260 = arith.maximumf %add3A_256, %mul3A_259 : vector<16xf32>
      %sub3A_261 = arith.subf %max3A_260, %get3A_5 : vector<16xf32>
      %exp3A_262 = math.exp %sub3A_261 : vector<16xf32>
      %swap3A_263 = arith.constant 208 : index
      %swap3A_264 = tpu.vector_load %arg18[%swap3A_263] {strides = array<i32>} : memref<256xf32, #tpu.memory_space<vmem>>, vector<16xf32>,
      tpu.vector_store %arg18[%swap3A_263], %exp3A_262 {strides = array<i32>} : memref<256xf32, #tpu.memory_space<vmem>>, vector<16xf32>,
      %get3A_265 = arith.constant 224 : index
      %get3A_266 = tpu.vector_load %arg15[%get3A_265] {strides = array<i32>} : memref<256xi32, #tpu.memory_space<vmem>>, vector<16xi32>,
      %gather3A_267 = tpu.vector_load_idx %arg12[%get3A_266] : memref<10240xf32, #tpu.memory_space<vmem>>[vector<16xi32>], vector<16xf32>,
      %get3A_268 = arith.constant 224 : index
      %get3A_269 = tpu.vector_load %arg16[%get3A_268] {strides = array<i32>} : memref<256xi32, #tpu.memory_space<vmem>>, vector<16xi32>,
      %gather3A_270 = tpu.vector_load_idx %arg13[%get3A_269] : memref<10240xf32, #tpu.memory_space<vmem>>[vector<16xi32>], vector<16xf32>,
      %add3A_271 = arith.addf %gather3A_267, %gather3A_270 : vector<16xf32>
      %get3A_272 = arith.constant 224 : index
      %get3A_273 = tpu.vector_load %arg17[%get3A_272] {strides = array<i32>} : memref<256xf32, #tpu.memory_space<vmem>>, vector<16xf32>,
      %add3A_274 = arith.addf %add3A_271, %get3A_273 : vector<16xf32>
      %mul3A_275 = arith.constant 2.000000e-01 : f32
      %mul3A_276 = vector.broadcast %mul3A_275 : f32 to vector<16xf32>
      %mul3A_277 = arith.mulf %add3A_274, %mul3A_276 : vector<16xf32>
      %max3A_278 = arith.maximumf %add3A_274, %mul3A_277 : vector<16xf32>
      %sub3A_279 = arith.subf %max3A_278, %get3A_5 : vector<16xf32>
      %exp3A_280 = math.exp %sub3A_279 : vector<16xf32>
      %swap3A_281 = arith.constant 224 : index
      %swap3A_282 = tpu.vector_load %arg18[%swap3A_281] {strides = array<i32>} : memref<256xf32, #tpu.memory_space<vmem>>, vector<16xf32>,
      tpu.vector_store %arg18[%swap3A_281], %exp3A_280 {strides = array<i32>} : memref<256xf32, #tpu.memory_space<vmem>>, vector<16xf32>,
      %get3A_283 = arith.constant 240 : index
      %get3A_284 = tpu.vector_load %arg15[%get3A_283] {strides = array<i32>} : memref<256xi32, #tpu.memory_space<vmem>>, vector<16xi32>,
      %gather3A_285 = tpu.vector_load_idx %arg12[%get3A_284] : memref<10240xf32, #tpu.memory_space<vmem>>[vector<16xi32>], vector<16xf32>,
      %get3A_286 = arith.constant 240 : index
      %get3A_287 = tpu.vector_load %arg16[%get3A_286] {strides = array<i32>} : memref<256xi32, #tpu.memory_space<vmem>>, vector<16xi32>,
      %gather3A_288 = tpu.vector_load_idx %arg13[%get3A_287] : memref<10240xf32, #tpu.memory_space<vmem>>[vector<16xi32>], vector<16xf32>,
      %add3A_289 = arith.addf %gather3A_285, %gather3A_288 : vector<16xf32>
      %get3A_290 = arith.constant 240 : index
      %get3A_291 = tpu.vector_load %arg17[%get3A_290] {strides = array<i32>} : memref<256xf32, #tpu.memory_space<vmem>>, vector<16xf32>,
      %add3A_292 = arith.addf %add3A_289, %get3A_291 : vector<16xf32>
      %mul3A_293 = arith.constant 2.000000e-01 : f32
      %mul3A_294 = vector.broadcast %mul3A_293 : f32 to vector<16xf32>
      %mul3A_295 = arith.mulf %add3A_292, %mul3A_294 : vector<16xf32>
      %max3A_296 = arith.maximumf %add3A_292, %mul3A_295 : vector<16xf32>
      %sub3A_297 = arith.subf %max3A_296, %get3A_5 : vector<16xf32>
      %exp3A_298 = math.exp %sub3A_297 : vector<16xf32>
      %swap3A_299 = arith.constant 240 : index
      %swap3A_300 = tpu.vector_load %arg18[%swap3A_299] {strides = array<i32>} : memref<256xf32, #tpu.memory_space<vmem>>, vector<16xf32>,
      tpu.vector_store %arg18[%swap3A_299], %exp3A_298 {strides = array<i32>} : memref<256xf32, #tpu.memory_space<vmem>>, vector<16xf32>,
      %dma_wait3A = arith.constant 0 : i32
      %dma_wait3A_301 = arith.constant 0 : i32
      %dma_wait3A_302 = tpu.memref_slice %arg8[%dma_wait3A, %dma_wait3A_301] : memref<10240x64xf32, #tpu.memory_space<hbm>> -> memref<10240x64xf32, #tpu.memory_space<hbm>>
      tpu.wait_indirect_dma semaphore(%arg21 : memref<!tpu.dma_semaphore, #tpu.memory_space<semaphore_mem>>) src(%dma_wait3A_302 : memref<10240x64xf32, #tpu.memory_space<hbm>>) dst(%arg19 : memref<256x64xf32, #tpu.memory_space<vmem>>)
      %scan3A_303 = arith.constant 0 : i32
      %scan3A_304 = arith.constant 0 : i32
      %scan3A_305 = arith.constant 256 : i32
      %scan3A_306 = arith.addi %scan3A_304, %scan3A_305 : i32
      %scan3A_307 = arith.constant 1 : i32
      scf.for %scan3A_309 = %scan3A_304 to %scan3A_306 step %scan3A_307  : i32 {
        %broadcast_in_dim3A = arith.constant 0 : i32
        %broadcast_in_dim3A_310 = vector.broadcast %broadcast_in_dim3A : i32 to vector<16xi32>
        %add3A_311 = vector.broadcast %scan3A_309 : i32 to vector<16xi32>
        %add3A_312 = arith.addi %broadcast_in_dim3A_310, %add3A_311 : vector<16xi32>
        %gather3A_313 = tpu.vector_load_idx %arg18[%add3A_312] : memref<256xf32, #tpu.memory_space<vmem>>[vector<16xi32>], vector<16xf32>,
        %get3A_314 = arith.index_cast %scan3A_309 : i32 to index
        %get3A_315 = arith.constant 0 : index
        %get3A_316 = tpu.vector_load %arg19[%get3A_314, %get3A_315] {strides = array<i32>} : memref<256x64xf32, #tpu.memory_space<vmem>>, vector<16xf32>,
        %mul3A_317 = arith.mulf %get3A_316, %gather3A_313 : vector<16xf32>
        %swap3A_318 = arith.index_cast %scan3A_309 : i32 to index
        %swap3A_319 = arith.constant 0 : index
        %swap3A_320 = tpu.vector_load %arg19[%swap3A_318, %swap3A_319] {strides = array<i32>} : memref<256x64xf32, #tpu.memory_space<vmem>>, vector<16xf32>,
        tpu.vector_store %arg19[%swap3A_318, %swap3A_319], %mul3A_317 {strides = array<i32>} : memref<256x64xf32, #tpu.memory_space<vmem>>, vector<16xf32>,
        %get3A_321 = arith.index_cast %scan3A_309 : i32 to index
        %get3A_322 = arith.constant 16 : index
        %get3A_323 = tpu.vector_load %arg19[%get3A_321, %get3A_322] {strides = array<i32>} : memref<256x64xf32, #tpu.memory_space<vmem>>, vector<16xf32>,
        %mul3A_324 = arith.mulf %get3A_323, %gather3A_313 : vector<16xf32>
        %swap3A_325 = arith.index_cast %scan3A_309 : i32 to index
        %swap3A_326 = arith.constant 16 : index
        %swap3A_327 = tpu.vector_load %arg19[%swap3A_325, %swap3A_326] {strides = array<i32>} : memref<256x64xf32, #tpu.memory_space<vmem>>, vector<16xf32>,
        tpu.vector_store %arg19[%swap3A_325, %swap3A_326], %mul3A_324 {strides = array<i32>} : memref<256x64xf32, #tpu.memory_space<vmem>>, vector<16xf32>,
        %get3A_328 = arith.index_cast %scan3A_309 : i32 to index
        %get3A_329 = arith.constant 32 : index
        %get3A_330 = tpu.vector_load %arg19[%get3A_328, %get3A_329] {strides = array<i32>} : memref<256x64xf32, #tpu.memory_space<vmem>>, vector<16xf32>,
        %mul3A_331 = arith.mulf %get3A_330, %gather3A_313 : vector<16xf32>
        %swap3A_332 = arith.index_cast %scan3A_309 : i32 to index
        %swap3A_333 = arith.constant 32 : index
        %swap3A_334 = tpu.vector_load %arg19[%swap3A_332, %swap3A_333] {strides = array<i32>} : memref<256x64xf32, #tpu.memory_space<vmem>>, vector<16xf32>,
        tpu.vector_store %arg19[%swap3A_332, %swap3A_333], %mul3A_331 {strides = array<i32>} : memref<256x64xf32, #tpu.memory_space<vmem>>, vector<16xf32>,
        %get3A_335 = arith.index_cast %scan3A_309 : i32 to index
        %get3A_336 = arith.constant 48 : index
        %get3A_337 = tpu.vector_load %arg19[%get3A_335, %get3A_336] {strides = array<i32>} : memref<256x64xf32, #tpu.memory_space<vmem>>, vector<16xf32>,
        %mul3A_338 = arith.mulf %get3A_337, %gather3A_313 : vector<16xf32>
        %swap3A_339 = arith.index_cast %scan3A_309 : i32 to index
        %swap3A_340 = arith.constant 48 : index
        %swap3A_341 = tpu.vector_load %arg19[%swap3A_339, %swap3A_340] {strides = array<i32>} : memref<256x64xf32, #tpu.memory_space<vmem>>, vector<16xf32>,
        tpu.vector_store %arg19[%swap3A_339, %swap3A_340], %mul3A_338 {strides = array<i32>} : memref<256x64xf32, #tpu.memory_space<vmem>>, vector<16xf32>,
      }
      %scan3A_308 = arith.constant 256 : i32
      "tpu.region"() ({
        %run_scoped3A = tpu.sem_alloc : memref<!tpu.dma_semaphore, #tpu.memory_space<semaphore_mem>>
        %dma_start3A_309 = arith.constant 0 : i32
        %dma_start3A_310 = arith.constant 0 : i32
        %dma_start3A_311 = tpu.memref_slice %arg20[%dma_start3A_309, %dma_start3A_310] : memref<10240x64xf32, #tpu.memory_space<vmem_shared>> -> memref<10240x64xf32, #tpu.memory_space<vmem_shared>>
        tpu.enqueue_indirect_dma source(%arg19 : memref<256x64xf32, #tpu.memory_space<vmem>>) target(%dma_start3A_311 : memref<10240x64xf32, #tpu.memory_space<vmem_shared>>) offsets(%arg16 : memref<256xi32, #tpu.memory_space<vmem>>) semaphore(%run_scoped3A : memref<!tpu.dma_semaphore, #tpu.memory_space<semaphore_mem>>) {add = true}
        %dma_wait3A_312 = arith.constant 0 : i32
        %dma_wait3A_313 = arith.constant 0 : i32
        %dma_wait3A_314 = tpu.memref_slice %arg20[%dma_wait3A_312, %dma_wait3A_313] : memref<10240x64xf32, #tpu.memory_space<vmem_shared>> -> memref<10240x64xf32, #tpu.memory_space<vmem_shared>>
        tpu.wait_indirect_dma semaphore(%run_scoped3A : memref<!tpu.dma_semaphore, #tpu.memory_space<semaphore_mem>>) src(%arg19 : memref<256x64xf32, #tpu.memory_space<vmem>>) dst(%dma_wait3A_314 : memref<10240x64xf32, #tpu.memory_space<vmem_shared>>)
        tpu.yield
      }) : () -> ()
      "tpu.region"() ({
        %run_scoped3A = tpu.sem_alloc : memref<!tpu.dma_semaphore, #tpu.memory_space<semaphore_mem>>
        %dma_start3A_309 = tpu.memref_slice %arg11[%add3A_15] : memref<335872xf32, #tpu.memory_space<hbm>> -> memref<256xf32, #tpu.memory_space<hbm>>
        %dma_start3A_310 = tpu.memref_slice %arg11[%add3A_15] : memref<335872xf32, #tpu.memory_space<hbm>> -> memref<256xf32, #tpu.memory_space<hbm>>
        tpu.enqueue_dma source(%arg18 : memref<256xf32, #tpu.memory_space<vmem>>) target(%dma_start3A_310 : memref<256xf32, #tpu.memory_space<hbm>>) target_semaphore(%run_scoped3A : memref<!tpu.dma_semaphore, #tpu.memory_space<semaphore_mem>>)
        %dma_wait3A_311 = tpu.memref_slice %arg11[%add3A_15] : memref<335872xf32, #tpu.memory_space<hbm>> -> memref<256xf32, #tpu.memory_space<hbm>>
        %dma_wait3A_312 = tpu.memref_slice %arg11[%add3A_15] : memref<335872xf32, #tpu.memory_space<hbm>> -> memref<256xf32, #tpu.memory_space<hbm>>
        tpu.wait_dma2 semaphore(%run_scoped3A : memref<!tpu.dma_semaphore, #tpu.memory_space<semaphore_mem>>) src(%arg18 : memref<256xf32, #tpu.memory_space<vmem>>) dst(%dma_wait3A_312 : memref<256xf32, #tpu.memory_space<hbm>>)
        tpu.yield
      }) : () -> ()
    }
    %scan3A_10 = arith.constant 41 : i32
    %barrier3A_11 = arith.constant 0 : index
    tpu.barrier barrier_id(%barrier3A_11)
    "tpu.region"() ({
      %run_scoped3A = tpu.sem_alloc : memref<!tpu.dma_semaphore, #tpu.memory_space<semaphore_mem>>
      %dma_start3A = arith.constant 0 : i32
      %dma_start3A_12 = tpu.memref_slice %arg10[%arg0, %mul3A_0, %dma_start3A] : memref<2x10240x64xf32, #tpu.memory_space<hbm>> -> memref<1x640x64xf32, #tpu.memory_space<hbm>>
      %dma_start3A_13 = tpu.memref_squeeze %dma_start3A_12 : memref<1x640x64xf32, #tpu.memory_space<hbm>> -> memref<640x64xf32, #tpu.memory_space<hbm>>
      %dma_start3A_14 = arith.constant 0 : i32
      %dma_start3A_15 = tpu.memref_slice %arg20[%mul3A_0, %dma_start3A_14] : memref<10240x64xf32, #tpu.memory_space<vmem_shared>> -> memref<640x64xf32, #tpu.memory_space<vmem_shared>>
      tpu.enqueue_dma source(%dma_start3A_15 : memref<640x64xf32, #tpu.memory_space<vmem_shared>>) target(%dma_start3A_13 : memref<640x64xf32, #tpu.memory_space<hbm>>) target_semaphore(%run_scoped3A : memref<!tpu.dma_semaphore, #tpu.memory_space<semaphore_mem>>)
      %dma_wait3A = arith.constant 0 : i32
      %dma_wait3A_16 = tpu.memref_slice %arg10[%arg0, %mul3A_0, %dma_wait3A] : memref<2x10240x64xf32, #tpu.memory_space<hbm>> -> memref<1x640x64xf32, #tpu.memory_space<hbm>>
      %dma_wait3A_17 = tpu.memref_squeeze %dma_wait3A_16 : memref<1x640x64xf32, #tpu.memory_space<hbm>> -> memref<640x64xf32, #tpu.memory_space<hbm>>
      %dma_wait3A_18 = arith.constant 0 : i32
      %dma_wait3A_19 = tpu.memref_slice %arg20[%mul3A_0, %dma_wait3A_18] : memref<10240x64xf32, #tpu.memory_space<vmem_shared>> -> memref<640x64xf32, #tpu.memory_space<vmem_shared>>
      tpu.wait_dma2 semaphore(%run_scoped3A : memref<!tpu.dma_semaphore, #tpu.memory_space<semaphore_mem>>) src(%dma_wait3A_19 : memref<640x64xf32, #tpu.memory_space<vmem_shared>>) dst(%dma_wait3A_17 : memref<640x64xf32, #tpu.memory_space<hbm>>)
      tpu.yield
    }) : () -> ()
    return
  }
}

#map = affine_map<(d0, d1) -> (0)>
#map1 = affine_map<(d0, d1) -> (0, 0)>
#map2 = affine_map<(d0, d1) -> (0, 0, 0)>
module attributes {stable_mosaic.version = 14 : i64} {
  func.func @k(%arg0: i32, %arg1: i32, %arg2: memref<335872xi32, #tpu.memory_space<hbm>>, %arg3: memref<335872xi32, #tpu.memory_space<hbm>>, %arg4: memref<335872xf32, #tpu.memory_space<hbm>>, %arg5: memref<10240xf32, #tpu.memory_space<hbm>>, %arg6: memref<10240xf32, #tpu.memory_space<hbm>>, %arg7: memref<16xf32, #tpu.memory_space<hbm>>, %arg8: memref<10240x64xf32, #tpu.memory_space<hbm>>, %arg9: memref<640x64xf32, #tpu.memory_space<hbm>>, %arg10: memref<2x10240x64xf32, #tpu.memory_space<hbm>>, %arg11: memref<335872xf32, #tpu.memory_space<hbm>>, %arg12: memref<10240xf32, #tpu.memory_space<vmem>>, %arg13: memref<10240xf32, #tpu.memory_space<vmem>>, %arg14: memref<16xf32, #tpu.memory_space<vmem>>, %arg15: memref<256xi32, #tpu.memory_space<vmem>>, %arg16: memref<256xi32, #tpu.memory_space<vmem>>, %arg17: memref<256xf32, #tpu.memory_space<vmem>>, %arg18: memref<256xf32, #tpu.memory_space<vmem>>, %arg19: memref<256x64xf32, #tpu.memory_space<vmem>>, %arg20: memref<10240x64xf32, #tpu.memory_space<vmem_shared>>, %arg21: memref<!tpu.dma_semaphore, #tpu.memory_space<semaphore_mem>>) attributes {dimension_semantics = [#tpu.dimension_semantics<core_parallel>, #tpu.dimension_semantics<subcore_parallel>], iteration_bounds = array<i64: 2, 16>, scalar_prefetch = 0 : i64, scratch_operands = 10 : i64, tpu.core_type = #tpu.core_type<sc_vector_subcore>, window_params = [{transform_indices = #map}, {transform_indices = #map}, {transform_indices = #map}, {transform_indices = #map}, {transform_indices = #map}, {transform_indices = #map}, {transform_indices = #map1}, {transform_indices = #map1}, {transform_indices = #map2}, {transform_indices = #map}]} {
    %mul3A = arith.constant 640 : i32
    %mul3A_0 = arith.muli %arg1, %mul3A : i32
    "tpu.region"() ({
      %run_scoped3A = tpu.sem_alloc : memref<!tpu.dma_semaphore, #tpu.memory_space<semaphore_mem>>
      tpu.enqueue_dma source(%arg5 : memref<10240xf32, #tpu.memory_space<hbm>>) target(%arg12 : memref<10240xf32, #tpu.memory_space<vmem>>) target_semaphore(%run_scoped3A : memref<!tpu.dma_semaphore, #tpu.memory_space<semaphore_mem>>)
      tpu.wait_dma2 semaphore(%run_scoped3A : memref<!tpu.dma_semaphore, #tpu.memory_space<semaphore_mem>>) src(%arg5 : memref<10240xf32, #tpu.memory_space<hbm>>) dst(%arg12 : memref<10240xf32, #tpu.memory_space<vmem>>)
      tpu.yield
    }) : () -> ()
    "tpu.region"() ({
      %run_scoped3A = tpu.sem_alloc : memref<!tpu.dma_semaphore, #tpu.memory_space<semaphore_mem>>
      tpu.enqueue_dma source(%arg6 : memref<10240xf32, #tpu.memory_space<hbm>>) target(%arg13 : memref<10240xf32, #tpu.memory_space<vmem>>) target_semaphore(%run_scoped3A : memref<!tpu.dma_semaphore, #tpu.memory_space<semaphore_mem>>)
      tpu.wait_dma2 semaphore(%run_scoped3A : memref<!tpu.dma_semaphore, #tpu.memory_space<semaphore_mem>>) src(%arg6 : memref<10240xf32, #tpu.memory_space<hbm>>) dst(%arg13 : memref<10240xf32, #tpu.memory_space<vmem>>)
      tpu.yield
    }) : () -> ()
    "tpu.region"() ({
      %run_scoped3A = tpu.sem_alloc : memref<!tpu.dma_semaphore, #tpu.memory_space<semaphore_mem>>
      tpu.enqueue_dma source(%arg7 : memref<16xf32, #tpu.memory_space<hbm>>) target(%arg14 : memref<16xf32, #tpu.memory_space<vmem>>) target_semaphore(%run_scoped3A : memref<!tpu.dma_semaphore, #tpu.memory_space<semaphore_mem>>)
      tpu.wait_dma2 semaphore(%run_scoped3A : memref<!tpu.dma_semaphore, #tpu.memory_space<semaphore_mem>>) src(%arg7 : memref<16xf32, #tpu.memory_space<hbm>>) dst(%arg14 : memref<16xf32, #tpu.memory_space<vmem>>)
      tpu.yield
    }) : () -> ()
    "tpu.region"() ({
      %run_scoped3A = tpu.sem_alloc : memref<!tpu.dma_semaphore, #tpu.memory_space<semaphore_mem>>
      %dma_start3A = arith.constant 0 : i32
      %dma_start3A_12 = arith.constant 0 : i32
      %dma_start3A_13 = tpu.memref_slice %arg19[%dma_start3A, %dma_start3A_12] : memref<256x64xf32, #tpu.memory_space<vmem>> -> memref<640x64xf32, #tpu.memory_space<vmem>>
      %dma_start3A_14 = arith.constant 0 : i32
      %dma_start3A_15 = arith.constant 0 : i32
      %dma_start3A_16 = tpu.memref_slice %arg19[%dma_start3A_14, %dma_start3A_15] : memref<256x64xf32, #tpu.memory_space<vmem>> -> memref<640x64xf32, #tpu.memory_space<vmem>>
      tpu.enqueue_dma source(%arg9 : memref<640x64xf32, #tpu.memory_space<hbm>>) target(%dma_start3A_16 : memref<640x64xf32, #tpu.memory_space<vmem>>) target_semaphore(%run_scoped3A : memref<!tpu.dma_semaphore, #tpu.memory_space<semaphore_mem>>)
      %dma_wait3A = arith.constant 0 : i32
      %dma_wait3A_17 = arith.constant 0 : i32
      %dma_wait3A_18 = tpu.memref_slice %arg19[%dma_wait3A, %dma_wait3A_17] : memref<256x64xf32, #tpu.memory_space<vmem>> -> memref<640x64xf32, #tpu.memory_space<vmem>>
      %dma_wait3A_19 = arith.constant 0 : i32
      %dma_wait3A_20 = arith.constant 0 : i32
      %dma_wait3A_21 = tpu.memref_slice %arg19[%dma_wait3A_19, %dma_wait3A_20] : memref<256x64xf32, #tpu.memory_space<vmem>> -> memref<640x64xf32, #tpu.memory_space<vmem>>
      tpu.wait_dma2 semaphore(%run_scoped3A : memref<!tpu.dma_semaphore, #tpu.memory_space<semaphore_mem>>) src(%arg9 : memref<640x64xf32, #tpu.memory_space<hbm>>) dst(%dma_wait3A_21 : memref<640x64xf32, #tpu.memory_space<vmem>>)
      tpu.yield
    }) : () -> ()
    "tpu.region"() ({
      %run_scoped3A = tpu.sem_alloc : memref<!tpu.dma_semaphore, #tpu.memory_space<semaphore_mem>>
      %dma_start3A = arith.constant 0 : i32
      %dma_start3A_12 = arith.constant 0 : i32
      %dma_start3A_13 = tpu.memref_slice %arg19[%dma_start3A, %dma_start3A_12] : memref<256x64xf32, #tpu.memory_space<vmem>> -> memref<640x64xf32, #tpu.memory_space<vmem>>
      %dma_start3A_14 = arith.constant 0 : i32
      %dma_start3A_15 = tpu.memref_slice %arg20[%mul3A_0, %dma_start3A_14] : memref<10240x64xf32, #tpu.memory_space<vmem_shared>> -> memref<640x64xf32, #tpu.memory_space<vmem_shared>>
      %dma_start3A_16 = arith.constant 0 : i32
      %dma_start3A_17 = tpu.memref_slice %arg20[%mul3A_0, %dma_start3A_16] : memref<10240x64xf32, #tpu.memory_space<vmem_shared>> -> memref<640x64xf32, #tpu.memory_space<vmem_shared>>
      %dma_start3A_18 = arith.constant 0 : i32
      %dma_start3A_19 = arith.constant 0 : i32
      %dma_start3A_20 = tpu.memref_slice %arg19[%dma_start3A_18, %dma_start3A_19] : memref<256x64xf32, #tpu.memory_space<vmem>> -> memref<640x64xf32, #tpu.memory_space<vmem>>
      tpu.enqueue_dma source(%dma_start3A_20 : memref<640x64xf32, #tpu.memory_space<vmem>>) target(%dma_start3A_17 : memref<640x64xf32, #tpu.memory_space<vmem_shared>>) target_semaphore(%run_scoped3A : memref<!tpu.dma_semaphore, #tpu.memory_space<semaphore_mem>>)
      %dma_wait3A = arith.constant 0 : i32
      %dma_wait3A_21 = arith.constant 0 : i32
      %dma_wait3A_22 = tpu.memref_slice %arg19[%dma_wait3A, %dma_wait3A_21] : memref<256x64xf32, #tpu.memory_space<vmem>> -> memref<640x64xf32, #tpu.memory_space<vmem>>
      %dma_wait3A_23 = arith.constant 0 : i32
      %dma_wait3A_24 = tpu.memref_slice %arg20[%mul3A_0, %dma_wait3A_23] : memref<10240x64xf32, #tpu.memory_space<vmem_shared>> -> memref<640x64xf32, #tpu.memory_space<vmem_shared>>
      %dma_wait3A_25 = arith.constant 0 : i32
      %dma_wait3A_26 = tpu.memref_slice %arg20[%mul3A_0, %dma_wait3A_25] : memref<10240x64xf32, #tpu.memory_space<vmem_shared>> -> memref<640x64xf32, #tpu.memory_space<vmem_shared>>
      %dma_wait3A_27 = arith.constant 0 : i32
      %dma_wait3A_28 = arith.constant 0 : i32
      %dma_wait3A_29 = tpu.memref_slice %arg19[%dma_wait3A_27, %dma_wait3A_28] : memref<256x64xf32, #tpu.memory_space<vmem>> -> memref<640x64xf32, #tpu.memory_space<vmem>>
      tpu.wait_dma2 semaphore(%run_scoped3A : memref<!tpu.dma_semaphore, #tpu.memory_space<semaphore_mem>>) src(%dma_wait3A_29 : memref<640x64xf32, #tpu.memory_space<vmem>>) dst(%dma_wait3A_26 : memref<640x64xf32, #tpu.memory_space<vmem_shared>>)
      tpu.yield
    }) : () -> ()
    %barrier3A = arith.constant 0 : index
    tpu.barrier barrier_id(%barrier3A)
    %mul3A_1 = arith.constant 16 : i32
    %mul3A_2 = arith.muli %arg0, %mul3A_1 : i32
    %add3A = arith.addi %mul3A_2, %arg1 : i32
    %mul3A_3 = arith.constant 10496 : i32
    %mul3A_4 = arith.muli %add3A, %mul3A_3 : i32
    %get3A = arith.constant 0 : index
    %get3A_5 = tpu.vector_load %arg14[%get3A] {strides = array<i32>} : memref<16xf32, #tpu.memory_space<vmem>>, vector<16xf32>,
    %scan3A = arith.constant 0 : i32
    %scan3A_6 = arith.constant 0 : i32
    %scan3A_7 = arith.constant 41 : i32
    %scan3A_8 = arith.addi %scan3A_6, %scan3A_7 : i32
    %scan3A_9 = arith.constant 1 : i32
    scf.for %scan3A_12 = %scan3A_6 to %scan3A_8 step %scan3A_9  : i32 {
      %mul3A_13 = arith.constant 256 : i32
      %mul3A_14 = arith.muli %scan3A_12, %mul3A_13 : i32
      %add3A_15 = arith.addi %mul3A_4, %mul3A_14 : i32
      "tpu.region"() ({
        %run_scoped3A = tpu.sem_alloc : memref<!tpu.dma_semaphore, #tpu.memory_space<semaphore_mem>>
        %dma_start3A_309 = tpu.memref_slice %arg2[%add3A_15] : memref<335872xi32, #tpu.memory_space<hbm>> -> memref<256xi32, #tpu.memory_space<hbm>>
        %dma_start3A_310 = tpu.memref_slice %arg2[%add3A_15] : memref<335872xi32, #tpu.memory_space<hbm>> -> memref<256xi32, #tpu.memory_space<hbm>>
        tpu.enqueue_dma source(%dma_start3A_310 : memref<256xi32, #tpu.memory_space<hbm>>) target(%arg15 : memref<256xi32, #tpu.memory_space<vmem>>) target_semaphore(%run_scoped3A : memref<!tpu.dma_semaphore, #tpu.memory_space<semaphore_mem>>)
        %dma_wait3A_311 = tpu.memref_slice %arg2[%add3A_15] : memref<335872xi32, #tpu.memory_space<hbm>> -> memref<256xi32, #tpu.memory_space<hbm>>
        %dma_wait3A_312 = tpu.memref_slice %arg2[%add3A_15] : memref<335872xi32, #tpu.memory_space<hbm>> -> memref<256xi32, #tpu.memory_space<hbm>>
        tpu.wait_dma2 semaphore(%run_scoped3A : memref<!tpu.dma_semaphore, #tpu.memory_space<semaphore_mem>>) src(%dma_wait3A_312 : memref<256xi32, #tpu.memory_space<hbm>>) dst(%arg15 : memref<256xi32, #tpu.memory_space<vmem>>)
        tpu.yield
      }) : () -> ()
      "tpu.region"() ({
        %run_scoped3A = tpu.sem_alloc : memref<!tpu.dma_semaphore, #tpu.memory_space<semaphore_mem>>
        %dma_start3A_309 = tpu.memref_slice %arg3[%add3A_15] : memref<335872xi32, #tpu.memory_space<hbm>> -> memref<256xi32, #tpu.memory_space<hbm>>
        %dma_start3A_310 = tpu.memref_slice %arg3[%add3A_15] : memref<335872xi32, #tpu.memory_space<hbm>> -> memref<256xi32, #tpu.memory_space<hbm>>
        tpu.enqueue_dma source(%dma_start3A_310 : memref<256xi32, #tpu.memory_space<hbm>>) target(%arg16 : memref<256xi32, #tpu.memory_space<vmem>>) target_semaphore(%run_scoped3A : memref<!tpu.dma_semaphore, #tpu.memory_space<semaphore_mem>>)
        %dma_wait3A_311 = tpu.memref_slice %arg3[%add3A_15] : memref<335872xi32, #tpu.memory_space<hbm>> -> memref<256xi32, #tpu.memory_space<hbm>>
        %dma_wait3A_312 = tpu.memref_slice %arg3[%add3A_15] : memref<335872xi32, #tpu.memory_space<hbm>> -> memref<256xi32, #tpu.memory_space<hbm>>
        tpu.wait_dma2 semaphore(%run_scoped3A : memref<!tpu.dma_semaphore, #tpu.memory_space<semaphore_mem>>) src(%dma_wait3A_312 : memref<256xi32, #tpu.memory_space<hbm>>) dst(%arg16 : memref<256xi32, #tpu.memory_space<vmem>>)
        tpu.yield
      }) : () -> ()
      "tpu.region"() ({
        %run_scoped3A = tpu.sem_alloc : memref<!tpu.dma_semaphore, #tpu.memory_space<semaphore_mem>>
        %dma_start3A_309 = tpu.memref_slice %arg4[%add3A_15] : memref<335872xf32, #tpu.memory_space<hbm>> -> memref<256xf32, #tpu.memory_space<hbm>>
        %dma_start3A_310 = tpu.memref_slice %arg4[%add3A_15] : memref<335872xf32, #tpu.memory_space<hbm>> -> memref<256xf32, #tpu.memory_space<hbm>>
        tpu.enqueue_dma source(%dma_start3A_310 : memref<256xf32, #tpu.memory_space<hbm>>) target(%arg17 : memref<256xf32, #tpu.memory_space<vmem>>) target_semaphore(%run_scoped3A : memref<!tpu.dma_semaphore, #tpu.memory_space<semaphore_mem>>)
        %dma_wait3A_311 = tpu.memref_slice %arg4[%add3A_15] : memref<335872xf32, #tpu.memory_space<hbm>> -> memref<256xf32, #tpu.memory_space<hbm>>
        %dma_wait3A_312 = tpu.memref_slice %arg4[%add3A_15] : memref<335872xf32, #tpu.memory_space<hbm>> -> memref<256xf32, #tpu.memory_space<hbm>>
        tpu.wait_dma2 semaphore(%run_scoped3A : memref<!tpu.dma_semaphore, #tpu.memory_space<semaphore_mem>>) src(%dma_wait3A_312 : memref<256xf32, #tpu.memory_space<hbm>>) dst(%arg17 : memref<256xf32, #tpu.memory_space<vmem>>)
        tpu.yield
      }) : () -> ()
      %dma_start3A = arith.constant 0 : i32
      %dma_start3A_16 = arith.constant 0 : i32
      %dma_start3A_17 = tpu.memref_slice %arg8[%dma_start3A, %dma_start3A_16] : memref<10240x64xf32, #tpu.memory_space<hbm>> -> memref<10240x64xf32, #tpu.memory_space<hbm>>
      tpu.enqueue_indirect_dma source(%dma_start3A_17 : memref<10240x64xf32, #tpu.memory_space<hbm>>) target(%arg19 : memref<256x64xf32, #tpu.memory_space<vmem>>) offsets(%arg15 : memref<256xi32, #tpu.memory_space<vmem>>) semaphore(%arg21 : memref<!tpu.dma_semaphore, #tpu.memory_space<semaphore_mem>>)
      %get3A_18 = arith.constant 0 : index
      %get3A_19 = tpu.vector_load %arg15[%get3A_18] {strides = array<i32>} : memref<256xi32, #tpu.memory_space<vmem>>, vector<16xi32>,
      %gather3A = tpu.vector_load_idx %arg12[%get3A_19] : memref<10240xf32, #tpu.memory_space<vmem>>[vector<16xi32>], vector<16xf32>,
      %get3A_20 = arith.constant 0 : index
      %get3A_21 = tpu.vector_load %arg16[%get3A_20] {strides = array<i32>} : memref<256xi32, #tpu.memory_space<vmem>>, vector<16xi32>,
      %gather3A_22 = tpu.vector_load_idx %arg13[%get3A_21] : memref<10240xf32, #tpu.memory_space<vmem>>[vector<16xi32>], vector<16xf32>,
      %add3A_23 = arith.addf %gather3A, %gather3A_22 : vector<16xf32>
      %get3A_24 = arith.constant 0 : index
      %get3A_25 = tpu.vector_load %arg17[%get3A_24] {strides = array<i32>} : memref<256xf32, #tpu.memory_space<vmem>>, vector<16xf32>,
      %add3A_26 = arith.addf %add3A_23, %get3A_25 : vector<16xf32>
      %mul3A_27 = arith.constant 2.000000e-01 : f32
      %mul3A_28 = vector.broadcast %mul3A_27 : f32 to vector<16xf32>
      %mul3A_29 = arith.mulf %add3A_26, %mul3A_28 : vector<16xf32>
      %max3A = arith.maximumf %add3A_26, %mul3A_29 : vector<16xf32>
      %sub3A = arith.subf %max3A, %get3A_5 : vector<16xf32>
      %exp3A = math.exp %sub3A : vector<16xf32>
      %swap3A = arith.constant 0 : index
      %swap3A_30 = tpu.vector_load %arg18[%swap3A] {strides = array<i32>} : memref<256xf32, #tpu.memory_space<vmem>>, vector<16xf32>,
      tpu.vector_store %arg18[%swap3A], %exp3A {strides = array<i32>} : memref<256xf32, #tpu.memory_space<vmem>>, vector<16xf32>,
      %get3A_31 = arith.constant 16 : index
      %get3A_32 = tpu.vector_load %arg15[%get3A_31] {strides = array<i32>} : memref<256xi32, #tpu.memory_space<vmem>>, vector<16xi32>,
      %gather3A_33 = tpu.vector_load_idx %arg12[%get3A_32] : memref<10240xf32, #tpu.memory_space<vmem>>[vector<16xi32>], vector<16xf32>,
      %get3A_34 = arith.constant 16 : index
      %get3A_35 = tpu.vector_load %arg16[%get3A_34] {strides = array<i32>} : memref<256xi32, #tpu.memory_space<vmem>>, vector<16xi32>,
      %gather3A_36 = tpu.vector_load_idx %arg13[%get3A_35] : memref<10240xf32, #tpu.memory_space<vmem>>[vector<16xi32>], vector<16xf32>,
      %add3A_37 = arith.addf %gather3A_33, %gather3A_36 : vector<16xf32>
      %get3A_38 = arith.constant 16 : index
      %get3A_39 = tpu.vector_load %arg17[%get3A_38] {strides = array<i32>} : memref<256xf32, #tpu.memory_space<vmem>>, vector<16xf32>,
      %add3A_40 = arith.addf %add3A_37, %get3A_39 : vector<16xf32>
      %mul3A_41 = arith.constant 2.000000e-01 : f32
      %mul3A_42 = vector.broadcast %mul3A_41 : f32 to vector<16xf32>
      %mul3A_43 = arith.mulf %add3A_40, %mul3A_42 : vector<16xf32>
      %max3A_44 = arith.maximumf %add3A_40, %mul3A_43 : vector<16xf32>
      %sub3A_45 = arith.subf %max3A_44, %get3A_5 : vector<16xf32>
      %exp3A_46 = math.exp %sub3A_45 : vector<16xf32>
      %swap3A_47 = arith.constant 16 : index
      %swap3A_48 = tpu.vector_load %arg18[%swap3A_47] {strides = array<i32>} : memref<256xf32, #tpu.memory_space<vmem>>, vector<16xf32>,
      tpu.vector_store %arg18[%swap3A_47], %exp3A_46 {strides = array<i32>} : memref<256xf32, #tpu.memory_space<vmem>>, vector<16xf32>,
      %get3A_49 = arith.constant 32 : index
      %get3A_50 = tpu.vector_load %arg15[%get3A_49] {strides = array<i32>} : memref<256xi32, #tpu.memory_space<vmem>>, vector<16xi32>,
      %gather3A_51 = tpu.vector_load_idx %arg12[%get3A_50] : memref<10240xf32, #tpu.memory_space<vmem>>[vector<16xi32>], vector<16xf32>,
      %get3A_52 = arith.constant 32 : index
      %get3A_53 = tpu.vector_load %arg16[%get3A_52] {strides = array<i32>} : memref<256xi32, #tpu.memory_space<vmem>>, vector<16xi32>,
      %gather3A_54 = tpu.vector_load_idx %arg13[%get3A_53] : memref<10240xf32, #tpu.memory_space<vmem>>[vector<16xi32>], vector<16xf32>,
      %add3A_55 = arith.addf %gather3A_51, %gather3A_54 : vector<16xf32>
      %get3A_56 = arith.constant 32 : index
      %get3A_57 = tpu.vector_load %arg17[%get3A_56] {strides = array<i32>} : memref<256xf32, #tpu.memory_space<vmem>>, vector<16xf32>,
      %add3A_58 = arith.addf %add3A_55, %get3A_57 : vector<16xf32>
      %mul3A_59 = arith.constant 2.000000e-01 : f32
      %mul3A_60 = vector.broadcast %mul3A_59 : f32 to vector<16xf32>
      %mul3A_61 = arith.mulf %add3A_58, %mul3A_60 : vector<16xf32>
      %max3A_62 = arith.maximumf %add3A_58, %mul3A_61 : vector<16xf32>
      %sub3A_63 = arith.subf %max3A_62, %get3A_5 : vector<16xf32>
      %exp3A_64 = math.exp %sub3A_63 : vector<16xf32>
      %swap3A_65 = arith.constant 32 : index
      %swap3A_66 = tpu.vector_load %arg18[%swap3A_65] {strides = array<i32>} : memref<256xf32, #tpu.memory_space<vmem>>, vector<16xf32>,
      tpu.vector_store %arg18[%swap3A_65], %exp3A_64 {strides = array<i32>} : memref<256xf32, #tpu.memory_space<vmem>>, vector<16xf32>,
      %get3A_67 = arith.constant 48 : index
      %get3A_68 = tpu.vector_load %arg15[%get3A_67] {strides = array<i32>} : memref<256xi32, #tpu.memory_space<vmem>>, vector<16xi32>,
      %gather3A_69 = tpu.vector_load_idx %arg12[%get3A_68] : memref<10240xf32, #tpu.memory_space<vmem>>[vector<16xi32>], vector<16xf32>,
      %get3A_70 = arith.constant 48 : index
      %get3A_71 = tpu.vector_load %arg16[%get3A_70] {strides = array<i32>} : memref<256xi32, #tpu.memory_space<vmem>>, vector<16xi32>,
      %gather3A_72 = tpu.vector_load_idx %arg13[%get3A_71] : memref<10240xf32, #tpu.memory_space<vmem>>[vector<16xi32>], vector<16xf32>,
      %add3A_73 = arith.addf %gather3A_69, %gather3A_72 : vector<16xf32>
      %get3A_74 = arith.constant 48 : index
      %get3A_75 = tpu.vector_load %arg17[%get3A_74] {strides = array<i32>} : memref<256xf32, #tpu.memory_space<vmem>>, vector<16xf32>,
      %add3A_76 = arith.addf %add3A_73, %get3A_75 : vector<16xf32>
      %mul3A_77 = arith.constant 2.000000e-01 : f32
      %mul3A_78 = vector.broadcast %mul3A_77 : f32 to vector<16xf32>
      %mul3A_79 = arith.mulf %add3A_76, %mul3A_78 : vector<16xf32>
      %max3A_80 = arith.maximumf %add3A_76, %mul3A_79 : vector<16xf32>
      %sub3A_81 = arith.subf %max3A_80, %get3A_5 : vector<16xf32>
      %exp3A_82 = math.exp %sub3A_81 : vector<16xf32>
      %swap3A_83 = arith.constant 48 : index
      %swap3A_84 = tpu.vector_load %arg18[%swap3A_83] {strides = array<i32>} : memref<256xf32, #tpu.memory_space<vmem>>, vector<16xf32>,
      tpu.vector_store %arg18[%swap3A_83], %exp3A_82 {strides = array<i32>} : memref<256xf32, #tpu.memory_space<vmem>>, vector<16xf32>,
      %get3A_85 = arith.constant 64 : index
      %get3A_86 = tpu.vector_load %arg15[%get3A_85] {strides = array<i32>} : memref<256xi32, #tpu.memory_space<vmem>>, vector<16xi32>,
      %gather3A_87 = tpu.vector_load_idx %arg12[%get3A_86] : memref<10240xf32, #tpu.memory_space<vmem>>[vector<16xi32>], vector<16xf32>,
      %get3A_88 = arith.constant 64 : index
      %get3A_89 = tpu.vector_load %arg16[%get3A_88] {strides = array<i32>} : memref<256xi32, #tpu.memory_space<vmem>>, vector<16xi32>,
      %gather3A_90 = tpu.vector_load_idx %arg13[%get3A_89] : memref<10240xf32, #tpu.memory_space<vmem>>[vector<16xi32>], vector<16xf32>,
      %add3A_91 = arith.addf %gather3A_87, %gather3A_90 : vector<16xf32>
      %get3A_92 = arith.constant 64 : index
      %get3A_93 = tpu.vector_load %arg17[%get3A_92] {strides = array<i32>} : memref<256xf32, #tpu.memory_space<vmem>>, vector<16xf32>,
      %add3A_94 = arith.addf %add3A_91, %get3A_93 : vector<16xf32>
      %mul3A_95 = arith.constant 2.000000e-01 : f32
      %mul3A_96 = vector.broadcast %mul3A_95 : f32 to vector<16xf32>
      %mul3A_97 = arith.mulf %add3A_94, %mul3A_96 : vector<16xf32>
      %max3A_98 = arith.maximumf %add3A_94, %mul3A_97 : vector<16xf32>
      %sub3A_99 = arith.subf %max3A_98, %get3A_5 : vector<16xf32>
      %exp3A_100 = math.exp %sub3A_99 : vector<16xf32>
      %swap3A_101 = arith.constant 64 : index
      %swap3A_102 = tpu.vector_load %arg18[%swap3A_101] {strides = array<i32>} : memref<256xf32, #tpu.memory_space<vmem>>, vector<16xf32>,
      tpu.vector_store %arg18[%swap3A_101], %exp3A_100 {strides = array<i32>} : memref<256xf32, #tpu.memory_space<vmem>>, vector<16xf32>,
      %get3A_103 = arith.constant 80 : index
      %get3A_104 = tpu.vector_load %arg15[%get3A_103] {strides = array<i32>} : memref<256xi32, #tpu.memory_space<vmem>>, vector<16xi32>,
      %gather3A_105 = tpu.vector_load_idx %arg12[%get3A_104] : memref<10240xf32, #tpu.memory_space<vmem>>[vector<16xi32>], vector<16xf32>,
      %get3A_106 = arith.constant 80 : index
      %get3A_107 = tpu.vector_load %arg16[%get3A_106] {strides = array<i32>} : memref<256xi32, #tpu.memory_space<vmem>>, vector<16xi32>,
      %gather3A_108 = tpu.vector_load_idx %arg13[%get3A_107] : memref<10240xf32, #tpu.memory_space<vmem>>[vector<16xi32>], vector<16xf32>,
      %add3A_109 = arith.addf %gather3A_105, %gather3A_108 : vector<16xf32>
      %get3A_110 = arith.constant 80 : index
      %get3A_111 = tpu.vector_load %arg17[%get3A_110] {strides = array<i32>} : memref<256xf32, #tpu.memory_space<vmem>>, vector<16xf32>,
      %add3A_112 = arith.addf %add3A_109, %get3A_111 : vector<16xf32>
      %mul3A_113 = arith.constant 2.000000e-01 : f32
      %mul3A_114 = vector.broadcast %mul3A_113 : f32 to vector<16xf32>
      %mul3A_115 = arith.mulf %add3A_112, %mul3A_114 : vector<16xf32>
      %max3A_116 = arith.maximumf %add3A_112, %mul3A_115 : vector<16xf32>
      %sub3A_117 = arith.subf %max3A_116, %get3A_5 : vector<16xf32>
      %exp3A_118 = math.exp %sub3A_117 : vector<16xf32>
      %swap3A_119 = arith.constant 80 : index
      %swap3A_120 = tpu.vector_load %arg18[%swap3A_119] {strides = array<i32>} : memref<256xf32, #tpu.memory_space<vmem>>, vector<16xf32>,
      tpu.vector_store %arg18[%swap3A_119], %exp3A_118 {strides = array<i32>} : memref<256xf32, #tpu.memory_space<vmem>>, vector<16xf32>,
      %get3A_121 = arith.constant 96 : index
      %get3A_122 = tpu.vector_load %arg15[%get3A_121] {strides = array<i32>} : memref<256xi32, #tpu.memory_space<vmem>>, vector<16xi32>,
      %gather3A_123 = tpu.vector_load_idx %arg12[%get3A_122] : memref<10240xf32, #tpu.memory_space<vmem>>[vector<16xi32>], vector<16xf32>,
      %get3A_124 = arith.constant 96 : index
      %get3A_125 = tpu.vector_load %arg16[%get3A_124] {strides = array<i32>} : memref<256xi32, #tpu.memory_space<vmem>>, vector<16xi32>,
      %gather3A_126 = tpu.vector_load_idx %arg13[%get3A_125] : memref<10240xf32, #tpu.memory_space<vmem>>[vector<16xi32>], vector<16xf32>,
      %add3A_127 = arith.addf %gather3A_123, %gather3A_126 : vector<16xf32>
      %get3A_128 = arith.constant 96 : index
      %get3A_129 = tpu.vector_load %arg17[%get3A_128] {strides = array<i32>} : memref<256xf32, #tpu.memory_space<vmem>>, vector<16xf32>,
      %add3A_130 = arith.addf %add3A_127, %get3A_129 : vector<16xf32>
      %mul3A_131 = arith.constant 2.000000e-01 : f32
      %mul3A_132 = vector.broadcast %mul3A_131 : f32 to vector<16xf32>
      %mul3A_133 = arith.mulf %add3A_130, %mul3A_132 : vector<16xf32>
      %max3A_134 = arith.maximumf %add3A_130, %mul3A_133 : vector<16xf32>
      %sub3A_135 = arith.subf %max3A_134, %get3A_5 : vector<16xf32>
      %exp3A_136 = math.exp %sub3A_135 : vector<16xf32>
      %swap3A_137 = arith.constant 96 : index
      %swap3A_138 = tpu.vector_load %arg18[%swap3A_137] {strides = array<i32>} : memref<256xf32, #tpu.memory_space<vmem>>, vector<16xf32>,
      tpu.vector_store %arg18[%swap3A_137], %exp3A_136 {strides = array<i32>} : memref<256xf32, #tpu.memory_space<vmem>>, vector<16xf32>,
      %get3A_139 = arith.constant 112 : index
      %get3A_140 = tpu.vector_load %arg15[%get3A_139] {strides = array<i32>} : memref<256xi32, #tpu.memory_space<vmem>>, vector<16xi32>,
      %gather3A_141 = tpu.vector_load_idx %arg12[%get3A_140] : memref<10240xf32, #tpu.memory_space<vmem>>[vector<16xi32>], vector<16xf32>,
      %get3A_142 = arith.constant 112 : index
      %get3A_143 = tpu.vector_load %arg16[%get3A_142] {strides = array<i32>} : memref<256xi32, #tpu.memory_space<vmem>>, vector<16xi32>,
      %gather3A_144 = tpu.vector_load_idx %arg13[%get3A_143] : memref<10240xf32, #tpu.memory_space<vmem>>[vector<16xi32>], vector<16xf32>,
      %add3A_145 = arith.addf %gather3A_141, %gather3A_144 : vector<16xf32>
      %get3A_146 = arith.constant 112 : index
      %get3A_147 = tpu.vector_load %arg17[%get3A_146] {strides = array<i32>} : memref<256xf32, #tpu.memory_space<vmem>>, vector<16xf32>,
      %add3A_148 = arith.addf %add3A_145, %get3A_147 : vector<16xf32>
      %mul3A_149 = arith.constant 2.000000e-01 : f32
      %mul3A_150 = vector.broadcast %mul3A_149 : f32 to vector<16xf32>
      %mul3A_151 = arith.mulf %add3A_148, %mul3A_150 : vector<16xf32>
      %max3A_152 = arith.maximumf %add3A_148, %mul3A_151 : vector<16xf32>
      %sub3A_153 = arith.subf %max3A_152, %get3A_5 : vector<16xf32>
      %exp3A_154 = math.exp %sub3A_153 : vector<16xf32>
      %swap3A_155 = arith.constant 112 : index
      %swap3A_156 = tpu.vector_load %arg18[%swap3A_155] {strides = array<i32>} : memref<256xf32, #tpu.memory_space<vmem>>, vector<16xf32>,
      tpu.vector_store %arg18[%swap3A_155], %exp3A_154 {strides = array<i32>} : memref<256xf32, #tpu.memory_space<vmem>>, vector<16xf32>,
      %get3A_157 = arith.constant 128 : index
      %get3A_158 = tpu.vector_load %arg15[%get3A_157] {strides = array<i32>} : memref<256xi32, #tpu.memory_space<vmem>>, vector<16xi32>,
      %gather3A_159 = tpu.vector_load_idx %arg12[%get3A_158] : memref<10240xf32, #tpu.memory_space<vmem>>[vector<16xi32>], vector<16xf32>,
      %get3A_160 = arith.constant 128 : index
      %get3A_161 = tpu.vector_load %arg16[%get3A_160] {strides = array<i32>} : memref<256xi32, #tpu.memory_space<vmem>>, vector<16xi32>,
      %gather3A_162 = tpu.vector_load_idx %arg13[%get3A_161] : memref<10240xf32, #tpu.memory_space<vmem>>[vector<16xi32>], vector<16xf32>,
      %add3A_163 = arith.addf %gather3A_159, %gather3A_162 : vector<16xf32>
      %get3A_164 = arith.constant 128 : index
      %get3A_165 = tpu.vector_load %arg17[%get3A_164] {strides = array<i32>} : memref<256xf32, #tpu.memory_space<vmem>>, vector<16xf32>,
      %add3A_166 = arith.addf %add3A_163, %get3A_165 : vector<16xf32>
      %mul3A_167 = arith.constant 2.000000e-01 : f32
      %mul3A_168 = vector.broadcast %mul3A_167 : f32 to vector<16xf32>
      %mul3A_169 = arith.mulf %add3A_166, %mul3A_168 : vector<16xf32>
      %max3A_170 = arith.maximumf %add3A_166, %mul3A_169 : vector<16xf32>
      %sub3A_171 = arith.subf %max3A_170, %get3A_5 : vector<16xf32>
      %exp3A_172 = math.exp %sub3A_171 : vector<16xf32>
      %swap3A_173 = arith.constant 128 : index
      %swap3A_174 = tpu.vector_load %arg18[%swap3A_173] {strides = array<i32>} : memref<256xf32, #tpu.memory_space<vmem>>, vector<16xf32>,
      tpu.vector_store %arg18[%swap3A_173], %exp3A_172 {strides = array<i32>} : memref<256xf32, #tpu.memory_space<vmem>>, vector<16xf32>,
      %get3A_175 = arith.constant 144 : index
      %get3A_176 = tpu.vector_load %arg15[%get3A_175] {strides = array<i32>} : memref<256xi32, #tpu.memory_space<vmem>>, vector<16xi32>,
      %gather3A_177 = tpu.vector_load_idx %arg12[%get3A_176] : memref<10240xf32, #tpu.memory_space<vmem>>[vector<16xi32>], vector<16xf32>,
      %get3A_178 = arith.constant 144 : index
      %get3A_179 = tpu.vector_load %arg16[%get3A_178] {strides = array<i32>} : memref<256xi32, #tpu.memory_space<vmem>>, vector<16xi32>,
      %gather3A_180 = tpu.vector_load_idx %arg13[%get3A_179] : memref<10240xf32, #tpu.memory_space<vmem>>[vector<16xi32>], vector<16xf32>,
      %add3A_181 = arith.addf %gather3A_177, %gather3A_180 : vector<16xf32>
      %get3A_182 = arith.constant 144 : index
      %get3A_183 = tpu.vector_load %arg17[%get3A_182] {strides = array<i32>} : memref<256xf32, #tpu.memory_space<vmem>>, vector<16xf32>,
      %add3A_184 = arith.addf %add3A_181, %get3A_183 : vector<16xf32>
      %mul3A_185 = arith.constant 2.000000e-01 : f32
      %mul3A_186 = vector.broadcast %mul3A_185 : f32 to vector<16xf32>
      %mul3A_187 = arith.mulf %add3A_184, %mul3A_186 : vector<16xf32>
      %max3A_188 = arith.maximumf %add3A_184, %mul3A_187 : vector<16xf32>
      %sub3A_189 = arith.subf %max3A_188, %get3A_5 : vector<16xf32>
      %exp3A_190 = math.exp %sub3A_189 : vector<16xf32>
      %swap3A_191 = arith.constant 144 : index
      %swap3A_192 = tpu.vector_load %arg18[%swap3A_191] {strides = array<i32>} : memref<256xf32, #tpu.memory_space<vmem>>, vector<16xf32>,
      tpu.vector_store %arg18[%swap3A_191], %exp3A_190 {strides = array<i32>} : memref<256xf32, #tpu.memory_space<vmem>>, vector<16xf32>,
      %get3A_193 = arith.constant 160 : index
      %get3A_194 = tpu.vector_load %arg15[%get3A_193] {strides = array<i32>} : memref<256xi32, #tpu.memory_space<vmem>>, vector<16xi32>,
      %gather3A_195 = tpu.vector_load_idx %arg12[%get3A_194] : memref<10240xf32, #tpu.memory_space<vmem>>[vector<16xi32>], vector<16xf32>,
      %get3A_196 = arith.constant 160 : index
      %get3A_197 = tpu.vector_load %arg16[%get3A_196] {strides = array<i32>} : memref<256xi32, #tpu.memory_space<vmem>>, vector<16xi32>,
      %gather3A_198 = tpu.vector_load_idx %arg13[%get3A_197] : memref<10240xf32, #tpu.memory_space<vmem>>[vector<16xi32>], vector<16xf32>,
      %add3A_199 = arith.addf %gather3A_195, %gather3A_198 : vector<16xf32>
      %get3A_200 = arith.constant 160 : index
      %get3A_201 = tpu.vector_load %arg17[%get3A_200] {strides = array<i32>} : memref<256xf32, #tpu.memory_space<vmem>>, vector<16xf32>,
      %add3A_202 = arith.addf %add3A_199, %get3A_201 : vector<16xf32>
      %mul3A_203 = arith.constant 2.000000e-01 : f32
      %mul3A_204 = vector.broadcast %mul3A_203 : f32 to vector<16xf32>
      %mul3A_205 = arith.mulf %add3A_202, %mul3A_204 : vector<16xf32>
      %max3A_206 = arith.maximumf %add3A_202, %mul3A_205 : vector<16xf32>
      %sub3A_207 = arith.subf %max3A_206, %get3A_5 : vector<16xf32>
      %exp3A_208 = math.exp %sub3A_207 : vector<16xf32>
      %swap3A_209 = arith.constant 160 : index
      %swap3A_210 = tpu.vector_load %arg18[%swap3A_209] {strides = array<i32>} : memref<256xf32, #tpu.memory_space<vmem>>, vector<16xf32>,
      tpu.vector_store %arg18[%swap3A_209], %exp3A_208 {strides = array<i32>} : memref<256xf32, #tpu.memory_space<vmem>>, vector<16xf32>,
      %get3A_211 = arith.constant 176 : index
      %get3A_212 = tpu.vector_load %arg15[%get3A_211] {strides = array<i32>} : memref<256xi32, #tpu.memory_space<vmem>>, vector<16xi32>,
      %gather3A_213 = tpu.vector_load_idx %arg12[%get3A_212] : memref<10240xf32, #tpu.memory_space<vmem>>[vector<16xi32>], vector<16xf32>,
      %get3A_214 = arith.constant 176 : index
      %get3A_215 = tpu.vector_load %arg16[%get3A_214] {strides = array<i32>} : memref<256xi32, #tpu.memory_space<vmem>>, vector<16xi32>,
      %gather3A_216 = tpu.vector_load_idx %arg13[%get3A_215] : memref<10240xf32, #tpu.memory_space<vmem>>[vector<16xi32>], vector<16xf32>,
      %add3A_217 = arith.addf %gather3A_213, %gather3A_216 : vector<16xf32>
      %get3A_218 = arith.constant 176 : index
      %get3A_219 = tpu.vector_load %arg17[%get3A_218] {strides = array<i32>} : memref<256xf32, #tpu.memory_space<vmem>>, vector<16xf32>,
      %add3A_220 = arith.addf %add3A_217, %get3A_219 : vector<16xf32>
      %mul3A_221 = arith.constant 2.000000e-01 : f32
      %mul3A_222 = vector.broadcast %mul3A_221 : f32 to vector<16xf32>
      %mul3A_223 = arith.mulf %add3A_220, %mul3A_222 : vector<16xf32>
      %max3A_224 = arith.maximumf %add3A_220, %mul3A_223 : vector<16xf32>
      %sub3A_225 = arith.subf %max3A_224, %get3A_5 : vector<16xf32>
      %exp3A_226 = math.exp %sub3A_225 : vector<16xf32>
      %swap3A_227 = arith.constant 176 : index
      %swap3A_228 = tpu.vector_load %arg18[%swap3A_227] {strides = array<i32>} : memref<256xf32, #tpu.memory_space<vmem>>, vector<16xf32>,
      tpu.vector_store %arg18[%swap3A_227], %exp3A_226 {strides = array<i32>} : memref<256xf32, #tpu.memory_space<vmem>>, vector<16xf32>,
      %get3A_229 = arith.constant 192 : index
      %get3A_230 = tpu.vector_load %arg15[%get3A_229] {strides = array<i32>} : memref<256xi32, #tpu.memory_space<vmem>>, vector<16xi32>,
      %gather3A_231 = tpu.vector_load_idx %arg12[%get3A_230] : memref<10240xf32, #tpu.memory_space<vmem>>[vector<16xi32>], vector<16xf32>,
      %get3A_232 = arith.constant 192 : index
      %get3A_233 = tpu.vector_load %arg16[%get3A_232] {strides = array<i32>} : memref<256xi32, #tpu.memory_space<vmem>>, vector<16xi32>,
      %gather3A_234 = tpu.vector_load_idx %arg13[%get3A_233] : memref<10240xf32, #tpu.memory_space<vmem>>[vector<16xi32>], vector<16xf32>,
      %add3A_235 = arith.addf %gather3A_231, %gather3A_234 : vector<16xf32>
      %get3A_236 = arith.constant 192 : index
      %get3A_237 = tpu.vector_load %arg17[%get3A_236] {strides = array<i32>} : memref<256xf32, #tpu.memory_space<vmem>>, vector<16xf32>,
      %add3A_238 = arith.addf %add3A_235, %get3A_237 : vector<16xf32>
      %mul3A_239 = arith.constant 2.000000e-01 : f32
      %mul3A_240 = vector.broadcast %mul3A_239 : f32 to vector<16xf32>
      %mul3A_241 = arith.mulf %add3A_238, %mul3A_240 : vector<16xf32>
      %max3A_242 = arith.maximumf %add3A_238, %mul3A_241 : vector<16xf32>
      %sub3A_243 = arith.subf %max3A_242, %get3A_5 : vector<16xf32>
      %exp3A_244 = math.exp %sub3A_243 : vector<16xf32>
      %swap3A_245 = arith.constant 192 : index
      %swap3A_246 = tpu.vector_load %arg18[%swap3A_245] {strides = array<i32>} : memref<256xf32, #tpu.memory_space<vmem>>, vector<16xf32>,
      tpu.vector_store %arg18[%swap3A_245], %exp3A_244 {strides = array<i32>} : memref<256xf32, #tpu.memory_space<vmem>>, vector<16xf32>,
      %get3A_247 = arith.constant 208 : index
      %get3A_248 = tpu.vector_load %arg15[%get3A_247] {strides = array<i32>} : memref<256xi32, #tpu.memory_space<vmem>>, vector<16xi32>,
      %gather3A_249 = tpu.vector_load_idx %arg12[%get3A_248] : memref<10240xf32, #tpu.memory_space<vmem>>[vector<16xi32>], vector<16xf32>,
      %get3A_250 = arith.constant 208 : index
      %get3A_251 = tpu.vector_load %arg16[%get3A_250] {strides = array<i32>} : memref<256xi32, #tpu.memory_space<vmem>>, vector<16xi32>,
      %gather3A_252 = tpu.vector_load_idx %arg13[%get3A_251] : memref<10240xf32, #tpu.memory_space<vmem>>[vector<16xi32>], vector<16xf32>,
      %add3A_253 = arith.addf %gather3A_249, %gather3A_252 : vector<16xf32>
      %get3A_254 = arith.constant 208 : index
      %get3A_255 = tpu.vector_load %arg17[%get3A_254] {strides = array<i32>} : memref<256xf32, #tpu.memory_space<vmem>>, vector<16xf32>,
      %add3A_256 = arith.addf %add3A_253, %get3A_255 : vector<16xf32>
      %mul3A_257 = arith.constant 2.000000e-01 : f32
      %mul3A_258 = vector.broadcast %mul3A_257 : f32 to vector<16xf32>
      %mul3A_259 = arith.mulf %add3A_256, %mul3A_258 : vector<16xf32>
      %max3A_260 = arith.maximumf %add3A_256, %mul3A_259 : vector<16xf32>
      %sub3A_261 = arith.subf %max3A_260, %get3A_5 : vector<16xf32>
      %exp3A_262 = math.exp %sub3A_261 : vector<16xf32>
      %swap3A_263 = arith.constant 208 : index
      %swap3A_264 = tpu.vector_load %arg18[%swap3A_263] {strides = array<i32>} : memref<256xf32, #tpu.memory_space<vmem>>, vector<16xf32>,
      tpu.vector_store %arg18[%swap3A_263], %exp3A_262 {strides = array<i32>} : memref<256xf32, #tpu.memory_space<vmem>>, vector<16xf32>,
      %get3A_265 = arith.constant 224 : index
      %get3A_266 = tpu.vector_load %arg15[%get3A_265] {strides = array<i32>} : memref<256xi32, #tpu.memory_space<vmem>>, vector<16xi32>,
      %gather3A_267 = tpu.vector_load_idx %arg12[%get3A_266] : memref<10240xf32, #tpu.memory_space<vmem>>[vector<16xi32>], vector<16xf32>,
      %get3A_268 = arith.constant 224 : index
      %get3A_269 = tpu.vector_load %arg16[%get3A_268] {strides = array<i32>} : memref<256xi32, #tpu.memory_space<vmem>>, vector<16xi32>,
      %gather3A_270 = tpu.vector_load_idx %arg13[%get3A_269] : memref<10240xf32, #tpu.memory_space<vmem>>[vector<16xi32>], vector<16xf32>,
      %add3A_271 = arith.addf %gather3A_267, %gather3A_270 : vector<16xf32>
      %get3A_272 = arith.constant 224 : index
      %get3A_273 = tpu.vector_load %arg17[%get3A_272] {strides = array<i32>} : memref<256xf32, #tpu.memory_space<vmem>>, vector<16xf32>,
      %add3A_274 = arith.addf %add3A_271, %get3A_273 : vector<16xf32>
      %mul3A_275 = arith.constant 2.000000e-01 : f32
      %mul3A_276 = vector.broadcast %mul3A_275 : f32 to vector<16xf32>
      %mul3A_277 = arith.mulf %add3A_274, %mul3A_276 : vector<16xf32>
      %max3A_278 = arith.maximumf %add3A_274, %mul3A_277 : vector<16xf32>
      %sub3A_279 = arith.subf %max3A_278, %get3A_5 : vector<16xf32>
      %exp3A_280 = math.exp %sub3A_279 : vector<16xf32>
      %swap3A_281 = arith.constant 224 : index
      %swap3A_282 = tpu.vector_load %arg18[%swap3A_281] {strides = array<i32>} : memref<256xf32, #tpu.memory_space<vmem>>, vector<16xf32>,
      tpu.vector_store %arg18[%swap3A_281], %exp3A_280 {strides = array<i32>} : memref<256xf32, #tpu.memory_space<vmem>>, vector<16xf32>,
      %get3A_283 = arith.constant 240 : index
      %get3A_284 = tpu.vector_load %arg15[%get3A_283] {strides = array<i32>} : memref<256xi32, #tpu.memory_space<vmem>>, vector<16xi32>,
      %gather3A_285 = tpu.vector_load_idx %arg12[%get3A_284] : memref<10240xf32, #tpu.memory_space<vmem>>[vector<16xi32>], vector<16xf32>,
      %get3A_286 = arith.constant 240 : index
      %get3A_287 = tpu.vector_load %arg16[%get3A_286] {strides = array<i32>} : memref<256xi32, #tpu.memory_space<vmem>>, vector<16xi32>,
      %gather3A_288 = tpu.vector_load_idx %arg13[%get3A_287] : memref<10240xf32, #tpu.memory_space<vmem>>[vector<16xi32>], vector<16xf32>,
      %add3A_289 = arith.addf %gather3A_285, %gather3A_288 : vector<16xf32>
      %get3A_290 = arith.constant 240 : index
      %get3A_291 = tpu.vector_load %arg17[%get3A_290] {strides = array<i32>} : memref<256xf32, #tpu.memory_space<vmem>>, vector<16xf32>,
      %add3A_292 = arith.addf %add3A_289, %get3A_291 : vector<16xf32>
      %mul3A_293 = arith.constant 2.000000e-01 : f32
      %mul3A_294 = vector.broadcast %mul3A_293 : f32 to vector<16xf32>
      %mul3A_295 = arith.mulf %add3A_292, %mul3A_294 : vector<16xf32>
      %max3A_296 = arith.maximumf %add3A_292, %mul3A_295 : vector<16xf32>
      %sub3A_297 = arith.subf %max3A_296, %get3A_5 : vector<16xf32>
      %exp3A_298 = math.exp %sub3A_297 : vector<16xf32>
      %swap3A_299 = arith.constant 240 : index
      %swap3A_300 = tpu.vector_load %arg18[%swap3A_299] {strides = array<i32>} : memref<256xf32, #tpu.memory_space<vmem>>, vector<16xf32>,
      tpu.vector_store %arg18[%swap3A_299], %exp3A_298 {strides = array<i32>} : memref<256xf32, #tpu.memory_space<vmem>>, vector<16xf32>,
      %dma_wait3A = arith.constant 0 : i32
      %dma_wait3A_301 = arith.constant 0 : i32
      %dma_wait3A_302 = tpu.memref_slice %arg8[%dma_wait3A, %dma_wait3A_301] : memref<10240x64xf32, #tpu.memory_space<hbm>> -> memref<10240x64xf32, #tpu.memory_space<hbm>>
      tpu.wait_indirect_dma semaphore(%arg21 : memref<!tpu.dma_semaphore, #tpu.memory_space<semaphore_mem>>) src(%dma_wait3A_302 : memref<10240x64xf32, #tpu.memory_space<hbm>>) dst(%arg19 : memref<256x64xf32, #tpu.memory_space<vmem>>)
      %scan3A_303 = arith.constant 0 : i32
      %scan3A_304 = arith.constant 0 : i32
      %scan3A_305 = arith.constant 256 : i32
      %scan3A_306 = arith.addi %scan3A_304, %scan3A_305 : i32
      %scan3A_307 = arith.constant 1 : i32
      scf.for %scan3A_309 = %scan3A_304 to %scan3A_306 step %scan3A_307  : i32 {
        %broadcast_in_dim3A = arith.constant 0 : i32
        %broadcast_in_dim3A_310 = vector.broadcast %broadcast_in_dim3A : i32 to vector<16xi32>
        %add3A_311 = vector.broadcast %scan3A_309 : i32 to vector<16xi32>
        %add3A_312 = arith.addi %broadcast_in_dim3A_310, %add3A_311 : vector<16xi32>
        %gather3A_313 = tpu.vector_load_idx %arg18[%add3A_312] : memref<256xf32, #tpu.memory_space<vmem>>[vector<16xi32>], vector<16xf32>,
        %get3A_314 = arith.index_cast %scan3A_309 : i32 to index
        %get3A_315 = arith.constant 0 : index
        %get3A_316 = tpu.vector_load %arg19[%get3A_314, %get3A_315] {strides = array<i32>} : memref<256x64xf32, #tpu.memory_space<vmem>>, vector<16xf32>,
        %mul3A_317 = arith.mulf %get3A_316, %gather3A_313 : vector<16xf32>
        %swap3A_318 = arith.index_cast %scan3A_309 : i32 to index
        %swap3A_319 = arith.constant 0 : index
        %swap3A_320 = tpu.vector_load %arg19[%swap3A_318, %swap3A_319] {strides = array<i32>} : memref<256x64xf32, #tpu.memory_space<vmem>>, vector<16xf32>,
        tpu.vector_store %arg19[%swap3A_318, %swap3A_319], %mul3A_317 {strides = array<i32>} : memref<256x64xf32, #tpu.memory_space<vmem>>, vector<16xf32>,
        %get3A_321 = arith.index_cast %scan3A_309 : i32 to index
        %get3A_322 = arith.constant 16 : index
        %get3A_323 = tpu.vector_load %arg19[%get3A_321, %get3A_322] {strides = array<i32>} : memref<256x64xf32, #tpu.memory_space<vmem>>, vector<16xf32>,
        %mul3A_324 = arith.mulf %get3A_323, %gather3A_313 : vector<16xf32>
        %swap3A_325 = arith.index_cast %scan3A_309 : i32 to index
        %swap3A_326 = arith.constant 16 : index
        %swap3A_327 = tpu.vector_load %arg19[%swap3A_325, %swap3A_326] {strides = array<i32>} : memref<256x64xf32, #tpu.memory_space<vmem>>, vector<16xf32>,
        tpu.vector_store %arg19[%swap3A_325, %swap3A_326], %mul3A_324 {strides = array<i32>} : memref<256x64xf32, #tpu.memory_space<vmem>>, vector<16xf32>,
        %get3A_328 = arith.index_cast %scan3A_309 : i32 to index
        %get3A_329 = arith.constant 32 : index
        %get3A_330 = tpu.vector_load %arg19[%get3A_328, %get3A_329] {strides = array<i32>} : memref<256x64xf32, #tpu.memory_space<vmem>>, vector<16xf32>,
        %mul3A_331 = arith.mulf %get3A_330, %gather3A_313 : vector<16xf32>
        %swap3A_332 = arith.index_cast %scan3A_309 : i32 to index
        %swap3A_333 = arith.constant 32 : index
        %swap3A_334 = tpu.vector_load %arg19[%swap3A_332, %swap3A_333] {strides = array<i32>} : memref<256x64xf32, #tpu.memory_space<vmem>>, vector<16xf32>,
        tpu.vector_store %arg19[%swap3A_332, %swap3A_333], %mul3A_331 {strides = array<i32>} : memref<256x64xf32, #tpu.memory_space<vmem>>, vector<16xf32>,
        %get3A_335 = arith.index_cast %scan3A_309 : i32 to index
        %get3A_336 = arith.constant 48 : index
        %get3A_337 = tpu.vector_load %arg19[%get3A_335, %get3A_336] {strides = array<i32>} : memref<256x64xf32, #tpu.memory_space<vmem>>, vector<16xf32>,
        %mul3A_338 = arith.mulf %get3A_337, %gather3A_313 : vector<16xf32>
        %swap3A_339 = arith.index_cast %scan3A_309 : i32 to index
        %swap3A_340 = arith.constant 48 : index
        %swap3A_341 = tpu.vector_load %arg19[%swap3A_339, %swap3A_340] {strides = array<i32>} : memref<256x64xf32, #tpu.memory_space<vmem>>, vector<16xf32>,
        tpu.vector_store %arg19[%swap3A_339, %swap3A_340], %mul3A_338 {strides = array<i32>} : memref<256x64xf32, #tpu.memory_space<vmem>>, vector<16xf32>,
      }
      %scan3A_308 = arith.constant 256 : i32
      "tpu.region"() ({
        %run_scoped3A = tpu.sem_alloc : memref<!tpu.dma_semaphore, #tpu.memory_space<semaphore_mem>>
        %dma_start3A_309 = arith.constant 0 : i32
        %dma_start3A_310 = arith.constant 0 : i32
        %dma_start3A_311 = tpu.memref_slice %arg20[%dma_start3A_309, %dma_start3A_310] : memref<10240x64xf32, #tpu.memory_space<vmem_shared>> -> memref<10240x64xf32, #tpu.memory_space<vmem_shared>>
        tpu.enqueue_indirect_dma source(%arg19 : memref<256x64xf32, #tpu.memory_space<vmem>>) target(%dma_start3A_311 : memref<10240x64xf32, #tpu.memory_space<vmem_shared>>) offsets(%arg16 : memref<256xi32, #tpu.memory_space<vmem>>) semaphore(%run_scoped3A : memref<!tpu.dma_semaphore, #tpu.memory_space<semaphore_mem>>) {add = true}
        %dma_wait3A_312 = arith.constant 0 : i32
        %dma_wait3A_313 = arith.constant 0 : i32
        %dma_wait3A_314 = tpu.memref_slice %arg20[%dma_wait3A_312, %dma_wait3A_313] : memref<10240x64xf32, #tpu.memory_space<vmem_shared>> -> memref<10240x64xf32, #tpu.memory_space<vmem_shared>>
        tpu.wait_indirect_dma semaphore(%run_scoped3A : memref<!tpu.dma_semaphore, #tpu.memory_space<semaphore_mem>>) src(%arg19 : memref<256x64xf32, #tpu.memory_space<vmem>>) dst(%dma_wait3A_314 : memref<10240x64xf32, #tpu.memory_space<vmem_shared>>)
        tpu.yield
      }) : () -> ()
      "tpu.region"() ({
        %run_scoped3A = tpu.sem_alloc : memref<!tpu.dma_semaphore, #tpu.memory_space<semaphore_mem>>
        %dma_start3A_309 = tpu.memref_slice %arg11[%add3A_15] : memref<335872xf32, #tpu.memory_space<hbm>> -> memref<256xf32, #tpu.memory_space<hbm>>
        %dma_start3A_310 = tpu.memref_slice %arg11[%add3A_15] : memref<335872xf32, #tpu.memory_space<hbm>> -> memref<256xf32, #tpu.memory_space<hbm>>
        tpu.enqueue_dma source(%arg18 : memref<256xf32, #tpu.memory_space<vmem>>) target(%dma_start3A_310 : memref<256xf32, #tpu.memory_space<hbm>>) target_semaphore(%run_scoped3A : memref<!tpu.dma_semaphore, #tpu.memory_space<semaphore_mem>>)
        %dma_wait3A_311 = tpu.memref_slice %arg11[%add3A_15] : memref<335872xf32, #tpu.memory_space<hbm>> -> memref<256xf32, #tpu.memory_space<hbm>>
        %dma_wait3A_312 = tpu.memref_slice %arg11[%add3A_15] : memref<335872xf32, #tpu.memory_space<hbm>> -> memref<256xf32, #tpu.memory_space<hbm>>
        tpu.wait_dma2 semaphore(%run_scoped3A : memref<!tpu.dma_semaphore, #tpu.memory_space<semaphore_mem>>) src(%arg18 : memref<256xf32, #tpu.memory_space<vmem>>) dst(%dma_wait3A_312 : memref<256xf32, #tpu.memory_space<hbm>>)
        tpu.yield
      }) : () -> ()
    }
    %scan3A_10 = arith.constant 41 : i32
    %barrier3A_11 = arith.constant 0 : index
    tpu.barrier barrier_id(%barrier3A_11)
    "tpu.region"() ({
      %run_scoped3A = tpu.sem_alloc : memref<!tpu.dma_semaphore, #tpu.memory_space<semaphore_mem>>
      %dma_start3A = arith.constant 0 : i32
      %dma_start3A_12 = tpu.memref_slice %arg10[%arg0, %mul3A_0, %dma_start3A] : memref<2x10240x64xf32, #tpu.memory_space<hbm>> -> memref<1x640x64xf32, #tpu.memory_space<hbm>>
      %dma_start3A_13 = tpu.memref_squeeze %dma_start3A_12 : memref<1x640x64xf32, #tpu.memory_space<hbm>> -> memref<640x64xf32, #tpu.memory_space<hbm>>
      %dma_start3A_14 = arith.constant 0 : i32
      %dma_start3A_15 = tpu.memref_slice %arg20[%mul3A_0, %dma_start3A_14] : memref<10240x64xf32, #tpu.memory_space<vmem_shared>> -> memref<640x64xf32, #tpu.memory_space<vmem_shared>>
      tpu.enqueue_dma source(%dma_start3A_15 : memref<640x64xf32, #tpu.memory_space<vmem_shared>>) target(%dma_start3A_13 : memref<640x64xf32, #tpu.memory_space<hbm>>) target_semaphore(%run_scoped3A : memref<!tpu.dma_semaphore, #tpu.memory_space<semaphore_mem>>)
      %dma_wait3A = arith.constant 0 : i32
      %dma_wait3A_16 = tpu.memref_slice %arg10[%arg0, %mul3A_0, %dma_wait3A] : memref<2x10240x64xf32, #tpu.memory_space<hbm>> -> memref<1x640x64xf32, #tpu.memory_space<hbm>>
      %dma_wait3A_17 = tpu.memref_squeeze %dma_wait3A_16 : memref<1x640x64xf32, #tpu.memory_space<hbm>> -> memref<640x64xf32, #tpu.memory_space<hbm>>
      %dma_wait3A_18 = arith.constant 0 : i32
      %dma_wait3A_19 = tpu.memref_slice %arg20[%mul3A_0, %dma_wait3A_18] : memref<10240x64xf32, #tpu.memory_space<vmem_shared>> -> memref<640x64xf32, #tpu.memory_space<vmem_shared>>
      tpu.wait_dma2 semaphore(%run_scoped3A : memref<!tpu.dma_semaphore, #tpu.memory_space<semaphore_mem>>) src(%dma_wait3A_19 : memref<640x64xf32, #tpu.memory_space<vmem_shared>>) dst(%dma_wait3A_17 : memref<640x64xf32, #tpu.memory_space<hbm>>)
      tpu.yield
    }) : () -> ()
    return
  }
}

#map = affine_map<(d0, d1) -> (0)>
#map1 = affine_map<(d0, d1) -> (0, 0)>
#map2 = affine_map<(d0, d1) -> (0, 0, 0)>
module attributes {stable_mosaic.version = 14 : i64} {
  func.func @k(%arg0: i32, %arg1: i32, %arg2: memref<335872xi32, #tpu.memory_space<hbm>>, %arg3: memref<335872xi32, #tpu.memory_space<hbm>>, %arg4: memref<335872xf32, #tpu.memory_space<hbm>>, %arg5: memref<10240xf32, #tpu.memory_space<hbm>>, %arg6: memref<10240xf32, #tpu.memory_space<hbm>>, %arg7: memref<16xf32, #tpu.memory_space<hbm>>, %arg8: memref<10240x64xf32, #tpu.memory_space<hbm>>, %arg9: memref<640x64xf32, #tpu.memory_space<hbm>>, %arg10: memref<2x10240x64xf32, #tpu.memory_space<hbm>>, %arg11: memref<335872xf32, #tpu.memory_space<hbm>>, %arg12: memref<10240xf32, #tpu.memory_space<vmem>>, %arg13: memref<10240xf32, #tpu.memory_space<vmem>>, %arg14: memref<16xf32, #tpu.memory_space<vmem>>, %arg15: memref<256xi32, #tpu.memory_space<vmem>>, %arg16: memref<256xi32, #tpu.memory_space<vmem>>, %arg17: memref<256xf32, #tpu.memory_space<vmem>>, %arg18: memref<256xf32, #tpu.memory_space<vmem>>, %arg19: memref<256x64xf32, #tpu.memory_space<vmem>>, %arg20: memref<10240x64xf32, #tpu.memory_space<vmem_shared>>, %arg21: memref<!tpu.dma_semaphore, #tpu.memory_space<semaphore_mem>>) attributes {dimension_semantics = [#tpu.dimension_semantics<core_parallel>, #tpu.dimension_semantics<subcore_parallel>], iteration_bounds = array<i64: 2, 16>, scalar_prefetch = 0 : i64, scratch_operands = 10 : i64, tpu.core_type = #tpu.core_type<sc_vector_subcore>, window_params = [{transform_indices = #map}, {transform_indices = #map}, {transform_indices = #map}, {transform_indices = #map}, {transform_indices = #map}, {transform_indices = #map}, {transform_indices = #map1}, {transform_indices = #map1}, {transform_indices = #map2}, {transform_indices = #map}]} {
    %mul3A = arith.constant 640 : i32
    %mul3A_0 = arith.muli %arg1, %mul3A : i32
    "tpu.region"() ({
      %run_scoped3A = tpu.sem_alloc : memref<!tpu.dma_semaphore, #tpu.memory_space<semaphore_mem>>
      tpu.enqueue_dma source(%arg5 : memref<10240xf32, #tpu.memory_space<hbm>>) target(%arg12 : memref<10240xf32, #tpu.memory_space<vmem>>) target_semaphore(%run_scoped3A : memref<!tpu.dma_semaphore, #tpu.memory_space<semaphore_mem>>)
      tpu.wait_dma2 semaphore(%run_scoped3A : memref<!tpu.dma_semaphore, #tpu.memory_space<semaphore_mem>>) src(%arg5 : memref<10240xf32, #tpu.memory_space<hbm>>) dst(%arg12 : memref<10240xf32, #tpu.memory_space<vmem>>)
      tpu.yield
    }) : () -> ()
    "tpu.region"() ({
      %run_scoped3A = tpu.sem_alloc : memref<!tpu.dma_semaphore, #tpu.memory_space<semaphore_mem>>
      tpu.enqueue_dma source(%arg6 : memref<10240xf32, #tpu.memory_space<hbm>>) target(%arg13 : memref<10240xf32, #tpu.memory_space<vmem>>) target_semaphore(%run_scoped3A : memref<!tpu.dma_semaphore, #tpu.memory_space<semaphore_mem>>)
      tpu.wait_dma2 semaphore(%run_scoped3A : memref<!tpu.dma_semaphore, #tpu.memory_space<semaphore_mem>>) src(%arg6 : memref<10240xf32, #tpu.memory_space<hbm>>) dst(%arg13 : memref<10240xf32, #tpu.memory_space<vmem>>)
      tpu.yield
    }) : () -> ()
    "tpu.region"() ({
      %run_scoped3A = tpu.sem_alloc : memref<!tpu.dma_semaphore, #tpu.memory_space<semaphore_mem>>
      tpu.enqueue_dma source(%arg7 : memref<16xf32, #tpu.memory_space<hbm>>) target(%arg14 : memref<16xf32, #tpu.memory_space<vmem>>) target_semaphore(%run_scoped3A : memref<!tpu.dma_semaphore, #tpu.memory_space<semaphore_mem>>)
      tpu.wait_dma2 semaphore(%run_scoped3A : memref<!tpu.dma_semaphore, #tpu.memory_space<semaphore_mem>>) src(%arg7 : memref<16xf32, #tpu.memory_space<hbm>>) dst(%arg14 : memref<16xf32, #tpu.memory_space<vmem>>)
      tpu.yield
    }) : () -> ()
    "tpu.region"() ({
      %run_scoped3A = tpu.sem_alloc : memref<!tpu.dma_semaphore, #tpu.memory_space<semaphore_mem>>
      %dma_start3A = arith.constant 0 : i32
      %dma_start3A_12 = arith.constant 0 : i32
      %dma_start3A_13 = tpu.memref_slice %arg19[%dma_start3A, %dma_start3A_12] : memref<256x64xf32, #tpu.memory_space<vmem>> -> memref<640x64xf32, #tpu.memory_space<vmem>>
      %dma_start3A_14 = arith.constant 0 : i32
      %dma_start3A_15 = arith.constant 0 : i32
      %dma_start3A_16 = tpu.memref_slice %arg19[%dma_start3A_14, %dma_start3A_15] : memref<256x64xf32, #tpu.memory_space<vmem>> -> memref<640x64xf32, #tpu.memory_space<vmem>>
      tpu.enqueue_dma source(%arg9 : memref<640x64xf32, #tpu.memory_space<hbm>>) target(%dma_start3A_16 : memref<640x64xf32, #tpu.memory_space<vmem>>) target_semaphore(%run_scoped3A : memref<!tpu.dma_semaphore, #tpu.memory_space<semaphore_mem>>)
      %dma_wait3A = arith.constant 0 : i32
      %dma_wait3A_17 = arith.constant 0 : i32
      %dma_wait3A_18 = tpu.memref_slice %arg19[%dma_wait3A, %dma_wait3A_17] : memref<256x64xf32, #tpu.memory_space<vmem>> -> memref<640x64xf32, #tpu.memory_space<vmem>>
      %dma_wait3A_19 = arith.constant 0 : i32
      %dma_wait3A_20 = arith.constant 0 : i32
      %dma_wait3A_21 = tpu.memref_slice %arg19[%dma_wait3A_19, %dma_wait3A_20] : memref<256x64xf32, #tpu.memory_space<vmem>> -> memref<640x64xf32, #tpu.memory_space<vmem>>
      tpu.wait_dma2 semaphore(%run_scoped3A : memref<!tpu.dma_semaphore, #tpu.memory_space<semaphore_mem>>) src(%arg9 : memref<640x64xf32, #tpu.memory_space<hbm>>) dst(%dma_wait3A_21 : memref<640x64xf32, #tpu.memory_space<vmem>>)
      tpu.yield
    }) : () -> ()
    "tpu.region"() ({
      %run_scoped3A = tpu.sem_alloc : memref<!tpu.dma_semaphore, #tpu.memory_space<semaphore_mem>>
      %dma_start3A = arith.constant 0 : i32
      %dma_start3A_12 = arith.constant 0 : i32
      %dma_start3A_13 = tpu.memref_slice %arg19[%dma_start3A, %dma_start3A_12] : memref<256x64xf32, #tpu.memory_space<vmem>> -> memref<640x64xf32, #tpu.memory_space<vmem>>
      %dma_start3A_14 = arith.constant 0 : i32
      %dma_start3A_15 = tpu.memref_slice %arg20[%mul3A_0, %dma_start3A_14] : memref<10240x64xf32, #tpu.memory_space<vmem_shared>> -> memref<640x64xf32, #tpu.memory_space<vmem_shared>>
      %dma_start3A_16 = arith.constant 0 : i32
      %dma_start3A_17 = tpu.memref_slice %arg20[%mul3A_0, %dma_start3A_16] : memref<10240x64xf32, #tpu.memory_space<vmem_shared>> -> memref<640x64xf32, #tpu.memory_space<vmem_shared>>
      %dma_start3A_18 = arith.constant 0 : i32
      %dma_start3A_19 = arith.constant 0 : i32
      %dma_start3A_20 = tpu.memref_slice %arg19[%dma_start3A_18, %dma_start3A_19] : memref<256x64xf32, #tpu.memory_space<vmem>> -> memref<640x64xf32, #tpu.memory_space<vmem>>
      tpu.enqueue_dma source(%dma_start3A_20 : memref<640x64xf32, #tpu.memory_space<vmem>>) target(%dma_start3A_17 : memref<640x64xf32, #tpu.memory_space<vmem_shared>>) target_semaphore(%run_scoped3A : memref<!tpu.dma_semaphore, #tpu.memory_space<semaphore_mem>>)
      %dma_wait3A = arith.constant 0 : i32
      %dma_wait3A_21 = arith.constant 0 : i32
      %dma_wait3A_22 = tpu.memref_slice %arg19[%dma_wait3A, %dma_wait3A_21] : memref<256x64xf32, #tpu.memory_space<vmem>> -> memref<640x64xf32, #tpu.memory_space<vmem>>
      %dma_wait3A_23 = arith.constant 0 : i32
      %dma_wait3A_24 = tpu.memref_slice %arg20[%mul3A_0, %dma_wait3A_23] : memref<10240x64xf32, #tpu.memory_space<vmem_shared>> -> memref<640x64xf32, #tpu.memory_space<vmem_shared>>
      %dma_wait3A_25 = arith.constant 0 : i32
      %dma_wait3A_26 = tpu.memref_slice %arg20[%mul3A_0, %dma_wait3A_25] : memref<10240x64xf32, #tpu.memory_space<vmem_shared>> -> memref<640x64xf32, #tpu.memory_space<vmem_shared>>
      %dma_wait3A_27 = arith.constant 0 : i32
      %dma_wait3A_28 = arith.constant 0 : i32
      %dma_wait3A_29 = tpu.memref_slice %arg19[%dma_wait3A_27, %dma_wait3A_28] : memref<256x64xf32, #tpu.memory_space<vmem>> -> memref<640x64xf32, #tpu.memory_space<vmem>>
      tpu.wait_dma2 semaphore(%run_scoped3A : memref<!tpu.dma_semaphore, #tpu.memory_space<semaphore_mem>>) src(%dma_wait3A_29 : memref<640x64xf32, #tpu.memory_space<vmem>>) dst(%dma_wait3A_26 : memref<640x64xf32, #tpu.memory_space<vmem_shared>>)
      tpu.yield
    }) : () -> ()
    %barrier3A = arith.constant 0 : index
    tpu.barrier barrier_id(%barrier3A)
    %mul3A_1 = arith.constant 16 : i32
    %mul3A_2 = arith.muli %arg0, %mul3A_1 : i32
    %add3A = arith.addi %mul3A_2, %arg1 : i32
    %mul3A_3 = arith.constant 10496 : i32
    %mul3A_4 = arith.muli %add3A, %mul3A_3 : i32
    %get3A = arith.constant 0 : index
    %get3A_5 = tpu.vector_load %arg14[%get3A] {strides = array<i32>} : memref<16xf32, #tpu.memory_space<vmem>>, vector<16xf32>,
    %scan3A = arith.constant 0 : i32
    %scan3A_6 = arith.constant 0 : i32
    %scan3A_7 = arith.constant 41 : i32
    %scan3A_8 = arith.addi %scan3A_6, %scan3A_7 : i32
    %scan3A_9 = arith.constant 1 : i32
    scf.for %scan3A_12 = %scan3A_6 to %scan3A_8 step %scan3A_9  : i32 {
      %mul3A_13 = arith.constant 256 : i32
      %mul3A_14 = arith.muli %scan3A_12, %mul3A_13 : i32
      %add3A_15 = arith.addi %mul3A_4, %mul3A_14 : i32
      "tpu.region"() ({
        %run_scoped3A = tpu.sem_alloc : memref<!tpu.dma_semaphore, #tpu.memory_space<semaphore_mem>>
        %dma_start3A_309 = tpu.memref_slice %arg2[%add3A_15] : memref<335872xi32, #tpu.memory_space<hbm>> -> memref<256xi32, #tpu.memory_space<hbm>>
        %dma_start3A_310 = tpu.memref_slice %arg2[%add3A_15] : memref<335872xi32, #tpu.memory_space<hbm>> -> memref<256xi32, #tpu.memory_space<hbm>>
        tpu.enqueue_dma source(%dma_start3A_310 : memref<256xi32, #tpu.memory_space<hbm>>) target(%arg15 : memref<256xi32, #tpu.memory_space<vmem>>) target_semaphore(%run_scoped3A : memref<!tpu.dma_semaphore, #tpu.memory_space<semaphore_mem>>)
        %dma_wait3A_311 = tpu.memref_slice %arg2[%add3A_15] : memref<335872xi32, #tpu.memory_space<hbm>> -> memref<256xi32, #tpu.memory_space<hbm>>
        %dma_wait3A_312 = tpu.memref_slice %arg2[%add3A_15] : memref<335872xi32, #tpu.memory_space<hbm>> -> memref<256xi32, #tpu.memory_space<hbm>>
        tpu.wait_dma2 semaphore(%run_scoped3A : memref<!tpu.dma_semaphore, #tpu.memory_space<semaphore_mem>>) src(%dma_wait3A_312 : memref<256xi32, #tpu.memory_space<hbm>>) dst(%arg15 : memref<256xi32, #tpu.memory_space<vmem>>)
        tpu.yield
      }) : () -> ()
      "tpu.region"() ({
        %run_scoped3A = tpu.sem_alloc : memref<!tpu.dma_semaphore, #tpu.memory_space<semaphore_mem>>
        %dma_start3A_309 = tpu.memref_slice %arg3[%add3A_15] : memref<335872xi32, #tpu.memory_space<hbm>> -> memref<256xi32, #tpu.memory_space<hbm>>
        %dma_start3A_310 = tpu.memref_slice %arg3[%add3A_15] : memref<335872xi32, #tpu.memory_space<hbm>> -> memref<256xi32, #tpu.memory_space<hbm>>
        tpu.enqueue_dma source(%dma_start3A_310 : memref<256xi32, #tpu.memory_space<hbm>>) target(%arg16 : memref<256xi32, #tpu.memory_space<vmem>>) target_semaphore(%run_scoped3A : memref<!tpu.dma_semaphore, #tpu.memory_space<semaphore_mem>>)
        %dma_wait3A_311 = tpu.memref_slice %arg3[%add3A_15] : memref<335872xi32, #tpu.memory_space<hbm>> -> memref<256xi32, #tpu.memory_space<hbm>>
        %dma_wait3A_312 = tpu.memref_slice %arg3[%add3A_15] : memref<335872xi32, #tpu.memory_space<hbm>> -> memref<256xi32, #tpu.memory_space<hbm>>
        tpu.wait_dma2 semaphore(%run_scoped3A : memref<!tpu.dma_semaphore, #tpu.memory_space<semaphore_mem>>) src(%dma_wait3A_312 : memref<256xi32, #tpu.memory_space<hbm>>) dst(%arg16 : memref<256xi32, #tpu.memory_space<vmem>>)
        tpu.yield
      }) : () -> ()
      "tpu.region"() ({
        %run_scoped3A = tpu.sem_alloc : memref<!tpu.dma_semaphore, #tpu.memory_space<semaphore_mem>>
        %dma_start3A_309 = tpu.memref_slice %arg4[%add3A_15] : memref<335872xf32, #tpu.memory_space<hbm>> -> memref<256xf32, #tpu.memory_space<hbm>>
        %dma_start3A_310 = tpu.memref_slice %arg4[%add3A_15] : memref<335872xf32, #tpu.memory_space<hbm>> -> memref<256xf32, #tpu.memory_space<hbm>>
        tpu.enqueue_dma source(%dma_start3A_310 : memref<256xf32, #tpu.memory_space<hbm>>) target(%arg17 : memref<256xf32, #tpu.memory_space<vmem>>) target_semaphore(%run_scoped3A : memref<!tpu.dma_semaphore, #tpu.memory_space<semaphore_mem>>)
        %dma_wait3A_311 = tpu.memref_slice %arg4[%add3A_15] : memref<335872xf32, #tpu.memory_space<hbm>> -> memref<256xf32, #tpu.memory_space<hbm>>
        %dma_wait3A_312 = tpu.memref_slice %arg4[%add3A_15] : memref<335872xf32, #tpu.memory_space<hbm>> -> memref<256xf32, #tpu.memory_space<hbm>>
        tpu.wait_dma2 semaphore(%run_scoped3A : memref<!tpu.dma_semaphore, #tpu.memory_space<semaphore_mem>>) src(%dma_wait3A_312 : memref<256xf32, #tpu.memory_space<hbm>>) dst(%arg17 : memref<256xf32, #tpu.memory_space<vmem>>)
        tpu.yield
      }) : () -> ()
      %dma_start3A = arith.constant 0 : i32
      %dma_start3A_16 = arith.constant 0 : i32
      %dma_start3A_17 = tpu.memref_slice %arg8[%dma_start3A, %dma_start3A_16] : memref<10240x64xf32, #tpu.memory_space<hbm>> -> memref<10240x64xf32, #tpu.memory_space<hbm>>
      tpu.enqueue_indirect_dma source(%dma_start3A_17 : memref<10240x64xf32, #tpu.memory_space<hbm>>) target(%arg19 : memref<256x64xf32, #tpu.memory_space<vmem>>) offsets(%arg15 : memref<256xi32, #tpu.memory_space<vmem>>) semaphore(%arg21 : memref<!tpu.dma_semaphore, #tpu.memory_space<semaphore_mem>>)
      %get3A_18 = arith.constant 0 : index
      %get3A_19 = tpu.vector_load %arg15[%get3A_18] {strides = array<i32>} : memref<256xi32, #tpu.memory_space<vmem>>, vector<16xi32>,
      %gather3A = tpu.vector_load_idx %arg12[%get3A_19] : memref<10240xf32, #tpu.memory_space<vmem>>[vector<16xi32>], vector<16xf32>,
      %get3A_20 = arith.constant 0 : index
      %get3A_21 = tpu.vector_load %arg16[%get3A_20] {strides = array<i32>} : memref<256xi32, #tpu.memory_space<vmem>>, vector<16xi32>,
      %gather3A_22 = tpu.vector_load_idx %arg13[%get3A_21] : memref<10240xf32, #tpu.memory_space<vmem>>[vector<16xi32>], vector<16xf32>,
      %add3A_23 = arith.addf %gather3A, %gather3A_22 : vector<16xf32>
      %get3A_24 = arith.constant 0 : index
      %get3A_25 = tpu.vector_load %arg17[%get3A_24] {strides = array<i32>} : memref<256xf32, #tpu.memory_space<vmem>>, vector<16xf32>,
      %add3A_26 = arith.addf %add3A_23, %get3A_25 : vector<16xf32>
      %mul3A_27 = arith.constant 2.000000e-01 : f32
      %mul3A_28 = vector.broadcast %mul3A_27 : f32 to vector<16xf32>
      %mul3A_29 = arith.mulf %add3A_26, %mul3A_28 : vector<16xf32>
      %max3A = arith.maximumf %add3A_26, %mul3A_29 : vector<16xf32>
      %sub3A = arith.subf %max3A, %get3A_5 : vector<16xf32>
      %exp3A = math.exp %sub3A : vector<16xf32>
      %swap3A = arith.constant 0 : index
      %swap3A_30 = tpu.vector_load %arg18[%swap3A] {strides = array<i32>} : memref<256xf32, #tpu.memory_space<vmem>>, vector<16xf32>,
      tpu.vector_store %arg18[%swap3A], %exp3A {strides = array<i32>} : memref<256xf32, #tpu.memory_space<vmem>>, vector<16xf32>,
      %get3A_31 = arith.constant 16 : index
      %get3A_32 = tpu.vector_load %arg15[%get3A_31] {strides = array<i32>} : memref<256xi32, #tpu.memory_space<vmem>>, vector<16xi32>,
      %gather3A_33 = tpu.vector_load_idx %arg12[%get3A_32] : memref<10240xf32, #tpu.memory_space<vmem>>[vector<16xi32>], vector<16xf32>,
      %get3A_34 = arith.constant 16 : index
      %get3A_35 = tpu.vector_load %arg16[%get3A_34] {strides = array<i32>} : memref<256xi32, #tpu.memory_space<vmem>>, vector<16xi32>,
      %gather3A_36 = tpu.vector_load_idx %arg13[%get3A_35] : memref<10240xf32, #tpu.memory_space<vmem>>[vector<16xi32>], vector<16xf32>,
      %add3A_37 = arith.addf %gather3A_33, %gather3A_36 : vector<16xf32>
      %get3A_38 = arith.constant 16 : index
      %get3A_39 = tpu.vector_load %arg17[%get3A_38] {strides = array<i32>} : memref<256xf32, #tpu.memory_space<vmem>>, vector<16xf32>,
      %add3A_40 = arith.addf %add3A_37, %get3A_39 : vector<16xf32>
      %mul3A_41 = arith.constant 2.000000e-01 : f32
      %mul3A_42 = vector.broadcast %mul3A_41 : f32 to vector<16xf32>
      %mul3A_43 = arith.mulf %add3A_40, %mul3A_42 : vector<16xf32>
      %max3A_44 = arith.maximumf %add3A_40, %mul3A_43 : vector<16xf32>
      %sub3A_45 = arith.subf %max3A_44, %get3A_5 : vector<16xf32>
      %exp3A_46 = math.exp %sub3A_45 : vector<16xf32>
      %swap3A_47 = arith.constant 16 : index
      %swap3A_48 = tpu.vector_load %arg18[%swap3A_47] {strides = array<i32>} : memref<256xf32, #tpu.memory_space<vmem>>, vector<16xf32>,
      tpu.vector_store %arg18[%swap3A_47], %exp3A_46 {strides = array<i32>} : memref<256xf32, #tpu.memory_space<vmem>>, vector<16xf32>,
      %get3A_49 = arith.constant 32 : index
      %get3A_50 = tpu.vector_load %arg15[%get3A_49] {strides = array<i32>} : memref<256xi32, #tpu.memory_space<vmem>>, vector<16xi32>,
      %gather3A_51 = tpu.vector_load_idx %arg12[%get3A_50] : memref<10240xf32, #tpu.memory_space<vmem>>[vector<16xi32>], vector<16xf32>,
      %get3A_52 = arith.constant 32 : index
      %get3A_53 = tpu.vector_load %arg16[%get3A_52] {strides = array<i32>} : memref<256xi32, #tpu.memory_space<vmem>>, vector<16xi32>,
      %gather3A_54 = tpu.vector_load_idx %arg13[%get3A_53] : memref<10240xf32, #tpu.memory_space<vmem>>[vector<16xi32>], vector<16xf32>,
      %add3A_55 = arith.addf %gather3A_51, %gather3A_54 : vector<16xf32>
      %get3A_56 = arith.constant 32 : index
      %get3A_57 = tpu.vector_load %arg17[%get3A_56] {strides = array<i32>} : memref<256xf32, #tpu.memory_space<vmem>>, vector<16xf32>,
      %add3A_58 = arith.addf %add3A_55, %get3A_57 : vector<16xf32>
      %mul3A_59 = arith.constant 2.000000e-01 : f32
      %mul3A_60 = vector.broadcast %mul3A_59 : f32 to vector<16xf32>
      %mul3A_61 = arith.mulf %add3A_58, %mul3A_60 : vector<16xf32>
      %max3A_62 = arith.maximumf %add3A_58, %mul3A_61 : vector<16xf32>
      %sub3A_63 = arith.subf %max3A_62, %get3A_5 : vector<16xf32>
      %exp3A_64 = math.exp %sub3A_63 : vector<16xf32>
      %swap3A_65 = arith.constant 32 : index
      %swap3A_66 = tpu.vector_load %arg18[%swap3A_65] {strides = array<i32>} : memref<256xf32, #tpu.memory_space<vmem>>, vector<16xf32>,
      tpu.vector_store %arg18[%swap3A_65], %exp3A_64 {strides = array<i32>} : memref<256xf32, #tpu.memory_space<vmem>>, vector<16xf32>,
      %get3A_67 = arith.constant 48 : index
      %get3A_68 = tpu.vector_load %arg15[%get3A_67] {strides = array<i32>} : memref<256xi32, #tpu.memory_space<vmem>>, vector<16xi32>,
      %gather3A_69 = tpu.vector_load_idx %arg12[%get3A_68] : memref<10240xf32, #tpu.memory_space<vmem>>[vector<16xi32>], vector<16xf32>,
      %get3A_70 = arith.constant 48 : index
      %get3A_71 = tpu.vector_load %arg16[%get3A_70] {strides = array<i32>} : memref<256xi32, #tpu.memory_space<vmem>>, vector<16xi32>,
      %gather3A_72 = tpu.vector_load_idx %arg13[%get3A_71] : memref<10240xf32, #tpu.memory_space<vmem>>[vector<16xi32>], vector<16xf32>,
      %add3A_73 = arith.addf %gather3A_69, %gather3A_72 : vector<16xf32>
      %get3A_74 = arith.constant 48 : index
      %get3A_75 = tpu.vector_load %arg17[%get3A_74] {strides = array<i32>} : memref<256xf32, #tpu.memory_space<vmem>>, vector<16xf32>,
      %add3A_76 = arith.addf %add3A_73, %get3A_75 : vector<16xf32>
      %mul3A_77 = arith.constant 2.000000e-01 : f32
      %mul3A_78 = vector.broadcast %mul3A_77 : f32 to vector<16xf32>
      %mul3A_79 = arith.mulf %add3A_76, %mul3A_78 : vector<16xf32>
      %max3A_80 = arith.maximumf %add3A_76, %mul3A_79 : vector<16xf32>
      %sub3A_81 = arith.subf %max3A_80, %get3A_5 : vector<16xf32>
      %exp3A_82 = math.exp %sub3A_81 : vector<16xf32>
      %swap3A_83 = arith.constant 48 : index
      %swap3A_84 = tpu.vector_load %arg18[%swap3A_83] {strides = array<i32>} : memref<256xf32, #tpu.memory_space<vmem>>, vector<16xf32>,
      tpu.vector_store %arg18[%swap3A_83], %exp3A_82 {strides = array<i32>} : memref<256xf32, #tpu.memory_space<vmem>>, vector<16xf32>,
      %get3A_85 = arith.constant 64 : index
      %get3A_86 = tpu.vector_load %arg15[%get3A_85] {strides = array<i32>} : memref<256xi32, #tpu.memory_space<vmem>>, vector<16xi32>,
      %gather3A_87 = tpu.vector_load_idx %arg12[%get3A_86] : memref<10240xf32, #tpu.memory_space<vmem>>[vector<16xi32>], vector<16xf32>,
      %get3A_88 = arith.constant 64 : index
      %get3A_89 = tpu.vector_load %arg16[%get3A_88] {strides = array<i32>} : memref<256xi32, #tpu.memory_space<vmem>>, vector<16xi32>,
      %gather3A_90 = tpu.vector_load_idx %arg13[%get3A_89] : memref<10240xf32, #tpu.memory_space<vmem>>[vector<16xi32>], vector<16xf32>,
      %add3A_91 = arith.addf %gather3A_87, %gather3A_90 : vector<16xf32>
      %get3A_92 = arith.constant 64 : index
      %get3A_93 = tpu.vector_load %arg17[%get3A_92] {strides = array<i32>} : memref<256xf32, #tpu.memory_space<vmem>>, vector<16xf32>,
      %add3A_94 = arith.addf %add3A_91, %get3A_93 : vector<16xf32>
      %mul3A_95 = arith.constant 2.000000e-01 : f32
      %mul3A_96 = vector.broadcast %mul3A_95 : f32 to vector<16xf32>
      %mul3A_97 = arith.mulf %add3A_94, %mul3A_96 : vector<16xf32>
      %max3A_98 = arith.maximumf %add3A_94, %mul3A_97 : vector<16xf32>
      %sub3A_99 = arith.subf %max3A_98, %get3A_5 : vector<16xf32>
      %exp3A_100 = math.exp %sub3A_99 : vector<16xf32>
      %swap3A_101 = arith.constant 64 : index
      %swap3A_102 = tpu.vector_load %arg18[%swap3A_101] {strides = array<i32>} : memref<256xf32, #tpu.memory_space<vmem>>, vector<16xf32>,
      tpu.vector_store %arg18[%swap3A_101], %exp3A_100 {strides = array<i32>} : memref<256xf32, #tpu.memory_space<vmem>>, vector<16xf32>,
      %get3A_103 = arith.constant 80 : index
      %get3A_104 = tpu.vector_load %arg15[%get3A_103] {strides = array<i32>} : memref<256xi32, #tpu.memory_space<vmem>>, vector<16xi32>,
      %gather3A_105 = tpu.vector_load_idx %arg12[%get3A_104] : memref<10240xf32, #tpu.memory_space<vmem>>[vector<16xi32>], vector<16xf32>,
      %get3A_106 = arith.constant 80 : index
      %get3A_107 = tpu.vector_load %arg16[%get3A_106] {strides = array<i32>} : memref<256xi32, #tpu.memory_space<vmem>>, vector<16xi32>,
      %gather3A_108 = tpu.vector_load_idx %arg13[%get3A_107] : memref<10240xf32, #tpu.memory_space<vmem>>[vector<16xi32>], vector<16xf32>,
      %add3A_109 = arith.addf %gather3A_105, %gather3A_108 : vector<16xf32>
      %get3A_110 = arith.constant 80 : index
      %get3A_111 = tpu.vector_load %arg17[%get3A_110] {strides = array<i32>} : memref<256xf32, #tpu.memory_space<vmem>>, vector<16xf32>,
      %add3A_112 = arith.addf %add3A_109, %get3A_111 : vector<16xf32>
      %mul3A_113 = arith.constant 2.000000e-01 : f32
      %mul3A_114 = vector.broadcast %mul3A_113 : f32 to vector<16xf32>
      %mul3A_115 = arith.mulf %add3A_112, %mul3A_114 : vector<16xf32>
      %max3A_116 = arith.maximumf %add3A_112, %mul3A_115 : vector<16xf32>
      %sub3A_117 = arith.subf %max3A_116, %get3A_5 : vector<16xf32>
      %exp3A_118 = math.exp %sub3A_117 : vector<16xf32>
      %swap3A_119 = arith.constant 80 : index
      %swap3A_120 = tpu.vector_load %arg18[%swap3A_119] {strides = array<i32>} : memref<256xf32, #tpu.memory_space<vmem>>, vector<16xf32>,
      tpu.vector_store %arg18[%swap3A_119], %exp3A_118 {strides = array<i32>} : memref<256xf32, #tpu.memory_space<vmem>>, vector<16xf32>,
      %get3A_121 = arith.constant 96 : index
      %get3A_122 = tpu.vector_load %arg15[%get3A_121] {strides = array<i32>} : memref<256xi32, #tpu.memory_space<vmem>>, vector<16xi32>,
      %gather3A_123 = tpu.vector_load_idx %arg12[%get3A_122] : memref<10240xf32, #tpu.memory_space<vmem>>[vector<16xi32>], vector<16xf32>,
      %get3A_124 = arith.constant 96 : index
      %get3A_125 = tpu.vector_load %arg16[%get3A_124] {strides = array<i32>} : memref<256xi32, #tpu.memory_space<vmem>>, vector<16xi32>,
      %gather3A_126 = tpu.vector_load_idx %arg13[%get3A_125] : memref<10240xf32, #tpu.memory_space<vmem>>[vector<16xi32>], vector<16xf32>,
      %add3A_127 = arith.addf %gather3A_123, %gather3A_126 : vector<16xf32>
      %get3A_128 = arith.constant 96 : index
      %get3A_129 = tpu.vector_load %arg17[%get3A_128] {strides = array<i32>} : memref<256xf32, #tpu.memory_space<vmem>>, vector<16xf32>,
      %add3A_130 = arith.addf %add3A_127, %get3A_129 : vector<16xf32>
      %mul3A_131 = arith.constant 2.000000e-01 : f32
      %mul3A_132 = vector.broadcast %mul3A_131 : f32 to vector<16xf32>
      %mul3A_133 = arith.mulf %add3A_130, %mul3A_132 : vector<16xf32>
      %max3A_134 = arith.maximumf %add3A_130, %mul3A_133 : vector<16xf32>
      %sub3A_135 = arith.subf %max3A_134, %get3A_5 : vector<16xf32>
      %exp3A_136 = math.exp %sub3A_135 : vector<16xf32>
      %swap3A_137 = arith.constant 96 : index
      %swap3A_138 = tpu.vector_load %arg18[%swap3A_137] {strides = array<i32>} : memref<256xf32, #tpu.memory_space<vmem>>, vector<16xf32>,
      tpu.vector_store %arg18[%swap3A_137], %exp3A_136 {strides = array<i32>} : memref<256xf32, #tpu.memory_space<vmem>>, vector<16xf32>,
      %get3A_139 = arith.constant 112 : index
      %get3A_140 = tpu.vector_load %arg15[%get3A_139] {strides = array<i32>} : memref<256xi32, #tpu.memory_space<vmem>>, vector<16xi32>,
      %gather3A_141 = tpu.vector_load_idx %arg12[%get3A_140] : memref<10240xf32, #tpu.memory_space<vmem>>[vector<16xi32>], vector<16xf32>,
      %get3A_142 = arith.constant 112 : index
      %get3A_143 = tpu.vector_load %arg16[%get3A_142] {strides = array<i32>} : memref<256xi32, #tpu.memory_space<vmem>>, vector<16xi32>,
      %gather3A_144 = tpu.vector_load_idx %arg13[%get3A_143] : memref<10240xf32, #tpu.memory_space<vmem>>[vector<16xi32>], vector<16xf32>,
      %add3A_145 = arith.addf %gather3A_141, %gather3A_144 : vector<16xf32>
      %get3A_146 = arith.constant 112 : index
      %get3A_147 = tpu.vector_load %arg17[%get3A_146] {strides = array<i32>} : memref<256xf32, #tpu.memory_space<vmem>>, vector<16xf32>,
      %add3A_148 = arith.addf %add3A_145, %get3A_147 : vector<16xf32>
      %mul3A_149 = arith.constant 2.000000e-01 : f32
      %mul3A_150 = vector.broadcast %mul3A_149 : f32 to vector<16xf32>
      %mul3A_151 = arith.mulf %add3A_148, %mul3A_150 : vector<16xf32>
      %max3A_152 = arith.maximumf %add3A_148, %mul3A_151 : vector<16xf32>
      %sub3A_153 = arith.subf %max3A_152, %get3A_5 : vector<16xf32>
      %exp3A_154 = math.exp %sub3A_153 : vector<16xf32>
      %swap3A_155 = arith.constant 112 : index
      %swap3A_156 = tpu.vector_load %arg18[%swap3A_155] {strides = array<i32>} : memref<256xf32, #tpu.memory_space<vmem>>, vector<16xf32>,
      tpu.vector_store %arg18[%swap3A_155], %exp3A_154 {strides = array<i32>} : memref<256xf32, #tpu.memory_space<vmem>>, vector<16xf32>,
      %get3A_157 = arith.constant 128 : index
      %get3A_158 = tpu.vector_load %arg15[%get3A_157] {strides = array<i32>} : memref<256xi32, #tpu.memory_space<vmem>>, vector<16xi32>,
      %gather3A_159 = tpu.vector_load_idx %arg12[%get3A_158] : memref<10240xf32, #tpu.memory_space<vmem>>[vector<16xi32>], vector<16xf32>,
      %get3A_160 = arith.constant 128 : index
      %get3A_161 = tpu.vector_load %arg16[%get3A_160] {strides = array<i32>} : memref<256xi32, #tpu.memory_space<vmem>>, vector<16xi32>,
      %gather3A_162 = tpu.vector_load_idx %arg13[%get3A_161] : memref<10240xf32, #tpu.memory_space<vmem>>[vector<16xi32>], vector<16xf32>,
      %add3A_163 = arith.addf %gather3A_159, %gather3A_162 : vector<16xf32>
      %get3A_164 = arith.constant 128 : index
      %get3A_165 = tpu.vector_load %arg17[%get3A_164] {strides = array<i32>} : memref<256xf32, #tpu.memory_space<vmem>>, vector<16xf32>,
      %add3A_166 = arith.addf %add3A_163, %get3A_165 : vector<16xf32>
      %mul3A_167 = arith.constant 2.000000e-01 : f32
      %mul3A_168 = vector.broadcast %mul3A_167 : f32 to vector<16xf32>
      %mul3A_169 = arith.mulf %add3A_166, %mul3A_168 : vector<16xf32>
      %max3A_170 = arith.maximumf %add3A_166, %mul3A_169 : vector<16xf32>
      %sub3A_171 = arith.subf %max3A_170, %get3A_5 : vector<16xf32>
      %exp3A_172 = math.exp %sub3A_171 : vector<16xf32>
      %swap3A_173 = arith.constant 128 : index
      %swap3A_174 = tpu.vector_load %arg18[%swap3A_173] {strides = array<i32>} : memref<256xf32, #tpu.memory_space<vmem>>, vector<16xf32>,
      tpu.vector_store %arg18[%swap3A_173], %exp3A_172 {strides = array<i32>} : memref<256xf32, #tpu.memory_space<vmem>>, vector<16xf32>,
      %get3A_175 = arith.constant 144 : index
      %get3A_176 = tpu.vector_load %arg15[%get3A_175] {strides = array<i32>} : memref<256xi32, #tpu.memory_space<vmem>>, vector<16xi32>,
      %gather3A_177 = tpu.vector_load_idx %arg12[%get3A_176] : memref<10240xf32, #tpu.memory_space<vmem>>[vector<16xi32>], vector<16xf32>,
      %get3A_178 = arith.constant 144 : index
      %get3A_179 = tpu.vector_load %arg16[%get3A_178] {strides = array<i32>} : memref<256xi32, #tpu.memory_space<vmem>>, vector<16xi32>,
      %gather3A_180 = tpu.vector_load_idx %arg13[%get3A_179] : memref<10240xf32, #tpu.memory_space<vmem>>[vector<16xi32>], vector<16xf32>,
      %add3A_181 = arith.addf %gather3A_177, %gather3A_180 : vector<16xf32>
      %get3A_182 = arith.constant 144 : index
      %get3A_183 = tpu.vector_load %arg17[%get3A_182] {strides = array<i32>} : memref<256xf32, #tpu.memory_space<vmem>>, vector<16xf32>,
      %add3A_184 = arith.addf %add3A_181, %get3A_183 : vector<16xf32>
      %mul3A_185 = arith.constant 2.000000e-01 : f32
      %mul3A_186 = vector.broadcast %mul3A_185 : f32 to vector<16xf32>
      %mul3A_187 = arith.mulf %add3A_184, %mul3A_186 : vector<16xf32>
      %max3A_188 = arith.maximumf %add3A_184, %mul3A_187 : vector<16xf32>
      %sub3A_189 = arith.subf %max3A_188, %get3A_5 : vector<16xf32>
      %exp3A_190 = math.exp %sub3A_189 : vector<16xf32>
      %swap3A_191 = arith.constant 144 : index
      %swap3A_192 = tpu.vector_load %arg18[%swap3A_191] {strides = array<i32>} : memref<256xf32, #tpu.memory_space<vmem>>, vector<16xf32>,
      tpu.vector_store %arg18[%swap3A_191], %exp3A_190 {strides = array<i32>} : memref<256xf32, #tpu.memory_space<vmem>>, vector<16xf32>,
      %get3A_193 = arith.constant 160 : index
      %get3A_194 = tpu.vector_load %arg15[%get3A_193] {strides = array<i32>} : memref<256xi32, #tpu.memory_space<vmem>>, vector<16xi32>,
      %gather3A_195 = tpu.vector_load_idx %arg12[%get3A_194] : memref<10240xf32, #tpu.memory_space<vmem>>[vector<16xi32>], vector<16xf32>,
      %get3A_196 = arith.constant 160 : index
      %get3A_197 = tpu.vector_load %arg16[%get3A_196] {strides = array<i32>} : memref<256xi32, #tpu.memory_space<vmem>>, vector<16xi32>,
      %gather3A_198 = tpu.vector_load_idx %arg13[%get3A_197] : memref<10240xf32, #tpu.memory_space<vmem>>[vector<16xi32>], vector<16xf32>,
      %add3A_199 = arith.addf %gather3A_195, %gather3A_198 : vector<16xf32>
      %get3A_200 = arith.constant 160 : index
      %get3A_201 = tpu.vector_load %arg17[%get3A_200] {strides = array<i32>} : memref<256xf32, #tpu.memory_space<vmem>>, vector<16xf32>,
      %add3A_202 = arith.addf %add3A_199, %get3A_201 : vector<16xf32>
      %mul3A_203 = arith.constant 2.000000e-01 : f32
      %mul3A_204 = vector.broadcast %mul3A_203 : f32 to vector<16xf32>
      %mul3A_205 = arith.mulf %add3A_202, %mul3A_204 : vector<16xf32>
      %max3A_206 = arith.maximumf %add3A_202, %mul3A_205 : vector<16xf32>
      %sub3A_207 = arith.subf %max3A_206, %get3A_5 : vector<16xf32>
      %exp3A_208 = math.exp %sub3A_207 : vector<16xf32>
      %swap3A_209 = arith.constant 160 : index
      %swap3A_210 = tpu.vector_load %arg18[%swap3A_209] {strides = array<i32>} : memref<256xf32, #tpu.memory_space<vmem>>, vector<16xf32>,
      tpu.vector_store %arg18[%swap3A_209], %exp3A_208 {strides = array<i32>} : memref<256xf32, #tpu.memory_space<vmem>>, vector<16xf32>,
      %get3A_211 = arith.constant 176 : index
      %get3A_212 = tpu.vector_load %arg15[%get3A_211] {strides = array<i32>} : memref<256xi32, #tpu.memory_space<vmem>>, vector<16xi32>,
      %gather3A_213 = tpu.vector_load_idx %arg12[%get3A_212] : memref<10240xf32, #tpu.memory_space<vmem>>[vector<16xi32>], vector<16xf32>,
      %get3A_214 = arith.constant 176 : index
      %get3A_215 = tpu.vector_load %arg16[%get3A_214] {strides = array<i32>} : memref<256xi32, #tpu.memory_space<vmem>>, vector<16xi32>,
      %gather3A_216 = tpu.vector_load_idx %arg13[%get3A_215] : memref<10240xf32, #tpu.memory_space<vmem>>[vector<16xi32>], vector<16xf32>,
      %add3A_217 = arith.addf %gather3A_213, %gather3A_216 : vector<16xf32>
      %get3A_218 = arith.constant 176 : index
      %get3A_219 = tpu.vector_load %arg17[%get3A_218] {strides = array<i32>} : memref<256xf32, #tpu.memory_space<vmem>>, vector<16xf32>,
      %add3A_220 = arith.addf %add3A_217, %get3A_219 : vector<16xf32>
      %mul3A_221 = arith.constant 2.000000e-01 : f32
      %mul3A_222 = vector.broadcast %mul3A_221 : f32 to vector<16xf32>
      %mul3A_223 = arith.mulf %add3A_220, %mul3A_222 : vector<16xf32>
      %max3A_224 = arith.maximumf %add3A_220, %mul3A_223 : vector<16xf32>
      %sub3A_225 = arith.subf %max3A_224, %get3A_5 : vector<16xf32>
      %exp3A_226 = math.exp %sub3A_225 : vector<16xf32>
      %swap3A_227 = arith.constant 176 : index
      %swap3A_228 = tpu.vector_load %arg18[%swap3A_227] {strides = array<i32>} : memref<256xf32, #tpu.memory_space<vmem>>, vector<16xf32>,
      tpu.vector_store %arg18[%swap3A_227], %exp3A_226 {strides = array<i32>} : memref<256xf32, #tpu.memory_space<vmem>>, vector<16xf32>,
      %get3A_229 = arith.constant 192 : index
      %get3A_230 = tpu.vector_load %arg15[%get3A_229] {strides = array<i32>} : memref<256xi32, #tpu.memory_space<vmem>>, vector<16xi32>,
      %gather3A_231 = tpu.vector_load_idx %arg12[%get3A_230] : memref<10240xf32, #tpu.memory_space<vmem>>[vector<16xi32>], vector<16xf32>,
      %get3A_232 = arith.constant 192 : index
      %get3A_233 = tpu.vector_load %arg16[%get3A_232] {strides = array<i32>} : memref<256xi32, #tpu.memory_space<vmem>>, vector<16xi32>,
      %gather3A_234 = tpu.vector_load_idx %arg13[%get3A_233] : memref<10240xf32, #tpu.memory_space<vmem>>[vector<16xi32>], vector<16xf32>,
      %add3A_235 = arith.addf %gather3A_231, %gather3A_234 : vector<16xf32>
      %get3A_236 = arith.constant 192 : index
      %get3A_237 = tpu.vector_load %arg17[%get3A_236] {strides = array<i32>} : memref<256xf32, #tpu.memory_space<vmem>>, vector<16xf32>,
      %add3A_238 = arith.addf %add3A_235, %get3A_237 : vector<16xf32>
      %mul3A_239 = arith.constant 2.000000e-01 : f32
      %mul3A_240 = vector.broadcast %mul3A_239 : f32 to vector<16xf32>
      %mul3A_241 = arith.mulf %add3A_238, %mul3A_240 : vector<16xf32>
      %max3A_242 = arith.maximumf %add3A_238, %mul3A_241 : vector<16xf32>
      %sub3A_243 = arith.subf %max3A_242, %get3A_5 : vector<16xf32>
      %exp3A_244 = math.exp %sub3A_243 : vector<16xf32>
      %swap3A_245 = arith.constant 192 : index
      %swap3A_246 = tpu.vector_load %arg18[%swap3A_245] {strides = array<i32>} : memref<256xf32, #tpu.memory_space<vmem>>, vector<16xf32>,
      tpu.vector_store %arg18[%swap3A_245], %exp3A_244 {strides = array<i32>} : memref<256xf32, #tpu.memory_space<vmem>>, vector<16xf32>,
      %get3A_247 = arith.constant 208 : index
      %get3A_248 = tpu.vector_load %arg15[%get3A_247] {strides = array<i32>} : memref<256xi32, #tpu.memory_space<vmem>>, vector<16xi32>,
      %gather3A_249 = tpu.vector_load_idx %arg12[%get3A_248] : memref<10240xf32, #tpu.memory_space<vmem>>[vector<16xi32>], vector<16xf32>,
      %get3A_250 = arith.constant 208 : index
      %get3A_251 = tpu.vector_load %arg16[%get3A_250] {strides = array<i32>} : memref<256xi32, #tpu.memory_space<vmem>>, vector<16xi32>,
      %gather3A_252 = tpu.vector_load_idx %arg13[%get3A_251] : memref<10240xf32, #tpu.memory_space<vmem>>[vector<16xi32>], vector<16xf32>,
      %add3A_253 = arith.addf %gather3A_249, %gather3A_252 : vector<16xf32>
      %get3A_254 = arith.constant 208 : index
      %get3A_255 = tpu.vector_load %arg17[%get3A_254] {strides = array<i32>} : memref<256xf32, #tpu.memory_space<vmem>>, vector<16xf32>,
      %add3A_256 = arith.addf %add3A_253, %get3A_255 : vector<16xf32>
      %mul3A_257 = arith.constant 2.000000e-01 : f32
      %mul3A_258 = vector.broadcast %mul3A_257 : f32 to vector<16xf32>
      %mul3A_259 = arith.mulf %add3A_256, %mul3A_258 : vector<16xf32>
      %max3A_260 = arith.maximumf %add3A_256, %mul3A_259 : vector<16xf32>
      %sub3A_261 = arith.subf %max3A_260, %get3A_5 : vector<16xf32>
      %exp3A_262 = math.exp %sub3A_261 : vector<16xf32>
      %swap3A_263 = arith.constant 208 : index
      %swap3A_264 = tpu.vector_load %arg18[%swap3A_263] {strides = array<i32>} : memref<256xf32, #tpu.memory_space<vmem>>, vector<16xf32>,
      tpu.vector_store %arg18[%swap3A_263], %exp3A_262 {strides = array<i32>} : memref<256xf32, #tpu.memory_space<vmem>>, vector<16xf32>,
      %get3A_265 = arith.constant 224 : index
      %get3A_266 = tpu.vector_load %arg15[%get3A_265] {strides = array<i32>} : memref<256xi32, #tpu.memory_space<vmem>>, vector<16xi32>,
      %gather3A_267 = tpu.vector_load_idx %arg12[%get3A_266] : memref<10240xf32, #tpu.memory_space<vmem>>[vector<16xi32>], vector<16xf32>,
      %get3A_268 = arith.constant 224 : index
      %get3A_269 = tpu.vector_load %arg16[%get3A_268] {strides = array<i32>} : memref<256xi32, #tpu.memory_space<vmem>>, vector<16xi32>,
      %gather3A_270 = tpu.vector_load_idx %arg13[%get3A_269] : memref<10240xf32, #tpu.memory_space<vmem>>[vector<16xi32>], vector<16xf32>,
      %add3A_271 = arith.addf %gather3A_267, %gather3A_270 : vector<16xf32>
      %get3A_272 = arith.constant 224 : index
      %get3A_273 = tpu.vector_load %arg17[%get3A_272] {strides = array<i32>} : memref<256xf32, #tpu.memory_space<vmem>>, vector<16xf32>,
      %add3A_274 = arith.addf %add3A_271, %get3A_273 : vector<16xf32>
      %mul3A_275 = arith.constant 2.000000e-01 : f32
      %mul3A_276 = vector.broadcast %mul3A_275 : f32 to vector<16xf32>
      %mul3A_277 = arith.mulf %add3A_274, %mul3A_276 : vector<16xf32>
      %max3A_278 = arith.maximumf %add3A_274, %mul3A_277 : vector<16xf32>
      %sub3A_279 = arith.subf %max3A_278, %get3A_5 : vector<16xf32>
      %exp3A_280 = math.exp %sub3A_279 : vector<16xf32>
      %swap3A_281 = arith.constant 224 : index
      %swap3A_282 = tpu.vector_load %arg18[%swap3A_281] {strides = array<i32>} : memref<256xf32, #tpu.memory_space<vmem>>, vector<16xf32>,
      tpu.vector_store %arg18[%swap3A_281], %exp3A_280 {strides = array<i32>} : memref<256xf32, #tpu.memory_space<vmem>>, vector<16xf32>,
      %get3A_283 = arith.constant 240 : index
      %get3A_284 = tpu.vector_load %arg15[%get3A_283] {strides = array<i32>} : memref<256xi32, #tpu.memory_space<vmem>>, vector<16xi32>,
      %gather3A_285 = tpu.vector_load_idx %arg12[%get3A_284] : memref<10240xf32, #tpu.memory_space<vmem>>[vector<16xi32>], vector<16xf32>,
      %get3A_286 = arith.constant 240 : index
      %get3A_287 = tpu.vector_load %arg16[%get3A_286] {strides = array<i32>} : memref<256xi32, #tpu.memory_space<vmem>>, vector<16xi32>,
      %gather3A_288 = tpu.vector_load_idx %arg13[%get3A_287] : memref<10240xf32, #tpu.memory_space<vmem>>[vector<16xi32>], vector<16xf32>,
      %add3A_289 = arith.addf %gather3A_285, %gather3A_288 : vector<16xf32>
      %get3A_290 = arith.constant 240 : index
      %get3A_291 = tpu.vector_load %arg17[%get3A_290] {strides = array<i32>} : memref<256xf32, #tpu.memory_space<vmem>>, vector<16xf32>,
      %add3A_292 = arith.addf %add3A_289, %get3A_291 : vector<16xf32>
      %mul3A_293 = arith.constant 2.000000e-01 : f32
      %mul3A_294 = vector.broadcast %mul3A_293 : f32 to vector<16xf32>
      %mul3A_295 = arith.mulf %add3A_292, %mul3A_294 : vector<16xf32>
      %max3A_296 = arith.maximumf %add3A_292, %mul3A_295 : vector<16xf32>
      %sub3A_297 = arith.subf %max3A_296, %get3A_5 : vector<16xf32>
      %exp3A_298 = math.exp %sub3A_297 : vector<16xf32>
      %swap3A_299 = arith.constant 240 : index
      %swap3A_300 = tpu.vector_load %arg18[%swap3A_299] {strides = array<i32>} : memref<256xf32, #tpu.memory_space<vmem>>, vector<16xf32>,
      tpu.vector_store %arg18[%swap3A_299], %exp3A_298 {strides = array<i32>} : memref<256xf32, #tpu.memory_space<vmem>>, vector<16xf32>,
      %dma_wait3A = arith.constant 0 : i32
      %dma_wait3A_301 = arith.constant 0 : i32
      %dma_wait3A_302 = tpu.memref_slice %arg8[%dma_wait3A, %dma_wait3A_301] : memref<10240x64xf32, #tpu.memory_space<hbm>> -> memref<10240x64xf32, #tpu.memory_space<hbm>>
      tpu.wait_indirect_dma semaphore(%arg21 : memref<!tpu.dma_semaphore, #tpu.memory_space<semaphore_mem>>) src(%dma_wait3A_302 : memref<10240x64xf32, #tpu.memory_space<hbm>>) dst(%arg19 : memref<256x64xf32, #tpu.memory_space<vmem>>)
      %scan3A_303 = arith.constant 0 : i32
      %scan3A_304 = arith.constant 0 : i32
      %scan3A_305 = arith.constant 256 : i32
      %scan3A_306 = arith.addi %scan3A_304, %scan3A_305 : i32
      %scan3A_307 = arith.constant 1 : i32
      scf.for %scan3A_309 = %scan3A_304 to %scan3A_306 step %scan3A_307  : i32 {
        %broadcast_in_dim3A = arith.constant 0 : i32
        %broadcast_in_dim3A_310 = vector.broadcast %broadcast_in_dim3A : i32 to vector<16xi32>
        %add3A_311 = vector.broadcast %scan3A_309 : i32 to vector<16xi32>
        %add3A_312 = arith.addi %broadcast_in_dim3A_310, %add3A_311 : vector<16xi32>
        %gather3A_313 = tpu.vector_load_idx %arg18[%add3A_312] : memref<256xf32, #tpu.memory_space<vmem>>[vector<16xi32>], vector<16xf32>,
        %get3A_314 = arith.index_cast %scan3A_309 : i32 to index
        %get3A_315 = arith.constant 0 : index
        %get3A_316 = tpu.vector_load %arg19[%get3A_314, %get3A_315] {strides = array<i32>} : memref<256x64xf32, #tpu.memory_space<vmem>>, vector<16xf32>,
        %mul3A_317 = arith.mulf %get3A_316, %gather3A_313 : vector<16xf32>
        %swap3A_318 = arith.index_cast %scan3A_309 : i32 to index
        %swap3A_319 = arith.constant 0 : index
        %swap3A_320 = tpu.vector_load %arg19[%swap3A_318, %swap3A_319] {strides = array<i32>} : memref<256x64xf32, #tpu.memory_space<vmem>>, vector<16xf32>,
        tpu.vector_store %arg19[%swap3A_318, %swap3A_319], %mul3A_317 {strides = array<i32>} : memref<256x64xf32, #tpu.memory_space<vmem>>, vector<16xf32>,
        %get3A_321 = arith.index_cast %scan3A_309 : i32 to index
        %get3A_322 = arith.constant 16 : index
        %get3A_323 = tpu.vector_load %arg19[%get3A_321, %get3A_322] {strides = array<i32>} : memref<256x64xf32, #tpu.memory_space<vmem>>, vector<16xf32>,
        %mul3A_324 = arith.mulf %get3A_323, %gather3A_313 : vector<16xf32>
        %swap3A_325 = arith.index_cast %scan3A_309 : i32 to index
        %swap3A_326 = arith.constant 16 : index
        %swap3A_327 = tpu.vector_load %arg19[%swap3A_325, %swap3A_326] {strides = array<i32>} : memref<256x64xf32, #tpu.memory_space<vmem>>, vector<16xf32>,
        tpu.vector_store %arg19[%swap3A_325, %swap3A_326], %mul3A_324 {strides = array<i32>} : memref<256x64xf32, #tpu.memory_space<vmem>>, vector<16xf32>,
        %get3A_328 = arith.index_cast %scan3A_309 : i32 to index
        %get3A_329 = arith.constant 32 : index
        %get3A_330 = tpu.vector_load %arg19[%get3A_328, %get3A_329] {strides = array<i32>} : memref<256x64xf32, #tpu.memory_space<vmem>>, vector<16xf32>,
        %mul3A_331 = arith.mulf %get3A_330, %gather3A_313 : vector<16xf32>
        %swap3A_332 = arith.index_cast %scan3A_309 : i32 to index
        %swap3A_333 = arith.constant 32 : index
        %swap3A_334 = tpu.vector_load %arg19[%swap3A_332, %swap3A_333] {strides = array<i32>} : memref<256x64xf32, #tpu.memory_space<vmem>>, vector<16xf32>,
        tpu.vector_store %arg19[%swap3A_332, %swap3A_333], %mul3A_331 {strides = array<i32>} : memref<256x64xf32, #tpu.memory_space<vmem>>, vector<16xf32>,
        %get3A_335 = arith.index_cast %scan3A_309 : i32 to index
        %get3A_336 = arith.constant 48 : index
        %get3A_337 = tpu.vector_load %arg19[%get3A_335, %get3A_336] {strides = array<i32>} : memref<256x64xf32, #tpu.memory_space<vmem>>, vector<16xf32>,
        %mul3A_338 = arith.mulf %get3A_337, %gather3A_313 : vector<16xf32>
        %swap3A_339 = arith.index_cast %scan3A_309 : i32 to index
        %swap3A_340 = arith.constant 48 : index
        %swap3A_341 = tpu.vector_load %arg19[%swap3A_339, %swap3A_340] {strides = array<i32>} : memref<256x64xf32, #tpu.memory_space<vmem>>, vector<16xf32>,
        tpu.vector_store %arg19[%swap3A_339, %swap3A_340], %mul3A_338 {strides = array<i32>} : memref<256x64xf32, #tpu.memory_space<vmem>>, vector<16xf32>,
      }
      %scan3A_308 = arith.constant 256 : i32
      "tpu.region"() ({
        %run_scoped3A = tpu.sem_alloc : memref<!tpu.dma_semaphore, #tpu.memory_space<semaphore_mem>>
        %dma_start3A_309 = arith.constant 0 : i32
        %dma_start3A_310 = arith.constant 0 : i32
        %dma_start3A_311 = tpu.memref_slice %arg20[%dma_start3A_309, %dma_start3A_310] : memref<10240x64xf32, #tpu.memory_space<vmem_shared>> -> memref<10240x64xf32, #tpu.memory_space<vmem_shared>>
        tpu.enqueue_indirect_dma source(%arg19 : memref<256x64xf32, #tpu.memory_space<vmem>>) target(%dma_start3A_311 : memref<10240x64xf32, #tpu.memory_space<vmem_shared>>) offsets(%arg16 : memref<256xi32, #tpu.memory_space<vmem>>) semaphore(%run_scoped3A : memref<!tpu.dma_semaphore, #tpu.memory_space<semaphore_mem>>) {add = true}
        %dma_wait3A_312 = arith.constant 0 : i32
        %dma_wait3A_313 = arith.constant 0 : i32
        %dma_wait3A_314 = tpu.memref_slice %arg20[%dma_wait3A_312, %dma_wait3A_313] : memref<10240x64xf32, #tpu.memory_space<vmem_shared>> -> memref<10240x64xf32, #tpu.memory_space<vmem_shared>>
        tpu.wait_indirect_dma semaphore(%run_scoped3A : memref<!tpu.dma_semaphore, #tpu.memory_space<semaphore_mem>>) src(%arg19 : memref<256x64xf32, #tpu.memory_space<vmem>>) dst(%dma_wait3A_314 : memref<10240x64xf32, #tpu.memory_space<vmem_shared>>)
        tpu.yield
      }) : () -> ()
      "tpu.region"() ({
        %run_scoped3A = tpu.sem_alloc : memref<!tpu.dma_semaphore, #tpu.memory_space<semaphore_mem>>
        %dma_start3A_309 = tpu.memref_slice %arg11[%add3A_15] : memref<335872xf32, #tpu.memory_space<hbm>> -> memref<256xf32, #tpu.memory_space<hbm>>
        %dma_start3A_310 = tpu.memref_slice %arg11[%add3A_15] : memref<335872xf32, #tpu.memory_space<hbm>> -> memref<256xf32, #tpu.memory_space<hbm>>
        tpu.enqueue_dma source(%arg18 : memref<256xf32, #tpu.memory_space<vmem>>) target(%dma_start3A_310 : memref<256xf32, #tpu.memory_space<hbm>>) target_semaphore(%run_scoped3A : memref<!tpu.dma_semaphore, #tpu.memory_space<semaphore_mem>>)
        %dma_wait3A_311 = tpu.memref_slice %arg11[%add3A_15] : memref<335872xf32, #tpu.memory_space<hbm>> -> memref<256xf32, #tpu.memory_space<hbm>>
        %dma_wait3A_312 = tpu.memref_slice %arg11[%add3A_15] : memref<335872xf32, #tpu.memory_space<hbm>> -> memref<256xf32, #tpu.memory_space<hbm>>
        tpu.wait_dma2 semaphore(%run_scoped3A : memref<!tpu.dma_semaphore, #tpu.memory_space<semaphore_mem>>) src(%arg18 : memref<256xf32, #tpu.memory_space<vmem>>) dst(%dma_wait3A_312 : memref<256xf32, #tpu.memory_space<hbm>>)
        tpu.yield
      }) : () -> ()
    }
    %scan3A_10 = arith.constant 41 : i32
    %barrier3A_11 = arith.constant 0 : index
    tpu.barrier barrier_id(%barrier3A_11)
    "tpu.region"() ({
      %run_scoped3A = tpu.sem_alloc : memref<!tpu.dma_semaphore, #tpu.memory_space<semaphore_mem>>
      %dma_start3A = arith.constant 0 : i32
      %dma_start3A_12 = tpu.memref_slice %arg10[%arg0, %mul3A_0, %dma_start3A] : memref<2x10240x64xf32, #tpu.memory_space<hbm>> -> memref<1x640x64xf32, #tpu.memory_space<hbm>>
      %dma_start3A_13 = tpu.memref_squeeze %dma_start3A_12 : memref<1x640x64xf32, #tpu.memory_space<hbm>> -> memref<640x64xf32, #tpu.memory_space<hbm>>
      %dma_start3A_14 = arith.constant 0 : i32
      %dma_start3A_15 = tpu.memref_slice %arg20[%mul3A_0, %dma_start3A_14] : memref<10240x64xf32, #tpu.memory_space<vmem_shared>> -> memref<640x64xf32, #tpu.memory_space<vmem_shared>>
      tpu.enqueue_dma source(%dma_start3A_15 : memref<640x64xf32, #tpu.memory_space<vmem_shared>>) target(%dma_start3A_13 : memref<640x64xf32, #tpu.memory_space<hbm>>) target_semaphore(%run_scoped3A : memref<!tpu.dma_semaphore, #tpu.memory_space<semaphore_mem>>)
      %dma_wait3A = arith.constant 0 : i32
      %dma_wait3A_16 = tpu.memref_slice %arg10[%arg0, %mul3A_0, %dma_wait3A] : memref<2x10240x64xf32, #tpu.memory_space<hbm>> -> memref<1x640x64xf32, #tpu.memory_space<hbm>>
      %dma_wait3A_17 = tpu.memref_squeeze %dma_wait3A_16 : memref<1x640x64xf32, #tpu.memory_space<hbm>> -> memref<640x64xf32, #tpu.memory_space<hbm>>
      %dma_wait3A_18 = arith.constant 0 : i32
      %dma_wait3A_19 = tpu.memref_slice %arg20[%mul3A_0, %dma_wait3A_18] : memref<10240x64xf32, #tpu.memory_space<vmem_shared>> -> memref<640x64xf32, #tpu.memory_space<vmem_shared>>
      tpu.wait_dma2 semaphore(%run_scoped3A : memref<!tpu.dma_semaphore, #tpu.memory_space<semaphore_mem>>) src(%dma_wait3A_19 : memref<640x64xf32, #tpu.memory_space<vmem_shared>>) dst(%dma_wait3A_17 : memref<640x64xf32, #tpu.memory_space<hbm>>)
      tpu.yield
    }) : () -> ()
    return
  }
}

#map = affine_map<(d0, d1) -> (0, 0)>
#map1 = affine_map<(d0, d1) -> (0)>
#map2 = affine_map<(d0, d1) -> (0, 0, 0)>
module attributes {stable_mosaic.version = 14 : i64} {
  func.func @k(%arg0: i32, %arg1: i32, %arg2: memref<335872x8xf32, #tpu.memory_space<hbm>>, %arg3: memref<335872xi32, #tpu.memory_space<hbm>>, %arg4: memref<640x8xf32, #tpu.memory_space<hbm>>, %arg5: memref<2x10240x8xf32, #tpu.memory_space<hbm>>, %arg6: memref<10496xi32, #tpu.memory_space<vmem>>, %arg7: memref<10496x8xf32, #tpu.memory_space<vmem>>, %arg8: memref<640x8xf32, #tpu.memory_space<vmem>>, %arg9: memref<10240x8xf32, #tpu.memory_space<vmem_shared>>) attributes {dimension_semantics = [#tpu.dimension_semantics<core_parallel>, #tpu.dimension_semantics<subcore_parallel>], iteration_bounds = array<i64: 2, 16>, scalar_prefetch = 0 : i64, scratch_operands = 4 : i64, tpu.core_type = #tpu.core_type<sc_vector_subcore>, window_params = [{transform_indices = #map}, {transform_indices = #map1}, {transform_indices = #map}, {transform_indices = #map2}]} {
    %mul3A = arith.constant 640 : i32
    %mul3A_0 = arith.muli %arg1, %mul3A : i32
    "tpu.region"() ({
      %run_scoped3A = tpu.sem_alloc : memref<!tpu.dma_semaphore, #tpu.memory_space<semaphore_mem>>
      tpu.enqueue_dma source(%arg4 : memref<640x8xf32, #tpu.memory_space<hbm>>) target(%arg8 : memref<640x8xf32, #tpu.memory_space<vmem>>) target_semaphore(%run_scoped3A : memref<!tpu.dma_semaphore, #tpu.memory_space<semaphore_mem>>)
      tpu.wait_dma2 semaphore(%run_scoped3A : memref<!tpu.dma_semaphore, #tpu.memory_space<semaphore_mem>>) src(%arg4 : memref<640x8xf32, #tpu.memory_space<hbm>>) dst(%arg8 : memref<640x8xf32, #tpu.memory_space<vmem>>)
      tpu.yield
    }) : () -> ()
    "tpu.region"() ({
      %run_scoped3A = tpu.sem_alloc : memref<!tpu.dma_semaphore, #tpu.memory_space<semaphore_mem>>
      %dma_start3A = arith.constant 0 : i32
      %dma_start3A_8 = tpu.memref_slice %arg9[%mul3A_0, %dma_start3A] : memref<10240x8xf32, #tpu.memory_space<vmem_shared>> -> memref<640x8xf32, #tpu.memory_space<vmem_shared>>
      %dma_start3A_9 = arith.constant 0 : i32
      %dma_start3A_10 = tpu.memref_slice %arg9[%mul3A_0, %dma_start3A_9] : memref<10240x8xf32, #tpu.memory_space<vmem_shared>> -> memref<640x8xf32, #tpu.memory_space<vmem_shared>>
      tpu.enqueue_dma source(%arg8 : memref<640x8xf32, #tpu.memory_space<vmem>>) target(%dma_start3A_10 : memref<640x8xf32, #tpu.memory_space<vmem_shared>>) target_semaphore(%run_scoped3A : memref<!tpu.dma_semaphore, #tpu.memory_space<semaphore_mem>>)
      %dma_wait3A = arith.constant 0 : i32
      %dma_wait3A_11 = tpu.memref_slice %arg9[%mul3A_0, %dma_wait3A] : memref<10240x8xf32, #tpu.memory_space<vmem_shared>> -> memref<640x8xf32, #tpu.memory_space<vmem_shared>>
      %dma_wait3A_12 = arith.constant 0 : i32
      %dma_wait3A_13 = tpu.memref_slice %arg9[%mul3A_0, %dma_wait3A_12] : memref<10240x8xf32, #tpu.memory_space<vmem_shared>> -> memref<640x8xf32, #tpu.memory_space<vmem_shared>>
      tpu.wait_dma2 semaphore(%run_scoped3A : memref<!tpu.dma_semaphore, #tpu.memory_space<semaphore_mem>>) src(%arg8 : memref<640x8xf32, #tpu.memory_space<vmem>>) dst(%dma_wait3A_13 : memref<640x8xf32, #tpu.memory_space<vmem_shared>>)
      tpu.yield
    }) : () -> ()
    %barrier3A = arith.constant 0 : index
    tpu.barrier barrier_id(%barrier3A)
    %mul3A_1 = arith.constant 16 : i32
    %mul3A_2 = arith.muli %arg0, %mul3A_1 : i32
    %add3A = arith.addi %mul3A_2, %arg1 : i32
    %mul3A_3 = arith.constant 10496 : i32
    %mul3A_4 = arith.muli %add3A, %mul3A_3 : i32
    %add3A_5 = arith.constant 0 : i32
    %add3A_6 = arith.addi %mul3A_4, %add3A_5 : i32
    "tpu.region"() ({
      %run_scoped3A = tpu.sem_alloc : memref<!tpu.dma_semaphore, #tpu.memory_space<semaphore_mem>>
      %dma_start3A = tpu.memref_slice %arg3[%add3A_6] : memref<335872xi32, #tpu.memory_space<hbm>> -> memref<10496xi32, #tpu.memory_space<hbm>>
      %dma_start3A_8 = tpu.memref_slice %arg3[%add3A_6] : memref<335872xi32, #tpu.memory_space<hbm>> -> memref<10496xi32, #tpu.memory_space<hbm>>
      tpu.enqueue_dma source(%dma_start3A_8 : memref<10496xi32, #tpu.memory_space<hbm>>) target(%arg6 : memref<10496xi32, #tpu.memory_space<vmem>>) target_semaphore(%run_scoped3A : memref<!tpu.dma_semaphore, #tpu.memory_space<semaphore_mem>>)
      %dma_wait3A = tpu.memref_slice %arg3[%add3A_6] : memref<335872xi32, #tpu.memory_space<hbm>> -> memref<10496xi32, #tpu.memory_space<hbm>>
      %dma_wait3A_9 = tpu.memref_slice %arg3[%add3A_6] : memref<335872xi32, #tpu.memory_space<hbm>> -> memref<10496xi32, #tpu.memory_space<hbm>>
      tpu.wait_dma2 semaphore(%run_scoped3A : memref<!tpu.dma_semaphore, #tpu.memory_space<semaphore_mem>>) src(%dma_wait3A_9 : memref<10496xi32, #tpu.memory_space<hbm>>) dst(%arg6 : memref<10496xi32, #tpu.memory_space<vmem>>)
      tpu.yield
    }) : () -> ()
    "tpu.region"() ({
      %run_scoped3A = tpu.sem_alloc : memref<!tpu.dma_semaphore, #tpu.memory_space<semaphore_mem>>
      %dma_start3A = arith.constant 0 : i32
      %dma_start3A_8 = tpu.memref_slice %arg2[%add3A_6, %dma_start3A] : memref<335872x8xf32, #tpu.memory_space<hbm>> -> memref<10496x8xf32, #tpu.memory_space<hbm>>
      %dma_start3A_9 = arith.constant 0 : i32
      %dma_start3A_10 = tpu.memref_slice %arg2[%add3A_6, %dma_start3A_9] : memref<335872x8xf32, #tpu.memory_space<hbm>> -> memref<10496x8xf32, #tpu.memory_space<hbm>>
      tpu.enqueue_dma source(%dma_start3A_10 : memref<10496x8xf32, #tpu.memory_space<hbm>>) target(%arg7 : memref<10496x8xf32, #tpu.memory_space<vmem>>) target_semaphore(%run_scoped3A : memref<!tpu.dma_semaphore, #tpu.memory_space<semaphore_mem>>)
      %dma_wait3A = arith.constant 0 : i32
      %dma_wait3A_11 = tpu.memref_slice %arg2[%add3A_6, %dma_wait3A] : memref<335872x8xf32, #tpu.memory_space<hbm>> -> memref<10496x8xf32, #tpu.memory_space<hbm>>
      %dma_wait3A_12 = arith.constant 0 : i32
      %dma_wait3A_13 = tpu.memref_slice %arg2[%add3A_6, %dma_wait3A_12] : memref<335872x8xf32, #tpu.memory_space<hbm>> -> memref<10496x8xf32, #tpu.memory_space<hbm>>
      tpu.wait_dma2 semaphore(%run_scoped3A : memref<!tpu.dma_semaphore, #tpu.memory_space<semaphore_mem>>) src(%dma_wait3A_13 : memref<10496x8xf32, #tpu.memory_space<hbm>>) dst(%arg7 : memref<10496x8xf32, #tpu.memory_space<vmem>>)
      tpu.yield
    }) : () -> ()
    "tpu.region"() ({
      %run_scoped3A = tpu.sem_alloc : memref<!tpu.dma_semaphore, #tpu.memory_space<semaphore_mem>>
      %dma_start3A = arith.constant 0 : i32
      %dma_start3A_8 = arith.constant 0 : i32
      %dma_start3A_9 = tpu.memref_slice %arg9[%dma_start3A, %dma_start3A_8] : memref<10240x8xf32, #tpu.memory_space<vmem_shared>> -> memref<10240x8xf32, #tpu.memory_space<vmem_shared>>
      tpu.enqueue_indirect_dma source(%arg7 : memref<10496x8xf32, #tpu.memory_space<vmem>>) target(%dma_start3A_9 : memref<10240x8xf32, #tpu.memory_space<vmem_shared>>) offsets(%arg6 : memref<10496xi32, #tpu.memory_space<vmem>>) semaphore(%run_scoped3A : memref<!tpu.dma_semaphore, #tpu.memory_space<semaphore_mem>>) {add = true}
      %dma_wait3A = arith.constant 0 : i32
      %dma_wait3A_10 = arith.constant 0 : i32
      %dma_wait3A_11 = tpu.memref_slice %arg9[%dma_wait3A, %dma_wait3A_10] : memref<10240x8xf32, #tpu.memory_space<vmem_shared>> -> memref<10240x8xf32, #tpu.memory_space<vmem_shared>>
      tpu.wait_indirect_dma semaphore(%run_scoped3A : memref<!tpu.dma_semaphore, #tpu.memory_space<semaphore_mem>>) src(%arg7 : memref<10496x8xf32, #tpu.memory_space<vmem>>) dst(%dma_wait3A_11 : memref<10240x8xf32, #tpu.memory_space<vmem_shared>>)
      tpu.yield
    }) : () -> ()
    %barrier3A_7 = arith.constant 0 : index
    tpu.barrier barrier_id(%barrier3A_7)
    "tpu.region"() ({
      %run_scoped3A = tpu.sem_alloc : memref<!tpu.dma_semaphore, #tpu.memory_space<semaphore_mem>>
      %dma_start3A = arith.constant 0 : i32
      %dma_start3A_8 = tpu.memref_slice %arg5[%arg0, %mul3A_0, %dma_start3A] : memref<2x10240x8xf32, #tpu.memory_space<hbm>> -> memref<1x640x8xf32, #tpu.memory_space<hbm>>
      %dma_start3A_9 = tpu.memref_squeeze %dma_start3A_8 : memref<1x640x8xf32, #tpu.memory_space<hbm>> -> memref<640x8xf32, #tpu.memory_space<hbm>>
      %dma_start3A_10 = arith.constant 0 : i32
      %dma_start3A_11 = tpu.memref_slice %arg9[%mul3A_0, %dma_start3A_10] : memref<10240x8xf32, #tpu.memory_space<vmem_shared>> -> memref<640x8xf32, #tpu.memory_space<vmem_shared>>
      tpu.enqueue_dma source(%dma_start3A_11 : memref<640x8xf32, #tpu.memory_space<vmem_shared>>) target(%dma_start3A_9 : memref<640x8xf32, #tpu.memory_space<hbm>>) target_semaphore(%run_scoped3A : memref<!tpu.dma_semaphore, #tpu.memory_space<semaphore_mem>>)
      %dma_wait3A = arith.constant 0 : i32
      %dma_wait3A_12 = tpu.memref_slice %arg5[%arg0, %mul3A_0, %dma_wait3A] : memref<2x10240x8xf32, #tpu.memory_space<hbm>> -> memref<1x640x8xf32, #tpu.memory_space<hbm>>
      %dma_wait3A_13 = tpu.memref_squeeze %dma_wait3A_12 : memref<1x640x8xf32, #tpu.memory_space<hbm>> -> memref<640x8xf32, #tpu.memory_space<hbm>>
      %dma_wait3A_14 = arith.constant 0 : i32
      %dma_wait3A_15 = tpu.memref_slice %arg9[%mul3A_0, %dma_wait3A_14] : memref<10240x8xf32, #tpu.memory_space<vmem_shared>> -> memref<640x8xf32, #tpu.memory_space<vmem_shared>>
      tpu.wait_dma2 semaphore(%run_scoped3A : memref<!tpu.dma_semaphore, #tpu.memory_space<semaphore_mem>>) src(%dma_wait3A_15 : memref<640x8xf32, #tpu.memory_space<vmem_shared>>) dst(%dma_wait3A_13 : memref<640x8xf32, #tpu.memory_space<hbm>>)
      tpu.yield
    }) : () -> ()
    return
  }
}

#map = affine_map<(d0, d1) -> (0, 0)>
#map1 = affine_map<(d0, d1) -> (0)>
#map2 = affine_map<(d0, d1) -> (0, 0, 0)>
module attributes {stable_mosaic.version = 14 : i64} {
  func.func @k(%arg0: i32, %arg1: i32, %arg2: memref<335872x8xf32, #tpu.memory_space<hbm>>, %arg3: memref<335872xi32, #tpu.memory_space<hbm>>, %arg4: memref<640x8xf32, #tpu.memory_space<hbm>>, %arg5: memref<2x10240x8xf32, #tpu.memory_space<hbm>>, %arg6: memref<10496xi32, #tpu.memory_space<vmem>>, %arg7: memref<10496x8xf32, #tpu.memory_space<vmem>>, %arg8: memref<640x8xf32, #tpu.memory_space<vmem>>, %arg9: memref<10240x8xf32, #tpu.memory_space<vmem_shared>>) attributes {dimension_semantics = [#tpu.dimension_semantics<core_parallel>, #tpu.dimension_semantics<subcore_parallel>], iteration_bounds = array<i64: 2, 16>, scalar_prefetch = 0 : i64, scratch_operands = 4 : i64, tpu.core_type = #tpu.core_type<sc_vector_subcore>, window_params = [{transform_indices = #map}, {transform_indices = #map1}, {transform_indices = #map}, {transform_indices = #map2}]} {
    %mul3A = arith.constant 640 : i32
    %mul3A_0 = arith.muli %arg1, %mul3A : i32
    "tpu.region"() ({
      %run_scoped3A = tpu.sem_alloc : memref<!tpu.dma_semaphore, #tpu.memory_space<semaphore_mem>>
      tpu.enqueue_dma source(%arg4 : memref<640x8xf32, #tpu.memory_space<hbm>>) target(%arg8 : memref<640x8xf32, #tpu.memory_space<vmem>>) target_semaphore(%run_scoped3A : memref<!tpu.dma_semaphore, #tpu.memory_space<semaphore_mem>>)
      tpu.wait_dma2 semaphore(%run_scoped3A : memref<!tpu.dma_semaphore, #tpu.memory_space<semaphore_mem>>) src(%arg4 : memref<640x8xf32, #tpu.memory_space<hbm>>) dst(%arg8 : memref<640x8xf32, #tpu.memory_space<vmem>>)
      tpu.yield
    }) : () -> ()
    "tpu.region"() ({
      %run_scoped3A = tpu.sem_alloc : memref<!tpu.dma_semaphore, #tpu.memory_space<semaphore_mem>>
      %dma_start3A = arith.constant 0 : i32
      %dma_start3A_8 = tpu.memref_slice %arg9[%mul3A_0, %dma_start3A] : memref<10240x8xf32, #tpu.memory_space<vmem_shared>> -> memref<640x8xf32, #tpu.memory_space<vmem_shared>>
      %dma_start3A_9 = arith.constant 0 : i32
      %dma_start3A_10 = tpu.memref_slice %arg9[%mul3A_0, %dma_start3A_9] : memref<10240x8xf32, #tpu.memory_space<vmem_shared>> -> memref<640x8xf32, #tpu.memory_space<vmem_shared>>
      tpu.enqueue_dma source(%arg8 : memref<640x8xf32, #tpu.memory_space<vmem>>) target(%dma_start3A_10 : memref<640x8xf32, #tpu.memory_space<vmem_shared>>) target_semaphore(%run_scoped3A : memref<!tpu.dma_semaphore, #tpu.memory_space<semaphore_mem>>)
      %dma_wait3A = arith.constant 0 : i32
      %dma_wait3A_11 = tpu.memref_slice %arg9[%mul3A_0, %dma_wait3A] : memref<10240x8xf32, #tpu.memory_space<vmem_shared>> -> memref<640x8xf32, #tpu.memory_space<vmem_shared>>
      %dma_wait3A_12 = arith.constant 0 : i32
      %dma_wait3A_13 = tpu.memref_slice %arg9[%mul3A_0, %dma_wait3A_12] : memref<10240x8xf32, #tpu.memory_space<vmem_shared>> -> memref<640x8xf32, #tpu.memory_space<vmem_shared>>
      tpu.wait_dma2 semaphore(%run_scoped3A : memref<!tpu.dma_semaphore, #tpu.memory_space<semaphore_mem>>) src(%arg8 : memref<640x8xf32, #tpu.memory_space<vmem>>) dst(%dma_wait3A_13 : memref<640x8xf32, #tpu.memory_space<vmem_shared>>)
      tpu.yield
    }) : () -> ()
    %barrier3A = arith.constant 0 : index
    tpu.barrier barrier_id(%barrier3A)
    %mul3A_1 = arith.constant 16 : i32
    %mul3A_2 = arith.muli %arg0, %mul3A_1 : i32
    %add3A = arith.addi %mul3A_2, %arg1 : i32
    %mul3A_3 = arith.constant 10496 : i32
    %mul3A_4 = arith.muli %add3A, %mul3A_3 : i32
    %add3A_5 = arith.constant 0 : i32
    %add3A_6 = arith.addi %mul3A_4, %add3A_5 : i32
    "tpu.region"() ({
      %run_scoped3A = tpu.sem_alloc : memref<!tpu.dma_semaphore, #tpu.memory_space<semaphore_mem>>
      %dma_start3A = tpu.memref_slice %arg3[%add3A_6] : memref<335872xi32, #tpu.memory_space<hbm>> -> memref<10496xi32, #tpu.memory_space<hbm>>
      %dma_start3A_8 = tpu.memref_slice %arg3[%add3A_6] : memref<335872xi32, #tpu.memory_space<hbm>> -> memref<10496xi32, #tpu.memory_space<hbm>>
      tpu.enqueue_dma source(%dma_start3A_8 : memref<10496xi32, #tpu.memory_space<hbm>>) target(%arg6 : memref<10496xi32, #tpu.memory_space<vmem>>) target_semaphore(%run_scoped3A : memref<!tpu.dma_semaphore, #tpu.memory_space<semaphore_mem>>)
      %dma_wait3A = tpu.memref_slice %arg3[%add3A_6] : memref<335872xi32, #tpu.memory_space<hbm>> -> memref<10496xi32, #tpu.memory_space<hbm>>
      %dma_wait3A_9 = tpu.memref_slice %arg3[%add3A_6] : memref<335872xi32, #tpu.memory_space<hbm>> -> memref<10496xi32, #tpu.memory_space<hbm>>
      tpu.wait_dma2 semaphore(%run_scoped3A : memref<!tpu.dma_semaphore, #tpu.memory_space<semaphore_mem>>) src(%dma_wait3A_9 : memref<10496xi32, #tpu.memory_space<hbm>>) dst(%arg6 : memref<10496xi32, #tpu.memory_space<vmem>>)
      tpu.yield
    }) : () -> ()
    "tpu.region"() ({
      %run_scoped3A = tpu.sem_alloc : memref<!tpu.dma_semaphore, #tpu.memory_space<semaphore_mem>>
      %dma_start3A = arith.constant 0 : i32
      %dma_start3A_8 = tpu.memref_slice %arg2[%add3A_6, %dma_start3A] : memref<335872x8xf32, #tpu.memory_space<hbm>> -> memref<10496x8xf32, #tpu.memory_space<hbm>>
      %dma_start3A_9 = arith.constant 0 : i32
      %dma_start3A_10 = tpu.memref_slice %arg2[%add3A_6, %dma_start3A_9] : memref<335872x8xf32, #tpu.memory_space<hbm>> -> memref<10496x8xf32, #tpu.memory_space<hbm>>
      tpu.enqueue_dma source(%dma_start3A_10 : memref<10496x8xf32, #tpu.memory_space<hbm>>) target(%arg7 : memref<10496x8xf32, #tpu.memory_space<vmem>>) target_semaphore(%run_scoped3A : memref<!tpu.dma_semaphore, #tpu.memory_space<semaphore_mem>>)
      %dma_wait3A = arith.constant 0 : i32
      %dma_wait3A_11 = tpu.memref_slice %arg2[%add3A_6, %dma_wait3A] : memref<335872x8xf32, #tpu.memory_space<hbm>> -> memref<10496x8xf32, #tpu.memory_space<hbm>>
      %dma_wait3A_12 = arith.constant 0 : i32
      %dma_wait3A_13 = tpu.memref_slice %arg2[%add3A_6, %dma_wait3A_12] : memref<335872x8xf32, #tpu.memory_space<hbm>> -> memref<10496x8xf32, #tpu.memory_space<hbm>>
      tpu.wait_dma2 semaphore(%run_scoped3A : memref<!tpu.dma_semaphore, #tpu.memory_space<semaphore_mem>>) src(%dma_wait3A_13 : memref<10496x8xf32, #tpu.memory_space<hbm>>) dst(%arg7 : memref<10496x8xf32, #tpu.memory_space<vmem>>)
      tpu.yield
    }) : () -> ()
    "tpu.region"() ({
      %run_scoped3A = tpu.sem_alloc : memref<!tpu.dma_semaphore, #tpu.memory_space<semaphore_mem>>
      %dma_start3A = arith.constant 0 : i32
      %dma_start3A_8 = arith.constant 0 : i32
      %dma_start3A_9 = tpu.memref_slice %arg9[%dma_start3A, %dma_start3A_8] : memref<10240x8xf32, #tpu.memory_space<vmem_shared>> -> memref<10240x8xf32, #tpu.memory_space<vmem_shared>>
      tpu.enqueue_indirect_dma source(%arg7 : memref<10496x8xf32, #tpu.memory_space<vmem>>) target(%dma_start3A_9 : memref<10240x8xf32, #tpu.memory_space<vmem_shared>>) offsets(%arg6 : memref<10496xi32, #tpu.memory_space<vmem>>) semaphore(%run_scoped3A : memref<!tpu.dma_semaphore, #tpu.memory_space<semaphore_mem>>) {add = true}
      %dma_wait3A = arith.constant 0 : i32
      %dma_wait3A_10 = arith.constant 0 : i32
      %dma_wait3A_11 = tpu.memref_slice %arg9[%dma_wait3A, %dma_wait3A_10] : memref<10240x8xf32, #tpu.memory_space<vmem_shared>> -> memref<10240x8xf32, #tpu.memory_space<vmem_shared>>
      tpu.wait_indirect_dma semaphore(%run_scoped3A : memref<!tpu.dma_semaphore, #tpu.memory_space<semaphore_mem>>) src(%arg7 : memref<10496x8xf32, #tpu.memory_space<vmem>>) dst(%dma_wait3A_11 : memref<10240x8xf32, #tpu.memory_space<vmem_shared>>)
      tpu.yield
    }) : () -> ()
    %barrier3A_7 = arith.constant 0 : index
    tpu.barrier barrier_id(%barrier3A_7)
    "tpu.region"() ({
      %run_scoped3A = tpu.sem_alloc : memref<!tpu.dma_semaphore, #tpu.memory_space<semaphore_mem>>
      %dma_start3A = arith.constant 0 : i32
      %dma_start3A_8 = tpu.memref_slice %arg5[%arg0, %mul3A_0, %dma_start3A] : memref<2x10240x8xf32, #tpu.memory_space<hbm>> -> memref<1x640x8xf32, #tpu.memory_space<hbm>>
      %dma_start3A_9 = tpu.memref_squeeze %dma_start3A_8 : memref<1x640x8xf32, #tpu.memory_space<hbm>> -> memref<640x8xf32, #tpu.memory_space<hbm>>
      %dma_start3A_10 = arith.constant 0 : i32
      %dma_start3A_11 = tpu.memref_slice %arg9[%mul3A_0, %dma_start3A_10] : memref<10240x8xf32, #tpu.memory_space<vmem_shared>> -> memref<640x8xf32, #tpu.memory_space<vmem_shared>>
      tpu.enqueue_dma source(%dma_start3A_11 : memref<640x8xf32, #tpu.memory_space<vmem_shared>>) target(%dma_start3A_9 : memref<640x8xf32, #tpu.memory_space<hbm>>) target_semaphore(%run_scoped3A : memref<!tpu.dma_semaphore, #tpu.memory_space<semaphore_mem>>)
      %dma_wait3A = arith.constant 0 : i32
      %dma_wait3A_12 = tpu.memref_slice %arg5[%arg0, %mul3A_0, %dma_wait3A] : memref<2x10240x8xf32, #tpu.memory_space<hbm>> -> memref<1x640x8xf32, #tpu.memory_space<hbm>>
      %dma_wait3A_13 = tpu.memref_squeeze %dma_wait3A_12 : memref<1x640x8xf32, #tpu.memory_space<hbm>> -> memref<640x8xf32, #tpu.memory_space<hbm>>
      %dma_wait3A_14 = arith.constant 0 : i32
      %dma_wait3A_15 = tpu.memref_slice %arg9[%mul3A_0, %dma_wait3A_14] : memref<10240x8xf32, #tpu.memory_space<vmem_shared>> -> memref<640x8xf32, #tpu.memory_space<vmem_shared>>
      tpu.wait_dma2 semaphore(%run_scoped3A : memref<!tpu.dma_semaphore, #tpu.memory_space<semaphore_mem>>) src(%dma_wait3A_15 : memref<640x8xf32, #tpu.memory_space<vmem_shared>>) dst(%dma_wait3A_13 : memref<640x8xf32, #tpu.memory_space<hbm>>)
      tpu.yield
    }) : () -> ()
    return
  }
}

module attributes {stable_mosaic.version = 14 : i64} {
  func.func @_rows8_ea_body(%arg0: i32, %arg1: memref<4x2560xf32, #tpu.memory_space<vmem>>, %arg2: memref<2560x8xf32, #tpu.memory_space<vmem>>) attributes {dimension_semantics = [#tpu.dimension_semantics<arbitrary>], iteration_bounds = array<i64: 125>, scalar_prefetch = 0 : i64, scratch_operands = 0 : i64, tpu.core_type = #tpu.core_type<tc>, window_params = [{transform_indices = @transform_0, window_bounds = array<i64: 4, 2560>}, {transform_indices = @transform_1, window_bounds = array<i64: 2560, 8>}]} {
    %get3A = arith.constant 0 : index
    %get3A_0 = arith.constant 0 : index
    %get3A_1 = vector.load %arg1[%get3A, %get3A_0] : memref<4x2560xf32, #tpu.memory_space<vmem>>, vector<4x2560xf32>
    %transpose3A = tpu.transpose %get3A_1, [1, 0] : vector<4x2560xf32> -> vector<2560x4xf32>
    %broadcast_in_dim3A = arith.constant 1.000000e+00 : f32
    %broadcast_in_dim3A_2 = vector.broadcast %broadcast_in_dim3A : f32 to vector<2560x1xf32>
    %broadcast_in_dim3A_3 = arith.constant 0.000000e+00 : f32
    %broadcast_in_dim3A_4 = vector.broadcast %broadcast_in_dim3A_3 : f32 to vector<2560x3xf32>
    %concatenate3A = tpu.concatenate %transpose3A, %broadcast_in_dim3A_2, %broadcast_in_dim3A_4 in 1 : vector<2560x4xf32>, vector<2560x1xf32>, vector<2560x3xf32> -> vector<2560x8xf32>
    %swap3A = arith.constant 0 : index
    %swap3A_5 = arith.constant 0 : index
    %swap3A_6 = vector.load %arg2[%swap3A, %swap3A_5] : memref<2560x8xf32, #tpu.memory_space<vmem>>, vector<2560x8xf32>
    tpu.vector_store %arg2[%swap3A, %swap3A_5], %concatenate3A {strides = array<i32>} : memref<2560x8xf32, #tpu.memory_space<vmem>>, vector<2560x8xf32>,
    return
  }
  func.func @transform_0(%arg0: i32) -> (i32, i32) {
    %c0_i32 = arith.constant 0 : i32
    %c0_i32_0 = arith.constant 0 : i32
    return %c0_i32, %arg0 : i32, i32
  }
  func.func @transform_1(%arg0: i32) -> (i32, i32) {
    %c0_i32 = arith.constant 0 : i32
    %c0_i32_0 = arith.constant 0 : i32
    return %arg0, %c0_i32 : i32, i32
  }
}

module attributes {stable_mosaic.version = 14 : i64} {
  func.func @_layer_prep_body(%arg0: i32, %arg1: memref<512x128xf32, #tpu.memory_space<vmem>>, %arg2: memref<128x64xf32, #tpu.memory_space<vmem>>, %arg3: memref<1x64xf32, #tpu.memory_space<vmem>>, %arg4: memref<1x64xf32, #tpu.memory_space<vmem>>, %arg5: memref<512x64xf32, #tpu.memory_space<vmem>>, %arg6: memref<2x512xf32, #tpu.memory_space<vmem>>, %arg7: memref<1x2xf32, #tpu.memory_space<vmem>>) attributes {dimension_semantics = [#tpu.dimension_semantics<arbitrary>], iteration_bounds = array<i64: 20>, scalar_prefetch = 0 : i64, scratch_operands = 0 : i64, tpu.core_type = #tpu.core_type<tc>, window_params = [{transform_indices = @transform_0, window_bounds = array<i64: 512, 128>}, {pipeline_mode = #tpu.pipeline_mode<synchronous>, transform_indices = @transform_1, window_bounds = array<i64: 128, 64>}, {pipeline_mode = #tpu.pipeline_mode<synchronous>, transform_indices = @transform_2, window_bounds = array<i64: 1, 64>}, {pipeline_mode = #tpu.pipeline_mode<synchronous>, transform_indices = @transform_3, window_bounds = array<i64: 1, 64>}, {transform_indices = @transform_4, window_bounds = array<i64: 512, 64>}, {transform_indices = @transform_5, window_bounds = array<i64: 2, 512>}, {pipeline_mode = #tpu.pipeline_mode<synchronous>, transform_indices = @transform_6, window_bounds = array<i64: 1, 2>}]} {
    %get3A = arith.constant 0 : index
    %get3A_0 = arith.constant 0 : index
    %get3A_1 = vector.load %arg1[%get3A, %get3A_0] : memref<512x128xf32, #tpu.memory_space<vmem>>, vector<512x128xf32>
    %get3A_2 = arith.constant 0 : index
    %get3A_3 = arith.constant 0 : index
    %get3A_4 = vector.load %arg2[%get3A_2, %get3A_3] : memref<128x64xf32, #tpu.memory_space<vmem>>, vector<128x64xf32>
    %dot_general3A = arith.constant dense<0.000000e+00> : vector<512x64xf32>
    %dot_general3A_5 = tpu.matmul %get3A_1, %get3A_4, %dot_general3A {dimension_numbers = #tpu.dot_dimension_numbers<[1], [0], [0], [1], [0, 0, 1, 1], [], []>, transpose_lhs_hint = false} : vector<512x128xf32>, vector<128x64xf32>, vector<512x64xf32> -> vector<512x64xf32>
    %swap3A = arith.constant 0 : index
    %swap3A_6 = arith.constant 0 : index
    %swap3A_7 = vector.load %arg5[%swap3A, %swap3A_6] : memref<512x64xf32, #tpu.memory_space<vmem>>, vector<512x64xf32>
    tpu.vector_store %arg5[%swap3A, %swap3A_6], %dot_general3A_5 {strides = array<i32>} : memref<512x64xf32, #tpu.memory_space<vmem>>, vector<512x64xf32>,
    %get3A_8 = arith.constant 0 : index
    %get3A_9 = arith.constant 0 : index
    %get3A_10 = vector.load %arg3[%get3A_8, %get3A_9] : memref<1x64xf32, #tpu.memory_space<vmem>>, vector<1x64xf32>
    %mul3A = vector.broadcast %get3A_10 : vector<1x64xf32> to vector<512x64xf32>
    %mul3A_11 = arith.mulf %dot_general3A_5, %mul3A : vector<512x64xf32>
    %reduce_sum3A = arith.constant dense<0.000000e+00> : vector<512xf32>
    %reduce_sum3A_12 = vector.multi_reduction <add>, %mul3A_11, %reduce_sum3A [1] : vector<512x64xf32> to vector<512xf32>
    %get3A_13 = arith.constant 0 : index
    %get3A_14 = arith.constant 0 : index
    %get3A_15 = vector.load %arg4[%get3A_13, %get3A_14] : memref<1x64xf32, #tpu.memory_space<vmem>>, vector<1x64xf32>
    %mul3A_16 = vector.broadcast %get3A_15 : vector<1x64xf32> to vector<512x64xf32>
    %mul3A_17 = arith.mulf %dot_general3A_5, %mul3A_16 : vector<512x64xf32>
    %reduce_sum3A_18 = arith.constant dense<0.000000e+00> : vector<512xf32>
    %reduce_sum3A_19 = vector.multi_reduction <add>, %mul3A_17, %reduce_sum3A_18 [1] : vector<512x64xf32> to vector<512xf32>
    %broadcast_in_dim3A = vector.shape_cast %reduce_sum3A_12 : vector<512xf32> to vector<1x512xf32>
    %broadcast_in_dim3A_20 = vector.shape_cast %reduce_sum3A_19 : vector<512xf32> to vector<1x512xf32>
    %concatenate3A = tpu.concatenate %broadcast_in_dim3A, %broadcast_in_dim3A_20 in 0 : vector<1x512xf32>, vector<1x512xf32> -> vector<2x512xf32>
    %swap3A_21 = arith.constant 0 : index
    %swap3A_22 = arith.constant 0 : index
    %swap3A_23 = vector.load %arg6[%swap3A_21, %swap3A_22] : memref<2x512xf32, #tpu.memory_space<vmem>>, vector<2x512xf32>
    tpu.vector_store %arg6[%swap3A_21, %swap3A_22], %concatenate3A {strides = array<i32>} : memref<2x512xf32, #tpu.memory_space<vmem>>, vector<2x512xf32>,
    %iota3A = tpu.iota {dimensions = array<i32: 1>} : vector<1x512xi32>
    %iota3A_24 = vector.shape_cast %iota3A : vector<1x512xi32> to vector<512xi32>
    %mul3A_25 = arith.constant 512 : i32
    %mul3A_26 = arith.muli %arg0, %mul3A_25 : i32
    %add3A = vector.broadcast %mul3A_26 : i32 to vector<512xi32>
    %add3A_27 = arith.addi %iota3A_24, %add3A : vector<512xi32>
    %lt3A = arith.constant 10000 : i32
    %lt3A_28 = vector.broadcast %lt3A : i32 to vector<512xi32>
    %lt3A_29 = arith.cmpi slt, %add3A_27, %lt3A_28 : vector<512xi32>
    %jit3A = arith.constant -1.000000e+30 : f32
    %broadcast_in_dim3A_30 = vector.broadcast %jit3A : f32 to vector<512xf32>
    %select_n3A = arith.select %lt3A_29, %reduce_sum3A_12, %broadcast_in_dim3A_30 : vector<512xi1>, vector<512xf32>
    %reduce_max3A = vector.shape_cast %select_n3A : vector<512xf32> to vector<1x512xf32>
    %reduce_max3A_31 = arith.constant dense<0xFF800000> : vector<1xf32>
    %reduce_max3A_32 = vector.multi_reduction <maximumf>, %reduce_max3A, %reduce_max3A_31 [1] : vector<1x512xf32> to vector<1xf32>
    %reduce_max3A_33 = vector.shape_cast %reduce_max3A_32 : vector<1xf32> to vector<1x1xf32>
    %reduce_max3A_34 = vector.extract %reduce_max3A_33[0, 0] : f32 from vector<1x1xf32>
    %reshape3A = vector.broadcast %reduce_max3A_34 : f32 to vector<1x1xf32>
    %jit3A_35 = arith.constant -1.000000e+30 : f32
    %broadcast_in_dim3A_36 = vector.broadcast %jit3A_35 : f32 to vector<512xf32>
    %select_n3A_37 = arith.select %lt3A_29, %reduce_sum3A_19, %broadcast_in_dim3A_36 : vector<512xi1>, vector<512xf32>
    %reduce_max3A_38 = vector.shape_cast %select_n3A_37 : vector<512xf32> to vector<1x512xf32>
    %reduce_max3A_39 = arith.constant dense<0xFF800000> : vector<1xf32>
    %reduce_max3A_40 = vector.multi_reduction <maximumf>, %reduce_max3A_38, %reduce_max3A_39 [1] : vector<1x512xf32> to vector<1xf32>
    %reduce_max3A_41 = vector.shape_cast %reduce_max3A_40 : vector<1xf32> to vector<1x1xf32>
    %reduce_max3A_42 = vector.extract %reduce_max3A_41[0, 0] : f32 from vector<1x1xf32>
    %reshape3A_43 = vector.broadcast %reduce_max3A_42 : f32 to vector<1x1xf32>
    %concatenate3A_44 = tpu.concatenate %reshape3A, %reshape3A_43 in 1 : vector<1x1xf32>, vector<1x1xf32> -> vector<1x2xf32>
    %eq3A = arith.constant 0 : i32
    %eq3A_45 = arith.cmpi eq, %arg0, %eq3A : i32
    %convert_element_type3A = arith.extui %eq3A_45 : i1 to i32
    %cond3A = arith.constant 0 : i32
    %cond3A_46 = arith.cmpi ne, %convert_element_type3A, %cond3A : i32
    scf.if %cond3A_46 {
      %swap3A_51 = arith.constant 0 : index
      %swap3A_52 = arith.constant 0 : index
      %swap3A_53 = vector.load %arg7[%swap3A_51, %swap3A_52] : memref<1x2xf32, #tpu.memory_space<vmem>>, vector<1x2xf32>
      tpu.vector_store %arg7[%swap3A_51, %swap3A_52], %concatenate3A_44 {strides = array<i32>} : memref<1x2xf32, #tpu.memory_space<vmem>>, vector<1x2xf32>,
    } else {
    }
    %gt3A = arith.constant 0 : i32
    %gt3A_47 = arith.cmpi sgt, %arg0, %gt3A : i32
    %convert_element_type3A_48 = arith.extui %gt3A_47 : i1 to i32
    %cond3A_49 = arith.constant 0 : i32
    %cond3A_50 = arith.cmpi ne, %convert_element_type3A_48, %cond3A_49 : i32
    scf.if %cond3A_50 {
      %get3A_51 = arith.constant 0 : index
      %get3A_52 = arith.constant 0 : index
      %get3A_53 = vector.load %arg7[%get3A_51, %get3A_52] : memref<1x2xf32, #tpu.memory_space<vmem>>, vector<1x2xf32>
      %max3A = arith.maximumf %get3A_53, %concatenate3A_44 : vector<1x2xf32>
      %swap3A_54 = arith.constant 0 : index
      %swap3A_55 = arith.constant 0 : index
      %swap3A_56 = vector.load %arg7[%swap3A_54, %swap3A_55] : memref<1x2xf32, #tpu.memory_space<vmem>>, vector<1x2xf32>
      tpu.vector_store %arg7[%swap3A_54, %swap3A_55], %max3A {strides = array<i32>} : memref<1x2xf32, #tpu.memory_space<vmem>>, vector<1x2xf32>,
    } else {
    }
    return
  }
  func.func @transform_0(%arg0: i32) -> (i32, i32) {
    %c0_i32 = arith.constant 0 : i32
    %c0_i32_0 = arith.constant 0 : i32
    return %arg0, %c0_i32 : i32, i32
  }
  func.func @transform_1(%arg0: i32) -> (i32, i32) {
    %c0_i32 = arith.constant 0 : i32
    %c0_i32_0 = arith.constant 0 : i32
    %c0_i32_1 = arith.constant 0 : i32
    return %c0_i32, %c0_i32_0 : i32, i32
  }
  func.func @transform_2(%arg0: i32) -> (i32, i32) {
    %c0_i32 = arith.constant 0 : i32
    %c0_i32_0 = arith.constant 0 : i32
    %c0_i32_1 = arith.constant 0 : i32
    return %c0_i32, %c0_i32_0 : i32, i32
  }
  func.func @transform_3(%arg0: i32) -> (i32, i32) {
    %c0_i32 = arith.constant 0 : i32
    %c0_i32_0 = arith.constant 0 : i32
    %c0_i32_1 = arith.constant 0 : i32
    return %c0_i32, %c0_i32_0 : i32, i32
  }
  func.func @transform_4(%arg0: i32) -> (i32, i32) {
    %c0_i32 = arith.constant 0 : i32
    %c0_i32_0 = arith.constant 0 : i32
    return %arg0, %c0_i32 : i32, i32
  }
  func.func @transform_5(%arg0: i32) -> (i32, i32) {
    %c0_i32 = arith.constant 0 : i32
    %c0_i32_0 = arith.constant 0 : i32
    return %c0_i32, %arg0 : i32, i32
  }
  func.func @transform_6(%arg0: i32) -> (i32, i32) {
    %c0_i32 = arith.constant 0 : i32
    %c0_i32_0 = arith.constant 0 : i32
    %c0_i32_1 = arith.constant 0 : i32
    return %c0_i32, %c0_i32_0 : i32, i32
  }
}

module attributes {stable_mosaic.version = 14 : i64} {
  func.func @_edge_b_body(%arg0: i32, %arg1: memref<4x2560xf32, #tpu.memory_space<vmem>>, %arg2: memref<4x64xf32, #tpu.memory_space<vmem>>, %arg3: memref<1x64xf32, #tpu.memory_space<vmem>>, %arg4: memref<1x2560xf32, #tpu.memory_space<vmem>>, %arg5: memref<1x1xf32, #tpu.memory_space<vmem>>) attributes {dimension_semantics = [#tpu.dimension_semantics<arbitrary>], iteration_bounds = array<i64: 125>, scalar_prefetch = 0 : i64, scratch_operands = 0 : i64, tpu.core_type = #tpu.core_type<tc>, window_params = [{transform_indices = @transform_0, window_bounds = array<i64: 4, 2560>}, {pipeline_mode = #tpu.pipeline_mode<synchronous>, transform_indices = @transform_1, window_bounds = array<i64: 4, 64>}, {pipeline_mode = #tpu.pipeline_mode<synchronous>, transform_indices = @transform_2, window_bounds = array<i64: 1, 64>}, {transform_indices = @transform_3, window_bounds = array<i64: 1, 2560>}, {pipeline_mode = #tpu.pipeline_mode<synchronous>, transform_indices = @transform_4, window_bounds = array<i64: 1, 1>}]} {
    %get3A = arith.constant 0 : index
    %get3A_0 = arith.constant 0 : index
    %get3A_1 = vector.load %arg2[%get3A, %get3A_0] : memref<4x64xf32, #tpu.memory_space<vmem>>, vector<4x64xf32>
    %get3A_2 = arith.constant 0 : index
    %get3A_3 = arith.constant 0 : index
    %get3A_4 = vector.load %arg3[%get3A_2, %get3A_3] : memref<1x64xf32, #tpu.memory_space<vmem>>, vector<1x64xf32>
    %transpose3A = tpu.transpose %get3A_4, [1, 0] : vector<1x64xf32> -> vector<64x1xf32>
    %dot_general3A = arith.constant dense<0.000000e+00> : vector<4x1xf32>
    %dot_general3A_5 = tpu.matmul %get3A_1, %transpose3A, %dot_general3A {dimension_numbers = #tpu.dot_dimension_numbers<[1], [0], [0], [1], [0, 0, 1, 1], [], []>, transpose_lhs_hint = false} : vector<4x64xf32>, vector<64x1xf32>, vector<4x1xf32> -> vector<4x1xf32>
    %get3A_6 = arith.constant 0 : index
    %get3A_7 = arith.constant 0 : index
    %get3A_8 = vector.load %arg1[%get3A_6, %get3A_7] : memref<4x2560xf32, #tpu.memory_space<vmem>>, vector<4x2560xf32>
    %mul3A = vector.broadcast %dot_general3A_5 : vector<4x1xf32> to vector<4x2560xf32>
    %mul3A_9 = arith.mulf %get3A_8, %mul3A : vector<4x2560xf32>
    %reduce_sum3A = arith.constant dense<0.000000e+00> : vector<2560xf32>
    %reduce_sum3A_10 = vector.multi_reduction <add>, %mul3A_9, %reduce_sum3A [0] : vector<4x2560xf32> to vector<2560xf32>
    %broadcast_in_dim3A = vector.shape_cast %reduce_sum3A_10 : vector<2560xf32> to vector<1x2560xf32>
    %swap3A = arith.constant 0 : index
    %swap3A_11 = arith.constant 0 : index
    %swap3A_12 = vector.load %arg4[%swap3A, %swap3A_11] : memref<1x2560xf32, #tpu.memory_space<vmem>>, vector<1x2560xf32>
    tpu.vector_store %arg4[%swap3A, %swap3A_11], %broadcast_in_dim3A {strides = array<i32>} : memref<1x2560xf32, #tpu.memory_space<vmem>>, vector<1x2560xf32>,
    %reduce_max3A = vector.shape_cast %broadcast_in_dim3A : vector<1x2560xf32> to vector<1x1x2560xf32>
    %reduce_max3A_13 = arith.constant dense<0xFF800000> : vector<1xf32>
    %reduce_max3A_14 = vector.multi_reduction <maximumf>, %reduce_max3A, %reduce_max3A_13 [1, 2] : vector<1x1x2560xf32> to vector<1xf32>
    %reduce_max3A_15 = vector.shape_cast %reduce_max3A_14 : vector<1xf32> to vector<1x1x1xf32>
    %reduce_max3A_16 = vector.extract %reduce_max3A_15[0, 0, 0] : f32 from vector<1x1x1xf32>
    %reshape3A = vector.broadcast %reduce_max3A_16 : f32 to vector<1x1xf32>
    %eq3A = arith.constant 0 : i32
    %eq3A_17 = arith.cmpi eq, %arg0, %eq3A : i32
    %convert_element_type3A = arith.extui %eq3A_17 : i1 to i32
    %cond3A = arith.constant 0 : i32
    %cond3A_18 = arith.cmpi ne, %convert_element_type3A, %cond3A : i32
    scf.if %cond3A_18 {
      %swap3A_23 = arith.constant 0 : index
      %swap3A_24 = arith.constant 0 : index
      %swap3A_25 = vector.load %arg5[%swap3A_23, %swap3A_24] : memref<1x1xf32, #tpu.memory_space<vmem>>, vector<1x1xf32>
      tpu.vector_store %arg5[%swap3A_23, %swap3A_24], %reshape3A {strides = array<i32>} : memref<1x1xf32, #tpu.memory_space<vmem>>, vector<1x1xf32>,
    } else {
    }
    %gt3A = arith.constant 0 : i32
    %gt3A_19 = arith.cmpi sgt, %arg0, %gt3A : i32
    %convert_element_type3A_20 = arith.extui %gt3A_19 : i1 to i32
    %cond3A_21 = arith.constant 0 : i32
    %cond3A_22 = arith.cmpi ne, %convert_element_type3A_20, %cond3A_21 : i32
    scf.if %cond3A_22 {
      %get3A_23 = arith.constant 0 : index
      %get3A_24 = arith.constant 0 : index
      %get3A_25 = vector.load %arg5[%get3A_23, %get3A_24] : memref<1x1xf32, #tpu.memory_space<vmem>>, vector<1x1xf32>
      %max3A = arith.maximumf %get3A_25, %reshape3A : vector<1x1xf32>
      %swap3A_26 = arith.constant 0 : index
      %swap3A_27 = arith.constant 0 : index
      %swap3A_28 = vector.load %arg5[%swap3A_26, %swap3A_27] : memref<1x1xf32, #tpu.memory_space<vmem>>, vector<1x1xf32>
      tpu.vector_store %arg5[%swap3A_26, %swap3A_27], %max3A {strides = array<i32>} : memref<1x1xf32, #tpu.memory_space<vmem>>, vector<1x1xf32>,
    } else {
    }
    return
  }
  func.func @transform_0(%arg0: i32) -> (i32, i32) {
    %c0_i32 = arith.constant 0 : i32
    %c0_i32_0 = arith.constant 0 : i32
    return %c0_i32, %arg0 : i32, i32
  }
  func.func @transform_1(%arg0: i32) -> (i32, i32) {
    %c0_i32 = arith.constant 0 : i32
    %c0_i32_0 = arith.constant 0 : i32
    %c0_i32_1 = arith.constant 0 : i32
    return %c0_i32, %c0_i32_0 : i32, i32
  }
  func.func @transform_2(%arg0: i32) -> (i32, i32) {
    %c0_i32 = arith.constant 0 : i32
    %c0_i32_0 = arith.constant 0 : i32
    %c0_i32_1 = arith.constant 0 : i32
    return %c0_i32, %c0_i32_0 : i32, i32
  }
  func.func @transform_3(%arg0: i32) -> (i32, i32) {
    %c0_i32 = arith.constant 0 : i32
    %c0_i32_0 = arith.constant 0 : i32
    return %c0_i32, %arg0 : i32, i32
  }
  func.func @transform_4(%arg0: i32) -> (i32, i32) {
    %c0_i32 = arith.constant 0 : i32
    %c0_i32_0 = arith.constant 0 : i32
    %c0_i32_1 = arith.constant 0 : i32
    return %c0_i32, %c0_i32_0 : i32, i32
  }
}

module attributes {stable_mosaic.version = 14 : i64} {
  func.func @_loop_b_body(%arg0: i32, %arg1: memref<2x512x8xf32, #tpu.memory_space<vmem>>, %arg2: memref<4x64xf32, #tpu.memory_space<vmem>>, %arg3: memref<1x64xf32, #tpu.memory_space<vmem>>, %arg4: memref<1x512xf32, #tpu.memory_space<vmem>>, %arg5: memref<1x1xf32, #tpu.memory_space<vmem>>) attributes {dimension_semantics = [#tpu.dimension_semantics<arbitrary>], iteration_bounds = array<i64: 20>, scalar_prefetch = 0 : i64, scratch_operands = 0 : i64, tpu.core_type = #tpu.core_type<tc>, window_params = [{transform_indices = @transform_0, window_bounds = array<i64: 2, 512, 8>}, {pipeline_mode = #tpu.pipeline_mode<synchronous>, transform_indices = @transform_1, window_bounds = array<i64: 4, 64>}, {pipeline_mode = #tpu.pipeline_mode<synchronous>, transform_indices = @transform_2, window_bounds = array<i64: 1, 64>}, {transform_indices = @transform_3, window_bounds = array<i64: 1, 512>}, {pipeline_mode = #tpu.pipeline_mode<synchronous>, transform_indices = @transform_4, window_bounds = array<i64: 1, 1>}]} {
    %get3A = arith.constant 0 : index
    %get3A_0 = arith.constant 0 : index
    %get3A_1 = vector.load %arg2[%get3A, %get3A_0] : memref<4x64xf32, #tpu.memory_space<vmem>>, vector<4x64xf32>
    %get3A_2 = arith.constant 0 : index
    %get3A_3 = arith.constant 0 : index
    %get3A_4 = vector.load %arg3[%get3A_2, %get3A_3] : memref<1x64xf32, #tpu.memory_space<vmem>>, vector<1x64xf32>
    %transpose3A = tpu.transpose %get3A_4, [1, 0] : vector<1x64xf32> -> vector<64x1xf32>
    %dot_general3A = arith.constant dense<0.000000e+00> : vector<4x1xf32>
    %dot_general3A_5 = tpu.matmul %get3A_1, %transpose3A, %dot_general3A {dimension_numbers = #tpu.dot_dimension_numbers<[1], [0], [0], [1], [0, 0, 1, 1], [], []>, transpose_lhs_hint = false} : vector<4x64xf32>, vector<64x1xf32>, vector<4x1xf32> -> vector<4x1xf32>
    %get3A_6 = arith.constant 0 : index
    %get3A_7 = arith.constant 0 : index
    %get3A_8 = arith.constant 0 : index
    %get3A_9 = vector.load %arg1[%get3A_6, %get3A_7, %get3A_8] : memref<2x512x8xf32, #tpu.memory_space<vmem>>, vector<1x512x8xf32>
    %get3A_10 = vector.shape_cast %get3A_9 : vector<1x512x8xf32> to vector<512x8xf32>
    %get3A_11 = arith.constant 1 : index
    %get3A_12 = arith.constant 0 : index
    %get3A_13 = arith.constant 0 : index
    %get3A_14 = vector.load %arg1[%get3A_11, %get3A_12, %get3A_13] : memref<2x512x8xf32, #tpu.memory_space<vmem>>, vector<1x512x8xf32>
    %get3A_15 = vector.shape_cast %get3A_14 : vector<1x512x8xf32> to vector<512x8xf32>
    %add3A = arith.addf %get3A_10, %get3A_15 : vector<512x8xf32>
    %slice3A = vector.extract_strided_slice %add3A {offsets = [0, 0], sizes = [512, 4], strides = [1, 1]} : vector<512x8xf32> to vector<512x4xf32>
    %squeeze3A = vector.shape_cast %dot_general3A_5 : vector<4x1xf32> to vector<4xf32>
    %reshape3A = vector.shape_cast %squeeze3A : vector<4xf32> to vector<1x4xf32>
    %mul3A = vector.broadcast %reshape3A : vector<1x4xf32> to vector<512x4xf32>
    %mul3A_16 = arith.mulf %slice3A, %mul3A : vector<512x4xf32>
    %reduce_sum3A = arith.constant dense<0.000000e+00> : vector<512xf32>
    %reduce_sum3A_17 = vector.multi_reduction <add>, %mul3A_16, %reduce_sum3A [1] : vector<512x4xf32> to vector<512xf32>
    %slice3A_18 = vector.extract_strided_slice %add3A {offsets = [0, 4], sizes = [512, 1], strides = [1, 1]} : vector<512x8xf32> to vector<512x1xf32>
    %squeeze3A_19 = vector.shape_cast %slice3A_18 : vector<512x1xf32> to vector<512xf32>
    %max3A = arith.constant 1.000000e+00 : f32
    %max3A_20 = vector.broadcast %max3A : f32 to vector<512xf32>
    %max3A_21 = arith.maximumf %squeeze3A_19, %max3A_20 : vector<512xf32>
    %div3A = arith.divf %reduce_sum3A_17, %max3A_21 : vector<512xf32>
    %broadcast_in_dim3A = vector.shape_cast %div3A : vector<512xf32> to vector<1x512xf32>
    %swap3A = arith.constant 0 : index
    %swap3A_22 = arith.constant 0 : index
    %swap3A_23 = vector.load %arg4[%swap3A, %swap3A_22] : memref<1x512xf32, #tpu.memory_space<vmem>>, vector<1x512xf32>
    tpu.vector_store %arg4[%swap3A, %swap3A_22], %broadcast_in_dim3A {strides = array<i32>} : memref<1x512xf32, #tpu.memory_space<vmem>>, vector<1x512xf32>,
    %reduce_max3A = vector.shape_cast %broadcast_in_dim3A : vector<1x512xf32> to vector<1x1x512xf32>
    %reduce_max3A_24 = arith.constant dense<0xFF800000> : vector<1xf32>
    %reduce_max3A_25 = vector.multi_reduction <maximumf>, %reduce_max3A, %reduce_max3A_24 [1, 2] : vector<1x1x512xf32> to vector<1xf32>
    %reduce_max3A_26 = vector.shape_cast %reduce_max3A_25 : vector<1xf32> to vector<1x1x1xf32>
    %reduce_max3A_27 = vector.extract %reduce_max3A_26[0, 0, 0] : f32 from vector<1x1x1xf32>
    %reshape3A_28 = vector.broadcast %reduce_max3A_27 : f32 to vector<1x1xf32>
    %eq3A = arith.constant 0 : i32
    %eq3A_29 = arith.cmpi eq, %arg0, %eq3A : i32
    %convert_element_type3A = arith.extui %eq3A_29 : i1 to i32
    %cond3A = arith.constant 0 : i32
    %cond3A_30 = arith.cmpi ne, %convert_element_type3A, %cond3A : i32
    scf.if %cond3A_30 {
      %swap3A_35 = arith.constant 0 : index
      %swap3A_36 = arith.constant 0 : index
      %swap3A_37 = vector.load %arg5[%swap3A_35, %swap3A_36] : memref<1x1xf32, #tpu.memory_space<vmem>>, vector<1x1xf32>
      tpu.vector_store %arg5[%swap3A_35, %swap3A_36], %reshape3A_28 {strides = array<i32>} : memref<1x1xf32, #tpu.memory_space<vmem>>, vector<1x1xf32>,
    } else {
    }
    %gt3A = arith.constant 0 : i32
    %gt3A_31 = arith.cmpi sgt, %arg0, %gt3A : i32
    %convert_element_type3A_32 = arith.extui %gt3A_31 : i1 to i32
    %cond3A_33 = arith.constant 0 : i32
    %cond3A_34 = arith.cmpi ne, %convert_element_type3A_32, %cond3A_33 : i32
    scf.if %cond3A_34 {
      %get3A_35 = arith.constant 0 : index
      %get3A_36 = arith.constant 0 : index
      %get3A_37 = vector.load %arg5[%get3A_35, %get3A_36] : memref<1x1xf32, #tpu.memory_space<vmem>>, vector<1x1xf32>
      %max3A_38 = arith.maximumf %get3A_37, %reshape3A_28 : vector<1x1xf32>
      %swap3A_39 = arith.constant 0 : index
      %swap3A_40 = arith.constant 0 : index
      %swap3A_41 = vector.load %arg5[%swap3A_39, %swap3A_40] : memref<1x1xf32, #tpu.memory_space<vmem>>, vector<1x1xf32>
      tpu.vector_store %arg5[%swap3A_39, %swap3A_40], %max3A_38 {strides = array<i32>} : memref<1x1xf32, #tpu.memory_space<vmem>>, vector<1x1xf32>,
    } else {
    }
    return
  }
  func.func @transform_0(%arg0: i32) -> (i32, i32, i32) {
    %c0_i32 = arith.constant 0 : i32
    %c0_i32_0 = arith.constant 0 : i32
    %c0_i32_1 = arith.constant 0 : i32
    return %c0_i32, %arg0, %c0_i32_0 : i32, i32, i32
  }
  func.func @transform_1(%arg0: i32) -> (i32, i32) {
    %c0_i32 = arith.constant 0 : i32
    %c0_i32_0 = arith.constant 0 : i32
    %c0_i32_1 = arith.constant 0 : i32
    return %c0_i32, %c0_i32_0 : i32, i32
  }
  func.func @transform_2(%arg0: i32) -> (i32, i32) {
    %c0_i32 = arith.constant 0 : i32
    %c0_i32_0 = arith.constant 0 : i32
    %c0_i32_1 = arith.constant 0 : i32
    return %c0_i32, %c0_i32_0 : i32, i32
  }
  func.func @transform_3(%arg0: i32) -> (i32, i32) {
    %c0_i32 = arith.constant 0 : i32
    %c0_i32_0 = arith.constant 0 : i32
    return %c0_i32, %arg0 : i32, i32
  }
  func.func @transform_4(%arg0: i32) -> (i32, i32) {
    %c0_i32 = arith.constant 0 : i32
    %c0_i32_0 = arith.constant 0 : i32
    %c0_i32_1 = arith.constant 0 : i32
    return %c0_i32, %c0_i32_0 : i32, i32
  }
}

module attributes {stable_mosaic.version = 14 : i64} {
  func.func @_rows8_ex_body(%arg0: i32, %arg1: memref<1x4096xf32, #tpu.memory_space<vmem>>, %arg2: memref<4096x8xf32, #tpu.memory_space<vmem>>) attributes {dimension_semantics = [#tpu.dimension_semantics<arbitrary>], iteration_bounds = array<i64: 82>, scalar_prefetch = 0 : i64, scratch_operands = 0 : i64, tpu.core_type = #tpu.core_type<tc>, window_params = [{transform_indices = @transform_0, window_bounds = array<i64: 1, 4096>}, {transform_indices = @transform_1, window_bounds = array<i64: 4096, 8>}]} {
    %get3A = arith.constant 0 : index
    %get3A_0 = arith.constant 0 : index
    %get3A_1 = vector.load %arg1[%get3A, %get3A_0] : memref<1x4096xf32, #tpu.memory_space<vmem>>, vector<1x4096xf32>
    %reshape3A = vector.shape_cast %get3A_1 : vector<1x4096xf32> to vector<4096x1xf32>
    %broadcast_in_dim3A = arith.constant 0.000000e+00 : f32
    %broadcast_in_dim3A_2 = vector.broadcast %broadcast_in_dim3A : f32 to vector<4096x7xf32>
    %concatenate3A = tpu.concatenate %reshape3A, %broadcast_in_dim3A_2 in 1 : vector<4096x1xf32>, vector<4096x7xf32> -> vector<4096x8xf32>
    %swap3A = arith.constant 0 : index
    %swap3A_3 = arith.constant 0 : index
    %swap3A_4 = vector.load %arg2[%swap3A, %swap3A_3] : memref<4096x8xf32, #tpu.memory_space<vmem>>, vector<4096x8xf32>
    tpu.vector_store %arg2[%swap3A, %swap3A_3], %concatenate3A {strides = array<i32>} : memref<4096x8xf32, #tpu.memory_space<vmem>>, vector<4096x8xf32>,
    return
  }
  func.func @transform_0(%arg0: i32) -> (i32, i32) {
    %c0_i32 = arith.constant 0 : i32
    %c0_i32_0 = arith.constant 0 : i32
    return %c0_i32, %arg0 : i32, i32
  }
  func.func @transform_1(%arg0: i32) -> (i32, i32) {
    %c0_i32 = arith.constant 0 : i32
    %c0_i32_0 = arith.constant 0 : i32
    return %arg0, %c0_i32 : i32, i32
  }
}

module attributes {stable_mosaic.version = 14 : i64} {
  func.func @_combine_body(%arg0: i32, %arg1: memref<2x512x64xf32, #tpu.memory_space<vmem>>, %arg2: memref<2x512x8xf32, #tpu.memory_space<vmem>>, %arg3: memref<1x64xf32, #tpu.memory_space<vmem>>, %arg4: memref<1x64xf32, #tpu.memory_space<vmem>>, %arg5: memref<1x64xf32, #tpu.memory_space<vmem>>, %arg6: memref<1x64xf32, #tpu.memory_space<vmem>>, %arg7: memref<1x64xf32, #tpu.memory_space<vmem>>, %arg8: memref<512x64xf32, #tpu.memory_space<vmem>>) attributes {dimension_semantics = [#tpu.dimension_semantics<arbitrary>], iteration_bounds = array<i64: 20>, scalar_prefetch = 0 : i64, scratch_operands = 0 : i64, tpu.core_type = #tpu.core_type<tc>, window_params = [{transform_indices = @transform_0, window_bounds = array<i64: 2, 512, 64>}, {transform_indices = @transform_1, window_bounds = array<i64: 2, 512, 8>}, {pipeline_mode = #tpu.pipeline_mode<synchronous>, transform_indices = @transform_2, window_bounds = array<i64: 1, 64>}, {pipeline_mode = #tpu.pipeline_mode<synchronous>, transform_indices = @transform_3, window_bounds = array<i64: 1, 64>}, {pipeline_mode = #tpu.pipeline_mode<synchronous>, transform_indices = @transform_4, window_bounds = array<i64: 1, 64>}, {pipeline_mode = #tpu.pipeline_mode<synchronous>, transform_indices = @transform_5, window_bounds = array<i64: 1, 64>}, {pipeline_mode = #tpu.pipeline_mode<synchronous>, transform_indices = @transform_6, window_bounds = array<i64: 1, 64>}, {transform_indices = @transform_7, window_bounds = array<i64: 512, 64>}]} {
    %get3A = arith.constant 0 : index
    %get3A_0 = arith.constant 0 : index
    %get3A_1 = arith.constant 0 : index
    %get3A_2 = vector.load %arg1[%get3A, %get3A_0, %get3A_1] : memref<2x512x64xf32, #tpu.memory_space<vmem>>, vector<1x512x64xf32>
    %get3A_3 = vector.shape_cast %get3A_2 : vector<1x512x64xf32> to vector<512x64xf32>
    %get3A_4 = arith.constant 1 : index
    %get3A_5 = arith.constant 0 : index
    %get3A_6 = arith.constant 0 : index
    %get3A_7 = vector.load %arg1[%get3A_4, %get3A_5, %get3A_6] : memref<2x512x64xf32, #tpu.memory_space<vmem>>, vector<1x512x64xf32>
    %get3A_8 = vector.shape_cast %get3A_7 : vector<1x512x64xf32> to vector<512x64xf32>
    %add3A = arith.addf %get3A_3, %get3A_8 : vector<512x64xf32>
    %get3A_9 = arith.constant 0 : index
    %get3A_10 = arith.constant 0 : index
    %get3A_11 = arith.constant 0 : index
    %get3A_12 = vector.load %arg2[%get3A_9, %get3A_10, %get3A_11] : memref<2x512x8xf32, #tpu.memory_space<vmem>>, vector<1x512x1xf32>
    %get3A_13 = vector.shape_cast %get3A_12 : vector<1x512x1xf32> to vector<512x1xf32>
    %get3A_14 = arith.constant 1 : index
    %get3A_15 = arith.constant 0 : index
    %get3A_16 = arith.constant 0 : index
    %get3A_17 = vector.load %arg2[%get3A_14, %get3A_15, %get3A_16] : memref<2x512x8xf32, #tpu.memory_space<vmem>>, vector<1x512x1xf32>
    %get3A_18 = vector.shape_cast %get3A_17 : vector<1x512x1xf32> to vector<512x1xf32>
    %add3A_19 = arith.addf %get3A_13, %get3A_18 : vector<512x1xf32>
    %add3A_20 = arith.constant 1.000000e-16 : f32
    %add3A_21 = vector.broadcast %add3A_20 : f32 to vector<512x1xf32>
    %add3A_22 = arith.addf %add3A_19, %add3A_21 : vector<512x1xf32>
    %div3A = vector.broadcast %add3A_22 : vector<512x1xf32> to vector<512x64xf32>
    %div3A_23 = arith.divf %add3A, %div3A : vector<512x64xf32>
    %get3A_24 = arith.constant 0 : index
    %get3A_25 = arith.constant 0 : index
    %get3A_26 = vector.load %arg3[%get3A_24, %get3A_25] : memref<1x64xf32, #tpu.memory_space<vmem>>, vector<1x64xf32>
    %add3A_27 = vector.broadcast %get3A_26 : vector<1x64xf32> to vector<512x64xf32>
    %add3A_28 = arith.addf %div3A_23, %add3A_27 : vector<512x64xf32>
    %get3A_29 = arith.constant 0 : index
    %get3A_30 = arith.constant 0 : index
    %get3A_31 = vector.load %arg4[%get3A_29, %get3A_30] : memref<1x64xf32, #tpu.memory_space<vmem>>, vector<1x64xf32>
    %get3A_32 = arith.constant 0 : index
    %get3A_33 = arith.constant 0 : index
    %get3A_34 = vector.load %arg7[%get3A_32, %get3A_33] : memref<1x64xf32, #tpu.memory_space<vmem>>, vector<1x64xf32>
    %add3A_35 = arith.constant 9.99999974E-6 : f32
    %add3A_36 = vector.broadcast %add3A_35 : f32 to vector<1x64xf32>
    %add3A_37 = arith.addf %get3A_34, %add3A_36 : vector<1x64xf32>
    %rsqrt3A = math.rsqrt %add3A_37 : vector<1x64xf32>
    %mul3A = arith.mulf %get3A_31, %rsqrt3A : vector<1x64xf32>
    %get3A_38 = arith.constant 0 : index
    %get3A_39 = arith.constant 0 : index
    %get3A_40 = vector.load %arg6[%get3A_38, %get3A_39] : memref<1x64xf32, #tpu.memory_space<vmem>>, vector<1x64xf32>
    %sub3A = vector.broadcast %get3A_40 : vector<1x64xf32> to vector<512x64xf32>
    %sub3A_41 = arith.subf %add3A_28, %sub3A : vector<512x64xf32>
    %mul3A_42 = vector.broadcast %mul3A : vector<1x64xf32> to vector<512x64xf32>
    %mul3A_43 = arith.mulf %mul3A_42, %sub3A_41 : vector<512x64xf32>
    %get3A_44 = arith.constant 0 : index
    %get3A_45 = arith.constant 0 : index
    %get3A_46 = vector.load %arg5[%get3A_44, %get3A_45] : memref<1x64xf32, #tpu.memory_space<vmem>>, vector<1x64xf32>
    %add3A_47 = vector.broadcast %get3A_46 : vector<1x64xf32> to vector<512x64xf32>
    %add3A_48 = arith.addf %mul3A_43, %add3A_47 : vector<512x64xf32>
    %iota3A = tpu.iota {dimensions = array<i32: 0>} : vector<512x1xi32>
    %mul3A_49 = arith.constant 512 : i32
    %mul3A_50 = arith.muli %arg0, %mul3A_49 : i32
    %add3A_51 = vector.broadcast %mul3A_50 : i32 to vector<512x1xi32>
    %add3A_52 = arith.addi %iota3A, %add3A_51 : vector<512x1xi32>
    %lt3A = arith.constant 10000 : i32
    %lt3A_53 = vector.broadcast %lt3A : i32 to vector<512x1xi32>
    %lt3A_54 = arith.cmpi slt, %add3A_52, %lt3A_53 : vector<512x1xi32>
    %max3A = arith.constant 0.000000e+00 : f32
    %max3A_55 = vector.broadcast %max3A : f32 to vector<512x64xf32>
    %max3A_56 = arith.maximumf %add3A_48, %max3A_55 : vector<512x64xf32>
    %jit3A = arith.constant 0.000000e+00 : f32
    %broadcast_in_dim3A = vector.shape_cast %lt3A_54 : vector<512x1xi1> to vector<512x1xi1>
    %broadcast_in_dim3A_57 = vector.broadcast %broadcast_in_dim3A : vector<512x1xi1> to vector<512x64xi1>
    %broadcast_in_dim3A_58 = vector.broadcast %jit3A : f32 to vector<512x64xf32>
    %select_n3A = arith.select %broadcast_in_dim3A_57, %max3A_56, %broadcast_in_dim3A_58 : vector<512x64xi1>, vector<512x64xf32>
    %swap3A = arith.constant 0 : index
    %swap3A_59 = arith.constant 0 : index
    %swap3A_60 = vector.load %arg8[%swap3A, %swap3A_59] : memref<512x64xf32, #tpu.memory_space<vmem>>, vector<512x64xf32>
    tpu.vector_store %arg8[%swap3A, %swap3A_59], %select_n3A {strides = array<i32>} : memref<512x64xf32, #tpu.memory_space<vmem>>, vector<512x64xf32>,
    return
  }
  func.func @transform_0(%arg0: i32) -> (i32, i32, i32) {
    %c0_i32 = arith.constant 0 : i32
    %c0_i32_0 = arith.constant 0 : i32
    %c0_i32_1 = arith.constant 0 : i32
    return %c0_i32, %arg0, %c0_i32_0 : i32, i32, i32
  }
  func.func @transform_1(%arg0: i32) -> (i32, i32, i32) {
    %c0_i32 = arith.constant 0 : i32
    %c0_i32_0 = arith.constant 0 : i32
    %c0_i32_1 = arith.constant 0 : i32
    return %c0_i32, %arg0, %c0_i32_0 : i32, i32, i32
  }
  func.func @transform_2(%arg0: i32) -> (i32, i32) {
    %c0_i32 = arith.constant 0 : i32
    %c0_i32_0 = arith.constant 0 : i32
    %c0_i32_1 = arith.constant 0 : i32
    return %c0_i32, %c0_i32_0 : i32, i32
  }
  func.func @transform_3(%arg0: i32) -> (i32, i32) {
    %c0_i32 = arith.constant 0 : i32
    %c0_i32_0 = arith.constant 0 : i32
    %c0_i32_1 = arith.constant 0 : i32
    return %c0_i32, %c0_i32_0 : i32, i32
  }
  func.func @transform_4(%arg0: i32) -> (i32, i32) {
    %c0_i32 = arith.constant 0 : i32
    %c0_i32_0 = arith.constant 0 : i32
    %c0_i32_1 = arith.constant 0 : i32
    return %c0_i32, %c0_i32_0 : i32, i32
  }
  func.func @transform_5(%arg0: i32) -> (i32, i32) {
    %c0_i32 = arith.constant 0 : i32
    %c0_i32_0 = arith.constant 0 : i32
    %c0_i32_1 = arith.constant 0 : i32
    return %c0_i32, %c0_i32_0 : i32, i32
  }
  func.func @transform_6(%arg0: i32) -> (i32, i32) {
    %c0_i32 = arith.constant 0 : i32
    %c0_i32_0 = arith.constant 0 : i32
    %c0_i32_1 = arith.constant 0 : i32
    return %c0_i32, %c0_i32_0 : i32, i32
  }
  func.func @transform_7(%arg0: i32) -> (i32, i32) {
    %c0_i32 = arith.constant 0 : i32
    %c0_i32_0 = arith.constant 0 : i32
    return %arg0, %c0_i32 : i32, i32
  }
}

module attributes {stable_mosaic.version = 14 : i64} {
  func.func @_layer_prep_body(%arg0: i32, %arg1: memref<512x64xf32, #tpu.memory_space<vmem>>, %arg2: memref<64x64xf32, #tpu.memory_space<vmem>>, %arg3: memref<1x64xf32, #tpu.memory_space<vmem>>, %arg4: memref<1x64xf32, #tpu.memory_space<vmem>>, %arg5: memref<512x64xf32, #tpu.memory_space<vmem>>, %arg6: memref<2x512xf32, #tpu.memory_space<vmem>>, %arg7: memref<1x2xf32, #tpu.memory_space<vmem>>) attributes {dimension_semantics = [#tpu.dimension_semantics<arbitrary>], iteration_bounds = array<i64: 20>, scalar_prefetch = 0 : i64, scratch_operands = 0 : i64, tpu.core_type = #tpu.core_type<tc>, window_params = [{transform_indices = @transform_0, window_bounds = array<i64: 512, 64>}, {pipeline_mode = #tpu.pipeline_mode<synchronous>, transform_indices = @transform_1, window_bounds = array<i64: 64, 64>}, {pipeline_mode = #tpu.pipeline_mode<synchronous>, transform_indices = @transform_2, window_bounds = array<i64: 1, 64>}, {pipeline_mode = #tpu.pipeline_mode<synchronous>, transform_indices = @transform_3, window_bounds = array<i64: 1, 64>}, {transform_indices = @transform_4, window_bounds = array<i64: 512, 64>}, {transform_indices = @transform_5, window_bounds = array<i64: 2, 512>}, {pipeline_mode = #tpu.pipeline_mode<synchronous>, transform_indices = @transform_6, window_bounds = array<i64: 1, 2>}]} {
    %get3A = arith.constant 0 : index
    %get3A_0 = arith.constant 0 : index
    %get3A_1 = vector.load %arg1[%get3A, %get3A_0] : memref<512x64xf32, #tpu.memory_space<vmem>>, vector<512x64xf32>
    %get3A_2 = arith.constant 0 : index
    %get3A_3 = arith.constant 0 : index
    %get3A_4 = vector.load %arg2[%get3A_2, %get3A_3] : memref<64x64xf32, #tpu.memory_space<vmem>>, vector<64x64xf32>
    %dot_general3A = arith.constant dense<0.000000e+00> : vector<512x64xf32>
    %dot_general3A_5 = tpu.matmul %get3A_1, %get3A_4, %dot_general3A {dimension_numbers = #tpu.dot_dimension_numbers<[1], [0], [0], [1], [0, 0, 1, 1], [], []>, transpose_lhs_hint = false} : vector<512x64xf32>, vector<64x64xf32>, vector<512x64xf32> -> vector<512x64xf32>
    %swap3A = arith.constant 0 : index
    %swap3A_6 = arith.constant 0 : index
    %swap3A_7 = vector.load %arg5[%swap3A, %swap3A_6] : memref<512x64xf32, #tpu.memory_space<vmem>>, vector<512x64xf32>
    tpu.vector_store %arg5[%swap3A, %swap3A_6], %dot_general3A_5 {strides = array<i32>} : memref<512x64xf32, #tpu.memory_space<vmem>>, vector<512x64xf32>,
    %get3A_8 = arith.constant 0 : index
    %get3A_9 = arith.constant 0 : index
    %get3A_10 = vector.load %arg3[%get3A_8, %get3A_9] : memref<1x64xf32, #tpu.memory_space<vmem>>, vector<1x64xf32>
    %mul3A = vector.broadcast %get3A_10 : vector<1x64xf32> to vector<512x64xf32>
    %mul3A_11 = arith.mulf %dot_general3A_5, %mul3A : vector<512x64xf32>
    %reduce_sum3A = arith.constant dense<0.000000e+00> : vector<512xf32>
    %reduce_sum3A_12 = vector.multi_reduction <add>, %mul3A_11, %reduce_sum3A [1] : vector<512x64xf32> to vector<512xf32>
    %get3A_13 = arith.constant 0 : index
    %get3A_14 = arith.constant 0 : index
    %get3A_15 = vector.load %arg4[%get3A_13, %get3A_14] : memref<1x64xf32, #tpu.memory_space<vmem>>, vector<1x64xf32>
    %mul3A_16 = vector.broadcast %get3A_15 : vector<1x64xf32> to vector<512x64xf32>
    %mul3A_17 = arith.mulf %dot_general3A_5, %mul3A_16 : vector<512x64xf32>
    %reduce_sum3A_18 = arith.constant dense<0.000000e+00> : vector<512xf32>
    %reduce_sum3A_19 = vector.multi_reduction <add>, %mul3A_17, %reduce_sum3A_18 [1] : vector<512x64xf32> to vector<512xf32>
    %broadcast_in_dim3A = vector.shape_cast %reduce_sum3A_12 : vector<512xf32> to vector<1x512xf32>
    %broadcast_in_dim3A_20 = vector.shape_cast %reduce_sum3A_19 : vector<512xf32> to vector<1x512xf32>
    %concatenate3A = tpu.concatenate %broadcast_in_dim3A, %broadcast_in_dim3A_20 in 0 : vector<1x512xf32>, vector<1x512xf32> -> vector<2x512xf32>
    %swap3A_21 = arith.constant 0 : index
    %swap3A_22 = arith.constant 0 : index
    %swap3A_23 = vector.load %arg6[%swap3A_21, %swap3A_22] : memref<2x512xf32, #tpu.memory_space<vmem>>, vector<2x512xf32>
    tpu.vector_store %arg6[%swap3A_21, %swap3A_22], %concatenate3A {strides = array<i32>} : memref<2x512xf32, #tpu.memory_space<vmem>>, vector<2x512xf32>,
    %iota3A = tpu.iota {dimensions = array<i32: 1>} : vector<1x512xi32>
    %iota3A_24 = vector.shape_cast %iota3A : vector<1x512xi32> to vector<512xi32>
    %mul3A_25 = arith.constant 512 : i32
    %mul3A_26 = arith.muli %arg0, %mul3A_25 : i32
    %add3A = vector.broadcast %mul3A_26 : i32 to vector<512xi32>
    %add3A_27 = arith.addi %iota3A_24, %add3A : vector<512xi32>
    %lt3A = arith.constant 10000 : i32
    %lt3A_28 = vector.broadcast %lt3A : i32 to vector<512xi32>
    %lt3A_29 = arith.cmpi slt, %add3A_27, %lt3A_28 : vector<512xi32>
    %jit3A = arith.constant -1.000000e+30 : f32
    %broadcast_in_dim3A_30 = vector.broadcast %jit3A : f32 to vector<512xf32>
    %select_n3A = arith.select %lt3A_29, %reduce_sum3A_12, %broadcast_in_dim3A_30 : vector<512xi1>, vector<512xf32>
    %reduce_max3A = vector.shape_cast %select_n3A : vector<512xf32> to vector<1x512xf32>
    %reduce_max3A_31 = arith.constant dense<0xFF800000> : vector<1xf32>
    %reduce_max3A_32 = vector.multi_reduction <maximumf>, %reduce_max3A, %reduce_max3A_31 [1] : vector<1x512xf32> to vector<1xf32>
    %reduce_max3A_33 = vector.shape_cast %reduce_max3A_32 : vector<1xf32> to vector<1x1xf32>
    %reduce_max3A_34 = vector.extract %reduce_max3A_33[0, 0] : f32 from vector<1x1xf32>
    %reshape3A = vector.broadcast %reduce_max3A_34 : f32 to vector<1x1xf32>
    %jit3A_35 = arith.constant -1.000000e+30 : f32
    %broadcast_in_dim3A_36 = vector.broadcast %jit3A_35 : f32 to vector<512xf32>
    %select_n3A_37 = arith.select %lt3A_29, %reduce_sum3A_19, %broadcast_in_dim3A_36 : vector<512xi1>, vector<512xf32>
    %reduce_max3A_38 = vector.shape_cast %select_n3A_37 : vector<512xf32> to vector<1x512xf32>
    %reduce_max3A_39 = arith.constant dense<0xFF800000> : vector<1xf32>
    %reduce_max3A_40 = vector.multi_reduction <maximumf>, %reduce_max3A_38, %reduce_max3A_39 [1] : vector<1x512xf32> to vector<1xf32>
    %reduce_max3A_41 = vector.shape_cast %reduce_max3A_40 : vector<1xf32> to vector<1x1xf32>
    %reduce_max3A_42 = vector.extract %reduce_max3A_41[0, 0] : f32 from vector<1x1xf32>
    %reshape3A_43 = vector.broadcast %reduce_max3A_42 : f32 to vector<1x1xf32>
    %concatenate3A_44 = tpu.concatenate %reshape3A, %reshape3A_43 in 1 : vector<1x1xf32>, vector<1x1xf32> -> vector<1x2xf32>
    %eq3A = arith.constant 0 : i32
    %eq3A_45 = arith.cmpi eq, %arg0, %eq3A : i32
    %convert_element_type3A = arith.extui %eq3A_45 : i1 to i32
    %cond3A = arith.constant 0 : i32
    %cond3A_46 = arith.cmpi ne, %convert_element_type3A, %cond3A : i32
    scf.if %cond3A_46 {
      %swap3A_51 = arith.constant 0 : index
      %swap3A_52 = arith.constant 0 : index
      %swap3A_53 = vector.load %arg7[%swap3A_51, %swap3A_52] : memref<1x2xf32, #tpu.memory_space<vmem>>, vector<1x2xf32>
      tpu.vector_store %arg7[%swap3A_51, %swap3A_52], %concatenate3A_44 {strides = array<i32>} : memref<1x2xf32, #tpu.memory_space<vmem>>, vector<1x2xf32>,
    } else {
    }
    %gt3A = arith.constant 0 : i32
    %gt3A_47 = arith.cmpi sgt, %arg0, %gt3A : i32
    %convert_element_type3A_48 = arith.extui %gt3A_47 : i1 to i32
    %cond3A_49 = arith.constant 0 : i32
    %cond3A_50 = arith.cmpi ne, %convert_element_type3A_48, %cond3A_49 : i32
    scf.if %cond3A_50 {
      %get3A_51 = arith.constant 0 : index
      %get3A_52 = arith.constant 0 : index
      %get3A_53 = vector.load %arg7[%get3A_51, %get3A_52] : memref<1x2xf32, #tpu.memory_space<vmem>>, vector<1x2xf32>
      %max3A = arith.maximumf %get3A_53, %concatenate3A_44 : vector<1x2xf32>
      %swap3A_54 = arith.constant 0 : index
      %swap3A_55 = arith.constant 0 : index
      %swap3A_56 = vector.load %arg7[%swap3A_54, %swap3A_55] : memref<1x2xf32, #tpu.memory_space<vmem>>, vector<1x2xf32>
      tpu.vector_store %arg7[%swap3A_54, %swap3A_55], %max3A {strides = array<i32>} : memref<1x2xf32, #tpu.memory_space<vmem>>, vector<1x2xf32>,
    } else {
    }
    return
  }
  func.func @transform_0(%arg0: i32) -> (i32, i32) {
    %c0_i32 = arith.constant 0 : i32
    %c0_i32_0 = arith.constant 0 : i32
    return %arg0, %c0_i32 : i32, i32
  }
  func.func @transform_1(%arg0: i32) -> (i32, i32) {
    %c0_i32 = arith.constant 0 : i32
    %c0_i32_0 = arith.constant 0 : i32
    %c0_i32_1 = arith.constant 0 : i32
    return %c0_i32, %c0_i32_0 : i32, i32
  }
  func.func @transform_2(%arg0: i32) -> (i32, i32) {
    %c0_i32 = arith.constant 0 : i32
    %c0_i32_0 = arith.constant 0 : i32
    %c0_i32_1 = arith.constant 0 : i32
    return %c0_i32, %c0_i32_0 : i32, i32
  }
  func.func @transform_3(%arg0: i32) -> (i32, i32) {
    %c0_i32 = arith.constant 0 : i32
    %c0_i32_0 = arith.constant 0 : i32
    %c0_i32_1 = arith.constant 0 : i32
    return %c0_i32, %c0_i32_0 : i32, i32
  }
  func.func @transform_4(%arg0: i32) -> (i32, i32) {
    %c0_i32 = arith.constant 0 : i32
    %c0_i32_0 = arith.constant 0 : i32
    return %arg0, %c0_i32 : i32, i32
  }
  func.func @transform_5(%arg0: i32) -> (i32, i32) {
    %c0_i32 = arith.constant 0 : i32
    %c0_i32_0 = arith.constant 0 : i32
    return %c0_i32, %arg0 : i32, i32
  }
  func.func @transform_6(%arg0: i32) -> (i32, i32) {
    %c0_i32 = arith.constant 0 : i32
    %c0_i32_0 = arith.constant 0 : i32
    %c0_i32_1 = arith.constant 0 : i32
    return %c0_i32, %c0_i32_0 : i32, i32
  }
}

module attributes {stable_mosaic.version = 14 : i64} {
  func.func @_flash_body(%arg0: i32, %arg1: i32, %arg2: memref<512x64xf32, #tpu.memory_space<vmem>>, %arg3: memref<512x64xf32, #tpu.memory_space<vmem>>, %arg4: memref<64x64xf32, #tpu.memory_space<vmem>>, %arg5: memref<64x64xf32, #tpu.memory_space<vmem>>, %arg6: memref<64x64xf32, #tpu.memory_space<vmem>>, %arg7: memref<1x64xf32, #tpu.memory_space<vmem>>, %arg8: memref<1x64xf32, #tpu.memory_space<vmem>>, %arg9: memref<1x64xf32, #tpu.memory_space<vmem>>, %arg10: memref<64x64xf32, #tpu.memory_space<vmem>>, %arg11: memref<1x64xf32, #tpu.memory_space<vmem>>, %arg12: memref<128x128xf32, #tpu.memory_space<vmem>>, %arg13: memref<1x128xf32, #tpu.memory_space<vmem>>, %arg14: memref<128x64xf32, #tpu.memory_space<vmem>>, %arg15: memref<1x64xf32, #tpu.memory_space<vmem>>, %arg16: memref<64x192xf32, #tpu.memory_space<vmem>>, %arg17: memref<1x192xf32, #tpu.memory_space<vmem>>, %arg18: memref<1x192xf32, #tpu.memory_space<vmem>>, %arg19: memref<512x64xf32, #tpu.memory_space<vmem>>, %arg20: memref<512x128xf32, #tpu.memory_space<vmem>>, %arg21: memref<512x128xf32, #tpu.memory_space<vmem>>, %arg22: memref<8x64xf32, #tpu.memory_space<vmem>>, %arg23: memref<8x64xf32, #tpu.memory_space<vmem>>) attributes {dimension_semantics = [#tpu.dimension_semantics<arbitrary>, #tpu.dimension_semantics<arbitrary>], iteration_bounds = array<i64: 20, 20>, scalar_prefetch = 0 : i64, scratch_operands = 5 : i64, tpu.core_type = #tpu.core_type<tc>, window_params = [{transform_indices = @transform_0, window_bounds = array<i64: 512, 64>}, {transform_indices = @transform_1, window_bounds = array<i64: 512, 64>}, {pipeline_mode = #tpu.pipeline_mode<synchronous>, transform_indices = @transform_2, window_bounds = array<i64: 64, 64>}, {pipeline_mode = #tpu.pipeline_mode<synchronous>, transform_indices = @transform_3, window_bounds = array<i64: 64, 64>}, {pipeline_mode = #tpu.pipeline_mode<synchronous>, transform_indices = @transform_4, window_bounds = array<i64: 64, 64>}, {pipeline_mode = #tpu.pipeline_mode<synchronous>, transform_indices = @transform_5, window_bounds = array<i64: 1, 64>}, {pipeline_mode = #tpu.pipeline_mode<synchronous>, transform_indices = @transform_6, window_bounds = array<i64: 1, 64>}, {pipeline_mode = #tpu.pipeline_mode<synchronous>, transform_indices = @transform_7, window_bounds = array<i64: 1, 64>}, {pipeline_mode = #tpu.pipeline_mode<synchronous>, transform_indices = @transform_8, window_bounds = array<i64: 64, 64>}, {pipeline_mode = #tpu.pipeline_mode<synchronous>, transform_indices = @transform_9, window_bounds = array<i64: 1, 64>}, {pipeline_mode = #tpu.pipeline_mode<synchronous>, transform_indices = @transform_10, window_bounds = array<i64: 128, 128>}, {pipeline_mode = #tpu.pipeline_mode<synchronous>, transform_indices = @transform_11, window_bounds = array<i64: 1, 128>}, {pipeline_mode = #tpu.pipeline_mode<synchronous>, transform_indices = @transform_12, window_bounds = array<i64: 128, 64>}, {pipeline_mode = #tpu.pipeline_mode<synchronous>, transform_indices = @transform_13, window_bounds = array<i64: 1, 64>}, {pipeline_mode = #tpu.pipeline_mode<synchronous>, transform_indices = @transform_14, window_bounds = array<i64: 64, 192>}, {pipeline_mode = #tpu.pipeline_mode<synchronous>, transform_indices = @transform_15, window_bounds = array<i64: 1, 192>}, {pipeline_mode = #tpu.pipeline_mode<synchronous>, transform_indices = @transform_16, window_bounds = array<i64: 1, 192>}]} {
    %eq3A = arith.constant 0 : i32
    %eq3A_0 = arith.cmpi eq, %arg1, %eq3A : i32
    %convert_element_type3A = arith.extui %eq3A_0 : i1 to i32
    %cond3A = arith.constant 0 : i32
    %cond3A_1 = arith.cmpi ne, %convert_element_type3A, %cond3A : i32
    scf.if %cond3A_1 {
      %broadcast_in_dim3A_86 = arith.constant 0.000000e+00 : f32
      %broadcast_in_dim3A_87 = vector.broadcast %broadcast_in_dim3A_86 : f32 to vector<512x64xf32>
      %swap3A_88 = arith.constant 0 : index
      %swap3A_89 = arith.constant 0 : index
      %swap3A_90 = vector.load %arg19[%swap3A_88, %swap3A_89] : memref<512x64xf32, #tpu.memory_space<vmem>>, vector<512x64xf32>
      tpu.vector_store %arg19[%swap3A_88, %swap3A_89], %broadcast_in_dim3A_87 {strides = array<i32>} : memref<512x64xf32, #tpu.memory_space<vmem>>, vector<512x64xf32>,
      %broadcast_in_dim3A_91 = arith.constant -1.000000e+30 : f32
      %broadcast_in_dim3A_92 = vector.broadcast %broadcast_in_dim3A_91 : f32 to vector<512x128xf32>
      %swap3A_93 = arith.constant 0 : index
      %swap3A_94 = arith.constant 0 : index
      %swap3A_95 = vector.load %arg20[%swap3A_93, %swap3A_94] : memref<512x128xf32, #tpu.memory_space<vmem>>, vector<512x128xf32>
      tpu.vector_store %arg20[%swap3A_93, %swap3A_94], %broadcast_in_dim3A_92 {strides = array<i32>} : memref<512x128xf32, #tpu.memory_space<vmem>>, vector<512x128xf32>,
      %broadcast_in_dim3A_96 = arith.constant 0.000000e+00 : f32
      %broadcast_in_dim3A_97 = vector.broadcast %broadcast_in_dim3A_96 : f32 to vector<512x128xf32>
      %swap3A_98 = arith.constant 0 : index
      %swap3A_99 = arith.constant 0 : index
      %swap3A_100 = vector.load %arg21[%swap3A_98, %swap3A_99] : memref<512x128xf32, #tpu.memory_space<vmem>>, vector<512x128xf32>
      tpu.vector_store %arg21[%swap3A_98, %swap3A_99], %broadcast_in_dim3A_97 {strides = array<i32>} : memref<512x128xf32, #tpu.memory_space<vmem>>, vector<512x128xf32>,
    } else {
    }
    %get3A = arith.constant 0 : index
    %get3A_2 = arith.constant 0 : index
    %get3A_3 = vector.load %arg2[%get3A, %get3A_2] : memref<512x64xf32, #tpu.memory_space<vmem>>, vector<512x64xf32>
    %get3A_4 = arith.constant 0 : index
    %get3A_5 = arith.constant 0 : index
    %get3A_6 = vector.load %arg4[%get3A_4, %get3A_5] : memref<64x64xf32, #tpu.memory_space<vmem>>, vector<64x64xf32>
    %dot_general3A = arith.constant dense<0.000000e+00> : vector<512x64xf32>
    %dot_general3A_7 = tpu.matmul %get3A_3, %get3A_6, %dot_general3A {dimension_numbers = #tpu.dot_dimension_numbers<[1], [0], [0], [1], [0, 0, 1, 1], [], []>, transpose_lhs_hint = false} : vector<512x64xf32>, vector<64x64xf32>, vector<512x64xf32> -> vector<512x64xf32>
    %get3A_8 = arith.constant 0 : index
    %get3A_9 = arith.constant 0 : index
    %get3A_10 = vector.load %arg7[%get3A_8, %get3A_9] : memref<1x64xf32, #tpu.memory_space<vmem>>, vector<1x64xf32>
    %add3A = vector.broadcast %get3A_10 : vector<1x64xf32> to vector<512x64xf32>
    %add3A_11 = arith.addf %dot_general3A_7, %add3A : vector<512x64xf32>
    %get3A_12 = arith.constant 0 : index
    %get3A_13 = arith.constant 0 : index
    %get3A_14 = vector.load %arg3[%get3A_12, %get3A_13] : memref<512x64xf32, #tpu.memory_space<vmem>>, vector<512x64xf32>
    %get3A_15 = arith.constant 0 : index
    %get3A_16 = arith.constant 0 : index
    %get3A_17 = vector.load %arg5[%get3A_15, %get3A_16] : memref<64x64xf32, #tpu.memory_space<vmem>>, vector<64x64xf32>
    %dot_general3A_18 = arith.constant dense<0.000000e+00> : vector<512x64xf32>
    %dot_general3A_19 = tpu.matmul %get3A_14, %get3A_17, %dot_general3A_18 {dimension_numbers = #tpu.dot_dimension_numbers<[1], [0], [0], [1], [0, 0, 1, 1], [], []>, transpose_lhs_hint = false} : vector<512x64xf32>, vector<64x64xf32>, vector<512x64xf32> -> vector<512x64xf32>
    %get3A_20 = arith.constant 0 : index
    %get3A_21 = arith.constant 0 : index
    %get3A_22 = vector.load %arg8[%get3A_20, %get3A_21] : memref<1x64xf32, #tpu.memory_space<vmem>>, vector<1x64xf32>
    %add3A_23 = vector.broadcast %get3A_22 : vector<1x64xf32> to vector<512x64xf32>
    %add3A_24 = arith.addf %dot_general3A_19, %add3A_23 : vector<512x64xf32>
    %get3A_25 = arith.constant 0 : index
    %get3A_26 = arith.constant 0 : index
    %get3A_27 = vector.load %arg3[%get3A_25, %get3A_26] : memref<512x64xf32, #tpu.memory_space<vmem>>, vector<512x64xf32>
    %get3A_28 = arith.constant 0 : index
    %get3A_29 = arith.constant 0 : index
    %get3A_30 = vector.load %arg6[%get3A_28, %get3A_29] : memref<64x64xf32, #tpu.memory_space<vmem>>, vector<64x64xf32>
    %dot_general3A_31 = arith.constant dense<0.000000e+00> : vector<512x64xf32>
    %dot_general3A_32 = tpu.matmul %get3A_27, %get3A_30, %dot_general3A_31 {dimension_numbers = #tpu.dot_dimension_numbers<[1], [0], [0], [1], [0, 0, 1, 1], [], []>, transpose_lhs_hint = false} : vector<512x64xf32>, vector<64x64xf32>, vector<512x64xf32> -> vector<512x64xf32>
    %get3A_33 = arith.constant 0 : index
    %get3A_34 = arith.constant 0 : index
    %get3A_35 = vector.load %arg9[%get3A_33, %get3A_34] : memref<1x64xf32, #tpu.memory_space<vmem>>, vector<1x64xf32>
    %add3A_36 = vector.broadcast %get3A_35 : vector<1x64xf32> to vector<512x64xf32>
    %add3A_37 = arith.addf %dot_general3A_32, %add3A_36 : vector<512x64xf32>
    %dot_general3A_38 = arith.constant dense<0.000000e+00> : vector<512x512xf32>
    %dot_general3A_39 = tpu.matmul %add3A_11, %add3A_24, %dot_general3A_38 {dimension_numbers = #tpu.dot_dimension_numbers<[1], [1], [0], [0], [0, 0, 1, 0], [], []>, transpose_lhs_hint = false} : vector<512x64xf32>, vector<512x64xf32>, vector<512x512xf32> -> vector<512x512xf32>
    %mul3A = arith.constant 1.250000e-01 : f32
    %mul3A_40 = vector.broadcast %mul3A : f32 to vector<512x512xf32>
    %mul3A_41 = arith.mulf %dot_general3A_39, %mul3A_40 : vector<512x512xf32>
    %iota3A = tpu.iota {dimensions = array<i32: 1>} : vector<512x512xi32>
    %mul3A_42 = arith.constant 512 : i32
    %mul3A_43 = arith.muli %arg1, %mul3A_42 : i32
    %add3A_44 = vector.broadcast %mul3A_43 : i32 to vector<512x512xi32>
    %add3A_45 = arith.addi %iota3A, %add3A_44 : vector<512x512xi32>
    %lt3A = arith.constant 10000 : i32
    %lt3A_46 = vector.broadcast %lt3A : i32 to vector<512x512xi32>
    %lt3A_47 = arith.cmpi slt, %add3A_45, %lt3A_46 : vector<512x512xi32>
    %jit3A = arith.constant -1.000000e+30 : f32
    %broadcast_in_dim3A = vector.broadcast %jit3A : f32 to vector<512x512xf32>
    %select_n3A = arith.select %lt3A_47, %mul3A_41, %broadcast_in_dim3A : vector<512x512xi1>, vector<512x512xf32>
    %get3A_48 = arith.constant 0 : index
    %get3A_49 = arith.constant 0 : index
    %get3A_50 = vector.load %arg20[%get3A_48, %get3A_49] : memref<512x128xf32, #tpu.memory_space<vmem>>, vector<512x128xf32>
    %reduce_max3A = arith.constant dense<0xFF800000> : vector<512xf32>
    %reduce_max3A_51 = vector.multi_reduction <maximumf>, %select_n3A, %reduce_max3A [1] : vector<512x512xf32> to vector<512xf32>
    %broadcast_in_dim3A_52 = vector.shape_cast %reduce_max3A_51 : vector<512xf32> to vector<512x1xf32>
    %max3A = vector.broadcast %broadcast_in_dim3A_52 : vector<512x1xf32> to vector<512x128xf32>
    %max3A_53 = arith.maximumf %get3A_50, %max3A : vector<512x128xf32>
    %slice3A = vector.extract_strided_slice %max3A_53 {offsets = [0, 0], sizes = [512, 1], strides = [1, 1]} : vector<512x128xf32> to vector<512x1xf32>
    %sub3A = vector.broadcast %slice3A : vector<512x1xf32> to vector<512x512xf32>
    %sub3A_54 = arith.subf %select_n3A, %sub3A : vector<512x512xf32>
    %exp3A = math.exp %sub3A_54 : vector<512x512xf32>
    %sub3A_55 = arith.subf %get3A_50, %max3A_53 : vector<512x128xf32>
    %exp3A_56 = math.exp %sub3A_55 : vector<512x128xf32>
    %get3A_57 = arith.constant 0 : index
    %get3A_58 = arith.constant 0 : index
    %get3A_59 = vector.load %arg21[%get3A_57, %get3A_58] : memref<512x128xf32, #tpu.memory_space<vmem>>, vector<512x128xf32>
    %mul3A_60 = arith.mulf %get3A_59, %exp3A_56 : vector<512x128xf32>
    %reduce_sum3A = arith.constant dense<0.000000e+00> : vector<512xf32>
    %reduce_sum3A_61 = vector.multi_reduction <add>, %exp3A, %reduce_sum3A [1] : vector<512x512xf32> to vector<512xf32>
    %broadcast_in_dim3A_62 = vector.shape_cast %reduce_sum3A_61 : vector<512xf32> to vector<512x1xf32>
    %add3A_63 = vector.broadcast %broadcast_in_dim3A_62 : vector<512x1xf32> to vector<512x128xf32>
    %add3A_64 = arith.addf %mul3A_60, %add3A_63 : vector<512x128xf32>
    %swap3A = arith.constant 0 : index
    %swap3A_65 = arith.constant 0 : index
    %swap3A_66 = vector.load %arg21[%swap3A, %swap3A_65] : memref<512x128xf32, #tpu.memory_space<vmem>>, vector<512x128xf32>
    tpu.vector_store %arg21[%swap3A, %swap3A_65], %add3A_64 {strides = array<i32>} : memref<512x128xf32, #tpu.memory_space<vmem>>, vector<512x128xf32>,
    %get3A_67 = arith.constant 0 : index
    %get3A_68 = arith.constant 0 : index
    %get3A_69 = vector.load %arg19[%get3A_67, %get3A_68] : memref<512x64xf32, #tpu.memory_space<vmem>>, vector<512x64xf32>
    %slice3A_70 = vector.extract_strided_slice %exp3A_56 {offsets = [0, 0], sizes = [512, 64], strides = [1, 1]} : vector<512x128xf32> to vector<512x64xf32>
    %mul3A_71 = arith.mulf %get3A_69, %slice3A_70 : vector<512x64xf32>
    %dot_general3A_72 = arith.constant dense<0.000000e+00> : vector<512x64xf32>
    %dot_general3A_73 = tpu.matmul %exp3A, %add3A_37, %dot_general3A_72 {dimension_numbers = #tpu.dot_dimension_numbers<[1], [0], [0], [1], [0, 0, 1, 1], [], []>, transpose_lhs_hint = false} : vector<512x512xf32>, vector<512x64xf32>, vector<512x64xf32> -> vector<512x64xf32>
    %add3A_74 = arith.addf %mul3A_71, %dot_general3A_73 : vector<512x64xf32>
    %swap3A_75 = arith.constant 0 : index
    %swap3A_76 = arith.constant 0 : index
    %swap3A_77 = vector.load %arg19[%swap3A_75, %swap3A_76] : memref<512x64xf32, #tpu.memory_space<vmem>>, vector<512x64xf32>
    tpu.vector_store %arg19[%swap3A_75, %swap3A_76], %add3A_74 {strides = array<i32>} : memref<512x64xf32, #tpu.memory_space<vmem>>, vector<512x64xf32>,
    %swap3A_78 = arith.constant 0 : index
    %swap3A_79 = arith.constant 0 : index
    %swap3A_80 = vector.load %arg20[%swap3A_78, %swap3A_79] : memref<512x128xf32, #tpu.memory_space<vmem>>, vector<512x128xf32>
    tpu.vector_store %arg20[%swap3A_78, %swap3A_79], %max3A_53 {strides = array<i32>} : memref<512x128xf32, #tpu.memory_space<vmem>>, vector<512x128xf32>,
    %eq3A_81 = arith.constant 19 : i32
    %eq3A_82 = arith.cmpi eq, %arg1, %eq3A_81 : i32
    %convert_element_type3A_83 = arith.extui %eq3A_82 : i1 to i32
    %cond3A_84 = arith.constant 0 : i32
    %cond3A_85 = arith.cmpi ne, %convert_element_type3A_83, %cond3A_84 : i32
    scf.if %cond3A_85 {
      %get3A_86 = arith.constant 0 : index
      %get3A_87 = arith.constant 0 : index
      %get3A_88 = vector.load %arg19[%get3A_86, %get3A_87] : memref<512x64xf32, #tpu.memory_space<vmem>>, vector<512x64xf32>
      %get3A_89 = arith.constant 0 : index
      %get3A_90 = arith.constant 0 : index
      %get3A_91 = vector.load %arg21[%get3A_89, %get3A_90] : memref<512x128xf32, #tpu.memory_space<vmem>>, vector<512x1xf32>
      %div3A = vector.broadcast %get3A_91 : vector<512x1xf32> to vector<512x64xf32>
      %div3A_92 = arith.divf %get3A_88, %div3A : vector<512x64xf32>
      %get3A_93 = arith.constant 0 : index
      %get3A_94 = arith.constant 0 : index
      %get3A_95 = vector.load %arg2[%get3A_93, %get3A_94] : memref<512x64xf32, #tpu.memory_space<vmem>>, vector<512x64xf32>
      %get3A_96 = arith.constant 0 : index
      %get3A_97 = arith.constant 0 : index
      %get3A_98 = vector.load %arg10[%get3A_96, %get3A_97] : memref<64x64xf32, #tpu.memory_space<vmem>>, vector<64x64xf32>
      %dot_general3A_99 = arith.constant dense<0.000000e+00> : vector<512x64xf32>
      %dot_general3A_100 = tpu.matmul %div3A_92, %get3A_98, %dot_general3A_99 {dimension_numbers = #tpu.dot_dimension_numbers<[1], [0], [0], [1], [0, 0, 1, 1], [], []>, transpose_lhs_hint = false} : vector<512x64xf32>, vector<64x64xf32>, vector<512x64xf32> -> vector<512x64xf32>
      %add3A_101 = arith.addf %get3A_95, %dot_general3A_100 : vector<512x64xf32>
      %get3A_102 = arith.constant 0 : index
      %get3A_103 = arith.constant 0 : index
      %get3A_104 = vector.load %arg11[%get3A_102, %get3A_103] : memref<1x64xf32, #tpu.memory_space<vmem>>, vector<1x64xf32>
      %add3A_105 = vector.broadcast %get3A_104 : vector<1x64xf32> to vector<512x64xf32>
      %add3A_106 = arith.addf %add3A_101, %add3A_105 : vector<512x64xf32>
      %iota3A_107 = tpu.iota {dimensions = array<i32: 0>} : vector<512x1xi32>
      %mul3A_108 = arith.constant 512 : i32
      %mul3A_109 = arith.muli %arg0, %mul3A_108 : i32
      %add3A_110 = vector.broadcast %mul3A_109 : i32 to vector<512x1xi32>
      %add3A_111 = arith.addi %iota3A_107, %add3A_110 : vector<512x1xi32>
      %lt3A_112 = arith.constant 10000 : i32
      %lt3A_113 = vector.broadcast %lt3A_112 : i32 to vector<512x1xi32>
      %lt3A_114 = arith.cmpi slt, %add3A_111, %lt3A_113 : vector<512x1xi32>
      %jit3A_115 = arith.constant 0.000000e+00 : f32
      %broadcast_in_dim3A_116 = vector.shape_cast %lt3A_114 : vector<512x1xi1> to vector<512x1xi1>
      %broadcast_in_dim3A_117 = vector.broadcast %broadcast_in_dim3A_116 : vector<512x1xi1> to vector<512x64xi1>
      %broadcast_in_dim3A_118 = vector.broadcast %jit3A_115 : f32 to vector<512x64xf32>
      %select_n3A_119 = arith.select %broadcast_in_dim3A_117, %add3A_106, %broadcast_in_dim3A_118 : vector<512x64xi1>, vector<512x64xf32>
      %reduce_sum3A_120 = arith.constant dense<0.000000e+00> : vector<64xf32>
      %reduce_sum3A_121 = vector.multi_reduction <add>, %select_n3A_119, %reduce_sum3A_120 [0] : vector<512x64xf32> to vector<64xf32>
      %broadcast_in_dim3A_122 = vector.shape_cast %reduce_sum3A_121 : vector<64xf32> to vector<1x64xf32>
      %jit3A_123 = arith.constant -1.000000e+30 : f32
      %broadcast_in_dim3A_124 = vector.shape_cast %lt3A_114 : vector<512x1xi1> to vector<512x1xi1>
      %broadcast_in_dim3A_125 = vector.broadcast %broadcast_in_dim3A_124 : vector<512x1xi1> to vector<512x64xi1>
      %broadcast_in_dim3A_126 = vector.broadcast %jit3A_123 : f32 to vector<512x64xf32>
      %select_n3A_127 = arith.select %broadcast_in_dim3A_125, %add3A_106, %broadcast_in_dim3A_126 : vector<512x64xi1>, vector<512x64xf32>
      %reduce_max3A_128 = arith.constant dense<0xFF800000> : vector<64xf32>
      %reduce_max3A_129 = vector.multi_reduction <maximumf>, %select_n3A_127, %reduce_max3A_128 [0] : vector<512x64xf32> to vector<64xf32>
      %broadcast_in_dim3A_130 = vector.shape_cast %reduce_max3A_129 : vector<64xf32> to vector<1x64xf32>
      %eq3A_131 = arith.constant 0 : i32
      %eq3A_132 = arith.cmpi eq, %arg0, %eq3A_131 : i32
      %convert_element_type3A_133 = arith.extui %eq3A_132 : i1 to i32
      %cond3A_134 = arith.constant 0 : i32
      %cond3A_135 = arith.cmpi ne, %convert_element_type3A_133, %cond3A_134 : i32
      scf.if %cond3A_135 {
        %swap3A_145 = arith.constant 0 : index
        %swap3A_146 = arith.constant 0 : index
        %swap3A_147 = vector.load %arg22[%swap3A_145, %swap3A_146] : memref<8x64xf32, #tpu.memory_space<vmem>>, vector<1x64xf32>
        tpu.vector_store %arg22[%swap3A_145, %swap3A_146], %broadcast_in_dim3A_122 {strides = array<i32>} : memref<8x64xf32, #tpu.memory_space<vmem>>, vector<1x64xf32>,
        %swap3A_148 = arith.constant 0 : index
        %swap3A_149 = arith.constant 0 : index
        %swap3A_150 = vector.load %arg23[%swap3A_148, %swap3A_149] : memref<8x64xf32, #tpu.memory_space<vmem>>, vector<1x64xf32>
        tpu.vector_store %arg23[%swap3A_148, %swap3A_149], %broadcast_in_dim3A_130 {strides = array<i32>} : memref<8x64xf32, #tpu.memory_space<vmem>>, vector<1x64xf32>,
      } else {
      }
      %gt3A = arith.constant 0 : i32
      %gt3A_136 = arith.cmpi sgt, %arg0, %gt3A : i32
      %convert_element_type3A_137 = arith.extui %gt3A_136 : i1 to i32
      %cond3A_138 = arith.constant 0 : i32
      %cond3A_139 = arith.cmpi ne, %convert_element_type3A_137, %cond3A_138 : i32
      scf.if %cond3A_139 {
        %get3A_145 = arith.constant 0 : index
        %get3A_146 = arith.constant 0 : index
        %get3A_147 = vector.load %arg22[%get3A_145, %get3A_146] : memref<8x64xf32, #tpu.memory_space<vmem>>, vector<1x64xf32>
        %add3A_148 = arith.addf %get3A_147, %broadcast_in_dim3A_122 : vector<1x64xf32>
        %swap3A_149 = arith.constant 0 : index
        %swap3A_150 = arith.constant 0 : index
        %swap3A_151 = vector.load %arg22[%swap3A_149, %swap3A_150] : memref<8x64xf32, #tpu.memory_space<vmem>>, vector<1x64xf32>
        tpu.vector_store %arg22[%swap3A_149, %swap3A_150], %add3A_148 {strides = array<i32>} : memref<8x64xf32, #tpu.memory_space<vmem>>, vector<1x64xf32>,
        %get3A_152 = arith.constant 0 : index
        %get3A_153 = arith.constant 0 : index
        %get3A_154 = vector.load %arg23[%get3A_152, %get3A_153] : memref<8x64xf32, #tpu.memory_space<vmem>>, vector<1x64xf32>
        %max3A_155 = arith.maximumf %get3A_154, %broadcast_in_dim3A_130 : vector<1x64xf32>
        %swap3A_156 = arith.constant 0 : index
        %swap3A_157 = arith.constant 0 : index
        %swap3A_158 = vector.load %arg23[%swap3A_156, %swap3A_157] : memref<8x64xf32, #tpu.memory_space<vmem>>, vector<1x64xf32>
        tpu.vector_store %arg23[%swap3A_156, %swap3A_157], %max3A_155 {strides = array<i32>} : memref<8x64xf32, #tpu.memory_space<vmem>>, vector<1x64xf32>,
      } else {
      }
      %eq3A_140 = arith.constant 19 : i32
      %eq3A_141 = arith.cmpi eq, %arg0, %eq3A_140 : i32
      %convert_element_type3A_142 = arith.extui %eq3A_141 : i1 to i32
      %cond3A_143 = arith.constant 0 : i32
      %cond3A_144 = arith.cmpi ne, %convert_element_type3A_142, %cond3A_143 : i32
      scf.if %cond3A_144 {
        %get3A_145 = arith.constant 0 : index
        %get3A_146 = arith.constant 0 : index
        %get3A_147 = vector.load %arg22[%get3A_145, %get3A_146] : memref<8x64xf32, #tpu.memory_space<vmem>>, vector<1x64xf32>
        %mul3A_148 = arith.constant 9.99999974E-5 : f32
        %mul3A_149 = vector.broadcast %mul3A_148 : f32 to vector<1x64xf32>
        %mul3A_150 = arith.mulf %get3A_147, %mul3A_149 : vector<1x64xf32>
        %get3A_151 = arith.constant 0 : index
        %get3A_152 = arith.constant 0 : index
        %get3A_153 = vector.load %arg23[%get3A_151, %get3A_152] : memref<8x64xf32, #tpu.memory_space<vmem>>, vector<1x64xf32>
        %concatenate3A = tpu.concatenate %mul3A_150, %get3A_153 in 1 : vector<1x64xf32>, vector<1x64xf32> -> vector<1x128xf32>
        %get3A_154 = arith.constant 0 : index
        %get3A_155 = arith.constant 0 : index
        %get3A_156 = vector.load %arg12[%get3A_154, %get3A_155] : memref<128x128xf32, #tpu.memory_space<vmem>>, vector<128x128xf32>
        %dot_general3A_157 = arith.constant dense<0.000000e+00> : vector<1x128xf32>
        %dot_general3A_158 = tpu.matmul %concatenate3A, %get3A_156, %dot_general3A_157 {dimension_numbers = #tpu.dot_dimension_numbers<[1], [0], [0], [1], [0, 0, 1, 1], [], []>, transpose_lhs_hint = false} : vector<1x128xf32>, vector<128x128xf32>, vector<1x128xf32> -> vector<1x128xf32>
        %get3A_159 = arith.constant 0 : index
        %get3A_160 = arith.constant 0 : index
        %get3A_161 = vector.load %arg13[%get3A_159, %get3A_160] : memref<1x128xf32, #tpu.memory_space<vmem>>, vector<1x128xf32>
        %add3A_162 = arith.addf %dot_general3A_158, %get3A_161 : vector<1x128xf32>
        %max3A_163 = arith.constant 0.000000e+00 : f32
        %max3A_164 = vector.broadcast %max3A_163 : f32 to vector<1x128xf32>
        %max3A_165 = arith.maximumf %add3A_162, %max3A_164 : vector<1x128xf32>
        %get3A_166 = arith.constant 0 : index
        %get3A_167 = arith.constant 0 : index
        %get3A_168 = vector.load %arg14[%get3A_166, %get3A_167] : memref<128x64xf32, #tpu.memory_space<vmem>>, vector<128x64xf32>
        %dot_general3A_169 = arith.constant dense<0.000000e+00> : vector<1x64xf32>
        %dot_general3A_170 = tpu.matmul %max3A_165, %get3A_168, %dot_general3A_169 {dimension_numbers = #tpu.dot_dimension_numbers<[1], [0], [0], [1], [0, 0, 1, 1], [], []>, transpose_lhs_hint = false} : vector<1x128xf32>, vector<128x64xf32>, vector<1x64xf32> -> vector<1x64xf32>
        %get3A_171 = arith.constant 0 : index
        %get3A_172 = arith.constant 0 : index
        %get3A_173 = vector.load %arg15[%get3A_171, %get3A_172] : memref<1x64xf32, #tpu.memory_space<vmem>>, vector<1x64xf32>
        %add3A_174 = arith.addf %dot_general3A_170, %get3A_173 : vector<1x64xf32>
        %max3A_175 = arith.constant 0.000000e+00 : f32
        %max3A_176 = vector.broadcast %max3A_175 : f32 to vector<1x64xf32>
        %max3A_177 = arith.maximumf %add3A_174, %max3A_176 : vector<1x64xf32>
        %get3A_178 = arith.constant 0 : index
        %get3A_179 = arith.constant 0 : index
        %get3A_180 = vector.load %arg16[%get3A_178, %get3A_179] : memref<64x192xf32, #tpu.memory_space<vmem>>, vector<64x192xf32>
        %dot_general3A_181 = arith.constant dense<0.000000e+00> : vector<1x192xf32>
        %dot_general3A_182 = tpu.matmul %max3A_177, %get3A_180, %dot_general3A_181 {dimension_numbers = #tpu.dot_dimension_numbers<[1], [0], [0], [1], [0, 0, 1, 1], [], []>, transpose_lhs_hint = false} : vector<1x64xf32>, vector<64x192xf32>, vector<1x192xf32> -> vector<1x192xf32>
        %get3A_183 = arith.constant 0 : index
        %get3A_184 = arith.constant 0 : index
        %get3A_185 = vector.load %arg17[%get3A_183, %get3A_184] : memref<1x192xf32, #tpu.memory_space<vmem>>, vector<1x192xf32>
        %add3A_186 = arith.addf %dot_general3A_182, %get3A_185 : vector<1x192xf32>
        %swap3A_187 = arith.constant 0 : index
        %swap3A_188 = arith.constant 0 : index
        %swap3A_189 = vector.load %arg18[%swap3A_187, %swap3A_188] : memref<1x192xf32, #tpu.memory_space<vmem>>, vector<1x192xf32>
        tpu.vector_store %arg18[%swap3A_187, %swap3A_188], %add3A_186 {strides = array<i32>} : memref<1x192xf32, #tpu.memory_space<vmem>>, vector<1x192xf32>,
      } else {
      }
    } else {
    }
    return
  }
  func.func @transform_0(%arg0: i32, %arg1: i32) -> (i32, i32) {
    %c0_i32 = arith.constant 0 : i32
    %c0_i32_0 = arith.constant 0 : i32
    return %arg0, %c0_i32 : i32, i32
  }
  func.func @transform_1(%arg0: i32, %arg1: i32) -> (i32, i32) {
    %c0_i32 = arith.constant 0 : i32
    %c0_i32_0 = arith.constant 0 : i32
    return %arg1, %c0_i32 : i32, i32
  }
  func.func @transform_2(%arg0: i32, %arg1: i32) -> (i32, i32) {
    %c0_i32 = arith.constant 0 : i32
    %c0_i32_0 = arith.constant 0 : i32
    %c0_i32_1 = arith.constant 0 : i32
    return %c0_i32, %c0_i32_0 : i32, i32
  }
  func.func @transform_3(%arg0: i32, %arg1: i32) -> (i32, i32) {
    %c0_i32 = arith.constant 0 : i32
    %c0_i32_0 = arith.constant 0 : i32
    %c0_i32_1 = arith.constant 0 : i32
    return %c0_i32, %c0_i32_0 : i32, i32
  }
  func.func @transform_4(%arg0: i32, %arg1: i32) -> (i32, i32) {
    %c0_i32 = arith.constant 0 : i32
    %c0_i32_0 = arith.constant 0 : i32
    %c0_i32_1 = arith.constant 0 : i32
    return %c0_i32, %c0_i32_0 : i32, i32
  }
  func.func @transform_5(%arg0: i32, %arg1: i32) -> (i32, i32) {
    %c0_i32 = arith.constant 0 : i32
    %c0_i32_0 = arith.constant 0 : i32
    %c0_i32_1 = arith.constant 0 : i32
    return %c0_i32, %c0_i32_0 : i32, i32
  }
  func.func @transform_6(%arg0: i32, %arg1: i32) -> (i32, i32) {
    %c0_i32 = arith.constant 0 : i32
    %c0_i32_0 = arith.constant 0 : i32
    %c0_i32_1 = arith.constant 0 : i32
    return %c0_i32, %c0_i32_0 : i32, i32
  }
  func.func @transform_7(%arg0: i32, %arg1: i32) -> (i32, i32) {
    %c0_i32 = arith.constant 0 : i32
    %c0_i32_0 = arith.constant 0 : i32
    %c0_i32_1 = arith.constant 0 : i32
    return %c0_i32, %c0_i32_0 : i32, i32
  }
  func.func @transform_8(%arg0: i32, %arg1: i32) -> (i32, i32) {
    %c0_i32 = arith.constant 0 : i32
    %c0_i32_0 = arith.constant 0 : i32
    %c0_i32_1 = arith.constant 0 : i32
    return %c0_i32, %c0_i32_0 : i32, i32
  }
  func.func @transform_9(%arg0: i32, %arg1: i32) -> (i32, i32) {
    %c0_i32 = arith.constant 0 : i32
    %c0_i32_0 = arith.constant 0 : i32
    %c0_i32_1 = arith.constant 0 : i32
    return %c0_i32, %c0_i32_0 : i32, i32
  }
  func.func @transform_10(%arg0: i32, %arg1: i32) -> (i32, i32) {
    %c0_i32 = arith.constant 0 : i32
    %c0_i32_0 = arith.constant 0 : i32
    %c0_i32_1 = arith.constant 0 : i32
    return %c0_i32, %c0_i32_0 : i32, i32
  }
  func.func @transform_11(%arg0: i32, %arg1: i32) -> (i32, i32) {
    %c0_i32 = arith.constant 0 : i32
    %c0_i32_0 = arith.constant 0 : i32
    %c0_i32_1 = arith.constant 0 : i32
    return %c0_i32, %c0_i32_0 : i32, i32
  }
  func.func @transform_12(%arg0: i32, %arg1: i32) -> (i32, i32) {
    %c0_i32 = arith.constant 0 : i32
    %c0_i32_0 = arith.constant 0 : i32
    %c0_i32_1 = arith.constant 0 : i32
    return %c0_i32, %c0_i32_0 : i32, i32
  }
  func.func @transform_13(%arg0: i32, %arg1: i32) -> (i32, i32) {
    %c0_i32 = arith.constant 0 : i32
    %c0_i32_0 = arith.constant 0 : i32
    %c0_i32_1 = arith.constant 0 : i32
    return %c0_i32, %c0_i32_0 : i32, i32
  }
  func.func @transform_14(%arg0: i32, %arg1: i32) -> (i32, i32) {
    %c0_i32 = arith.constant 0 : i32
    %c0_i32_0 = arith.constant 0 : i32
    %c0_i32_1 = arith.constant 0 : i32
    return %c0_i32, %c0_i32_0 : i32, i32
  }
  func.func @transform_15(%arg0: i32, %arg1: i32) -> (i32, i32) {
    %c0_i32 = arith.constant 0 : i32
    %c0_i32_0 = arith.constant 0 : i32
    %c0_i32_1 = arith.constant 0 : i32
    return %c0_i32, %c0_i32_0 : i32, i32
  }
  func.func @transform_16(%arg0: i32, %arg1: i32) -> (i32, i32) {
    %c0_i32 = arith.constant 0 : i32
    %c0_i32_0 = arith.constant 0 : i32
    %c0_i32_1 = arith.constant 0 : i32
    return %c0_i32, %c0_i32_0 : i32, i32
  }
}

</mosaic_0001>

<sc_bundles>
// kernel: kernel.26.cloned.1.call-start
scs
__scs_entry_jumppad:
0x0: {  	(pc) =	sbr.rel $0x88, $3  }
0x1: {  	(tag) =	ssettag $0x0;
	lr =	simm.s32 $0x1  }
0x2: {  	[smem:$0x3F76] =	sst lr;
	_ =	strace $0xD0000000  }
0x3: {  	_ = 	snop  }
0x4: {  	_ = 	snop  }
0x5: {  	_ = 	snop  }
0x6: {  	_ = 	snop  }
0x7: {  	_ = 	snop  }
__scs_overlays_trampoline_lowered:
0x8: {  	[smem:$0x3F85] =	sst s0  }
0x9: {  	[smem:$0x3F86] =	sst s1  }
0xa: {  	[smem:$0x3F87] =	sst s2  }
0xb: {  	[smem:$0x3F88] =	sst s3  }
0xc: {  	[smem:$0x3F89] =	sst s4  }
0xd: {  	[smem:$0x3F8A] =	sst s5  }
0xe: {  	[smem:$0x3F8B] =	sst s6  }
0xf: {  	[smem:$0x3F8C] =	sst s7  }
0x10: {  	[smem:$0x3F8D] =	sst s8  }
0x11: {  	[smem:$0x3F8E] =	sst s9;
	s0 =	simm.s32 @!p0 $0x0  }
0x12: {  	s1 =	sld [smem:$0x3F74];
	s0 =	simm.s32 @p0 $0x1  }
0x13: {  	[smem:$0x3F8F] =	sst s0;
	s0 =	simm.s32 @!p1 $0x0  }
0x14: {  	s2 =	sld [smem:$0x3F73];
	s0 =	simm.s32 @p1 $0x1  }
0x15: {  	[smem:$0x3F90] =	sst s0;
	s0 =	simm.s32 @!p2 $0x0  }
0x16: {  	s3 =	sld [smem:$0x3FDB];
	s0 =	simm.s32 @p2 $0x1  }
0x17: {  	s4 =	simm.s32 $0x1BF5;
	[smem:$0x3F92] =	sst s0  }
0x18: {  	s0 =	sld [smem:$0x3F75];
	_ =	swait.ge [sflag:s4], $0x0  }
0x19: {  	s7 =	sld [smem:$0x3F76]  }
0x1a: {  	s8 =	sadd.s32 $0xFFFFE003, lr  }
0x1b: {  	s9 =	sadd.s32 $0xFFFFFEF7, lr;
	s5 =	simm.s32 $0xFFFFFFFF;
	p2 =	slt.u32 s8, $0xFFFFF086  }
0x1c: {  	p1 =	slt.u32 s9, $0xF7A;
	s5 =	simm.s32 @!p2 $0x0  }
0x1d: {  	s5 =	simm.s32 @p1 $0x1;
	p0 =	seq.s32 s7, s2  }
0x1e: {  	s7 =	smul.u32 @!p0 $0xF7A, s2;
	p2 =	seq.s32 @!p0 s5, $0x0  }
0x1f: {  	s9 =	smul.u32 $0xF7A, s1;
	s8 =	simm.s32 @!p0 $0x1BF5;
	p2 =	por !p2, p0  }
0x20: {  	[sflag:s8] =	ssyncset.s32 @!p0 $0xFFFFF086;
	s6 =	sadd.s32 @!p0 s3, s7;
	s7 =	simm.s32 @!p0 $0x108  }
0x21: {  	s3 =	sadd.s32 s3, s9;
	s6 =	sadd.s32 @!p0 $0x88, s6;
	s7 =	simm.s32 @p2 $0x1082  }
0x22: {  	[simem:s7], [sflag:s8] =	dma.local @!p0 [hbm:s6], $0xF7A  }
0x23: {  	s9 =	sor.u32 $0xD0000000, s2;
	s6 =	simm.s32 $0x108;
	_ =	swait.ge @!p0 [sflag:s8], $0x0  }
0x24: {  	s3 =	sadd.s32 $0x88, s3;
	s6 =	simm.s32 @!p1 $0x1082;
	[sflag:s4] =	ssyncset.s32 $0xFFFFF086  }
0x25: {  	[simem:s6], [sflag:s4] =	dma.local [hbm:s3], $0xF7A  }
0x26: {  	[smem:$0x3F76] =	sst s1;
	(tag) =	ssettag s2;
	_ =	strace s9  }
0x27: {  	s1 =	sld [smem:$0x3F86]  }
0x28: {  	s2 =	sld [smem:$0x3F87]  }
0x29: {  	s4 =	sld [smem:$0x3F89]  }
0x2a: {  	p0 =	seq.s32 s5, $0x0;
	s5 =	sld [smem:$0x3F8A]  }
0x2b: {  	s6 =	sld [smem:$0x3F8B]  }
0x2c: {  	s7 =	sld [smem:$0x3F8C]  }
0x2d: {  	s3 =	simm.s32 $0x108;
	s8 =	sld [smem:$0x3F8D]  }
0x2e: {  	s3 =	simm.s32 @!p0 $0x1082;
	s9 =	sld [smem:$0x3F8E]  }
0x2f: {  	lr =	sadd.s32 s0, s3;
	s0 =	sld [smem:$0x3F85]  }
0x30: {  	s3 =	sld [smem:$0x3F88]  }
0x31: {  	[smem:$0x3F91] =	sst s10  }
0x32: {  	s10 =	sld [smem:$0x3F8F];
	_ =	sdelay $0x3  }
0x33: {  	p0 =	seq.s32 s10, $0x1;
	s10 =	sld [smem:$0x3F91];
	_ =	sdelay $0x3  }
0x34: {  	[smem:$0x3F91] =	sst s10  }
0x35: {  	s10 =	sld [smem:$0x3F90];
	_ =	sdelay $0x3  }
0x36: {  	p1 =	seq.s32 s10, $0x1;
	s10 =	sld [smem:$0x3F91];
	_ =	sdelay $0x3  }
0x37: {  	[smem:$0x3F91] =	sst s10  }
0x38: {  	s10 =	sld [smem:$0x3F92]  }
0x39: {  	_ = 	snop;
	(pc) =	sbr.ind lr, $3  }
0x3a: {  	_ = 	snop  }
0x3b: {  	_ = 	snop  }
0x3c: {  	p2 =	seq.s32 s10, $0x1;
	s10 =	sld [smem:$0x3F91]  }
0x3d: {  	_ =	shalt  }
0x3e: {  	_ =	shalt  }
0x3f: {  	_ =	shalt  }
0x40: {  	_ =	shalt  }
0x41: {  	_ =	shalt  }
0x42: {  	_ =	shalt  }
0x43: {  	_ =	shalt  }
0x44: {  	_ =	shalt  }
0x45: {  	_ =	shalt  }
0x46: {  	_ =	shalt  }
0x47: {  	_ =	shalt  }
0x48: {  	_ =	shalt  }
0x49: {  	_ =	shalt  }
0x4a: {  	_ =	shalt  }
0x4b: {  	_ =	shalt  }
0x4c: {  	_ =	shalt  }
0x4d: {  	_ =	shalt  }
0x4e: {  	_ =	shalt  }
0x4f: {  	_ =	shalt  }
0x50: {  	_ =	shalt  }
0x51: {  	_ =	shalt  }
0x52: {  	_ =	shalt  }
0x53: {  	_ =	shalt  }
0x54: {  	_ =	shalt  }
0x55: {  	_ =	shalt  }
0x56: {  	_ =	shalt  }
0x57: {  	_ =	shalt  }
0x58: {  	_ =	shalt  }
0x59: {  	_ =	shalt  }
0x5a: {  	_ =	shalt  }
0x5b: {  	_ =	shalt  }
0x5c: {  	_ =	shalt  }
0x5d: {  	_ =	shalt  }
0x5e: {  	_ =	shalt  }
0x5f: {  	_ =	shalt  }
0x60: {  	_ =	shalt  }
0x61: {  	_ =	shalt  }
0x62: {  	_ =	shalt  }
0x63: {  	_ =	shalt  }
0x64: {  	_ =	shalt  }
0x65: {  	_ =	shalt  }
0x66: {  	_ =	shalt  }
0x67: {  	_ =	shalt  }
0x68: {  	_ =	shalt  }
0x69: {  	_ =	shalt  }
0x6a: {  	_ =	shalt  }
0x6b: {  	_ =	shalt  }
0x6c: {  	_ =	shalt  }
0x6d: {  	_ =	shalt  }
0x6e: {  	_ =	shalt  }
0x6f: {  	_ =	shalt  }
0x70: {  	_ =	shalt  }
0x71: {  	_ =	shalt  }
0x72: {  	_ =	shalt  }
0x73: {  	_ =	shalt  }
0x74: {  	_ =	shalt  }
0x75: {  	_ =	shalt  }
0x76: {  	_ =	shalt  }
0x77: {  	_ =	shalt  }
0x78: {  	_ =	shalt  }
0x79: {  	_ =	shalt  }
0x7a: {  	_ =	shalt  }
0x7b: {  	_ =	shalt  }
0x7c: {  	_ =	shalt  }
0x7d: {  	_ =	shalt  }
0x7e: {  	_ =	shalt  }
0x7f: {  	_ =	shalt  }
0x80: {  	_ =	shalt  }
0x81: {  	_ =	shalt  }
0x82: {  	_ =	shalt  }
0x83: {  	_ =	shalt  }
0x84: {  	_ =	shalt  }
0x85: {  	_ =	shalt  }
0x86: {  	_ =	shalt  }
0x87: {  	_ =	shalt  }
.Lfunc_end0:
.L_simem_size_0:
called_computation_lowered:
.L_overlay_start_0:
0x88: {  	s2 =	sld [smem:$0x3FD9]  }
0x89: {  	s3 =	sld [smem:$0x3FFE];
	_ =	sdelay $0x1  }
0x8a: {  	s1 =	srdreg.scid  }
0x8b: {  	s0 =	sand.u32 $0x1, s1  }
0x8c: {  	s16 =	sshll.u32 s0, $0xA;
	s2 =	sadd.s32 s3, s2  }
0x8d: {  	s2 =	sadd.s32 s2, s16  }
0x8e: {  	[smem:$0x3F9D] =	sst s2  }
0x8f: {  	_ = 	snop  }
0x90: {  	(tm) =	ssettm $0x1  }
0x91: {  	s17 =	sld [smem:$0x3FFB];
	_ =	sdelay $0x3  }
0x92: {  	_ =	strace s17  }
0x93: {  	s2 =	sld [smem:$0x3FFC];
	_ =	sdelay $0x3  }
0x94: {  	_ =	strace s2  }
0x95: {  	s2 =	sld [smem:$0x3FFD];
	_ =	sdelay $0x3  }
0x96: {  	_ =	strace s2  }
0x97: {  	_ =	strace $0x8FFFFFFF  }
0x98: {  	s18 =	sld [smem:$0x3FDB];
	_ =	sdelay $0x1  }
0x99: {  	s19 =	simm.s32 $_scs_section_size  }
0x9a: {  	s4 =	simm.s32 $_size__tile_overlayer_lowered;
	s5 =	simm.s32 $_tile_overlayer_lowered  }
0x9b: {  	s22 =	simm.s32 $0x1BFF;
	s21 =	sshll.u32 s5, $0x1;
	s2 =	sadd.s32 s19, s18  }
0x9c: {  	s6 =	simm.s32 $0x0;
	s20 =	sshll.u32 s4, $0x1;
	s4 =	sadd.s32 s21, s2  }
0x9d: {  	[timem:s6], [sflag:s22] =	dma.local [hbm:s4], s20  }
0x9e: {  	_ =	swait.ge [sflag:s22], s20  }
0x9f: {  	s3 =	ssub.s32 $0x0, s20;
	[sflag:s22] =	ssyncset.done $0x0  }
0xa0: {  	[sflag:s22] =	ssyncadd.s32 s3;
	_ =	sdelay $0x1  }
0xa1: {  	s23 =	simm.s32 $0x1B8B  }
0xa2: {  	_ =	swait.ge [sflag:s23], $0x1  }
0xa3: {  	[sflag:s23] =	ssyncset.done $0x0  }
0xa4: {  	s25 =	simm.s32 $0x1B8E;
	s24 =	sld [smem:$0x3FFE];
	[sflag:s23] =	ssyncadd.s32 $0xFFFFFFFF  }
0xa5: {  	s26 =	simm.s32 $execute0_lowered;
	[smem:$0x3FD2] =	sst s25  }
0xa6: {  	s4 =	sshll.u32 s26, $0x1;
	_ =	strace $0x80000046;
	[dreg:$0x1] =	wrdreg $0xFFFFFFFF  }
0xa7: {  	s28 =	simm.s32 $_size_execute0_lowered;
	s2 =	sadd.s32 s2, s4;
	[dreg:$0x0] =	wrdreg $0x0  }
0xa8: {  	s4 =	sshll.u32 s28, $0x1;
	[dreg:$0x2] =	wrdreg s2  }
0xa9: {  	[dreg:$0x3] =	wrdreg s4  }
0xaa: {  	[dreg:$0x4] =	wrdreg $0xC0  }
0xab: {  	_ =	task [dreg:s6], $0x5FFFF  }
0xac: {  	[dreg:$0x1] =	wrdreg $0xFFFFFFFF  }
0xad: {  	[dreg:$0x0] =	wrdreg $0x60  }
0xae: {  	[dreg:$0x2] =	wrdreg s24  }
0xaf: {  	[dreg:$0x3] =	wrdreg $0x173900  }
0xb0: {  	[dreg:$0x4] =	wrdreg $0x9  }
0xb1: {  	_ =	task.clear_ibuf [dreg:s6], $0x5FFFF;
	_ =	strace $0x90000046  }
0xb2: {  	s29 =	simm.s32 $0x9;
	_ =	strace $0x80000048  }
0xb3: {  	_ =	swait.ge [sflag:s29], $0x1  }
0xb4: {  	[sflag:s29] =	ssyncadd.s32 $0xFFFFFFFF  }
0xb5: {  	_ =	strace $0x90000048  }
0xb6: {  	_ =	sfence  }
0xb7: {  	s30 =	sld [smem:$0x0];
	_ =	sdelay $0x2  }
0xb8: {  	s31 =	sshll.u32 s1, $0xD;
	s1 =	sshrl.u32 s1, $0x2  }
0xb9: {  	s3 =	sand.u32 $0x4000, s31;
	s1 =	sadd.s32 s1, s30  }
0xba: {  	s0 =	sor.u32 s3, s0;
	s1 =	sshll.u32 s1, $0x11  }
0xbb: {  	s0 =	sor.u32 s1, s0  }
0xbc: {  	s0 =	sadd.s32 $0x8F2B, s0  }
0xbd: {  	[sflag:s0] =	ssyncadd.remote.s32 $0x1  }
0xbe: {  	_ =	sfence.sel $0xFFFF  }
0xbf: {  	[dreg:$0x0] =	wrdreg $0xFFFFFFFF;
	(pc) =	sbr.abs _section_cstart, $3  }
0xc0: {  	[dreg:$0x1] =	wrdreg $0xFFFFFFFF  }
0xc1: {  	_ =	task.clear_ibuf [dreg:s6], $0x2FFFF;
	_ =	strace $0x9FFFFFFF  }
0xc2: {  	(tm) =	ssettm $0x7FFFFFFF  }
0xc3: {  	_ =	shalt  }
tec
execute0_lowered:
.L_overlay_start_1:
0x0: {  	(tag) =	ssettag $0x1  }
0x1: {  	s11 =	rddreg [dreg:$0x0]  }
0x2: {  	s1 =	rddreg [dreg:$0x1]  }
0x3: {  	s0 =	rddreg [dreg:$0x2];
	s3 =	simm.s32 $0x0;
	s7 =	srdreg.scid  }
0x4: {  	s2 =	stileid.u32;
	s6 =	simm.s32 $0x15F90;
	[smem:$0x7FF] =	sst s3  }
0x5: {  	s5 =	simm.s32 $0x1;
	s4 =	sadd.s32 $0x12200, s11;
	_ =	strace $0x80000047  }
0x6: {  	[tilespmem:s6], [sflag:$0x1] =	stream.linear.gather [hbm4b:s4+s3], $0x1400, $0x38;
	[tilespmem:$0x18790] =	vst v63  }
0x7: {  	s12 =	sand.u32 $0x1, s7;
	s13 =	smul.u32 $0x1400, s2;
	_ =	swait.ge [sflag:s5], $0x1400  }
0x8: {  	s7 =	sshll.u32 s12, $0x4;
	[sflag:s5] =	ssyncset.done $0x0  }
0x9: {  	s8 =	sor.u32 s2, s7;
	s7 =	sadd.s32 s13, s1;
	[sflag:s5] =	ssyncadd.s32 $0xFFFFEC00  }
0xa: {  	[spmem:s7] =	stream.linear.scatter [tilespmem:s6], [sflag:$0x1], $0x1400, $0x38;
	[tilespmem:$0x18790] =	vst v63  }
0xb: {  	s9 =	smul.u32 $0x4E2, s8;
	_ =	swait.ge [sflag:s5], $0x1400  }
0xc: {  	[sflag:s5] =	ssyncset.done $0x0  }
0xd: {  	s9 =	sadd.s32 s9, s11;
	[sflag:s5] =	ssyncadd.s32 $0xFFFFEC00  }
0xe: {  	s10 =	smul.u32 $0x2710, s8;
	s8 =	sadd.s32 $0x8400, s9;
	[bflag:$0x0] =	sbarrier.arrive $0xFFFF  }
0xf: {  	[tilespmem:s3], [sflag:$0x1] =	stream.linear.gather [hbm4b:s8+s3], $0x2710, $0x38;
	[tilespmem:$0x18790] =	vst v63  }
0x10: {  	_ =	swait.ge [sflag:s5], $0x2710  }
0x11: {  	s28 =	sadd.s32 s10, s11;
	[sflag:s5] =	ssyncset.done $0x0  }
0x12: {  	s10 =	simm.s32 $0x2710;
	s9 =	sadd.s32 $0x4F4200, s28;
	[sflag:s5] =	ssyncadd.s32 $0xFFFFD8F0  }
0x13: {  	[tilespmem:s10], [sflag:$0x1] =	stream.linear.gather [hbm4b:s9+s3], $0x13880, $0x38;
	[tilespmem:$0x18790] =	vst v63  }
0x14: {  	s14 =	smul.u32 $0x14000, s12;
	s12 =	ssub.s32 $0x2, s12;
	_ =	swait.ge [sflag:s5], $0x13880  }
0x15: {  	s31 =	sshll.u32 s2, $0x6;
	s29 =	sshrl.u32 s12, $0x1;
	[sflag:s5] =	ssyncset.done $0x0  }
0x16: {  	s13 =	sadd.s32 s13, s14;
	s12 =	ssub.s32 s12, s29;
	[sflag:s5] =	ssyncadd.s32 $0xFFFEC780  }
0x17: {  	[spmem:s1] =	stream.indirect.scatter.add.f32 [tilespmem:s10], [sflag:$0x1], $0x8, s3, s10, $0xb8;
	[tilespmem:$0x18790] =	vst v63  }
0x18: {  	s13 =	sshrl.u32 s13, $0x3;
	s30 =	smax.u32 s12, $0x1;
	_ =	swait.ge [sflag:s5], $0x13880  }
0x19: {  	s12 =	sor.u32 $0x1C01, s31;
	p0 =	sne.s32 s30, $0x1;
	[sflag:s5] =	ssyncset.done $0x0  }
.Ltmp0:
0x1a: {  	s11 =	sadd.s32 s13, s11;
	[sflag:s5] =	ssyncadd.s32 $0xFFFEC780;
	(pc) =	sbr.rel @!p0 .LBB2_2-.Ltmp0, $4  }
0x1b: {  	s13 =	sshrl.u32 s7, $0x3;
	s11 =	sadd.s32 $0x12600, s11;
	[bflag:$0x0] =	sbarrier.arrive $0xFFFF  }
0x1c: {  	[hbm:s11], [sflag:s12] =	dma.local [spmem:s13], $0x280  }
0x1d: {  	_ =	swait.ge [sflag:s5], $0x280  }
0x1e: {  	s14 =	sadd.s32 $0xFFFFFFFF, s30;
	[sflag:s5] =	ssyncset.done $0x0  }
.LBB2_1:
0x1f: {  	p0 =	sne.s32 s14, $0x1;
	s14 =	sadd.s32 $0xFFFFFFFF, s14;
	[sflag:s5] =	ssyncadd.s32 $0xFFFFFD80  }
0x20: {  	[tilespmem:s6], [sflag:$0x1] =	stream.linear.gather [hbm4b:s4+s3], $0x1400, $0x38;
	[tilespmem:$0x18790] =	vst v63  }
0x21: {  	_ =	swait.ge [sflag:s5], $0x1400  }
0x22: {  	[sflag:s5] =	ssyncset.done $0x0  }
0x23: {  	[sflag:s5] =	ssyncadd.s32 $0xFFFFEC00  }
0x24: {  	[spmem:s7] =	stream.linear.scatter [tilespmem:s6], [sflag:$0x1], $0x1400, $0x38;
	[tilespmem:$0x18790] =	vst v63  }
0x25: {  	_ =	swait.ge [sflag:s5], $0x1400  }
0x26: {  	[sflag:s5] =	ssyncset.done $0x0  }
0x27: {  	[sflag:s5] =	ssyncadd.s32 $0xFFFFEC00  }
0x28: {  	[bflag:$0x0] =	sbarrier.arrive $0xFFFF  }
0x29: {  	[tilespmem:s3], [sflag:$0x1] =	stream.linear.gather [hbm4b:s8+s3], $0x2710, $0x38;
	[tilespmem:$0x18790] =	vst v63  }
0x2a: {  	_ =	swait.ge [sflag:s5], $0x2710  }
0x2b: {  	[sflag:s5] =	ssyncset.done $0x0  }
0x2c: {  	[sflag:s5] =	ssyncadd.s32 $0xFFFFD8F0  }
0x2d: {  	[tilespmem:s10], [sflag:$0x1] =	stream.linear.gather [hbm4b:s9+s3], $0x13880, $0x38;
	[tilespmem:$0x18790] =	vst v63  }
0x2e: {  	_ =	swait.ge [sflag:s5], $0x13880  }
0x2f: {  	[sflag:s5] =	ssyncset.done $0x0  }
0x30: {  	[sflag:s5] =	ssyncadd.s32 $0xFFFEC780  }
0x31: {  	[spmem:s1] =	stream.indirect.scatter.add.f32 [tilespmem:s10], [sflag:$0x1], $0x8, s3, s10, $0xb8;
	[tilespmem:$0x18790] =	vst v63  }
0x32: {  	_ =	swait.ge [sflag:s5], $0x13880  }
0x33: {  	[sflag:s5] =	ssyncset.done $0x0  }
.Ltmp1:
0x34: {  	[sflag:s5] =	ssyncadd.s32 $0xFFFEC780;
	(pc) =	sbr.rel @p0 .LBB2_1-.Ltmp1, $4  }
0x35: {  	[bflag:$0x0] =	sbarrier.arrive $0xFFFF  }
0x36: {  	[hbm:s11], [sflag:s12] =	dma.local [spmem:s13], $0x280  }
0x37: {  	_ =	swait.ge [sflag:s5], $0x280  }
0x38: {  	[sflag:s5] =	ssyncset.done $0x0  }
.LBB2_2:
0x39: {  	[sflag:s5] =	ssyncadd.s32 $0xFFFFFD80  }
0x3a: {  	_ =	sfence.sel $0x180000  }
0x3b: {  	[bflag:$0x0] =	sbarrier.arrive $0xFFFF  }
0x3c: {  	p0 =	sne.s32 s2, $0x0;
	_ =	strace $0x90000047  }
0x3d: {  	s0 =	sadd.s32 @!p0 $0x100000, s0;
	[bflag:$0x2] =	sbarrier.arrive $0xFFFF  }
0x3e: {  	[sflag:s0] =	ssyncadd.tile.s32 @!p0 $0x1;
	_ =	shalt  }
.Lfunc_end2:
_tile_overlayer_lowered:
.L_overlay_start_2:
0x3f: {  	(tag) =	ssettag $0x2  }
0x40: {  	s0 =	rddreg [dreg:$0x0];
	s2 =	stileid.u32  }
0x41: {  	s1 =	rddreg [dreg:$0x1];
	p0 =	sne.s32 s2, $0x0  }
0x42: {  	s3 =	rddreg [dreg:$0x2];
	[bflag:$0x3] =	sbarrier.arrive $0xFFFF;
	s2 =	simm.s32 @!p0 $0x1C01  }
0x43: {  	[timem:s3], [sflag:s2] =	dma.local @!p0 [hbm:s0], s1  }
0x44: {  	s0 =	simm.s32 @!p0 $0x1  }
0x45: {  	_ =	swait.ge @!p0 [sflag:s0], s1  }
0x46: {  	s1 =	ssub.s32 @!p0 $0x0, s1;
	[sflag:s0] =	ssyncset.done @!p0 $0x0  }
0x47: {  	[sflag:s0] =	ssyncadd.s32 @!p0 s1  }
0x48: {  	[bflag:$0x3] =	sbarrier.arrive $0xFFFF  }
0x49: {  	_ =	shalt  }

// kernel: kernel.29.cloned.1.call-start
scs
__scs_entry_jumppad:
0x0: {  	(pc) =	sbr.rel $0x88, $3  }
0x1: {  	(tag) =	ssettag $0x0;
	lr =	simm.s32 $0x1  }
0x2: {  	[smem:$0x3F76] =	sst lr;
	_ =	strace $0xD0000000  }
0x3: {  	_ = 	snop  }
0x4: {  	_ = 	snop  }
0x5: {  	_ = 	snop  }
0x6: {  	_ = 	snop  }
0x7: {  	_ = 	snop  }
__scs_overlays_trampoline_lowered:
0x8: {  	[smem:$0x3F85] =	sst s0  }
0x9: {  	[smem:$0x3F86] =	sst s1  }
0xa: {  	[smem:$0x3F87] =	sst s2  }
0xb: {  	[smem:$0x3F88] =	sst s3  }
0xc: {  	[smem:$0x3F89] =	sst s4  }
0xd: {  	[smem:$0x3F8A] =	sst s5  }
0xe: {  	[smem:$0x3F8B] =	sst s6  }
0xf: {  	[smem:$0x3F8C] =	sst s7  }
0x10: {  	[smem:$0x3F8D] =	sst s8  }
0x11: {  	[smem:$0x3F8E] =	sst s9;
	s0 =	simm.s32 @!p0 $0x0  }
0x12: {  	s1 =	sld [smem:$0x3F74];
	s0 =	simm.s32 @p0 $0x1  }
0x13: {  	[smem:$0x3F8F] =	sst s0;
	s0 =	simm.s32 @!p1 $0x0  }
0x14: {  	s2 =	sld [smem:$0x3F73];
	s0 =	simm.s32 @p1 $0x1  }
0x15: {  	[smem:$0x3F90] =	sst s0;
	s0 =	simm.s32 @!p2 $0x0  }
0x16: {  	s3 =	sld [smem:$0x3FDB];
	s0 =	simm.s32 @p2 $0x1  }
0x17: {  	s4 =	simm.s32 $0x1BF5;
	[smem:$0x3F92] =	sst s0  }
0x18: {  	s0 =	sld [smem:$0x3F75];
	_ =	swait.ge [sflag:s4], $0x0  }
0x19: {  	s7 =	sld [smem:$0x3F76]  }
0x1a: {  	s8 =	sadd.s32 $0xFFFFE003, lr  }
0x1b: {  	s9 =	sadd.s32 $0xFFFFFEF7, lr;
	s5 =	simm.s32 $0xFFFFFFFF;
	p2 =	slt.u32 s8, $0xFFFFF086  }
0x1c: {  	p1 =	slt.u32 s9, $0xF7A;
	s5 =	simm.s32 @!p2 $0x0  }
0x1d: {  	s5 =	simm.s32 @p1 $0x1;
	p0 =	seq.s32 s7, s2  }
0x1e: {  	s7 =	smul.u32 @!p0 $0xF7A, s2;
	p2 =	seq.s32 @!p0 s5, $0x0  }
0x1f: {  	s9 =	smul.u32 $0xF7A, s1;
	s8 =	simm.s32 @!p0 $0x1BF5;
	p2 =	por !p2, p0  }
0x20: {  	[sflag:s8] =	ssyncset.s32 @!p0 $0xFFFFF086;
	s6 =	sadd.s32 @!p0 s3, s7;
	s7 =	simm.s32 @!p0 $0x108  }
0x21: {  	s3 =	sadd.s32 s3, s9;
	s6 =	sadd.s32 @!p0 $0x88, s6;
	s7 =	simm.s32 @p2 $0x1082  }
0x22: {  	[simem:s7], [sflag:s8] =	dma.local @!p0 [hbm:s6], $0xF7A  }
0x23: {  	s9 =	sor.u32 $0xD0000000, s2;
	s6 =	simm.s32 $0x108;
	_ =	swait.ge @!p0 [sflag:s8], $0x0  }
0x24: {  	s3 =	sadd.s32 $0x88, s3;
	s6 =	simm.s32 @!p1 $0x1082;
	[sflag:s4] =	ssyncset.s32 $0xFFFFF086  }
0x25: {  	[simem:s6], [sflag:s4] =	dma.local [hbm:s3], $0xF7A  }
0x26: {  	[smem:$0x3F76] =	sst s1;
	(tag) =	ssettag s2;
	_ =	strace s9  }
0x27: {  	s1 =	sld [smem:$0x3F86]  }
0x28: {  	s2 =	sld [smem:$0x3F87]  }
0x29: {  	s4 =	sld [smem:$0x3F89]  }
0x2a: {  	p0 =	seq.s32 s5, $0x0;
	s5 =	sld [smem:$0x3F8A]  }
0x2b: {  	s6 =	sld [smem:$0x3F8B]  }
0x2c: {  	s7 =	sld [smem:$0x3F8C]  }
0x2d: {  	s3 =	simm.s32 $0x108;
	s8 =	sld [smem:$0x3F8D]  }
0x2e: {  	s3 =	simm.s32 @!p0 $0x1082;
	s9 =	sld [smem:$0x3F8E]  }
0x2f: {  	lr =	sadd.s32 s0, s3;
	s0 =	sld [smem:$0x3F85]  }
0x30: {  	s3 =	sld [smem:$0x3F88]  }
0x31: {  	[smem:$0x3F91] =	sst s10  }
0x32: {  	s10 =	sld [smem:$0x3F8F];
	_ =	sdelay $0x3  }
0x33: {  	p0 =	seq.s32 s10, $0x1;
	s10 =	sld [smem:$0x3F91];
	_ =	sdelay $0x3  }
0x34: {  	[smem:$0x3F91] =	sst s10  }
0x35: {  	s10 =	sld [smem:$0x3F90];
	_ =	sdelay $0x3  }
0x36: {  	p1 =	seq.s32 s10, $0x1;
	s10 =	sld [smem:$0x3F91];
	_ =	sdelay $0x3  }
0x37: {  	[smem:$0x3F91] =	sst s10  }
0x38: {  	s10 =	sld [smem:$0x3F92]  }
0x39: {  	_ = 	snop;
	(pc) =	sbr.ind lr, $3  }
0x3a: {  	_ = 	snop  }
0x3b: {  	_ = 	snop  }
0x3c: {  	p2 =	seq.s32 s10, $0x1;
	s10 =	sld [smem:$0x3F91]  }
0x3d: {  	_ =	shalt  }
0x3e: {  	_ =	shalt  }
0x3f: {  	_ =	shalt  }
0x40: {  	_ =	shalt  }
0x41: {  	_ =	shalt  }
0x42: {  	_ =	shalt  }
0x43: {  	_ =	shalt  }
0x44: {  	_ =	shalt  }
0x45: {  	_ =	shalt  }
0x46: {  	_ =	shalt  }
0x47: {  	_ =	shalt  }
0x48: {  	_ =	shalt  }
0x49: {  	_ =	shalt  }
0x4a: {  	_ =	shalt  }
0x4b: {  	_ =	shalt  }
0x4c: {  	_ =	shalt  }
0x4d: {  	_ =	shalt  }
0x4e: {  	_ =	shalt  }
0x4f: {  	_ =	shalt  }
0x50: {  	_ =	shalt  }
0x51: {  	_ =	shalt  }
0x52: {  	_ =	shalt  }
0x53: {  	_ =	shalt  }
0x54: {  	_ =	shalt  }
0x55: {  	_ =	shalt  }
0x56: {  	_ =	shalt  }
0x57: {  	_ =	shalt  }
0x58: {  	_ =	shalt  }
0x59: {  	_ =	shalt  }
0x5a: {  	_ =	shalt  }
0x5b: {  	_ =	shalt  }
0x5c: {  	_ =	shalt  }
0x5d: {  	_ =	shalt  }
0x5e: {  	_ =	shalt  }
0x5f: {  	_ =	shalt  }
0x60: {  	_ =	shalt  }
0x61: {  	_ =	shalt  }
0x62: {  	_ =	shalt  }
0x63: {  	_ =	shalt  }
0x64: {  	_ =	shalt  }
0x65: {  	_ =	shalt  }
0x66: {  	_ =	shalt  }
0x67: {  	_ =	shalt  }
0x68: {  	_ =	shalt  }
0x69: {  	_ =	shalt  }
0x6a: {  	_ =	shalt  }
0x6b: {  	_ =	shalt  }
0x6c: {  	_ =	shalt  }
0x6d: {  	_ =	shalt  }
0x6e: {  	_ =	shalt  }
0x6f: {  	_ =	shalt  }
0x70: {  	_ =	shalt  }
0x71: {  	_ =	shalt  }
0x72: {  	_ =	shalt  }
0x73: {  	_ =	shalt  }
0x74: {  	_ =	shalt  }
0x75: {  	_ =	shalt  }
0x76: {  	_ =	shalt  }
0x77: {  	_ =	shalt  }
0x78: {  	_ =	shalt  }
0x79: {  	_ =	shalt  }
0x7a: {  	_ =	shalt  }
0x7b: {  	_ =	shalt  }
0x7c: {  	_ =	shalt  }
0x7d: {  	_ =	shalt  }
0x7e: {  	_ =	shalt  }
0x7f: {  	_ =	shalt  }
0x80: {  	_ =	shalt  }
0x81: {  	_ =	shalt  }
0x82: {  	_ =	shalt  }
0x83: {  	_ =	shalt  }
0x84: {  	_ =	shalt  }
0x85: {  	_ =	shalt  }
0x86: {  	_ =	shalt  }
0x87: {  	_ =	shalt  }
.Lfunc_end0:
.L_simem_size_0:
called_computation.1_lowered:
.L_overlay_start_0:
0x88: {  	s2 =	sld [smem:$0x3FD9]  }
0x89: {  	s3 =	sld [smem:$0x3FFE];
	_ =	sdelay $0x1  }
0x8a: {  	s1 =	srdreg.scid  }
0x8b: {  	s0 =	sand.u32 $0x1, s1  }
0x8c: {  	s16 =	sshll.u32 s0, $0xA;
	s2 =	sadd.s32 s3, s2  }
0x8d: {  	s2 =	sadd.s32 s2, s16  }
0x8e: {  	[smem:$0x3F9D] =	sst s2  }
0x8f: {  	_ = 	snop  }
0x90: {  	(tm) =	ssettm $0x1  }
0x91: {  	s17 =	sld [smem:$0x3FFB];
	_ =	sdelay $0x3  }
0x92: {  	_ =	strace s17  }
0x93: {  	s2 =	sld [smem:$0x3FFC];
	_ =	sdelay $0x3  }
0x94: {  	_ =	strace s2  }
0x95: {  	s2 =	sld [smem:$0x3FFD];
	_ =	sdelay $0x3  }
0x96: {  	_ =	strace s2  }
0x97: {  	_ =	strace $0x8FFFFFFF  }
0x98: {  	s18 =	sld [smem:$0x3FDB];
	_ =	sdelay $0x1  }
0x99: {  	s19 =	simm.s32 $_scs_section_size  }
0x9a: {  	s4 =	simm.s32 $_size__tile_overlayer_lowered;
	s5 =	simm.s32 $_tile_overlayer_lowered  }
0x9b: {  	s22 =	simm.s32 $0x1BFF;
	s21 =	sshll.u32 s5, $0x1;
	s2 =	sadd.s32 s19, s18  }
0x9c: {  	s6 =	simm.s32 $0x0;
	s20 =	sshll.u32 s4, $0x1;
	s4 =	sadd.s32 s21, s2  }
0x9d: {  	[timem:s6], [sflag:s22] =	dma.local [hbm:s4], s20  }
0x9e: {  	_ =	swait.ge [sflag:s22], s20  }
0x9f: {  	s3 =	ssub.s32 $0x0, s20;
	[sflag:s22] =	ssyncset.done $0x0  }
0xa0: {  	[sflag:s22] =	ssyncadd.s32 s3;
	_ =	sdelay $0x1  }
0xa1: {  	s23 =	simm.s32 $0x1B8B  }
0xa2: {  	_ =	swait.ge [sflag:s23], $0x1  }
0xa3: {  	[sflag:s23] =	ssyncset.done $0x0  }
0xa4: {  	s25 =	simm.s32 $0x1B8E;
	s24 =	sld [smem:$0x3FFE];
	[sflag:s23] =	ssyncadd.s32 $0xFFFFFFFF  }
0xa5: {  	s26 =	simm.s32 $execute0_lowered;
	[smem:$0x3FD2] =	sst s25  }
0xa6: {  	s4 =	sshll.u32 s26, $0x1;
	_ =	strace $0x80000049;
	[dreg:$0x1] =	wrdreg $0xFFFFFFFF  }
0xa7: {  	s28 =	simm.s32 $_size_execute0_lowered;
	s2 =	sadd.s32 s2, s4;
	[dreg:$0x0] =	wrdreg $0x0  }
0xa8: {  	s4 =	sshll.u32 s28, $0x1;
	[dreg:$0x2] =	wrdreg s2  }
0xa9: {  	[dreg:$0x3] =	wrdreg s4  }
0xaa: {  	[dreg:$0x4] =	wrdreg $0xC0  }
0xab: {  	_ =	task [dreg:s6], $0x5FFFF  }
0xac: {  	[dreg:$0x1] =	wrdreg $0xFFFFFFFF  }
0xad: {  	[dreg:$0x0] =	wrdreg $0x60  }
0xae: {  	[dreg:$0x2] =	wrdreg s24  }
0xaf: {  	[dreg:$0x3] =	wrdreg $0x94100  }
0xb0: {  	[dreg:$0x4] =	wrdreg $0x9  }
0xb1: {  	_ =	task.clear_ibuf [dreg:s6], $0x5FFFF;
	_ =	strace $0x90000049  }
0xb2: {  	s29 =	simm.s32 $0x9;
	_ =	strace $0x8000004B  }
0xb3: {  	_ =	swait.ge [sflag:s29], $0x1  }
0xb4: {  	[sflag:s29] =	ssyncadd.s32 $0xFFFFFFFF  }
0xb5: {  	_ =	strace $0x9000004B  }
0xb6: {  	_ =	sfence  }
0xb7: {  	s30 =	sld [smem:$0x0];
	_ =	sdelay $0x2  }
0xb8: {  	s31 =	sshll.u32 s1, $0xD;
	s1 =	sshrl.u32 s1, $0x2  }
0xb9: {  	s3 =	sand.u32 $0x4000, s31;
	s1 =	sadd.s32 s1, s30  }
0xba: {  	s0 =	sor.u32 s3, s0;
	s1 =	sshll.u32 s1, $0x11  }
0xbb: {  	s0 =	sor.u32 s1, s0  }
0xbc: {  	s0 =	sadd.s32 $0x8F2B, s0  }
0xbd: {  	[sflag:s0] =	ssyncadd.remote.s32 $0x1  }
0xbe: {  	_ =	sfence.sel $0xFFFF  }
0xbf: {  	[dreg:$0x0] =	wrdreg $0xFFFFFFFF;
	(pc) =	sbr.abs _section_cstart, $3  }
0xc0: {  	[dreg:$0x1] =	wrdreg $0xFFFFFFFF  }
0xc1: {  	_ =	task.clear_ibuf [dreg:s6], $0x2FFFF;
	_ =	strace $0x9FFFFFFF  }
0xc2: {  	(tm) =	ssettm $0x7FFFFFFF  }
0xc3: {  	_ =	shalt  }
tec
execute0_lowered:
.L_overlay_start_1:
0x0: {  	(tag) =	ssettag $0x1  }
0x1: {  	s0 =	rddreg [dreg:$0x0]  }
0x2: {  	s1 =	rddreg [dreg:$0x1]  }
0x3: {  	s3 =	simm.s32 $0x0;
	s4 =	srdreg.scid;
	s2 =	stileid.u32  }
0x4: {  	s18 =	simm.s32 $0x2800;
	s20 =	simm.s32 $0x5410;
	s21 =	simm.s32 $0x5010  }
0x5: {  	s22 =	simm.s32 $0x5110;
	s23 =	simm.s32 $0x5210;
	s24 =	simm.s32 $0x100  }
0x6: {  	s25 =	simm.s32 $0x1;
	s26 =	simm.s32 $0x5310;
	s28 =	simm.s32 $0x0  }
0x7: {  	[smem:$0x7FF] =	sst s3;
	s12 =	sand.u32 $0x1, s4;
	s13 =	smul.u32 $0xA000, s2  }
0x8: {  	s4 =	sadd.s32 $0x21A00, s0;
	s5 =	sadd.s32 $0x17600, s0;
	s6 =	sadd.s32 $0x40A00, s0  }
0x9: {  	s7 =	sadd.s32 $0x40400, s0;
	s8 =	sadd.s32 $0x3FE00, s0;
	s9 =	sadd.s32 $0x12600, s0  }
0xa: {  	s10 =	sadd.s32 $0x2BE00, s0;
	_ =	strace $0x8000004A;
	s11 =	smul.u32 $0xA0000, s12  }
0xb: {  	s15 =	ssub.s32 $0x2, s12;
	s17 =	sshll.u32 s12, $0x4;
	s12 =	sadd.s32 $0x4AE00, s0  }
0xc: {  	s29 =	sshrl.u32 s15, $0x1;
	s31 =	sor.u32 s2, s17;
	s14 =	sadd.s32 s13, s11  }
0xd: {  	s17 =	simm.s32 $0x2;
	s11 =	sadd.s32 $0x12800, s0;
	s14 =	sshrl.u32 s14, $0x3  }
0xe: {  	s30 =	ssub.s32 s15, s29;
	s13 =	sadd.s32 s13, s1;
	s16 =	sadd.s32 s14, s0  }
0xf: {  	s14 =	smul.u32 $0x2900, s31;
	s15 =	sadd.s32 $0x55200, s16;
	s16 =	smax.u32 s30, $0x1  }
.LBB2_1:
0x10: {  	[tilespmem:s3], [sflag:$0x2] =	stream.linear.gather [hbm4b:s7+s3], $0x2800, $0x38;
	[tilespmem:$0x13410] =	vst v63  }
0x11: {  	_ =	swait.ge [sflag:s17], $0x2800  }
0x12: {  	[sflag:s17] =	ssyncset.done $0x0  }
0x13: {  	[sflag:s17] =	ssyncadd.s32 $0xFFFFD800  }
0x14: {  	[tilespmem:s18], [sflag:$0x2] =	stream.linear.gather [hbm4b:s8+s3], $0x2800, $0x38;
	[tilespmem:$0x13410] =	vst v63  }
0x15: {  	_ =	swait.ge [sflag:s17], $0x2800  }
0x16: {  	[sflag:s17] =	ssyncset.done $0x0  }
0x17: {  	s0 =	simm.s32 $0x5000;
	[sflag:s17] =	ssyncadd.s32 $0xFFFFD800  }
0x18: {  	[tilespmem:s0], [sflag:$0x2] =	stream.linear.gather [hbm4b:s9+s3], $0x10, $0x38;
	[tilespmem:$0x13410] =	vst v63  }
0x19: {  	_ =	swait.ge [sflag:s17], $0x10  }
0x1a: {  	[sflag:s17] =	ssyncset.done $0x0  }
0x1b: {  	[sflag:s17] =	ssyncadd.s32 $0xFFFFFFF0  }
0x1c: {  	[tilespmem:s20], [sflag:$0x2] =	stream.linear.gather [hbm4b:s11+s3], $0xA000, $0x38;
	[tilespmem:$0x13410] =	vst v63  }
0x1d: {  	_ =	swait.ge [sflag:s17], $0xA000  }
0x1e: {  	[sflag:s17] =	ssyncset.done $0x0  }
0x1f: {  	[sflag:s17] =	ssyncadd.s32 $0xFFFF6000  }
0x20: {  	[spmem:s13] =	stream.linear.scatter [tilespmem:s20], [sflag:$0x2], $0xA000, $0x38;
	[tilespmem:$0x13410] =	vst v63  }
0x21: {  	_ =	swait.ge [sflag:s17], $0xA000  }
0x22: {  	[sflag:s17] =	ssyncset.done $0x0  }
0x23: {  	[sflag:s17] =	ssyncadd.s32 $0xFFFF6000  }
0x24: {  	[bflag:$0x0] =	sbarrier.arrive $0xFFFF  }
0x25: {  	s29 =	simm.s32 $0x0;
	v0 =	vld [tilespmem:$0x5000]  }
.LBB2_2:
0x26: {  	s0 =	sshll.u32 s29, $0x8  }
0x27: {  	s0 =	sadd.s32 s14, s0  }
0x28: {  	s30 =	sshrl.u32 s0, $0x3  }
0x29: {  	s31 =	simm.s32 $0x0;
	s0 =	sadd.s32 s4, s30  }
0x2a: {  	[tilespmem:s21], [sflag:$0x2] =	stream.linear.gather [hbm4b:s0+s31], $0x100, $0x38;
	[tilespmem:$0x13410] =	vst v63  }
0x2b: {  	_ =	swait.ge [sflag:s17], $0x100  }
0x2c: {  	[sflag:s17] =	ssyncset.done $0x0  }
0x2d: {  	s2 =	sadd.s32 s5, s30;
	[sflag:s17] =	ssyncadd.s32 $0xFFFFFF00  }
0x2e: {  	[tilespmem:s22], [sflag:$0x2] =	stream.linear.gather [hbm4b:s2+s31], $0x100, $0x38;
	[tilespmem:$0x13410] =	vst v63  }
0x2f: {  	_ =	swait.ge [sflag:s17], $0x100  }
0x30: {  	[sflag:s17] =	ssyncset.done $0x0  }
0x31: {  	s19 =	sadd.s32 s6, s30;
	[sflag:s17] =	ssyncadd.s32 $0xFFFFFF00  }
0x32: {  	[tilespmem:s23], [sflag:$0x2] =	stream.linear.gather [hbm4b:s19+s31], $0x100, $0x38;
	[tilespmem:$0x13410] =	vst v63  }
0x33: {  	_ =	swait.ge [sflag:s17], $0x100  }
0x34: {  	[sflag:s17] =	ssyncset.done $0x0  }
0x35: {  	[sflag:s17] =	ssyncadd.s32 $0xFFFFFF00  }
0x36: {  	[tilespmem:s20], [sflag:$0x1] =	stream.indirect.gather [hbm4b:s10+s24], $0x40, s21, s24, $0xb8;
	[tilespmem:$0x13410] =	vst v63  }
0x37: {  	v1 =	vld [tilespmem:$0x5010]  }
0x38: {  	v2 =	vld [tilespmem:$0x5110];
	_ =	sdelay $0x6  }
0x39: {  	v1 =	vld.idx.msk [tilespmem:v1+s31+$0x0], $0xffff  }
0x3a: {  	v2 =	vld.idx.msk [tilespmem:v2+s18+$0x0], $0xffff;
	_ =	sdelay $0x1  }
0x3b: {  	v3 =	vld [tilespmem:$0x5210];
	_ =	sdelay $0x2  }
0x3c: {  	v1 =	vadd.f32 v2, v1;
	_ =	sdelay $0x1  }
0x3d: {  	v1 =	vadd.f32 v3, v1;
	_ =	sdelay $0x1  }
0x3e: {  	v2 =	vmul.f32 $2.000000030e-01, v1;
	_ =	sdelay $0x1  }
0x3f: {  	v1 =	vmax.f32 v1, v2  }
0x40: {  	v1 =	vsub.f32 v1, v0;
	_ =	sdelay $0x1  }
0x41: {  	v1 =	vmul.f32 $1.442695020e+00, v1;
	_ =	sdelay $0x1  }
0x42: {  	(erf) = vpow2.f32 v1;
	_ =	sdelay $0x2  }
0x43: {  	v1 =	vld [tilespmem:$0x5020]  }
0x44: {  	v2 =	vld [tilespmem:$0x5120];
	_ =	sdelay $0x4  }
0x45: {  	v3 =	vpop (erf)  }
0x46: {  	[tilespmem:$0x5310] =	vst v3  }
0x47: {  	v1 =	vld.idx.msk [tilespmem:v1+s31+$0x0], $0xffff  }
0x48: {  	v2 =	vld.idx.msk [tilespmem:v2+s18+$0x0], $0xffff;
	_ =	sdelay $0x1  }
0x49: {  	v3 =	vld [tilespmem:$0x5220];
	_ =	sdelay $0x2  }
0x4a: {  	v1 =	vadd.f32 v2, v1;
	_ =	sdelay $0x1  }
0x4b: {  	v1 =	vadd.f32 v3, v1;
	_ =	sdelay $0x1  }
0x4c: {  	v2 =	vmul.f32 $2.000000030e-01, v1;
	_ =	sdelay $0x1  }
0x4d: {  	v1 =	vmax.f32 v1, v2  }
0x4e: {  	v1 =	vsub.f32 v1, v0;
	_ =	sdelay $0x1  }
0x4f: {  	v1 =	vmul.f32 $1.442695020e+00, v1;
	_ =	sdelay $0x1  }
0x50: {  	(erf) = vpow2.f32 v1;
	_ =	sdelay $0x2  }
0x51: {  	v1 =	vld [tilespmem:$0x5030]  }
0x52: {  	v2 =	vld [tilespmem:$0x5130];
	_ =	sdelay $0x4  }
0x53: {  	v3 =	vpop (erf)  }
0x54: {  	[tilespmem:$0x5320] =	vst v3  }
0x55: {  	v1 =	vld.idx.msk [tilespmem:v1+s31+$0x0], $0xffff  }
0x56: {  	v2 =	vld.idx.msk [tilespmem:v2+s18+$0x0], $0xffff;
	_ =	sdelay $0x1  }
0x57: {  	v3 =	vld [tilespmem:$0x5230];
	_ =	sdelay $0x2  }
0x58: {  	v1 =	vadd.f32 v2, v1;
	_ =	sdelay $0x1  }
0x59: {  	v1 =	vadd.f32 v3, v1;
	_ =	sdelay $0x1  }
0x5a: {  	v2 =	vmul.f32 $2.000000030e-01, v1;
	_ =	sdelay $0x1  }
0x5b: {  	v1 =	vmax.f32 v1, v2  }
0x5c: {  	v1 =	vsub.f32 v1, v0;
	_ =	sdelay $0x1  }
0x5d: {  	v1 =	vmul.f32 $1.442695020e+00, v1;
	_ =	sdelay $0x1  }
0x5e: {  	(erf) = vpow2.f32 v1;
	_ =	sdelay $0x2  }
0x5f: {  	v1 =	vld [tilespmem:$0x5040]  }
0x60: {  	v2 =	vld [tilespmem:$0x5140];
	_ =	sdelay $0x4  }
0x61: {  	v3 =	vpop (erf)  }
0x62: {  	[tilespmem:$0x5330] =	vst v3  }
0x63: {  	v1 =	vld.idx.msk [tilespmem:v1+s31+$0x0], $0xffff  }
0x64: {  	v2 =	vld.idx.msk [tilespmem:v2+s18+$0x0], $0xffff;
	_ =	sdelay $0x1  }
0x65: {  	v3 =	vld [tilespmem:$0x5240];
	_ =	sdelay $0x2  }
0x66: {  	v1 =	vadd.f32 v2, v1;
	_ =	sdelay $0x1  }
0x67: {  	v1 =	vadd.f32 v3, v1;
	_ =	sdelay $0x1  }
0x68: {  	v2 =	vmul.f32 $2.000000030e-01, v1;
	_ =	sdelay $0x1  }
0x69: {  	v1 =	vmax.f32 v1, v2  }
0x6a: {  	v1 =	vsub.f32 v1, v0;
	_ =	sdelay $0x1  }
0x6b: {  	v1 =	vmul.f32 $1.442695020e+00, v1;
	_ =	sdelay $0x1  }
0x6c: {  	(erf) = vpow2.f32 v1;
	_ =	sdelay $0x2  }
0x6d: {  	v1 =	vld [tilespmem:$0x5050]  }
0x6e: {  	v2 =	vld [tilespmem:$0x5150];
	_ =	sdelay $0x4  }
0x6f: {  	v3 =	vpop (erf)  }
0x70: {  	[tilespmem:$0x5340] =	vst v3  }
0x71: {  	v1 =	vld.idx.msk [tilespmem:v1+s31+$0x0], $0xffff  }
0x72: {  	v2 =	vld.idx.msk [tilespmem:v2+s18+$0x0], $0xffff;
	_ =	sdelay $0x1  }
0x73: {  	v3 =	vld [tilespmem:$0x5250];
	_ =	sdelay $0x2  }
0x74: {  	v1 =	vadd.f32 v2, v1;
	_ =	sdelay $0x1  }
0x75: {  	v1 =	vadd.f32 v3, v1;
	_ =	sdelay $0x1  }
0x76: {  	v2 =	vmul.f32 $2.000000030e-01, v1;
	_ =	sdelay $0x1  }
0x77: {  	v1 =	vmax.f32 v1, v2  }
0x78: {  	v1 =	vsub.f32 v1, v0;
	_ =	sdelay $0x1  }
0x79: {  	v1 =	vmul.f32 $1.442695020e+00, v1;
	_ =	sdelay $0x1  }
0x7a: {  	(erf) = vpow2.f32 v1;
	_ =	sdelay $0x2  }
0x7b: {  	v1 =	vld [tilespmem:$0x5060]  }
0x7c: {  	v2 =	vld [tilespmem:$0x5160];
	_ =	sdelay $0x4  }
0x7d: {  	v3 =	vpop (erf)  }
0x7e: {  	[tilespmem:$0x5350] =	vst v3  }
0x7f: {  	v1 =	vld.idx.msk [tilespmem:v1+s31+$0x0], $0xffff  }
0x80: {  	v2 =	vld.idx.msk [tilespmem:v2+s18+$0x0], $0xffff;
	_ =	sdelay $0x1  }
0x81: {  	v3 =	vld [tilespmem:$0x5260];
	_ =	sdelay $0x2  }
0x82: {  	v1 =	vadd.f32 v2, v1;
	_ =	sdelay $0x1  }
0x83: {  	v1 =	vadd.f32 v3, v1;
	_ =	sdelay $0x1  }
0x84: {  	v2 =	vmul.f32 $2.000000030e-01, v1;
	_ =	sdelay $0x1  }
0x85: {  	v1 =	vmax.f32 v1, v2  }
0x86: {  	v1 =	vsub.f32 v1, v0;
	_ =	sdelay $0x1  }
0x87: {  	v1 =	vmul.f32 $1.442695020e+00, v1;
	_ =	sdelay $0x1  }
0x88: {  	(erf) = vpow2.f32 v1;
	_ =	sdelay $0x2  }
0x89: {  	v1 =	vld [tilespmem:$0x5070]  }
0x8a: {  	v2 =	vld [tilespmem:$0x5170];
	_ =	sdelay $0x4  }
0x8b: {  	v3 =	vpop (erf)  }
0x8c: {  	[tilespmem:$0x5360] =	vst v3  }
0x8d: {  	v1 =	vld.idx.msk [tilespmem:v1+s31+$0x0], $0xffff  }
0x8e: {  	v2 =	vld.idx.msk [tilespmem:v2+s18+$0x0], $0xffff;
	_ =	sdelay $0x1  }
0x8f: {  	v3 =	vld [tilespmem:$0x5270];
	_ =	sdelay $0x2  }
0x90: {  	v1 =	vadd.f32 v2, v1;
	_ =	sdelay $0x1  }
0x91: {  	v1 =	vadd.f32 v3, v1;
	_ =	sdelay $0x1  }
0x92: {  	v2 =	vmul.f32 $2.000000030e-01, v1;
	_ =	sdelay $0x1  }
0x93: {  	v1 =	vmax.f32 v1, v2  }
0x94: {  	v1 =	vsub.f32 v1, v0;
	_ =	sdelay $0x1  }
0x95: {  	v1 =	vmul.f32 $1.442695020e+00, v1;
	_ =	sdelay $0x1  }
0x96: {  	(erf) = vpow2.f32 v1;
	_ =	sdelay $0x2  }
0x97: {  	v1 =	vld [tilespmem:$0x5080]  }
0x98: {  	v2 =	vld [tilespmem:$0x5180];
	_ =	sdelay $0x4  }
0x99: {  	v3 =	vpop (erf)  }
0x9a: {  	[tilespmem:$0x5370] =	vst v3  }
0x9b: {  	v1 =	vld.idx.msk [tilespmem:v1+s31+$0x0], $0xffff  }
0x9c: {  	v2 =	vld.idx.msk [tilespmem:v2+s18+$0x0], $0xffff;
	_ =	sdelay $0x1  }
0x9d: {  	v3 =	vld [tilespmem:$0x5280];
	_ =	sdelay $0x2  }
0x9e: {  	v1 =	vadd.f32 v2, v1;
	_ =	sdelay $0x1  }
0x9f: {  	v1 =	vadd.f32 v3, v1;
	_ =	sdelay $0x1  }
0xa0: {  	v2 =	vmul.f32 $2.000000030e-01, v1;
	_ =	sdelay $0x1  }
0xa1: {  	v1 =	vmax.f32 v1, v2  }
0xa2: {  	v1 =	vsub.f32 v1, v0;
	_ =	sdelay $0x1  }
0xa3: {  	v1 =	vmul.f32 $1.442695020e+00, v1;
	_ =	sdelay $0x1  }
0xa4: {  	(erf) = vpow2.f32 v1;
	_ =	sdelay $0x2  }
0xa5: {  	v1 =	vld [tilespmem:$0x5090]  }
0xa6: {  	v2 =	vld [tilespmem:$0x5190];
	_ =	sdelay $0x4  }
0xa7: {  	v3 =	vpop (erf)  }
0xa8: {  	[tilespmem:$0x5380] =	vst v3  }
0xa9: {  	v1 =	vld.idx.msk [tilespmem:v1+s31+$0x0], $0xffff  }
0xaa: {  	v2 =	vld.idx.msk [tilespmem:v2+s18+$0x0], $0xffff;
	_ =	sdelay $0x1  }
0xab: {  	v3 =	vld [tilespmem:$0x5290];
	_ =	sdelay $0x2  }
0xac: {  	v1 =	vadd.f32 v2, v1;
	_ =	sdelay $0x1  }
0xad: {  	v1 =	vadd.f32 v3, v1;
	_ =	sdelay $0x1  }
0xae: {  	v2 =	vmul.f32 $2.000000030e-01, v1;
	_ =	sdelay $0x1  }
0xaf: {  	v1 =	vmax.f32 v1, v2  }
0xb0: {  	v1 =	vsub.f32 v1, v0;
	_ =	sdelay $0x1  }
0xb1: {  	v1 =	vmul.f32 $1.442695020e+00, v1;
	_ =	sdelay $0x1  }
0xb2: {  	(erf) = vpow2.f32 v1;
	_ =	sdelay $0x2  }
0xb3: {  	v1 =	vld [tilespmem:$0x50A0]  }
0xb4: {  	v2 =	vld [tilespmem:$0x51A0];
	_ =	sdelay $0x4  }
0xb5: {  	v3 =	vpop (erf)  }
0xb6: {  	[tilespmem:$0x5390] =	vst v3  }
0xb7: {  	v1 =	vld.idx.msk [tilespmem:v1+s31+$0x0], $0xffff  }
0xb8: {  	v2 =	vld.idx.msk [tilespmem:v2+s18+$0x0], $0xffff;
	_ =	sdelay $0x1  }
0xb9: {  	v3 =	vld [tilespmem:$0x52A0];
	_ =	sdelay $0x2  }
0xba: {  	v1 =	vadd.f32 v2, v1;
	_ =	sdelay $0x1  }
0xbb: {  	v1 =	vadd.f32 v3, v1;
	_ =	sdelay $0x1  }
0xbc: {  	v2 =	vmul.f32 $2.000000030e-01, v1;
	_ =	sdelay $0x1  }
0xbd: {  	v1 =	vmax.f32 v1, v2  }
0xbe: {  	v1 =	vsub.f32 v1, v0;
	_ =	sdelay $0x1  }
0xbf: {  	v1 =	vmul.f32 $1.442695020e+00, v1;
	_ =	sdelay $0x1  }
0xc0: {  	(erf) = vpow2.f32 v1;
	_ =	sdelay $0x2  }
0xc1: {  	v1 =	vld [tilespmem:$0x50B0]  }
0xc2: {  	v2 =	vld [tilespmem:$0x51B0];
	_ =	sdelay $0x4  }
0xc3: {  	v3 =	vpop (erf)  }
0xc4: {  	[tilespmem:$0x53A0] =	vst v3  }
0xc5: {  	v1 =	vld.idx.msk [tilespmem:v1+s31+$0x0], $0xffff  }
0xc6: {  	v2 =	vld.idx.msk [tilespmem:v2+s18+$0x0], $0xffff;
	_ =	sdelay $0x1  }
0xc7: {  	v3 =	vld [tilespmem:$0x52B0];
	_ =	sdelay $0x2  }
0xc8: {  	v1 =	vadd.f32 v2, v1;
	_ =	sdelay $0x1  }
0xc9: {  	v1 =	vadd.f32 v3, v1;
	_ =	sdelay $0x1  }
0xca: {  	v2 =	vmul.f32 $2.000000030e-01, v1;
	_ =	sdelay $0x1  }
0xcb: {  	v1 =	vmax.f32 v1, v2  }
0xcc: {  	v1 =	vsub.f32 v1, v0;
	_ =	sdelay $0x1  }
0xcd: {  	v1 =	vmul.f32 $1.442695020e+00, v1;
	_ =	sdelay $0x1  }
0xce: {  	(erf) = vpow2.f32 v1;
	_ =	sdelay $0x2  }
0xcf: {  	v1 =	vld [tilespmem:$0x50C0]  }
0xd0: {  	v2 =	vld [tilespmem:$0x51C0];
	_ =	sdelay $0x4  }
0xd1: {  	v3 =	vpop (erf)  }
0xd2: {  	[tilespmem:$0x53B0] =	vst v3  }
0xd3: {  	v1 =	vld.idx.msk [tilespmem:v1+s31+$0x0], $0xffff  }
0xd4: {  	v2 =	vld.idx.msk [tilespmem:v2+s18+$0x0], $0xffff;
	_ =	sdelay $0x1  }
0xd5: {  	v3 =	vld [tilespmem:$0x52C0];
	_ =	sdelay $0x2  }
0xd6: {  	v1 =	vadd.f32 v2, v1;
	_ =	sdelay $0x1  }
0xd7: {  	v1 =	vadd.f32 v3, v1;
	_ =	sdelay $0x1  }
0xd8: {  	v2 =	vmul.f32 $2.000000030e-01, v1;
	_ =	sdelay $0x1  }
0xd9: {  	v1 =	vmax.f32 v1, v2  }
0xda: {  	v1 =	vsub.f32 v1, v0;
	_ =	sdelay $0x1  }
0xdb: {  	v1 =	vmul.f32 $1.442695020e+00, v1;
	_ =	sdelay $0x1  }
0xdc: {  	(erf) = vpow2.f32 v1;
	_ =	sdelay $0x2  }
0xdd: {  	v1 =	vld [tilespmem:$0x50D0]  }
0xde: {  	v2 =	vld [tilespmem:$0x51D0];
	_ =	sdelay $0x4  }
0xdf: {  	v3 =	vpop (erf)  }
0xe0: {  	[tilespmem:$0x53C0] =	vst v3  }
0xe1: {  	v1 =	vld.idx.msk [tilespmem:v1+s31+$0x0], $0xffff  }
0xe2: {  	v2 =	vld.idx.msk [tilespmem:v2+s18+$0x0], $0xffff;
	_ =	sdelay $0x1  }
0xe3: {  	v3 =	vld [tilespmem:$0x52D0];
	_ =	sdelay $0x2  }
0xe4: {  	v1 =	vadd.f32 v2, v1;
	_ =	sdelay $0x1  }
0xe5: {  	v1 =	vadd.f32 v3, v1;
	_ =	sdelay $0x1  }
0xe6: {  	v2 =	vmul.f32 $2.000000030e-01, v1;
	_ =	sdelay $0x1  }
0xe7: {  	v1 =	vmax.f32 v1, v2  }
0xe8: {  	v1 =	vsub.f32 v1, v0;
	_ =	sdelay $0x1  }
0xe9: {  	v1 =	vmul.f32 $1.442695020e+00, v1;
	_ =	sdelay $0x1  }
0xea: {  	(erf) = vpow2.f32 v1;
	_ =	sdelay $0x2  }
0xeb: {  	v1 =	vld [tilespmem:$0x50E0]  }
0xec: {  	v2 =	vld [tilespmem:$0x51E0];
	_ =	sdelay $0x4  }
0xed: {  	v3 =	vpop (erf)  }
0xee: {  	[tilespmem:$0x53D0] =	vst v3  }
0xef: {  	v1 =	vld.idx.msk [tilespmem:v1+s31+$0x0], $0xffff  }
0xf0: {  	v2 =	vld.idx.msk [tilespmem:v2+s18+$0x0], $0xffff;
	_ =	sdelay $0x1  }
0xf1: {  	v3 =	vld [tilespmem:$0x52E0];
	_ =	sdelay $0x2  }
0xf2: {  	v1 =	vadd.f32 v2, v1;
	_ =	sdelay $0x1  }
0xf3: {  	v1 =	vadd.f32 v3, v1;
	_ =	sdelay $0x1  }
0xf4: {  	v2 =	vmul.f32 $2.000000030e-01, v1;
	_ =	sdelay $0x1  }
0xf5: {  	v1 =	vmax.f32 v1, v2  }
0xf6: {  	v1 =	vsub.f32 v1, v0;
	_ =	sdelay $0x1  }
0xf7: {  	v1 =	vmul.f32 $1.442695020e+00, v1;
	_ =	sdelay $0x1  }
0xf8: {  	(erf) = vpow2.f32 v1;
	_ =	sdelay $0x2  }
0xf9: {  	v1 =	vld [tilespmem:$0x50F0]  }
0xfa: {  	v2 =	vld [tilespmem:$0x51F0];
	_ =	sdelay $0x4  }
0xfb: {  	v3 =	vpop (erf)  }
0xfc: {  	[tilespmem:$0x53E0] =	vst v3  }
0xfd: {  	v1 =	vld.idx.msk [tilespmem:v1+s31+$0x0], $0xffff  }
0xfe: {  	v2 =	vld.idx.msk [tilespmem:v2+s18+$0x0], $0xffff;
	_ =	sdelay $0x1  }
0xff: {  	v3 =	vld [tilespmem:$0x52F0];
	_ =	sdelay $0x2  }
0x100: {  	v1 =	vadd.f32 v2, v1;
	_ =	sdelay $0x1  }
0x101: {  	v1 =	vadd.f32 v3, v1;
	_ =	sdelay $0x1  }
0x102: {  	v2 =	vmul.f32 $2.000000030e-01, v1;
	_ =	sdelay $0x1  }
0x103: {  	v1 =	vmax.f32 v1, v2  }
0x104: {  	v1 =	vsub.f32 v1, v0;
	_ =	sdelay $0x1  }
0x105: {  	v1 =	vmul.f32 $1.442695020e+00, v1;
	_ =	sdelay $0x1  }
0x106: {  	(erf) = vpow2.f32 v1;
	_ =	sdelay $0x2  }
0x107: {  	v1 =	vld [tilespmem:$0x5100]  }
0x108: {  	v2 =	vld [tilespmem:$0x5200];
	_ =	sdelay $0x4  }
0x109: {  	v3 =	vpop (erf)  }
0x10a: {  	[tilespmem:$0x53F0] =	vst v3  }
0x10b: {  	v1 =	vld.idx.msk [tilespmem:v1+s31+$0x0], $0xffff  }
0x10c: {  	v2 =	vld.idx.msk [tilespmem:v2+s18+$0x0], $0xffff;
	_ =	sdelay $0x1  }
0x10d: {  	v3 =	vld [tilespmem:$0x5300];
	_ =	sdelay $0x2  }
0x10e: {  	v1 =	vadd.f32 v2, v1;
	_ =	sdelay $0x1  }
0x10f: {  	v1 =	vadd.f32 v3, v1;
	_ =	sdelay $0x1  }
0x110: {  	v2 =	vmul.f32 $2.000000030e-01, v1;
	_ =	sdelay $0x1  }
0x111: {  	v1 =	vmax.f32 v1, v2  }
0x112: {  	v1 =	vsub.f32 v1, v0;
	_ =	sdelay $0x1  }
0x113: {  	v1 =	vmul.f32 $1.442695020e+00, v1;
	_ =	sdelay $0x1  }
0x114: {  	(erf) = vpow2.f32 v1;
	_ =	sdelay $0x8  }
0x115: {  	v1 =	vpop (erf)  }
0x116: {  	[tilespmem:$0x5400] =	vst v1  }
0x117: {  	v1 =	vmov s31;
	_ =	swait.ge [sflag:s25], $0x4000  }
0x118: {  	[sflag:s25] =	ssyncset.done $0x0  }
0x119: {  	s31 =	simm.s32 $0x5430;
	[sflag:s25] =	ssyncadd.s32 $0xFFFFC000  }
0x11a: {  	v3 =	vld [tilespmem:s31+$0xFFFFFFF0]  }
0x11b: {  	v4 =	vld [tilespmem:s31+$0x10]  }
0x11c: {  	v6 =	vld.idx.msk [tilespmem:v1+s26+$0x0], $0xffff  }
0x11d: {  	v1 =	vld [tilespmem:s31+$0xFFFFFFE0]  }
0x11e: {  	v7 =	vld [tilespmem:s31+$0x0];
	_ =	sdelay $0x3  }
0x11f: {  	s19 =	simm.s32 $0x1;
	v2 =	vmul.f32 v1, v6;
	v5 =	vmul.f32 v4, v6  }
0x120: {  	s0 =	simm.s32 $0x2;
	v1 =	vmov s19;
	v4 =	vmul.f32 v3, v6;
	v3 =	vmul.f32 v7, v6;
	s19 =	simm.s32 $0x5430  }
.LBB2_3:
0x121: {  	p0 =	sne.s32 s0, $0xFF  }
0x122: {  	[tilespmem:s31+$0x10] =	vst v5;
	s19 =	sadd.s32 $0x40, s19;
	s2 =	smov.u32 s0;
	s0 =	sadd.s32 $0x1, s0  }
0x123: {  	[tilespmem:s31+$0xFFFFFFE0] =	vst v2  }
0x124: {  	v6 =	vld [tilespmem:s19+$0xFFFFFFF0];
	[tilespmem:s31+$0xFFFFFFF0] =	vst v4  }
0x125: {  	v4 =	vld [tilespmem:s19+$0x10];
	[tilespmem:s31+$0x0] =	vst v3;
	s31 =	smov.u32 s19  }
0x126: {  	v3 =	vld.idx.msk [tilespmem:v1+s26+$0x0], $0xffff  }
0x127: {  	v1 =	vld [tilespmem:s19+$0xFFFFFFE0]  }
0x128: {  	v7 =	vld [tilespmem:s19+$0x0]  }
.Ltmp0:
0x129: {  	(pc) =	sbr.rel @p0 .LBB2_3-.Ltmp0, $3  }
0x12a: {  	_ =	sdelay $0x1  }
0x12b: {  	v5 =	vmul.f32 v4, v3;
	v2 =	vmul.f32 v1, v3  }
0x12c: {  	v4 =	vmul.f32 v6, v3;
	v1 =	vmov s2;
	v3 =	vmul.f32 v7, v3  }
0x12d: {  	[tilespmem:s31+$0x10] =	vst v5  }
0x12e: {  	s0 =	sadd.s32 $0x40, s19;
	[tilespmem:s31+$0xFFFFFFE0] =	vst v2  }
0x12f: {  	v2 =	vld [tilespmem:s0+$0xFFFFFFF0];
	[tilespmem:s31+$0xFFFFFFF0] =	vst v4  }
0x130: {  	v4 =	vld [tilespmem:s0+$0x10];
	[tilespmem:s31+$0x0] =	vst v3  }
0x131: {  	v1 =	vld.idx.msk [tilespmem:v1+s26+$0x0], $0xffff  }
0x132: {  	v3 =	vld [tilespmem:s0+$0xFFFFFFE0];
	_ =	sdelay $0x1  }
0x133: {  	v5 =	vld [tilespmem:s0+$0x0];
	_ =	sdelay $0x1  }
0x134: {  	v4 =	vmul.f32 v4, v1  }
0x135: {  	v3 =	vmul.f32 v3, v1  }
0x136: {  	v2 =	vmul.f32 v2, v1;
	[tilespmem:s0+$0x10] =	vst v4  }
0x137: {  	v1 =	vmul.f32 v5, v1;
	[tilespmem:s0+$0xFFFFFFE0] =	vst v3  }
0x138: {  	[tilespmem:s0+$0xFFFFFFF0] =	vst v2  }
0x139: {  	[tilespmem:s0+$0x0] =	vst v1  }
0x13a: {  	[spmem:s1] =	stream.indirect.scatter.add.f32 [tilespmem:s20], [sflag:$0x2], $0x40, s22, s24, $0xb8;
	[tilespmem:$0x13410] =	vst v63  }
0x13b: {  	s29 =	sadd.s32 $0x1, s29;
	_ =	swait.ge [sflag:s17], $0x4000  }
0x13c: {  	p0 =	sne.s32 s29, $0x29;
	[sflag:s17] =	ssyncset.done $0x0  }
.Ltmp1:
0x13d: {  	s31 =	sadd.s32 s12, s30;
	[sflag:s17] =	ssyncadd.s32 $0xFFFFC000;
	(pc) =	sbr.rel @p0 .LBB2_2-.Ltmp1, $4  }
0x13e: {  	[hbm4b:s31+s3] =	stream.linear.scatter [tilespmem:s26], [sflag:$0x2], $0x100, $0x38;
	[tilespmem:$0x13410] =	vst v63  }
0x13f: {  	_ =	swait.ge [sflag:s17], $0x100  }
0x140: {  	[sflag:s17] =	ssyncset.done $0x0  }
0x141: {  	[sflag:s17] =	ssyncadd.s32 $0xFFFFFF00  }
0x142: {  	s0 =	stileid.u32;
	s28 =	sadd.s32 $0x1, s28  }
0x143: {  	[bflag:$0x0] =	sbarrier.arrive $0xFFFF;
	s0 =	sshll.u32 s0, $0x6;
	p0 =	sne.s32 s28, s16  }
.Ltmp2:
0x144: {  	s2 =	sshrl.u32 s13, $0x3;
	s0 =	sor.u32 $0x1C02, s0;
	(pc) =	sbr.rel @p0 .LBB2_1-.Ltmp2, $4  }
0x145: {  	[hbm:s15], [sflag:s0] =	dma.local [spmem:s2], $0x1400  }
0x146: {  	_ =	swait.ge [sflag:s17], $0x1400  }
0x147: {  	[sflag:s17] =	ssyncset.done $0x0  }
0x148: {  	[sflag:s17] =	ssyncadd.s32 $0xFFFFEC00  }
0x149: {  	_ =	sfence.sel $0x180000  }
0x14a: {  	[bflag:$0x0] =	sbarrier.arrive $0xFFFF  }
0x14b: {  	_ =	strace $0x9000004A  }
0x14c: {  	s0 =	stileid.u32;
	[bflag:$0x2] =	sbarrier.arrive $0xFFFF  }
0x14d: {  	p0 =	sne.s32 s0, $0x0;
	s0 =	rddreg [dreg:$0x2]  }
0x14e: {  	s0 =	sadd.s32 @!p0 $0x100000, s0  }
0x14f: {  	[sflag:s0] =	ssyncadd.tile.s32 @!p0 $0x1;
	_ =	shalt  }
.Lfunc_end2:
_tile_overlayer_lowered:
.L_overlay_start_2:
0x150: {  	(tag) =	ssettag $0x2  }
0x151: {  	s0 =	rddreg [dreg:$0x0];
	s2 =	stileid.u32  }
0x152: {  	s1 =	rddreg [dreg:$0x1];
	p0 =	sne.s32 s2, $0x0  }
0x153: {  	s3 =	rddreg [dreg:$0x2];
	[bflag:$0x3] =	sbarrier.arrive $0xFFFF;
	s2 =	simm.s32 @!p0 $0x1C02  }
0x154: {  	[timem:s3], [sflag:s2] =	dma.local @!p0 [hbm:s0], s1  }
0x155: {  	s0 =	simm.s32 @!p0 $0x2  }
0x156: {  	_ =	swait.ge @!p0 [sflag:s0], s1  }
0x157: {  	s1 =	ssub.s32 @!p0 $0x0, s1;
	[sflag:s0] =	ssyncset.done @!p0 $0x0  }
0x158: {  	[sflag:s0] =	ssyncadd.s32 @!p0 s1  }
0x159: {  	[bflag:$0x3] =	sbarrier.arrive $0xFFFF  }
0x15a: {  	_ =	shalt  }

// kernel: kernel.32.cloned.1.call-start
scs
__scs_entry_jumppad:
0x0: {  	(pc) =	sbr.rel $0x88, $3  }
0x1: {  	(tag) =	ssettag $0x0;
	lr =	simm.s32 $0x1  }
0x2: {  	[smem:$0x3F76] =	sst lr;
	_ =	strace $0xD0000000  }
0x3: {  	_ = 	snop  }
0x4: {  	_ = 	snop  }
0x5: {  	_ = 	snop  }
0x6: {  	_ = 	snop  }
0x7: {  	_ = 	snop  }
__scs_overlays_trampoline_lowered:
0x8: {  	[smem:$0x3F85] =	sst s0  }
0x9: {  	[smem:$0x3F86] =	sst s1  }
0xa: {  	[smem:$0x3F87] =	sst s2  }
0xb: {  	[smem:$0x3F88] =	sst s3  }
0xc: {  	[smem:$0x3F89] =	sst s4  }
0xd: {  	[smem:$0x3F8A] =	sst s5  }
0xe: {  	[smem:$0x3F8B] =	sst s6  }
0xf: {  	[smem:$0x3F8C] =	sst s7  }
0x10: {  	[smem:$0x3F8D] =	sst s8  }
0x11: {  	[smem:$0x3F8E] =	sst s9;
	s0 =	simm.s32 @!p0 $0x0  }
0x12: {  	s1 =	sld [smem:$0x3F74];
	s0 =	simm.s32 @p0 $0x1  }
0x13: {  	[smem:$0x3F8F] =	sst s0;
	s0 =	simm.s32 @!p1 $0x0  }
0x14: {  	s2 =	sld [smem:$0x3F73];
	s0 =	simm.s32 @p1 $0x1  }
0x15: {  	[smem:$0x3F90] =	sst s0;
	s0 =	simm.s32 @!p2 $0x0  }
0x16: {  	s3 =	sld [smem:$0x3FDB];
	s0 =	simm.s32 @p2 $0x1  }
0x17: {  	s4 =	simm.s32 $0x1BF5;
	[smem:$0x3F92] =	sst s0  }
0x18: {  	s0 =	sld [smem:$0x3F75];
	_ =	swait.ge [sflag:s4], $0x0  }
0x19: {  	s7 =	sld [smem:$0x3F76]  }
0x1a: {  	s8 =	sadd.s32 $0xFFFFE003, lr  }
0x1b: {  	s9 =	sadd.s32 $0xFFFFFEF7, lr;
	s5 =	simm.s32 $0xFFFFFFFF;
	p2 =	slt.u32 s8, $0xFFFFF086  }
0x1c: {  	p1 =	slt.u32 s9, $0xF7A;
	s5 =	simm.s32 @!p2 $0x0  }
0x1d: {  	s5 =	simm.s32 @p1 $0x1;
	p0 =	seq.s32 s7, s2  }
0x1e: {  	s7 =	smul.u32 @!p0 $0xF7A, s2;
	p2 =	seq.s32 @!p0 s5, $0x0  }
0x1f: {  	s9 =	smul.u32 $0xF7A, s1;
	s8 =	simm.s32 @!p0 $0x1BF5;
	p2 =	por !p2, p0  }
0x20: {  	[sflag:s8] =	ssyncset.s32 @!p0 $0xFFFFF086;
	s6 =	sadd.s32 @!p0 s3, s7;
	s7 =	simm.s32 @!p0 $0x108  }
0x21: {  	s3 =	sadd.s32 s3, s9;
	s6 =	sadd.s32 @!p0 $0x88, s6;
	s7 =	simm.s32 @p2 $0x1082  }
0x22: {  	[simem:s7], [sflag:s8] =	dma.local @!p0 [hbm:s6], $0xF7A  }
0x23: {  	s9 =	sor.u32 $0xD0000000, s2;
	s6 =	simm.s32 $0x108;
	_ =	swait.ge @!p0 [sflag:s8], $0x0  }
0x24: {  	s3 =	sadd.s32 $0x88, s3;
	s6 =	simm.s32 @!p1 $0x1082;
	[sflag:s4] =	ssyncset.s32 $0xFFFFF086  }
0x25: {  	[simem:s6], [sflag:s4] =	dma.local [hbm:s3], $0xF7A  }
0x26: {  	[smem:$0x3F76] =	sst s1;
	(tag) =	ssettag s2;
	_ =	strace s9  }
0x27: {  	s1 =	sld [smem:$0x3F86]  }
0x28: {  	s2 =	sld [smem:$0x3F87]  }
0x29: {  	s4 =	sld [smem:$0x3F89]  }
0x2a: {  	p0 =	seq.s32 s5, $0x0;
	s5 =	sld [smem:$0x3F8A]  }
0x2b: {  	s6 =	sld [smem:$0x3F8B]  }
0x2c: {  	s7 =	sld [smem:$0x3F8C]  }
0x2d: {  	s3 =	simm.s32 $0x108;
	s8 =	sld [smem:$0x3F8D]  }
0x2e: {  	s3 =	simm.s32 @!p0 $0x1082;
	s9 =	sld [smem:$0x3F8E]  }
0x2f: {  	lr =	sadd.s32 s0, s3;
	s0 =	sld [smem:$0x3F85]  }
0x30: {  	s3 =	sld [smem:$0x3F88]  }
0x31: {  	[smem:$0x3F91] =	sst s10  }
0x32: {  	s10 =	sld [smem:$0x3F8F];
	_ =	sdelay $0x3  }
0x33: {  	p0 =	seq.s32 s10, $0x1;
	s10 =	sld [smem:$0x3F91];
	_ =	sdelay $0x3  }
0x34: {  	[smem:$0x3F91] =	sst s10  }
0x35: {  	s10 =	sld [smem:$0x3F90];
	_ =	sdelay $0x3  }
0x36: {  	p1 =	seq.s32 s10, $0x1;
	s10 =	sld [smem:$0x3F91];
	_ =	sdelay $0x3  }
0x37: {  	[smem:$0x3F91] =	sst s10  }
0x38: {  	s10 =	sld [smem:$0x3F92]  }
0x39: {  	_ = 	snop;
	(pc) =	sbr.ind lr, $3  }
0x3a: {  	_ = 	snop  }
0x3b: {  	_ = 	snop  }
0x3c: {  	p2 =	seq.s32 s10, $0x1;
	s10 =	sld [smem:$0x3F91]  }
0x3d: {  	_ =	shalt  }
0x3e: {  	_ =	shalt  }
0x3f: {  	_ =	shalt  }
0x40: {  	_ =	shalt  }
0x41: {  	_ =	shalt  }
0x42: {  	_ =	shalt  }
0x43: {  	_ =	shalt  }
0x44: {  	_ =	shalt  }
0x45: {  	_ =	shalt  }
0x46: {  	_ =	shalt  }
0x47: {  	_ =	shalt  }
0x48: {  	_ =	shalt  }
0x49: {  	_ =	shalt  }
0x4a: {  	_ =	shalt  }
0x4b: {  	_ =	shalt  }
0x4c: {  	_ =	shalt  }
0x4d: {  	_ =	shalt  }
0x4e: {  	_ =	shalt  }
0x4f: {  	_ =	shalt  }
0x50: {  	_ =	shalt  }
0x51: {  	_ =	shalt  }
0x52: {  	_ =	shalt  }
0x53: {  	_ =	shalt  }
0x54: {  	_ =	shalt  }
0x55: {  	_ =	shalt  }
0x56: {  	_ =	shalt  }
0x57: {  	_ =	shalt  }
0x58: {  	_ =	shalt  }
0x59: {  	_ =	shalt  }
0x5a: {  	_ =	shalt  }
0x5b: {  	_ =	shalt  }
0x5c: {  	_ =	shalt  }
0x5d: {  	_ =	shalt  }
0x5e: {  	_ =	shalt  }
0x5f: {  	_ =	shalt  }
0x60: {  	_ =	shalt  }
0x61: {  	_ =	shalt  }
0x62: {  	_ =	shalt  }
0x63: {  	_ =	shalt  }
0x64: {  	_ =	shalt  }
0x65: {  	_ =	shalt  }
0x66: {  	_ =	shalt  }
0x67: {  	_ =	shalt  }
0x68: {  	_ =	shalt  }
0x69: {  	_ =	shalt  }
0x6a: {  	_ =	shalt  }
0x6b: {  	_ =	shalt  }
0x6c: {  	_ =	shalt  }
0x6d: {  	_ =	shalt  }
0x6e: {  	_ =	shalt  }
0x6f: {  	_ =	shalt  }
0x70: {  	_ =	shalt  }
0x71: {  	_ =	shalt  }
0x72: {  	_ =	shalt  }
0x73: {  	_ =	shalt  }
0x74: {  	_ =	shalt  }
0x75: {  	_ =	shalt  }
0x76: {  	_ =	shalt  }
0x77: {  	_ =	shalt  }
0x78: {  	_ =	shalt  }
0x79: {  	_ =	shalt  }
0x7a: {  	_ =	shalt  }
0x7b: {  	_ =	shalt  }
0x7c: {  	_ =	shalt  }
0x7d: {  	_ =	shalt  }
0x7e: {  	_ =	shalt  }
0x7f: {  	_ =	shalt  }
0x80: {  	_ =	shalt  }
0x81: {  	_ =	shalt  }
0x82: {  	_ =	shalt  }
0x83: {  	_ =	shalt  }
0x84: {  	_ =	shalt  }
0x85: {  	_ =	shalt  }
0x86: {  	_ =	shalt  }
0x87: {  	_ =	shalt  }
.Lfunc_end0:
.L_simem_size_0:
called_computation.2_lowered:
.L_overlay_start_0:
0x88: {  	s2 =	sld [smem:$0x3FD9]  }
0x89: {  	s3 =	sld [smem:$0x3FFE];
	_ =	sdelay $0x1  }
0x8a: {  	s1 =	srdreg.scid  }
0x8b: {  	s0 =	sand.u32 $0x1, s1  }
0x8c: {  	s16 =	sshll.u32 s0, $0xA;
	s2 =	sadd.s32 s3, s2  }
0x8d: {  	s2 =	sadd.s32 s2, s16  }
0x8e: {  	[smem:$0x3F9D] =	sst s2  }
0x8f: {  	_ = 	snop  }
0x90: {  	(tm) =	ssettm $0x1  }
0x91: {  	s17 =	sld [smem:$0x3FFB];
	_ =	sdelay $0x3  }
0x92: {  	_ =	strace s17  }
0x93: {  	s2 =	sld [smem:$0x3FFC];
	_ =	sdelay $0x3  }
0x94: {  	_ =	strace s2  }
0x95: {  	s2 =	sld [smem:$0x3FFD];
	_ =	sdelay $0x3  }
0x96: {  	_ =	strace s2  }
0x97: {  	_ =	strace $0x8FFFFFFF  }
0x98: {  	s18 =	sld [smem:$0x3FDB];
	_ =	sdelay $0x1  }
0x99: {  	s19 =	simm.s32 $_scs_section_size  }
0x9a: {  	s4 =	simm.s32 $_size__tile_overlayer_lowered;
	s5 =	simm.s32 $_tile_overlayer_lowered  }
0x9b: {  	s22 =	simm.s32 $0x1BFF;
	s21 =	sshll.u32 s5, $0x1;
	s2 =	sadd.s32 s19, s18  }
0x9c: {  	s6 =	simm.s32 $0x0;
	s20 =	sshll.u32 s4, $0x1;
	s4 =	sadd.s32 s21, s2  }
0x9d: {  	[timem:s6], [sflag:s22] =	dma.local [hbm:s4], s20  }
0x9e: {  	_ =	swait.ge [sflag:s22], s20  }
0x9f: {  	s3 =	ssub.s32 $0x0, s20;
	[sflag:s22] =	ssyncset.done $0x0  }
0xa0: {  	[sflag:s22] =	ssyncadd.s32 s3;
	_ =	sdelay $0x1  }
0xa1: {  	s23 =	simm.s32 $0x1B8B  }
0xa2: {  	_ =	swait.ge [sflag:s23], $0x1  }
0xa3: {  	[sflag:s23] =	ssyncset.done $0x0  }
0xa4: {  	s25 =	simm.s32 $0x1B8E;
	s24 =	sld [smem:$0x3FFE];
	[sflag:s23] =	ssyncadd.s32 $0xFFFFFFFF  }
0xa5: {  	s26 =	simm.s32 $execute0_lowered;
	[smem:$0x3FD2] =	sst s25  }
0xa6: {  	s4 =	sshll.u32 s26, $0x1;
	_ =	strace $0x8000004C;
	[dreg:$0x1] =	wrdreg $0xFFFFFFFF  }
0xa7: {  	s28 =	simm.s32 $_size_execute0_lowered;
	s2 =	sadd.s32 s2, s4;
	[dreg:$0x0] =	wrdreg $0x0  }
0xa8: {  	s4 =	sshll.u32 s28, $0x1;
	[dreg:$0x2] =	wrdreg s2  }
0xa9: {  	[dreg:$0x3] =	wrdreg s4  }
0xaa: {  	[dreg:$0x4] =	wrdreg $0xC0  }
0xab: {  	_ =	task [dreg:s6], $0x5FFFF  }
0xac: {  	[dreg:$0x1] =	wrdreg $0xFFFFFFFF  }
0xad: {  	[dreg:$0x0] =	wrdreg $0x60  }
0xae: {  	[dreg:$0x2] =	wrdreg s24  }
0xaf: {  	[dreg:$0x3] =	wrdreg $0x185000  }
0xb0: {  	[dreg:$0x4] =	wrdreg $0x9  }
0xb1: {  	_ =	task.clear_ibuf [dreg:s6], $0x5FFFF;
	_ =	strace $0x9000004C  }
0xb2: {  	s29 =	simm.s32 $0x9;
	_ =	strace $0x8000004E  }
0xb3: {  	_ =	swait.ge [sflag:s29], $0x1  }
0xb4: {  	[sflag:s29] =	ssyncadd.s32 $0xFFFFFFFF  }
0xb5: {  	_ =	strace $0x9000004E  }
0xb6: {  	_ =	sfence  }
0xb7: {  	s30 =	sld [smem:$0x0];
	_ =	sdelay $0x2  }
0xb8: {  	s31 =	sshll.u32 s1, $0xD;
	s1 =	sshrl.u32 s1, $0x2  }
0xb9: {  	s3 =	sand.u32 $0x4000, s31;
	s1 =	sadd.s32 s1, s30  }
0xba: {  	s0 =	sor.u32 s3, s0;
	s1 =	sshll.u32 s1, $0x11  }
0xbb: {  	s0 =	sor.u32 s1, s0  }
0xbc: {  	s0 =	sadd.s32 $0x8F2B, s0  }
0xbd: {  	[sflag:s0] =	ssyncadd.remote.s32 $0x1  }
0xbe: {  	_ =	sfence.sel $0xFFFF  }
0xbf: {  	[dreg:$0x0] =	wrdreg $0xFFFFFFFF;
	(pc) =	sbr.abs _section_cstart, $3  }
0xc0: {  	[dreg:$0x1] =	wrdreg $0xFFFFFFFF  }
0xc1: {  	_ =	task.clear_ibuf [dreg:s6], $0x2FFFF;
	_ =	strace $0x9FFFFFFF  }
0xc2: {  	(tm) =	ssettm $0x7FFFFFFF  }
0xc3: {  	_ =	shalt  }
tec
execute0_lowered:
.L_overlay_start_1:
0x0: {  	(tag) =	ssettag $0x1  }
0x1: {  	s11 =	rddreg [dreg:$0x0]  }
0x2: {  	s1 =	rddreg [dreg:$0x1]  }
0x3: {  	s0 =	rddreg [dreg:$0x2];
	s3 =	simm.s32 $0x0;
	s7 =	srdreg.scid  }
0x4: {  	s2 =	stileid.u32;
	s6 =	simm.s32 $0x17100;
	[smem:$0x7FF] =	sst s3  }
0x5: {  	s5 =	simm.s32 $0x1;
	s4 =	sadd.s32 $0x12200, s11;
	_ =	strace $0x8000004D  }
0x6: {  	[tilespmem:s6], [sflag:$0x1] =	stream.linear.gather [hbm4b:s4+s3], $0x1400, $0x38;
	[tilespmem:$0x19900] =	vst v63  }
0x7: {  	s12 =	sand.u32 $0x1, s7;
	s13 =	smul.u32 $0x1400, s2;
	_ =	swait.ge [sflag:s5], $0x1400  }
0x8: {  	s7 =	sshll.u32 s12, $0x4;
	[sflag:s5] =	ssyncset.done $0x0  }
0x9: {  	s8 =	sor.u32 s2, s7;
	s7 =	sadd.s32 s13, s1;
	[sflag:s5] =	ssyncadd.s32 $0xFFFFEC00  }
0xa: {  	[spmem:s7] =	stream.linear.scatter [tilespmem:s6], [sflag:$0x1], $0x1400, $0x38;
	[tilespmem:$0x19900] =	vst v63  }
0xb: {  	s9 =	smul.u32 $0x520, s8;
	_ =	swait.ge [sflag:s5], $0x1400  }
0xc: {  	[sflag:s5] =	ssyncset.done $0x0  }
0xd: {  	s9 =	sadd.s32 s9, s11;
	[sflag:s5] =	ssyncadd.s32 $0xFFFFEC00  }
0xe: {  	s10 =	smul.u32 $0x2900, s8;
	s8 =	sadd.s32 $0x17600, s9;
	[bflag:$0x0] =	sbarrier.arrive $0xFFFF  }
0xf: {  	[tilespmem:s3], [sflag:$0x1] =	stream.linear.gather [hbm4b:s8+s3], $0x2900, $0x38;
	[tilespmem:$0x19900] =	vst v63  }
0x10: {  	_ =	swait.ge [sflag:s5], $0x2900  }
0x11: {  	s28 =	sadd.s32 s10, s11;
	[sflag:s5] =	ssyncset.done $0x0  }
0x12: {  	s10 =	simm.s32 $0x2900;
	s9 =	sadd.s32 $0x59D200, s28;
	[sflag:s5] =	ssyncadd.s32 $0xFFFFD700  }
0x13: {  	[tilespmem:s10], [sflag:$0x1] =	stream.linear.gather [hbm4b:s9+s3], $0x14800, $0x38;
	[tilespmem:$0x19900] =	vst v63  }
0x14: {  	s14 =	smul.u32 $0x14000, s12;
	s12 =	ssub.s32 $0x2, s12;
	_ =	swait.ge [sflag:s5], $0x14800  }
0x15: {  	s31 =	sshll.u32 s2, $0x6;
	s29 =	sshrl.u32 s12, $0x1;
	[sflag:s5] =	ssyncset.done $0x0  }
0x16: {  	s13 =	sadd.s32 s13, s14;
	s12 =	ssub.s32 s12, s29;
	[sflag:s5] =	ssyncadd.s32 $0xFFFEB800  }
0x17: {  	[spmem:s1] =	stream.indirect.scatter.add.f32 [tilespmem:s10], [sflag:$0x1], $0x8, s3, s10, $0xb8;
	[tilespmem:$0x19900] =	vst v63  }
0x18: {  	s13 =	sshrl.u32 s13, $0x3;
	s30 =	smax.u32 s12, $0x1;
	_ =	swait.ge [sflag:s5], $0x14800  }
0x19: {  	s12 =	sor.u32 $0x1C01, s31;
	p0 =	sne.s32 s30, $0x1;
	[sflag:s5] =	ssyncset.done $0x0  }
.Ltmp0:
0x1a: {  	s11 =	sadd.s32 s13, s11;
	[sflag:s5] =	ssyncadd.s32 $0xFFFEB800;
	(pc) =	sbr.rel @!p0 .LBB2_2-.Ltmp0, $4  }
0x1b: {  	s13 =	sshrl.u32 s7, $0x3;
	s11 =	sadd.s32 $0x8400, s11;
	[bflag:$0x0] =	sbarrier.arrive $0xFFFF  }
0x1c: {  	[hbm:s11], [sflag:s12] =	dma.local [spmem:s13], $0x280  }
0x1d: {  	_ =	swait.ge [sflag:s5], $0x280  }
0x1e: {  	s14 =	sadd.s32 $0xFFFFFFFF, s30;
	[sflag:s5] =	ssyncset.done $0x0  }
.LBB2_1:
0x1f: {  	p0 =	sne.s32 s14, $0x1;
	s14 =	sadd.s32 $0xFFFFFFFF, s14;
	[sflag:s5] =	ssyncadd.s32 $0xFFFFFD80  }
0x20: {  	[tilespmem:s6], [sflag:$0x1] =	stream.linear.gather [hbm4b:s4+s3], $0x1400, $0x38;
	[tilespmem:$0x19900] =	vst v63  }
0x21: {  	_ =	swait.ge [sflag:s5], $0x1400  }
0x22: {  	[sflag:s5] =	ssyncset.done $0x0  }
0x23: {  	[sflag:s5] =	ssyncadd.s32 $0xFFFFEC00  }
0x24: {  	[spmem:s7] =	stream.linear.scatter [tilespmem:s6], [sflag:$0x1], $0x1400, $0x38;
	[tilespmem:$0x19900] =	vst v63  }
0x25: {  	_ =	swait.ge [sflag:s5], $0x1400  }
0x26: {  	[sflag:s5] =	ssyncset.done $0x0  }
0x27: {  	[sflag:s5] =	ssyncadd.s32 $0xFFFFEC00  }
0x28: {  	[bflag:$0x0] =	sbarrier.arrive $0xFFFF  }
0x29: {  	[tilespmem:s3], [sflag:$0x1] =	stream.linear.gather [hbm4b:s8+s3], $0x2900, $0x38;
	[tilespmem:$0x19900] =	vst v63  }
0x2a: {  	_ =	swait.ge [sflag:s5], $0x2900  }
0x2b: {  	[sflag:s5] =	ssyncset.done $0x0  }
0x2c: {  	[sflag:s5] =	ssyncadd.s32 $0xFFFFD700  }
0x2d: {  	[tilespmem:s10], [sflag:$0x1] =	stream.linear.gather [hbm4b:s9+s3], $0x14800, $0x38;
	[tilespmem:$0x19900] =	vst v63  }
0x2e: {  	_ =	swait.ge [sflag:s5], $0x14800  }
0x2f: {  	[sflag:s5] =	ssyncset.done $0x0  }
0x30: {  	[sflag:s5] =	ssyncadd.s32 $0xFFFEB800  }
0x31: {  	[spmem:s1] =	stream.indirect.scatter.add.f32 [tilespmem:s10], [sflag:$0x1], $0x8, s3, s10, $0xb8;
	[tilespmem:$0x19900] =	vst v63  }
0x32: {  	_ =	swait.ge [sflag:s5], $0x14800  }
0x33: {  	[sflag:s5] =	ssyncset.done $0x0  }
.Ltmp1:
0x34: {  	[sflag:s5] =	ssyncadd.s32 $0xFFFEB800;
	(pc) =	sbr.rel @p0 .LBB2_1-.Ltmp1, $4  }
0x35: {  	[bflag:$0x0] =	sbarrier.arrive $0xFFFF  }
0x36: {  	[hbm:s11], [sflag:s12] =	dma.local [spmem:s13], $0x280  }
0x37: {  	_ =	swait.ge [sflag:s5], $0x280  }
0x38: {  	[sflag:s5] =	ssyncset.done $0x0  }
.LBB2_2:
0x39: {  	[sflag:s5] =	ssyncadd.s32 $0xFFFFFD80  }
0x3a: {  	_ =	sfence.sel $0x180000  }
0x3b: {  	[bflag:$0x0] =	sbarrier.arrive $0xFFFF  }
0x3c: {  	p0 =	sne.s32 s2, $0x0;
	_ =	strace $0x9000004D  }
0x3d: {  	s0 =	sadd.s32 @!p0 $0x100000, s0;
	[bflag:$0x2] =	sbarrier.arrive $0xFFFF  }
0x3e: {  	[sflag:s0] =	ssyncadd.tile.s32 @!p0 $0x1;
	_ =	shalt  }
.Lfunc_end2:
_tile_overlayer_lowered:
.L_overlay_start_2:
0x3f: {  	(tag) =	ssettag $0x2  }
0x40: {  	s0 =	rddreg [dreg:$0x0];
	s2 =	stileid.u32  }
0x41: {  	s1 =	rddreg [dreg:$0x1];
	p0 =	sne.s32 s2, $0x0  }
0x42: {  	s3 =	rddreg [dreg:$0x2];
	[bflag:$0x3] =	sbarrier.arrive $0xFFFF;
	s2 =	simm.s32 @!p0 $0x1C01  }
0x43: {  	[timem:s3], [sflag:s2] =	dma.local @!p0 [hbm:s0], s1  }
0x44: {  	s0 =	simm.s32 @!p0 $0x1  }
0x45: {  	_ =	swait.ge @!p0 [sflag:s0], s1  }
0x46: {  	s1 =	ssub.s32 @!p0 $0x0, s1;
	[sflag:s0] =	ssyncset.done @!p0 $0x0  }
0x47: {  	[sflag:s0] =	ssyncadd.s32 @!p0 s1  }
0x48: {  	[bflag:$0x3] =	sbarrier.arrive $0xFFFF  }
0x49: {  	_ =	shalt  }

// kernel: kernel.35.cloned.1.call-start
scs
__scs_entry_jumppad:
0x0: {  	(pc) =	sbr.rel $0x88, $3  }
0x1: {  	(tag) =	ssettag $0x0;
	lr =	simm.s32 $0x1  }
0x2: {  	[smem:$0x3F76] =	sst lr;
	_ =	strace $0xD0000000  }
0x3: {  	_ = 	snop  }
0x4: {  	_ = 	snop  }
0x5: {  	_ = 	snop  }
0x6: {  	_ = 	snop  }
0x7: {  	_ = 	snop  }
__scs_overlays_trampoline_lowered:
0x8: {  	[smem:$0x3F85] =	sst s0  }
0x9: {  	[smem:$0x3F86] =	sst s1  }
0xa: {  	[smem:$0x3F87] =	sst s2  }
0xb: {  	[smem:$0x3F88] =	sst s3  }
0xc: {  	[smem:$0x3F89] =	sst s4  }
0xd: {  	[smem:$0x3F8A] =	sst s5  }
0xe: {  	[smem:$0x3F8B] =	sst s6  }
0xf: {  	[smem:$0x3F8C] =	sst s7  }
0x10: {  	[smem:$0x3F8D] =	sst s8  }
0x11: {  	[smem:$0x3F8E] =	sst s9;
	s0 =	simm.s32 @!p0 $0x0  }
0x12: {  	s1 =	sld [smem:$0x3F74];
	s0 =	simm.s32 @p0 $0x1  }
0x13: {  	[smem:$0x3F8F] =	sst s0;
	s0 =	simm.s32 @!p1 $0x0  }
0x14: {  	s2 =	sld [smem:$0x3F73];
	s0 =	simm.s32 @p1 $0x1  }
0x15: {  	[smem:$0x3F90] =	sst s0;
	s0 =	simm.s32 @!p2 $0x0  }
0x16: {  	s3 =	sld [smem:$0x3FDB];
	s0 =	simm.s32 @p2 $0x1  }
0x17: {  	s4 =	simm.s32 $0x1BF5;
	[smem:$0x3F92] =	sst s0  }
0x18: {  	s0 =	sld [smem:$0x3F75];
	_ =	swait.ge [sflag:s4], $0x0  }
0x19: {  	s7 =	sld [smem:$0x3F76]  }
0x1a: {  	s8 =	sadd.s32 $0xFFFFE003, lr  }
0x1b: {  	s9 =	sadd.s32 $0xFFFFFEF7, lr;
	s5 =	simm.s32 $0xFFFFFFFF;
	p2 =	slt.u32 s8, $0xFFFFF086  }
0x1c: {  	p1 =	slt.u32 s9, $0xF7A;
	s5 =	simm.s32 @!p2 $0x0  }
0x1d: {  	s5 =	simm.s32 @p1 $0x1;
	p0 =	seq.s32 s7, s2  }
0x1e: {  	s7 =	smul.u32 @!p0 $0xF7A, s2;
	p2 =	seq.s32 @!p0 s5, $0x0  }
0x1f: {  	s9 =	smul.u32 $0xF7A, s1;
	s8 =	simm.s32 @!p0 $0x1BF5;
	p2 =	por !p2, p0  }
0x20: {  	[sflag:s8] =	ssyncset.s32 @!p0 $0xFFFFF086;
	s6 =	sadd.s32 @!p0 s3, s7;
	s7 =	simm.s32 @!p0 $0x108  }
0x21: {  	s3 =	sadd.s32 s3, s9;
	s6 =	sadd.s32 @!p0 $0x88, s6;
	s7 =	simm.s32 @p2 $0x1082  }
0x22: {  	[simem:s7], [sflag:s8] =	dma.local @!p0 [hbm:s6], $0xF7A  }
0x23: {  	s9 =	sor.u32 $0xD0000000, s2;
	s6 =	simm.s32 $0x108;
	_ =	swait.ge @!p0 [sflag:s8], $0x0  }
0x24: {  	s3 =	sadd.s32 $0x88, s3;
	s6 =	simm.s32 @!p1 $0x1082;
	[sflag:s4] =	ssyncset.s32 $0xFFFFF086  }
0x25: {  	[simem:s6], [sflag:s4] =	dma.local [hbm:s3], $0xF7A  }
0x26: {  	[smem:$0x3F76] =	sst s1;
	(tag) =	ssettag s2;
	_ =	strace s9  }
0x27: {  	s1 =	sld [smem:$0x3F86]  }
0x28: {  	s2 =	sld [smem:$0x3F87]  }
0x29: {  	s4 =	sld [smem:$0x3F89]  }
0x2a: {  	p0 =	seq.s32 s5, $0x0;
	s5 =	sld [smem:$0x3F8A]  }
0x2b: {  	s6 =	sld [smem:$0x3F8B]  }
0x2c: {  	s7 =	sld [smem:$0x3F8C]  }
0x2d: {  	s3 =	simm.s32 $0x108;
	s8 =	sld [smem:$0x3F8D]  }
0x2e: {  	s3 =	simm.s32 @!p0 $0x1082;
	s9 =	sld [smem:$0x3F8E]  }
0x2f: {  	lr =	sadd.s32 s0, s3;
	s0 =	sld [smem:$0x3F85]  }
0x30: {  	s3 =	sld [smem:$0x3F88]  }
0x31: {  	[smem:$0x3F91] =	sst s10  }
0x32: {  	s10 =	sld [smem:$0x3F8F];
	_ =	sdelay $0x3  }
0x33: {  	p0 =	seq.s32 s10, $0x1;
	s10 =	sld [smem:$0x3F91];
	_ =	sdelay $0x3  }
0x34: {  	[smem:$0x3F91] =	sst s10  }
0x35: {  	s10 =	sld [smem:$0x3F90];
	_ =	sdelay $0x3  }
0x36: {  	p1 =	seq.s32 s10, $0x1;
	s10 =	sld [smem:$0x3F91];
	_ =	sdelay $0x3  }
0x37: {  	[smem:$0x3F91] =	sst s10  }
0x38: {  	s10 =	sld [smem:$0x3F92]  }
0x39: {  	_ = 	snop;
	(pc) =	sbr.ind lr, $3  }
0x3a: {  	_ = 	snop  }
0x3b: {  	_ = 	snop  }
0x3c: {  	p2 =	seq.s32 s10, $0x1;
	s10 =	sld [smem:$0x3F91]  }
0x3d: {  	_ =	shalt  }
0x3e: {  	_ =	shalt  }
0x3f: {  	_ =	shalt  }
0x40: {  	_ =	shalt  }
0x41: {  	_ =	shalt  }
0x42: {  	_ =	shalt  }
0x43: {  	_ =	shalt  }
0x44: {  	_ =	shalt  }
0x45: {  	_ =	shalt  }
0x46: {  	_ =	shalt  }
0x47: {  	_ =	shalt  }
0x48: {  	_ =	shalt  }
0x49: {  	_ =	shalt  }
0x4a: {  	_ =	shalt  }
0x4b: {  	_ =	shalt  }
0x4c: {  	_ =	shalt  }
0x4d: {  	_ =	shalt  }
0x4e: {  	_ =	shalt  }
0x4f: {  	_ =	shalt  }
0x50: {  	_ =	shalt  }
0x51: {  	_ =	shalt  }
0x52: {  	_ =	shalt  }
0x53: {  	_ =	shalt  }
0x54: {  	_ =	shalt  }
0x55: {  	_ =	shalt  }
0x56: {  	_ =	shalt  }
0x57: {  	_ =	shalt  }
0x58: {  	_ =	shalt  }
0x59: {  	_ =	shalt  }
0x5a: {  	_ =	shalt  }
0x5b: {  	_ =	shalt  }
0x5c: {  	_ =	shalt  }
0x5d: {  	_ =	shalt  }
0x5e: {  	_ =	shalt  }
0x5f: {  	_ =	shalt  }
0x60: {  	_ =	shalt  }
0x61: {  	_ =	shalt  }
0x62: {  	_ =	shalt  }
0x63: {  	_ =	shalt  }
0x64: {  	_ =	shalt  }
0x65: {  	_ =	shalt  }
0x66: {  	_ =	shalt  }
0x67: {  	_ =	shalt  }
0x68: {  	_ =	shalt  }
0x69: {  	_ =	shalt  }
0x6a: {  	_ =	shalt  }
0x6b: {  	_ =	shalt  }
0x6c: {  	_ =	shalt  }
0x6d: {  	_ =	shalt  }
0x6e: {  	_ =	shalt  }
0x6f: {  	_ =	shalt  }
0x70: {  	_ =	shalt  }
0x71: {  	_ =	shalt  }
0x72: {  	_ =	shalt  }
0x73: {  	_ =	shalt  }
0x74: {  	_ =	shalt  }
0x75: {  	_ =	shalt  }
0x76: {  	_ =	shalt  }
0x77: {  	_ =	shalt  }
0x78: {  	_ =	shalt  }
0x79: {  	_ =	shalt  }
0x7a: {  	_ =	shalt  }
0x7b: {  	_ =	shalt  }
0x7c: {  	_ =	shalt  }
0x7d: {  	_ =	shalt  }
0x7e: {  	_ =	shalt  }
0x7f: {  	_ =	shalt  }
0x80: {  	_ =	shalt  }
0x81: {  	_ =	shalt  }
0x82: {  	_ =	shalt  }
0x83: {  	_ =	shalt  }
0x84: {  	_ =	shalt  }
0x85: {  	_ =	shalt  }
0x86: {  	_ =	shalt  }
0x87: {  	_ =	shalt  }
.Lfunc_end0:
.L_simem_size_0:
called_computation.3_lowered:
.L_overlay_start_0:
0x88: {  	s2 =	sld [smem:$0x3FD9]  }
0x89: {  	s3 =	sld [smem:$0x3FFE];
	_ =	sdelay $0x1  }
0x8a: {  	s1 =	srdreg.scid  }
0x8b: {  	s0 =	sand.u32 $0x1, s1  }
0x8c: {  	s16 =	sshll.u32 s0, $0xA;
	s2 =	sadd.s32 s3, s2  }
0x8d: {  	s2 =	sadd.s32 s2, s16  }
0x8e: {  	[smem:$0x3F9D] =	sst s2  }
0x8f: {  	_ = 	snop  }
0x90: {  	(tm) =	ssettm $0x1  }
0x91: {  	s17 =	sld [smem:$0x3FFB];
	_ =	sdelay $0x3  }
0x92: {  	_ =	strace s17  }
0x93: {  	s2 =	sld [smem:$0x3FFC];
	_ =	sdelay $0x3  }
0x94: {  	_ =	strace s2  }
0x95: {  	s2 =	sld [smem:$0x3FFD];
	_ =	sdelay $0x3  }
0x96: {  	_ =	strace s2  }
0x97: {  	_ =	strace $0x8FFFFFFF  }
0x98: {  	s18 =	sld [smem:$0x3FDB];
	_ =	sdelay $0x1  }
0x99: {  	s19 =	simm.s32 $_scs_section_size  }
0x9a: {  	s4 =	simm.s32 $_size__tile_overlayer_lowered;
	s5 =	simm.s32 $_tile_overlayer_lowered  }
0x9b: {  	s22 =	simm.s32 $0x1BFF;
	s21 =	sshll.u32 s5, $0x1;
	s2 =	sadd.s32 s19, s18  }
0x9c: {  	s6 =	simm.s32 $0x0;
	s20 =	sshll.u32 s4, $0x1;
	s4 =	sadd.s32 s21, s2  }
0x9d: {  	[timem:s6], [sflag:s22] =	dma.local [hbm:s4], s20  }
0x9e: {  	_ =	swait.ge [sflag:s22], s20  }
0x9f: {  	s3 =	ssub.s32 $0x0, s20;
	[sflag:s22] =	ssyncset.done $0x0  }
0xa0: {  	[sflag:s22] =	ssyncadd.s32 s3;
	_ =	sdelay $0x1  }
0xa1: {  	s23 =	simm.s32 $0x1B8B  }
0xa2: {  	_ =	swait.ge [sflag:s23], $0x1  }
0xa3: {  	[sflag:s23] =	ssyncset.done $0x0  }
0xa4: {  	s25 =	simm.s32 $0x1B8E;
	s24 =	sld [smem:$0x3FFE];
	[sflag:s23] =	ssyncadd.s32 $0xFFFFFFFF  }
0xa5: {  	s26 =	simm.s32 $execute0_lowered;
	[smem:$0x3FD2] =	sst s25  }
0xa6: {  	s4 =	sshll.u32 s26, $0x1;
	_ =	strace $0x8000004F;
	[dreg:$0x1] =	wrdreg $0xFFFFFFFF  }
0xa7: {  	s28 =	simm.s32 $_size_execute0_lowered;
	s2 =	sadd.s32 s2, s4;
	[dreg:$0x0] =	wrdreg $0x0  }
0xa8: {  	s4 =	sshll.u32 s28, $0x1;
	[dreg:$0x2] =	wrdreg s2  }
0xa9: {  	[dreg:$0x3] =	wrdreg s4  }
0xaa: {  	[dreg:$0x4] =	wrdreg $0xC0  }
0xab: {  	_ =	task [dreg:s6], $0x5FFFF  }
0xac: {  	[dreg:$0x1] =	wrdreg $0xFFFFFFFF  }
0xad: {  	[dreg:$0x0] =	wrdreg $0x60  }
0xae: {  	[dreg:$0x2] =	wrdreg s24  }
0xaf: {  	[dreg:$0x3] =	wrdreg $0x94100  }
0xb0: {  	[dreg:$0x4] =	wrdreg $0x9  }
0xb1: {  	_ =	task.clear_ibuf [dreg:s6], $0x5FFFF;
	_ =	strace $0x9000004F  }
0xb2: {  	s29 =	simm.s32 $0x9;
	_ =	strace $0x80000051  }
0xb3: {  	_ =	swait.ge [sflag:s29], $0x1  }
0xb4: {  	[sflag:s29] =	ssyncadd.s32 $0xFFFFFFFF  }
0xb5: {  	_ =	strace $0x90000051  }
0xb6: {  	_ =	sfence  }
0xb7: {  	s30 =	sld [smem:$0x0];
	_ =	sdelay $0x2  }
0xb8: {  	s31 =	sshll.u32 s1, $0xD;
	s1 =	sshrl.u32 s1, $0x2  }
0xb9: {  	s3 =	sand.u32 $0x4000, s31;
	s1 =	sadd.s32 s1, s30  }
0xba: {  	s0 =	sor.u32 s3, s0;
	s1 =	sshll.u32 s1, $0x11  }
0xbb: {  	s0 =	sor.u32 s1, s0  }
0xbc: {  	s0 =	sadd.s32 $0x8F2B, s0  }
0xbd: {  	[sflag:s0] =	ssyncadd.remote.s32 $0x1  }
0xbe: {  	_ =	sfence.sel $0xFFFF  }
0xbf: {  	[dreg:$0x0] =	wrdreg $0xFFFFFFFF;
	(pc) =	sbr.abs _section_cstart, $3  }
0xc0: {  	[dreg:$0x1] =	wrdreg $0xFFFFFFFF  }
0xc1: {  	_ =	task.clear_ibuf [dreg:s6], $0x2FFFF;
	_ =	strace $0x9FFFFFFF  }
0xc2: {  	(tm) =	ssettm $0x7FFFFFFF  }
0xc3: {  	_ =	shalt  }
tec
execute0_lowered:
.L_overlay_start_1:
0x0: {  	(tag) =	ssettag $0x1  }
0x1: {  	s0 =	rddreg [dreg:$0x0]  }
0x2: {  	s1 =	rddreg [dreg:$0x1]  }
0x3: {  	s3 =	simm.s32 $0x0;
	s4 =	srdreg.scid;
	s2 =	stileid.u32  }
0x4: {  	s18 =	simm.s32 $0x2800;
	s20 =	simm.s32 $0x5410;
	s21 =	simm.s32 $0x5010  }
0x5: {  	s22 =	simm.s32 $0x5110;
	s23 =	simm.s32 $0x5210;
	s24 =	simm.s32 $0x100  }
0x6: {  	s25 =	simm.s32 $0x1;
	s26 =	simm.s32 $0x5310;
	s28 =	simm.s32 $0x0  }
0x7: {  	[smem:$0x7FF] =	sst s3;
	s12 =	sand.u32 $0x1, s4;
	s13 =	smul.u32 $0xA000, s2  }
0x8: {  	s4 =	sadd.s32 $0x21A00, s0;
	s5 =	sadd.s32 $0x17600, s0;
	s6 =	sadd.s32 $0x2BE00, s0  }
0x9: {  	s7 =	sadd.s32 $0x14200, s0;
	s8 =	sadd.s32 $0x13C00, s0;
	s9 =	sadd.s32 $0x12600, s0  }
0xa: {  	s10 =	sadd.s32 $0x36200, s0;
	_ =	strace $0x80000050;
	s11 =	smul.u32 $0xA0000, s12  }
0xb: {  	s15 =	ssub.s32 $0x2, s12;
	s17 =	sshll.u32 s12, $0x4;
	s12 =	sadd.s32 $0x4A200, s0  }
0xc: {  	s29 =	sshrl.u32 s15, $0x1;
	s31 =	sor.u32 s2, s17;
	s14 =	sadd.s32 s13, s11  }
0xd: {  	s17 =	simm.s32 $0x2;
	s11 =	sadd.s32 $0x12800, s0;
	s14 =	sshrl.u32 s14, $0x3  }
0xe: {  	s30 =	ssub.s32 s15, s29;
	s13 =	sadd.s32 s13, s1;
	s16 =	sadd.s32 s14, s0  }
0xf: {  	s14 =	smul.u32 $0x2900, s31;
	s15 =	sadd.s32 $0x54600, s16;
	s16 =	smax.u32 s30, $0x1  }
.LBB2_1:
0x10: {  	[tilespmem:s3], [sflag:$0x2] =	stream.linear.gather [hbm4b:s7+s3], $0x2800, $0x38;
	[tilespmem:$0x13410] =	vst v63  }
0x11: {  	_ =	swait.ge [sflag:s17], $0x2800  }
0x12: {  	[sflag:s17] =	ssyncset.done $0x0  }
0x13: {  	[sflag:s17] =	ssyncadd.s32 $0xFFFFD800  }
0x14: {  	[tilespmem:s18], [sflag:$0x2] =	stream.linear.gather [hbm4b:s8+s3], $0x2800, $0x38;
	[tilespmem:$0x13410] =	vst v63  }
0x15: {  	_ =	swait.ge [sflag:s17], $0x2800  }
0x16: {  	[sflag:s17] =	ssyncset.done $0x0  }
0x17: {  	s0 =	simm.s32 $0x5000;
	[sflag:s17] =	ssyncadd.s32 $0xFFFFD800  }
0x18: {  	[tilespmem:s0], [sflag:$0x2] =	stream.linear.gather [hbm4b:s9+s3], $0x10, $0x38;
	[tilespmem:$0x13410] =	vst v63  }
0x19: {  	_ =	swait.ge [sflag:s17], $0x10  }
0x1a: {  	[sflag:s17] =	ssyncset.done $0x0  }
0x1b: {  	[sflag:s17] =	ssyncadd.s32 $0xFFFFFFF0  }
0x1c: {  	[tilespmem:s20], [sflag:$0x2] =	stream.linear.gather [hbm4b:s11+s3], $0xA000, $0x38;
	[tilespmem:$0x13410] =	vst v63  }
0x1d: {  	_ =	swait.ge [sflag:s17], $0xA000  }
0x1e: {  	[sflag:s17] =	ssyncset.done $0x0  }
0x1f: {  	[sflag:s17] =	ssyncadd.s32 $0xFFFF6000  }
0x20: {  	[spmem:s13] =	stream.linear.scatter [tilespmem:s20], [sflag:$0x2], $0xA000, $0x38;
	[tilespmem:$0x13410] =	vst v63  }
0x21: {  	_ =	swait.ge [sflag:s17], $0xA000  }
0x22: {  	[sflag:s17] =	ssyncset.done $0x0  }
0x23: {  	[sflag:s17] =	ssyncadd.s32 $0xFFFF6000  }
0x24: {  	[bflag:$0x0] =	sbarrier.arrive $0xFFFF  }
0x25: {  	s29 =	simm.s32 $0x0;
	v0 =	vld [tilespmem:$0x5000]  }
.LBB2_2:
0x26: {  	s0 =	sshll.u32 s29, $0x8  }
0x27: {  	s0 =	sadd.s32 s14, s0  }
0x28: {  	s30 =	sshrl.u32 s0, $0x3  }
0x29: {  	s31 =	simm.s32 $0x0;
	s0 =	sadd.s32 s4, s30  }
0x2a: {  	[tilespmem:s21], [sflag:$0x2] =	stream.linear.gather [hbm4b:s0+s31], $0x100, $0x38;
	[tilespmem:$0x13410] =	vst v63  }
0x2b: {  	_ =	swait.ge [sflag:s17], $0x100  }
0x2c: {  	[sflag:s17] =	ssyncset.done $0x0  }
0x2d: {  	s2 =	sadd.s32 s5, s30;
	[sflag:s17] =	ssyncadd.s32 $0xFFFFFF00  }
0x2e: {  	[tilespmem:s22], [sflag:$0x2] =	stream.linear.gather [hbm4b:s2+s31], $0x100, $0x38;
	[tilespmem:$0x13410] =	vst v63  }
0x2f: {  	_ =	swait.ge [sflag:s17], $0x100  }
0x30: {  	[sflag:s17] =	ssyncset.done $0x0  }
0x31: {  	s19 =	sadd.s32 s6, s30;
	[sflag:s17] =	ssyncadd.s32 $0xFFFFFF00  }
0x32: {  	[tilespmem:s23], [sflag:$0x2] =	stream.linear.gather [hbm4b:s19+s31], $0x100, $0x38;
	[tilespmem:$0x13410] =	vst v63  }
0x33: {  	_ =	swait.ge [sflag:s17], $0x100  }
0x34: {  	[sflag:s17] =	ssyncset.done $0x0  }
0x35: {  	[sflag:s17] =	ssyncadd.s32 $0xFFFFFF00  }
0x36: {  	[tilespmem:s20], [sflag:$0x1] =	stream.indirect.gather [hbm4b:s10+s24], $0x40, s21, s24, $0xb8;
	[tilespmem:$0x13410] =	vst v63  }
0x37: {  	v1 =	vld [tilespmem:$0x5010]  }
0x38: {  	v2 =	vld [tilespmem:$0x5110];
	_ =	sdelay $0x6  }
0x39: {  	v1 =	vld.idx.msk [tilespmem:v1+s31+$0x0], $0xffff  }
0x3a: {  	v2 =	vld.idx.msk [tilespmem:v2+s18+$0x0], $0xffff;
	_ =	sdelay $0x1  }
0x3b: {  	v3 =	vld [tilespmem:$0x5210];
	_ =	sdelay $0x2  }
0x3c: {  	v1 =	vadd.f32 v2, v1;
	_ =	sdelay $0x1  }
0x3d: {  	v1 =	vadd.f32 v3, v1;
	_ =	sdelay $0x1  }
0x3e: {  	v2 =	vmul.f32 $2.000000030e-01, v1;
	_ =	sdelay $0x1  }
0x3f: {  	v1 =	vmax.f32 v1, v2  }
0x40: {  	v1 =	vsub.f32 v1, v0;
	_ =	sdelay $0x1  }
0x41: {  	v1 =	vmul.f32 $1.442695020e+00, v1;
	_ =	sdelay $0x1  }
0x42: {  	(erf) = vpow2.f32 v1;
	_ =	sdelay $0x2  }
0x43: {  	v1 =	vld [tilespmem:$0x5020]  }
0x44: {  	v2 =	vld [tilespmem:$0x5120];
	_ =	sdelay $0x4  }
0x45: {  	v3 =	vpop (erf)  }
0x46: {  	[tilespmem:$0x5310] =	vst v3  }
0x47: {  	v1 =	vld.idx.msk [tilespmem:v1+s31+$0x0], $0xffff  }
0x48: {  	v2 =	vld.idx.msk [tilespmem:v2+s18+$0x0], $0xffff;
	_ =	sdelay $0x1  }
0x49: {  	v3 =	vld [tilespmem:$0x5220];
	_ =	sdelay $0x2  }
0x4a: {  	v1 =	vadd.f32 v2, v1;
	_ =	sdelay $0x1  }
0x4b: {  	v1 =	vadd.f32 v3, v1;
	_ =	sdelay $0x1  }
0x4c: {  	v2 =	vmul.f32 $2.000000030e-01, v1;
	_ =	sdelay $0x1  }
0x4d: {  	v1 =	vmax.f32 v1, v2  }
0x4e: {  	v1 =	vsub.f32 v1, v0;
	_ =	sdelay $0x1  }
0x4f: {  	v1 =	vmul.f32 $1.442695020e+00, v1;
	_ =	sdelay $0x1  }
0x50: {  	(erf) = vpow2.f32 v1;
	_ =	sdelay $0x2  }
0x51: {  	v1 =	vld [tilespmem:$0x5030]  }
0x52: {  	v2 =	vld [tilespmem:$0x5130];
	_ =	sdelay $0x4  }
0x53: {  	v3 =	vpop (erf)  }
0x54: {  	[tilespmem:$0x5320] =	vst v3  }
0x55: {  	v1 =	vld.idx.msk [tilespmem:v1+s31+$0x0], $0xffff  }
0x56: {  	v2 =	vld.idx.msk [tilespmem:v2+s18+$0x0], $0xffff;
	_ =	sdelay $0x1  }
0x57: {  	v3 =	vld [tilespmem:$0x5230];
	_ =	sdelay $0x2  }
0x58: {  	v1 =	vadd.f32 v2, v1;
	_ =	sdelay $0x1  }
0x59: {  	v1 =	vadd.f32 v3, v1;
	_ =	sdelay $0x1  }
0x5a: {  	v2 =	vmul.f32 $2.000000030e-01, v1;
	_ =	sdelay $0x1  }
0x5b: {  	v1 =	vmax.f32 v1, v2  }
0x5c: {  	v1 =	vsub.f32 v1, v0;
	_ =	sdelay $0x1  }
0x5d: {  	v1 =	vmul.f32 $1.442695020e+00, v1;
	_ =	sdelay $0x1  }
0x5e: {  	(erf) = vpow2.f32 v1;
	_ =	sdelay $0x2  }
0x5f: {  	v1 =	vld [tilespmem:$0x5040]  }
0x60: {  	v2 =	vld [tilespmem:$0x5140];
	_ =	sdelay $0x4  }
0x61: {  	v3 =	vpop (erf)  }
0x62: {  	[tilespmem:$0x5330] =	vst v3  }
0x63: {  	v1 =	vld.idx.msk [tilespmem:v1+s31+$0x0], $0xffff  }
0x64: {  	v2 =	vld.idx.msk [tilespmem:v2+s18+$0x0], $0xffff;
	_ =	sdelay $0x1  }
0x65: {  	v3 =	vld [tilespmem:$0x5240];
	_ =	sdelay $0x2  }
0x66: {  	v1 =	vadd.f32 v2, v1;
	_ =	sdelay $0x1  }
0x67: {  	v1 =	vadd.f32 v3, v1;
	_ =	sdelay $0x1  }
0x68: {  	v2 =	vmul.f32 $2.000000030e-01, v1;
	_ =	sdelay $0x1  }
0x69: {  	v1 =	vmax.f32 v1, v2  }
0x6a: {  	v1 =	vsub.f32 v1, v0;
	_ =	sdelay $0x1  }
0x6b: {  	v1 =	vmul.f32 $1.442695020e+00, v1;
	_ =	sdelay $0x1  }
0x6c: {  	(erf) = vpow2.f32 v1;
	_ =	sdelay $0x2  }
0x6d: {  	v1 =	vld [tilespmem:$0x5050]  }
0x6e: {  	v2 =	vld [tilespmem:$0x5150];
	_ =	sdelay $0x4  }
0x6f: {  	v3 =	vpop (erf)  }
0x70: {  	[tilespmem:$0x5340] =	vst v3  }
0x71: {  	v1 =	vld.idx.msk [tilespmem:v1+s31+$0x0], $0xffff  }
0x72: {  	v2 =	vld.idx.msk [tilespmem:v2+s18+$0x0], $0xffff;
	_ =	sdelay $0x1  }
0x73: {  	v3 =	vld [tilespmem:$0x5250];
	_ =	sdelay $0x2  }
0x74: {  	v1 =	vadd.f32 v2, v1;
	_ =	sdelay $0x1  }
0x75: {  	v1 =	vadd.f32 v3, v1;
	_ =	sdelay $0x1  }
0x76: {  	v2 =	vmul.f32 $2.000000030e-01, v1;
	_ =	sdelay $0x1  }
0x77: {  	v1 =	vmax.f32 v1, v2  }
0x78: {  	v1 =	vsub.f32 v1, v0;
	_ =	sdelay $0x1  }
0x79: {  	v1 =	vmul.f32 $1.442695020e+00, v1;
	_ =	sdelay $0x1  }
0x7a: {  	(erf) = vpow2.f32 v1;
	_ =	sdelay $0x2  }
0x7b: {  	v1 =	vld [tilespmem:$0x5060]  }
0x7c: {  	v2 =	vld [tilespmem:$0x5160];
	_ =	sdelay $0x4  }
0x7d: {  	v3 =	vpop (erf)  }
0x7e: {  	[tilespmem:$0x5350] =	vst v3  }
0x7f: {  	v1 =	vld.idx.msk [tilespmem:v1+s31+$0x0], $0xffff  }
0x80: {  	v2 =	vld.idx.msk [tilespmem:v2+s18+$0x0], $0xffff;
	_ =	sdelay $0x1  }
0x81: {  	v3 =	vld [tilespmem:$0x5260];
	_ =	sdelay $0x2  }
0x82: {  	v1 =	vadd.f32 v2, v1;
	_ =	sdelay $0x1  }
0x83: {  	v1 =	vadd.f32 v3, v1;
	_ =	sdelay $0x1  }
0x84: {  	v2 =	vmul.f32 $2.000000030e-01, v1;
	_ =	sdelay $0x1  }
0x85: {  	v1 =	vmax.f32 v1, v2  }
0x86: {  	v1 =	vsub.f32 v1, v0;
	_ =	sdelay $0x1  }
0x87: {  	v1 =	vmul.f32 $1.442695020e+00, v1;
	_ =	sdelay $0x1  }
0x88: {  	(erf) = vpow2.f32 v1;
	_ =	sdelay $0x2  }
0x89: {  	v1 =	vld [tilespmem:$0x5070]  }
0x8a: {  	v2 =	vld [tilespmem:$0x5170];
	_ =	sdelay $0x4  }
0x8b: {  	v3 =	vpop (erf)  }
0x8c: {  	[tilespmem:$0x5360] =	vst v3  }
0x8d: {  	v1 =	vld.idx.msk [tilespmem:v1+s31+$0x0], $0xffff  }
0x8e: {  	v2 =	vld.idx.msk [tilespmem:v2+s18+$0x0], $0xffff;
	_ =	sdelay $0x1  }
0x8f: {  	v3 =	vld [tilespmem:$0x5270];
	_ =	sdelay $0x2  }
0x90: {  	v1 =	vadd.f32 v2, v1;
	_ =	sdelay $0x1  }
0x91: {  	v1 =	vadd.f32 v3, v1;
	_ =	sdelay $0x1  }
0x92: {  	v2 =	vmul.f32 $2.000000030e-01, v1;
	_ =	sdelay $0x1  }
0x93: {  	v1 =	vmax.f32 v1, v2  }
0x94: {  	v1 =	vsub.f32 v1, v0;
	_ =	sdelay $0x1  }
0x95: {  	v1 =	vmul.f32 $1.442695020e+00, v1;
	_ =	sdelay $0x1  }
0x96: {  	(erf) = vpow2.f32 v1;
	_ =	sdelay $0x2  }
0x97: {  	v1 =	vld [tilespmem:$0x5080]  }
0x98: {  	v2 =	vld [tilespmem:$0x5180];
	_ =	sdelay $0x4  }
0x99: {  	v3 =	vpop (erf)  }
0x9a: {  	[tilespmem:$0x5370] =	vst v3  }
0x9b: {  	v1 =	vld.idx.msk [tilespmem:v1+s31+$0x0], $0xffff  }
0x9c: {  	v2 =	vld.idx.msk [tilespmem:v2+s18+$0x0], $0xffff;
	_ =	sdelay $0x1  }
0x9d: {  	v3 =	vld [tilespmem:$0x5280];
	_ =	sdelay $0x2  }
0x9e: {  	v1 =	vadd.f32 v2, v1;
	_ =	sdelay $0x1  }
0x9f: {  	v1 =	vadd.f32 v3, v1;
	_ =	sdelay $0x1  }
0xa0: {  	v2 =	vmul.f32 $2.000000030e-01, v1;
	_ =	sdelay $0x1  }
0xa1: {  	v1 =	vmax.f32 v1, v2  }
0xa2: {  	v1 =	vsub.f32 v1, v0;
	_ =	sdelay $0x1  }
0xa3: {  	v1 =	vmul.f32 $1.442695020e+00, v1;
	_ =	sdelay $0x1  }
0xa4: {  	(erf) = vpow2.f32 v1;
	_ =	sdelay $0x2  }
0xa5: {  	v1 =	vld [tilespmem:$0x5090]  }
0xa6: {  	v2 =	vld [tilespmem:$0x5190];
	_ =	sdelay $0x4  }
0xa7: {  	v3 =	vpop (erf)  }
0xa8: {  	[tilespmem:$0x5380] =	vst v3  }
0xa9: {  	v1 =	vld.idx.msk [tilespmem:v1+s31+$0x0], $0xffff  }
0xaa: {  	v2 =	vld.idx.msk [tilespmem:v2+s18+$0x0], $0xffff;
	_ =	sdelay $0x1  }
0xab: {  	v3 =	vld [tilespmem:$0x5290];
	_ =	sdelay $0x2  }
0xac: {  	v1 =	vadd.f32 v2, v1;
	_ =	sdelay $0x1  }
0xad: {  	v1 =	vadd.f32 v3, v1;
	_ =	sdelay $0x1  }
0xae: {  	v2 =	vmul.f32 $2.000000030e-01, v1;
	_ =	sdelay $0x1  }
0xaf: {  	v1 =	vmax.f32 v1, v2  }
0xb0: {  	v1 =	vsub.f32 v1, v0;
	_ =	sdelay $0x1  }
0xb1: {  	v1 =	vmul.f32 $1.442695020e+00, v1;
	_ =	sdelay $0x1  }
0xb2: {  	(erf) = vpow2.f32 v1;
	_ =	sdelay $0x2  }
0xb3: {  	v1 =	vld [tilespmem:$0x50A0]  }
0xb4: {  	v2 =	vld [tilespmem:$0x51A0];
	_ =	sdelay $0x4  }
0xb5: {  	v3 =	vpop (erf)  }
0xb6: {  	[tilespmem:$0x5390] =	vst v3  }
0xb7: {  	v1 =	vld.idx.msk [tilespmem:v1+s31+$0x0], $0xffff  }
0xb8: {  	v2 =	vld.idx.msk [tilespmem:v2+s18+$0x0], $0xffff;
	_ =	sdelay $0x1  }
0xb9: {  	v3 =	vld [tilespmem:$0x52A0];
	_ =	sdelay $0x2  }
0xba: {  	v1 =	vadd.f32 v2, v1;
	_ =	sdelay $0x1  }
0xbb: {  	v1 =	vadd.f32 v3, v1;
	_ =	sdelay $0x1  }
0xbc: {  	v2 =	vmul.f32 $2.000000030e-01, v1;
	_ =	sdelay $0x1  }
0xbd: {  	v1 =	vmax.f32 v1, v2  }
0xbe: {  	v1 =	vsub.f32 v1, v0;
	_ =	sdelay $0x1  }
0xbf: {  	v1 =	vmul.f32 $1.442695020e+00, v1;
	_ =	sdelay $0x1  }
0xc0: {  	(erf) = vpow2.f32 v1;
	_ =	sdelay $0x2  }
0xc1: {  	v1 =	vld [tilespmem:$0x50B0]  }
0xc2: {  	v2 =	vld [tilespmem:$0x51B0];
	_ =	sdelay $0x4  }
0xc3: {  	v3 =	vpop (erf)  }
0xc4: {  	[tilespmem:$0x53A0] =	vst v3  }
0xc5: {  	v1 =	vld.idx.msk [tilespmem:v1+s31+$0x0], $0xffff  }
0xc6: {  	v2 =	vld.idx.msk [tilespmem:v2+s18+$0x0], $0xffff;
	_ =	sdelay $0x1  }
0xc7: {  	v3 =	vld [tilespmem:$0x52B0];
	_ =	sdelay $0x2  }
0xc8: {  	v1 =	vadd.f32 v2, v1;
	_ =	sdelay $0x1  }
0xc9: {  	v1 =	vadd.f32 v3, v1;
	_ =	sdelay $0x1  }
0xca: {  	v2 =	vmul.f32 $2.000000030e-01, v1;
	_ =	sdelay $0x1  }
0xcb: {  	v1 =	vmax.f32 v1, v2  }
0xcc: {  	v1 =	vsub.f32 v1, v0;
	_ =	sdelay $0x1  }
0xcd: {  	v1 =	vmul.f32 $1.442695020e+00, v1;
	_ =	sdelay $0x1  }
0xce: {  	(erf) = vpow2.f32 v1;
	_ =	sdelay $0x2  }
0xcf: {  	v1 =	vld [tilespmem:$0x50C0]  }
0xd0: {  	v2 =	vld [tilespmem:$0x51C0];
	_ =	sdelay $0x4  }
0xd1: {  	v3 =	vpop (erf)  }
0xd2: {  	[tilespmem:$0x53B0] =	vst v3  }
0xd3: {  	v1 =	vld.idx.msk [tilespmem:v1+s31+$0x0], $0xffff  }
0xd4: {  	v2 =	vld.idx.msk [tilespmem:v2+s18+$0x0], $0xffff;
	_ =	sdelay $0x1  }
0xd5: {  	v3 =	vld [tilespmem:$0x52C0];
	_ =	sdelay $0x2  }
0xd6: {  	v1 =	vadd.f32 v2, v1;
	_ =	sdelay $0x1  }
0xd7: {  	v1 =	vadd.f32 v3, v1;
	_ =	sdelay $0x1  }
0xd8: {  	v2 =	vmul.f32 $2.000000030e-01, v1;
	_ =	sdelay $0x1  }
0xd9: {  	v1 =	vmax.f32 v1, v2  }
0xda: {  	v1 =	vsub.f32 v1, v0;
	_ =	sdelay $0x1  }
0xdb: {  	v1 =	vmul.f32 $1.442695020e+00, v1;
	_ =	sdelay $0x1  }
0xdc: {  	(erf) = vpow2.f32 v1;
	_ =	sdelay $0x2  }
0xdd: {  	v1 =	vld [tilespmem:$0x50D0]  }
0xde: {  	v2 =	vld [tilespmem:$0x51D0];
	_ =	sdelay $0x4  }
0xdf: {  	v3 =	vpop (erf)  }
0xe0: {  	[tilespmem:$0x53C0] =	vst v3  }
0xe1: {  	v1 =	vld.idx.msk [tilespmem:v1+s31+$0x0], $0xffff  }
0xe2: {  	v2 =	vld.idx.msk [tilespmem:v2+s18+$0x0], $0xffff;
	_ =	sdelay $0x1  }
0xe3: {  	v3 =	vld [tilespmem:$0x52D0];
	_ =	sdelay $0x2  }
0xe4: {  	v1 =	vadd.f32 v2, v1;
	_ =	sdelay $0x1  }
0xe5: {  	v1 =	vadd.f32 v3, v1;
	_ =	sdelay $0x1  }
0xe6: {  	v2 =	vmul.f32 $2.000000030e-01, v1;
	_ =	sdelay $0x1  }
0xe7: {  	v1 =	vmax.f32 v1, v2  }
0xe8: {  	v1 =	vsub.f32 v1, v0;
	_ =	sdelay $0x1  }
0xe9: {  	v1 =	vmul.f32 $1.442695020e+00, v1;
	_ =	sdelay $0x1  }
0xea: {  	(erf) = vpow2.f32 v1;
	_ =	sdelay $0x2  }
0xeb: {  	v1 =	vld [tilespmem:$0x50E0]  }
0xec: {  	v2 =	vld [tilespmem:$0x51E0];
	_ =	sdelay $0x4  }
0xed: {  	v3 =	vpop (erf)  }
0xee: {  	[tilespmem:$0x53D0] =	vst v3  }
0xef: {  	v1 =	vld.idx.msk [tilespmem:v1+s31+$0x0], $0xffff  }
0xf0: {  	v2 =	vld.idx.msk [tilespmem:v2+s18+$0x0], $0xffff;
	_ =	sdelay $0x1  }
0xf1: {  	v3 =	vld [tilespmem:$0x52E0];
	_ =	sdelay $0x2  }
0xf2: {  	v1 =	vadd.f32 v2, v1;
	_ =	sdelay $0x1  }
0xf3: {  	v1 =	vadd.f32 v3, v1;
	_ =	sdelay $0x1  }
0xf4: {  	v2 =	vmul.f32 $2.000000030e-01, v1;
	_ =	sdelay $0x1  }
0xf5: {  	v1 =	vmax.f32 v1, v2  }
0xf6: {  	v1 =	vsub.f32 v1, v0;
	_ =	sdelay $0x1  }
0xf7: {  	v1 =	vmul.f32 $1.442695020e+00, v1;
	_ =	sdelay $0x1  }
0xf8: {  	(erf) = vpow2.f32 v1;
	_ =	sdelay $0x2  }
0xf9: {  	v1 =	vld [tilespmem:$0x50F0]  }
0xfa: {  	v2 =	vld [tilespmem:$0x51F0];
	_ =	sdelay $0x4  }
0xfb: {  	v3 =	vpop (erf)  }
0xfc: {  	[tilespmem:$0x53E0] =	vst v3  }
0xfd: {  	v1 =	vld.idx.msk [tilespmem:v1+s31+$0x0], $0xffff  }
0xfe: {  	v2 =	vld.idx.msk [tilespmem:v2+s18+$0x0], $0xffff;
	_ =	sdelay $0x1  }
0xff: {  	v3 =	vld [tilespmem:$0x52F0];
	_ =	sdelay $0x2  }
0x100: {  	v1 =	vadd.f32 v2, v1;
	_ =	sdelay $0x1  }
0x101: {  	v1 =	vadd.f32 v3, v1;
	_ =	sdelay $0x1  }
0x102: {  	v2 =	vmul.f32 $2.000000030e-01, v1;
	_ =	sdelay $0x1  }
0x103: {  	v1 =	vmax.f32 v1, v2  }
0x104: {  	v1 =	vsub.f32 v1, v0;
	_ =	sdelay $0x1  }
0x105: {  	v1 =	vmul.f32 $1.442695020e+00, v1;
	_ =	sdelay $0x1  }
0x106: {  	(erf) = vpow2.f32 v1;
	_ =	sdelay $0x2  }
0x107: {  	v1 =	vld [tilespmem:$0x5100]  }
0x108: {  	v2 =	vld [tilespmem:$0x5200];
	_ =	sdelay $0x4  }
0x109: {  	v3 =	vpop (erf)  }
0x10a: {  	[tilespmem:$0x53F0] =	vst v3  }
0x10b: {  	v1 =	vld.idx.msk [tilespmem:v1+s31+$0x0], $0xffff  }
0x10c: {  	v2 =	vld.idx.msk [tilespmem:v2+s18+$0x0], $0xffff;
	_ =	sdelay $0x1  }
0x10d: {  	v3 =	vld [tilespmem:$0x5300];
	_ =	sdelay $0x2  }
0x10e: {  	v1 =	vadd.f32 v2, v1;
	_ =	sdelay $0x1  }
0x10f: {  	v1 =	vadd.f32 v3, v1;
	_ =	sdelay $0x1  }
0x110: {  	v2 =	vmul.f32 $2.000000030e-01, v1;
	_ =	sdelay $0x1  }
0x111: {  	v1 =	vmax.f32 v1, v2  }
0x112: {  	v1 =	vsub.f32 v1, v0;
	_ =	sdelay $0x1  }
0x113: {  	v1 =	vmul.f32 $1.442695020e+00, v1;
	_ =	sdelay $0x1  }
0x114: {  	(erf) = vpow2.f32 v1;
	_ =	sdelay $0x8  }
0x115: {  	v1 =	vpop (erf)  }
0x116: {  	[tilespmem:$0x5400] =	vst v1  }
0x117: {  	v1 =	vmov s31;
	_ =	swait.ge [sflag:s25], $0x4000  }
0x118: {  	[sflag:s25] =	ssyncset.done $0x0  }
0x119: {  	s31 =	simm.s32 $0x5430;
	[sflag:s25] =	ssyncadd.s32 $0xFFFFC000  }
0x11a: {  	v3 =	vld [tilespmem:s31+$0xFFFFFFF0]  }
0x11b: {  	v4 =	vld [tilespmem:s31+$0x10]  }
0x11c: {  	v6 =	vld.idx.msk [tilespmem:v1+s26+$0x0], $0xffff  }
0x11d: {  	v1 =	vld [tilespmem:s31+$0xFFFFFFE0]  }
0x11e: {  	v7 =	vld [tilespmem:s31+$0x0];
	_ =	sdelay $0x3  }
0x11f: {  	s19 =	simm.s32 $0x1;
	v2 =	vmul.f32 v1, v6;
	v5 =	vmul.f32 v4, v6  }
0x120: {  	s0 =	simm.s32 $0x2;
	v1 =	vmov s19;
	v4 =	vmul.f32 v3, v6;
	v3 =	vmul.f32 v7, v6;
	s19 =	simm.s32 $0x5430  }
.LBB2_3:
0x121: {  	p0 =	sne.s32 s0, $0xFF  }
0x122: {  	[tilespmem:s31+$0x10] =	vst v5;
	s19 =	sadd.s32 $0x40, s19;
	s2 =	smov.u32 s0;
	s0 =	sadd.s32 $0x1, s0  }
0x123: {  	[tilespmem:s31+$0xFFFFFFE0] =	vst v2  }
0x124: {  	v6 =	vld [tilespmem:s19+$0xFFFFFFF0];
	[tilespmem:s31+$0xFFFFFFF0] =	vst v4  }
0x125: {  	v4 =	vld [tilespmem:s19+$0x10];
	[tilespmem:s31+$0x0] =	vst v3;
	s31 =	smov.u32 s19  }
0x126: {  	v3 =	vld.idx.msk [tilespmem:v1+s26+$0x0], $0xffff  }
0x127: {  	v1 =	vld [tilespmem:s19+$0xFFFFFFE0]  }
0x128: {  	v7 =	vld [tilespmem:s19+$0x0]  }
.Ltmp0:
0x129: {  	(pc) =	sbr.rel @p0 .LBB2_3-.Ltmp0, $3  }
0x12a: {  	_ =	sdelay $0x1  }
0x12b: {  	v5 =	vmul.f32 v4, v3;
	v2 =	vmul.f32 v1, v3  }
0x12c: {  	v4 =	vmul.f32 v6, v3;
	v1 =	vmov s2;
	v3 =	vmul.f32 v7, v3  }
0x12d: {  	[tilespmem:s31+$0x10] =	vst v5  }
0x12e: {  	s0 =	sadd.s32 $0x40, s19;
	[tilespmem:s31+$0xFFFFFFE0] =	vst v2  }
0x12f: {  	v2 =	vld [tilespmem:s0+$0xFFFFFFF0];
	[tilespmem:s31+$0xFFFFFFF0] =	vst v4  }
0x130: {  	v4 =	vld [tilespmem:s0+$0x10];
	[tilespmem:s31+$0x0] =	vst v3  }
0x131: {  	v1 =	vld.idx.msk [tilespmem:v1+s26+$0x0], $0xffff  }
0x132: {  	v3 =	vld [tilespmem:s0+$0xFFFFFFE0];
	_ =	sdelay $0x1  }
0x133: {  	v5 =	vld [tilespmem:s0+$0x0];
	_ =	sdelay $0x1  }
0x134: {  	v4 =	vmul.f32 v4, v1  }
0x135: {  	v3 =	vmul.f32 v3, v1  }
0x136: {  	v2 =	vmul.f32 v2, v1;
	[tilespmem:s0+$0x10] =	vst v4  }
0x137: {  	v1 =	vmul.f32 v5, v1;
	[tilespmem:s0+$0xFFFFFFE0] =	vst v3  }
0x138: {  	[tilespmem:s0+$0xFFFFFFF0] =	vst v2  }
0x139: {  	[tilespmem:s0+$0x0] =	vst v1  }
0x13a: {  	[spmem:s1] =	stream.indirect.scatter.add.f32 [tilespmem:s20], [sflag:$0x2], $0x40, s22, s24, $0xb8;
	[tilespmem:$0x13410] =	vst v63  }
0x13b: {  	s29 =	sadd.s32 $0x1, s29;
	_ =	swait.ge [sflag:s17], $0x4000  }
0x13c: {  	p0 =	sne.s32 s29, $0x29;
	[sflag:s17] =	ssyncset.done $0x0  }
.Ltmp1:
0x13d: {  	s31 =	sadd.s32 s12, s30;
	[sflag:s17] =	ssyncadd.s32 $0xFFFFC000;
	(pc) =	sbr.rel @p0 .LBB2_2-.Ltmp1, $4  }
0x13e: {  	[hbm4b:s31+s3] =	stream.linear.scatter [tilespmem:s26], [sflag:$0x2], $0x100, $0x38;
	[tilespmem:$0x13410] =	vst v63  }
0x13f: {  	_ =	swait.ge [sflag:s17], $0x100  }
0x140: {  	[sflag:s17] =	ssyncset.done $0x0  }
0x141: {  	[sflag:s17] =	ssyncadd.s32 $0xFFFFFF00  }
0x142: {  	s0 =	stileid.u32;
	s28 =	sadd.s32 $0x1, s28  }
0x143: {  	[bflag:$0x0] =	sbarrier.arrive $0xFFFF;
	s0 =	sshll.u32 s0, $0x6;
	p0 =	sne.s32 s28, s16  }
.Ltmp2:
0x144: {  	s2 =	sshrl.u32 s13, $0x3;
	s0 =	sor.u32 $0x1C02, s0;
	(pc) =	sbr.rel @p0 .LBB2_1-.Ltmp2, $4  }
0x145: {  	[hbm:s15], [sflag:s0] =	dma.local [spmem:s2], $0x1400  }
0x146: {  	_ =	swait.ge [sflag:s17], $0x1400  }
0x147: {  	[sflag:s17] =	ssyncset.done $0x0  }
0x148: {  	[sflag:s17] =	ssyncadd.s32 $0xFFFFEC00  }
0x149: {  	_ =	sfence.sel $0x180000  }
0x14a: {  	[bflag:$0x0] =	sbarrier.arrive $0xFFFF  }
0x14b: {  	_ =	strace $0x90000050  }
0x14c: {  	s0 =	stileid.u32;
	[bflag:$0x2] =	sbarrier.arrive $0xFFFF  }
0x14d: {  	p0 =	sne.s32 s0, $0x0;
	s0 =	rddreg [dreg:$0x2]  }
0x14e: {  	s0 =	sadd.s32 @!p0 $0x100000, s0  }
0x14f: {  	[sflag:s0] =	ssyncadd.tile.s32 @!p0 $0x1;
	_ =	shalt  }
.Lfunc_end2:
_tile_overlayer_lowered:
.L_overlay_start_2:
0x150: {  	(tag) =	ssettag $0x2  }
0x151: {  	s0 =	rddreg [dreg:$0x0];
	s2 =	stileid.u32  }
0x152: {  	s1 =	rddreg [dreg:$0x1];
	p0 =	sne.s32 s2, $0x0  }
0x153: {  	s3 =	rddreg [dreg:$0x2];
	[bflag:$0x3] =	sbarrier.arrive $0xFFFF;
	s2 =	simm.s32 @!p0 $0x1C02  }
0x154: {  	[timem:s3], [sflag:s2] =	dma.local @!p0 [hbm:s0], s1  }
0x155: {  	s0 =	simm.s32 @!p0 $0x2  }
0x156: {  	_ =	swait.ge @!p0 [sflag:s0], s1  }
0x157: {  	s1 =	ssub.s32 @!p0 $0x0, s1;
	[sflag:s0] =	ssyncset.done @!p0 $0x0  }
0x158: {  	[sflag:s0] =	ssyncadd.s32 @!p0 s1  }
0x159: {  	[bflag:$0x3] =	sbarrier.arrive $0xFFFF  }
0x15a: {  	_ =	shalt  }

// kernel: kernel.38.cloned.1.call-start
scs
__scs_entry_jumppad:
0x0: {  	(pc) =	sbr.rel $0x88, $3  }
0x1: {  	(tag) =	ssettag $0x0;
	lr =	simm.s32 $0x1  }
0x2: {  	[smem:$0x3F76] =	sst lr;
	_ =	strace $0xD0000000  }
0x3: {  	_ = 	snop  }
0x4: {  	_ = 	snop  }
0x5: {  	_ = 	snop  }
0x6: {  	_ = 	snop  }
0x7: {  	_ = 	snop  }
__scs_overlays_trampoline_lowered:
0x8: {  	[smem:$0x3F85] =	sst s0  }
0x9: {  	[smem:$0x3F86] =	sst s1  }
0xa: {  	[smem:$0x3F87] =	sst s2  }
0xb: {  	[smem:$0x3F88] =	sst s3  }
0xc: {  	[smem:$0x3F89] =	sst s4  }
0xd: {  	[smem:$0x3F8A] =	sst s5  }
0xe: {  	[smem:$0x3F8B] =	sst s6  }
0xf: {  	[smem:$0x3F8C] =	sst s7  }
0x10: {  	[smem:$0x3F8D] =	sst s8  }
0x11: {  	[smem:$0x3F8E] =	sst s9;
	s0 =	simm.s32 @!p0 $0x0  }
0x12: {  	s1 =	sld [smem:$0x3F74];
	s0 =	simm.s32 @p0 $0x1  }
0x13: {  	[smem:$0x3F8F] =	sst s0;
	s0 =	simm.s32 @!p1 $0x0  }
0x14: {  	s2 =	sld [smem:$0x3F73];
	s0 =	simm.s32 @p1 $0x1  }
0x15: {  	[smem:$0x3F90] =	sst s0;
	s0 =	simm.s32 @!p2 $0x0  }
0x16: {  	s3 =	sld [smem:$0x3FDB];
	s0 =	simm.s32 @p2 $0x1  }
0x17: {  	s4 =	simm.s32 $0x1BF5;
	[smem:$0x3F92] =	sst s0  }
0x18: {  	s0 =	sld [smem:$0x3F75];
	_ =	swait.ge [sflag:s4], $0x0  }
0x19: {  	s7 =	sld [smem:$0x3F76]  }
0x1a: {  	s8 =	sadd.s32 $0xFFFFE003, lr  }
0x1b: {  	s9 =	sadd.s32 $0xFFFFFEF7, lr;
	s5 =	simm.s32 $0xFFFFFFFF;
	p2 =	slt.u32 s8, $0xFFFFF086  }
0x1c: {  	p1 =	slt.u32 s9, $0xF7A;
	s5 =	simm.s32 @!p2 $0x0  }
0x1d: {  	s5 =	simm.s32 @p1 $0x1;
	p0 =	seq.s32 s7, s2  }
0x1e: {  	s7 =	smul.u32 @!p0 $0xF7A, s2;
	p2 =	seq.s32 @!p0 s5, $0x0  }
0x1f: {  	s9 =	smul.u32 $0xF7A, s1;
	s8 =	simm.s32 @!p0 $0x1BF5;
	p2 =	por !p2, p0  }
0x20: {  	[sflag:s8] =	ssyncset.s32 @!p0 $0xFFFFF086;
	s6 =	sadd.s32 @!p0 s3, s7;
	s7 =	simm.s32 @!p0 $0x108  }
0x21: {  	s3 =	sadd.s32 s3, s9;
	s6 =	sadd.s32 @!p0 $0x88, s6;
	s7 =	simm.s32 @p2 $0x1082  }
0x22: {  	[simem:s7], [sflag:s8] =	dma.local @!p0 [hbm:s6], $0xF7A  }
0x23: {  	s9 =	sor.u32 $0xD0000000, s2;
	s6 =	simm.s32 $0x108;
	_ =	swait.ge @!p0 [sflag:s8], $0x0  }
0x24: {  	s3 =	sadd.s32 $0x88, s3;
	s6 =	simm.s32 @!p1 $0x1082;
	[sflag:s4] =	ssyncset.s32 $0xFFFFF086  }
0x25: {  	[simem:s6], [sflag:s4] =	dma.local [hbm:s3], $0xF7A  }
0x26: {  	[smem:$0x3F76] =	sst s1;
	(tag) =	ssettag s2;
	_ =	strace s9  }
0x27: {  	s1 =	sld [smem:$0x3F86]  }
0x28: {  	s2 =	sld [smem:$0x3F87]  }
0x29: {  	s4 =	sld [smem:$0x3F89]  }
0x2a: {  	p0 =	seq.s32 s5, $0x0;
	s5 =	sld [smem:$0x3F8A]  }
0x2b: {  	s6 =	sld [smem:$0x3F8B]  }
0x2c: {  	s7 =	sld [smem:$0x3F8C]  }
0x2d: {  	s3 =	simm.s32 $0x108;
	s8 =	sld [smem:$0x3F8D]  }
0x2e: {  	s3 =	simm.s32 @!p0 $0x1082;
	s9 =	sld [smem:$0x3F8E]  }
0x2f: {  	lr =	sadd.s32 s0, s3;
	s0 =	sld [smem:$0x3F85]  }
0x30: {  	s3 =	sld [smem:$0x3F88]  }
0x31: {  	[smem:$0x3F91] =	sst s10  }
0x32: {  	s10 =	sld [smem:$0x3F8F];
	_ =	sdelay $0x3  }
0x33: {  	p0 =	seq.s32 s10, $0x1;
	s10 =	sld [smem:$0x3F91];
	_ =	sdelay $0x3  }
0x34: {  	[smem:$0x3F91] =	sst s10  }
0x35: {  	s10 =	sld [smem:$0x3F90];
	_ =	sdelay $0x3  }
0x36: {  	p1 =	seq.s32 s10, $0x1;
	s10 =	sld [smem:$0x3F91];
	_ =	sdelay $0x3  }
0x37: {  	[smem:$0x3F91] =	sst s10  }
0x38: {  	s10 =	sld [smem:$0x3F92]  }
0x39: {  	_ = 	snop;
	(pc) =	sbr.ind lr, $3  }
0x3a: {  	_ = 	snop  }
0x3b: {  	_ = 	snop  }
0x3c: {  	p2 =	seq.s32 s10, $0x1;
	s10 =	sld [smem:$0x3F91]  }
0x3d: {  	_ =	shalt  }
0x3e: {  	_ =	shalt  }
0x3f: {  	_ =	shalt  }
0x40: {  	_ =	shalt  }
0x41: {  	_ =	shalt  }
0x42: {  	_ =	shalt  }
0x43: {  	_ =	shalt  }
0x44: {  	_ =	shalt  }
0x45: {  	_ =	shalt  }
0x46: {  	_ =	shalt  }
0x47: {  	_ =	shalt  }
0x48: {  	_ =	shalt  }
0x49: {  	_ =	shalt  }
0x4a: {  	_ =	shalt  }
0x4b: {  	_ =	shalt  }
0x4c: {  	_ =	shalt  }
0x4d: {  	_ =	shalt  }
0x4e: {  	_ =	shalt  }
0x4f: {  	_ =	shalt  }
0x50: {  	_ =	shalt  }
0x51: {  	_ =	shalt  }
0x52: {  	_ =	shalt  }
0x53: {  	_ =	shalt  }
0x54: {  	_ =	shalt  }
0x55: {  	_ =	shalt  }
0x56: {  	_ =	shalt  }
0x57: {  	_ =	shalt  }
0x58: {  	_ =	shalt  }
0x59: {  	_ =	shalt  }
0x5a: {  	_ =	shalt  }
0x5b: {  	_ =	shalt  }
0x5c: {  	_ =	shalt  }
0x5d: {  	_ =	shalt  }
0x5e: {  	_ =	shalt  }
0x5f: {  	_ =	shalt  }
0x60: {  	_ =	shalt  }
0x61: {  	_ =	shalt  }
0x62: {  	_ =	shalt  }
0x63: {  	_ =	shalt  }
0x64: {  	_ =	shalt  }
0x65: {  	_ =	shalt  }
0x66: {  	_ =	shalt  }
0x67: {  	_ =	shalt  }
0x68: {  	_ =	shalt  }
0x69: {  	_ =	shalt  }
0x6a: {  	_ =	shalt  }
0x6b: {  	_ =	shalt  }
0x6c: {  	_ =	shalt  }
0x6d: {  	_ =	shalt  }
0x6e: {  	_ =	shalt  }
0x6f: {  	_ =	shalt  }
0x70: {  	_ =	shalt  }
0x71: {  	_ =	shalt  }
0x72: {  	_ =	shalt  }
0x73: {  	_ =	shalt  }
0x74: {  	_ =	shalt  }
0x75: {  	_ =	shalt  }
0x76: {  	_ =	shalt  }
0x77: {  	_ =	shalt  }
0x78: {  	_ =	shalt  }
0x79: {  	_ =	shalt  }
0x7a: {  	_ =	shalt  }
0x7b: {  	_ =	shalt  }
0x7c: {  	_ =	shalt  }
0x7d: {  	_ =	shalt  }
0x7e: {  	_ =	shalt  }
0x7f: {  	_ =	shalt  }
0x80: {  	_ =	shalt  }
0x81: {  	_ =	shalt  }
0x82: {  	_ =	shalt  }
0x83: {  	_ =	shalt  }
0x84: {  	_ =	shalt  }
0x85: {  	_ =	shalt  }
0x86: {  	_ =	shalt  }
0x87: {  	_ =	shalt  }
.Lfunc_end0:
.L_simem_size_0:
called_computation.4_lowered:
.L_overlay_start_0:
0x88: {  	s2 =	sld [smem:$0x3FD9]  }
0x89: {  	s3 =	sld [smem:$0x3FFE];
	_ =	sdelay $0x1  }
0x8a: {  	s1 =	srdreg.scid  }
0x8b: {  	s0 =	sand.u32 $0x1, s1  }
0x8c: {  	s16 =	sshll.u32 s0, $0xA;
	s2 =	sadd.s32 s3, s2  }
0x8d: {  	s2 =	sadd.s32 s2, s16  }
0x8e: {  	[smem:$0x3F9D] =	sst s2  }
0x8f: {  	_ = 	snop  }
0x90: {  	(tm) =	ssettm $0x1  }
0x91: {  	s17 =	sld [smem:$0x3FFB];
	_ =	sdelay $0x3  }
0x92: {  	_ =	strace s17  }
0x93: {  	s2 =	sld [smem:$0x3FFC];
	_ =	sdelay $0x3  }
0x94: {  	_ =	strace s2  }
0x95: {  	s2 =	sld [smem:$0x3FFD];
	_ =	sdelay $0x3  }
0x96: {  	_ =	strace s2  }
0x97: {  	_ =	strace $0x8FFFFFFF  }
0x98: {  	s18 =	sld [smem:$0x3FDB];
	_ =	sdelay $0x1  }
0x99: {  	s19 =	simm.s32 $_scs_section_size  }
0x9a: {  	s4 =	simm.s32 $_size__tile_overlayer_lowered;
	s5 =	simm.s32 $_tile_overlayer_lowered  }
0x9b: {  	s22 =	simm.s32 $0x1BFF;
	s21 =	sshll.u32 s5, $0x1;
	s2 =	sadd.s32 s19, s18  }
0x9c: {  	s6 =	simm.s32 $0x0;
	s20 =	sshll.u32 s4, $0x1;
	s4 =	sadd.s32 s21, s2  }
0x9d: {  	[timem:s6], [sflag:s22] =	dma.local [hbm:s4], s20  }
0x9e: {  	_ =	swait.ge [sflag:s22], s20  }
0x9f: {  	s3 =	ssub.s32 $0x0, s20;
	[sflag:s22] =	ssyncset.done $0x0  }
0xa0: {  	[sflag:s22] =	ssyncadd.s32 s3;
	_ =	sdelay $0x1  }
0xa1: {  	s23 =	simm.s32 $0x1B8B  }
0xa2: {  	_ =	swait.ge [sflag:s23], $0x1  }
0xa3: {  	[sflag:s23] =	ssyncset.done $0x0  }
0xa4: {  	s25 =	simm.s32 $0x1B8E;
	s24 =	sld [smem:$0x3FFE];
	[sflag:s23] =	ssyncadd.s32 $0xFFFFFFFF  }
0xa5: {  	s26 =	simm.s32 $execute0_lowered;
	[smem:$0x3FD2] =	sst s25  }
0xa6: {  	s4 =	sshll.u32 s26, $0x1;
	_ =	strace $0x80000052;
	[dreg:$0x1] =	wrdreg $0xFFFFFFFF  }
0xa7: {  	s28 =	simm.s32 $_size_execute0_lowered;
	s2 =	sadd.s32 s2, s4;
	[dreg:$0x0] =	wrdreg $0x0  }
0xa8: {  	s4 =	sshll.u32 s28, $0x1;
	[dreg:$0x2] =	wrdreg s2  }
0xa9: {  	[dreg:$0x3] =	wrdreg s4  }
0xaa: {  	[dreg:$0x4] =	wrdreg $0xC0  }
0xab: {  	_ =	task [dreg:s6], $0x5FFFF  }
0xac: {  	[dreg:$0x1] =	wrdreg $0xFFFFFFFF  }
0xad: {  	[dreg:$0x0] =	wrdreg $0x60  }
0xae: {  	[dreg:$0x2] =	wrdreg s24  }
0xaf: {  	[dreg:$0x3] =	wrdreg $0x185000  }
0xb0: {  	[dreg:$0x4] =	wrdreg $0x9  }
0xb1: {  	_ =	task.clear_ibuf [dreg:s6], $0x5FFFF;
	_ =	strace $0x90000052  }
0xb2: {  	s29 =	simm.s32 $0x9;
	_ =	strace $0x80000054  }
0xb3: {  	_ =	swait.ge [sflag:s29], $0x1  }
0xb4: {  	[sflag:s29] =	ssyncadd.s32 $0xFFFFFFFF  }
0xb5: {  	_ =	strace $0x90000054  }
0xb6: {  	_ =	sfence  }
0xb7: {  	s30 =	sld [smem:$0x0];
	_ =	sdelay $0x2  }
0xb8: {  	s31 =	sshll.u32 s1, $0xD;
	s1 =	sshrl.u32 s1, $0x2  }
0xb9: {  	s3 =	sand.u32 $0x4000, s31;
	s1 =	sadd.s32 s1, s30  }
0xba: {  	s0 =	sor.u32 s3, s0;
	s1 =	sshll.u32 s1, $0x11  }
0xbb: {  	s0 =	sor.u32 s1, s0  }
0xbc: {  	s0 =	sadd.s32 $0x8F2B, s0  }
0xbd: {  	[sflag:s0] =	ssyncadd.remote.s32 $0x1  }
0xbe: {  	_ =	sfence.sel $0xFFFF  }
0xbf: {  	[dreg:$0x0] =	wrdreg $0xFFFFFFFF;
	(pc) =	sbr.abs _section_cstart, $3  }
0xc0: {  	[dreg:$0x1] =	wrdreg $0xFFFFFFFF  }
0xc1: {  	_ =	task.clear_ibuf [dreg:s6], $0x2FFFF;
	_ =	strace $0x9FFFFFFF  }
0xc2: {  	(tm) =	ssettm $0x7FFFFFFF  }
0xc3: {  	_ =	shalt  }
tec
execute0_lowered:
.L_overlay_start_1:
0x0: {  	(tag) =	ssettag $0x1  }
0x1: {  	s11 =	rddreg [dreg:$0x0]  }
0x2: {  	s1 =	rddreg [dreg:$0x1]  }
0x3: {  	s0 =	rddreg [dreg:$0x2];
	s3 =	simm.s32 $0x0;
	s7 =	srdreg.scid  }
0x4: {  	s2 =	stileid.u32;
	s6 =	simm.s32 $0x17100;
	[smem:$0x7FF] =	sst s3  }
0x5: {  	s5 =	simm.s32 $0x1;
	s4 =	sadd.s32 $0x12200, s11;
	_ =	strace $0x80000053  }
0x6: {  	[tilespmem:s6], [sflag:$0x1] =	stream.linear.gather [hbm4b:s4+s3], $0x1400, $0x38;
	[tilespmem:$0x19900] =	vst v63  }
0x7: {  	s12 =	sand.u32 $0x1, s7;
	s13 =	smul.u32 $0x1400, s2;
	_ =	swait.ge [sflag:s5], $0x1400  }
0x8: {  	s7 =	sshll.u32 s12, $0x4;
	[sflag:s5] =	ssyncset.done $0x0  }
0x9: {  	s8 =	sor.u32 s2, s7;
	s7 =	sadd.s32 s13, s1;
	[sflag:s5] =	ssyncadd.s32 $0xFFFFEC00  }
0xa: {  	[spmem:s7] =	stream.linear.scatter [tilespmem:s6], [sflag:$0x1], $0x1400, $0x38;
	[tilespmem:$0x19900] =	vst v63  }
0xb: {  	s9 =	smul.u32 $0x520, s8;
	_ =	swait.ge [sflag:s5], $0x1400  }
0xc: {  	[sflag:s5] =	ssyncset.done $0x0  }
0xd: {  	s9 =	sadd.s32 s9, s11;
	[sflag:s5] =	ssyncadd.s32 $0xFFFFEC00  }
0xe: {  	s10 =	smul.u32 $0x2900, s8;
	s8 =	sadd.s32 $0x17600, s9;
	[bflag:$0x0] =	sbarrier.arrive $0xFFFF  }
0xf: {  	[tilespmem:s3], [sflag:$0x1] =	stream.linear.gather [hbm4b:s8+s3], $0x2900, $0x38;
	[tilespmem:$0x19900] =	vst v63  }
0x10: {  	_ =	swait.ge [sflag:s5], $0x2900  }
0x11: {  	s28 =	sadd.s32 s10, s11;
	[sflag:s5] =	ssyncset.done $0x0  }
0x12: {  	s10 =	simm.s32 $0x2900;
	s9 =	sadd.s32 $0x59C600, s28;
	[sflag:s5] =	ssyncadd.s32 $0xFFFFD700  }
0x13: {  	[tilespmem:s10], [sflag:$0x1] =	stream.linear.gather [hbm4b:s9+s3], $0x14800, $0x38;
	[tilespmem:$0x19900] =	vst v63  }
0x14: {  	s14 =	smul.u32 $0x14000, s12;
	s12 =	ssub.s32 $0x2, s12;
	_ =	swait.ge [sflag:s5], $0x14800  }
0x15: {  	s31 =	sshll.u32 s2, $0x6;
	s29 =	sshrl.u32 s12, $0x1;
	[sflag:s5] =	ssyncset.done $0x0  }
0x16: {  	s13 =	sadd.s32 s13, s14;
	s12 =	ssub.s32 s12, s29;
	[sflag:s5] =	ssyncadd.s32 $0xFFFEB800  }
0x17: {  	[spmem:s1] =	stream.indirect.scatter.add.f32 [tilespmem:s10], [sflag:$0x1], $0x8, s3, s10, $0xb8;
	[tilespmem:$0x19900] =	vst v63  }
0x18: {  	s13 =	sshrl.u32 s13, $0x3;
	s30 =	smax.u32 s12, $0x1;
	_ =	swait.ge [sflag:s5], $0x14800  }
0x19: {  	s12 =	sor.u32 $0x1C01, s31;
	p0 =	sne.s32 s30, $0x1;
	[sflag:s5] =	ssyncset.done $0x0  }
.Ltmp0:
0x1a: {  	s11 =	sadd.s32 s13, s11;
	[sflag:s5] =	ssyncadd.s32 $0xFFFEB800;
	(pc) =	sbr.rel @!p0 .LBB2_2-.Ltmp0, $4  }
0x1b: {  	s13 =	sshrl.u32 s7, $0x3;
	s11 =	sadd.s32 $0x8400, s11;
	[bflag:$0x0] =	sbarrier.arrive $0xFFFF  }
0x1c: {  	[hbm:s11], [sflag:s12] =	dma.local [spmem:s13], $0x280  }
0x1d: {  	_ =	swait.ge [sflag:s5], $0x280  }
0x1e: {  	s14 =	sadd.s32 $0xFFFFFFFF, s30;
	[sflag:s5] =	ssyncset.done $0x0  }
.LBB2_1:
0x1f: {  	p0 =	sne.s32 s14, $0x1;
	s14 =	sadd.s32 $0xFFFFFFFF, s14;
	[sflag:s5] =	ssyncadd.s32 $0xFFFFFD80  }
0x20: {  	[tilespmem:s6], [sflag:$0x1] =	stream.linear.gather [hbm4b:s4+s3], $0x1400, $0x38;
	[tilespmem:$0x19900] =	vst v63  }
0x21: {  	_ =	swait.ge [sflag:s5], $0x1400  }
0x22: {  	[sflag:s5] =	ssyncset.done $0x0  }
0x23: {  	[sflag:s5] =	ssyncadd.s32 $0xFFFFEC00  }
0x24: {  	[spmem:s7] =	stream.linear.scatter [tilespmem:s6], [sflag:$0x1], $0x1400, $0x38;
	[tilespmem:$0x19900] =	vst v63  }
0x25: {  	_ =	swait.ge [sflag:s5], $0x1400  }
0x26: {  	[sflag:s5] =	ssyncset.done $0x0  }
0x27: {  	[sflag:s5] =	ssyncadd.s32 $0xFFFFEC00  }
0x28: {  	[bflag:$0x0] =	sbarrier.arrive $0xFFFF  }
0x29: {  	[tilespmem:s3], [sflag:$0x1] =	stream.linear.gather [hbm4b:s8+s3], $0x2900, $0x38;
	[tilespmem:$0x19900] =	vst v63  }
0x2a: {  	_ =	swait.ge [sflag:s5], $0x2900  }
0x2b: {  	[sflag:s5] =	ssyncset.done $0x0  }
0x2c: {  	[sflag:s5] =	ssyncadd.s32 $0xFFFFD700  }
0x2d: {  	[tilespmem:s10], [sflag:$0x1] =	stream.linear.gather [hbm4b:s9+s3], $0x14800, $0x38;
	[tilespmem:$0x19900] =	vst v63  }
0x2e: {  	_ =	swait.ge [sflag:s5], $0x14800  }
0x2f: {  	[sflag:s5] =	ssyncset.done $0x0  }
0x30: {  	[sflag:s5] =	ssyncadd.s32 $0xFFFEB800  }
0x31: {  	[spmem:s1] =	stream.indirect.scatter.add.f32 [tilespmem:s10], [sflag:$0x1], $0x8, s3, s10, $0xb8;
	[tilespmem:$0x19900] =	vst v63  }
0x32: {  	_ =	swait.ge [sflag:s5], $0x14800  }
0x33: {  	[sflag:s5] =	ssyncset.done $0x0  }
.Ltmp1:
0x34: {  	[sflag:s5] =	ssyncadd.s32 $0xFFFEB800;
	(pc) =	sbr.rel @p0 .LBB2_1-.Ltmp1, $4  }
0x35: {  	[bflag:$0x0] =	sbarrier.arrive $0xFFFF  }
0x36: {  	[hbm:s11], [sflag:s12] =	dma.local [spmem:s13], $0x280  }
0x37: {  	_ =	swait.ge [sflag:s5], $0x280  }
0x38: {  	[sflag:s5] =	ssyncset.done $0x0  }
.LBB2_2:
0x39: {  	[sflag:s5] =	ssyncadd.s32 $0xFFFFFD80  }
0x3a: {  	_ =	sfence.sel $0x180000  }
0x3b: {  	[bflag:$0x0] =	sbarrier.arrive $0xFFFF  }
0x3c: {  	p0 =	sne.s32 s2, $0x0;
	_ =	strace $0x90000053  }
0x3d: {  	s0 =	sadd.s32 @!p0 $0x100000, s0;
	[bflag:$0x2] =	sbarrier.arrive $0xFFFF  }
0x3e: {  	[sflag:s0] =	ssyncadd.tile.s32 @!p0 $0x1;
	_ =	shalt  }
.Lfunc_end2:
_tile_overlayer_lowered:
.L_overlay_start_2:
0x3f: {  	(tag) =	ssettag $0x2  }
0x40: {  	s0 =	rddreg [dreg:$0x0];
	s2 =	stileid.u32  }
0x41: {  	s1 =	rddreg [dreg:$0x1];
	p0 =	sne.s32 s2, $0x0  }
0x42: {  	s3 =	rddreg [dreg:$0x2];
	[bflag:$0x3] =	sbarrier.arrive $0xFFFF;
	s2 =	simm.s32 @!p0 $0x1C01  }
0x43: {  	[timem:s3], [sflag:s2] =	dma.local @!p0 [hbm:s0], s1  }
0x44: {  	s0 =	simm.s32 @!p0 $0x1  }
0x45: {  	_ =	swait.ge @!p0 [sflag:s0], s1  }
0x46: {  	s1 =	ssub.s32 @!p0 $0x0, s1;
	[sflag:s0] =	ssyncset.done @!p0 $0x0  }
0x47: {  	[sflag:s0] =	ssyncadd.s32 @!p0 s1  }
0x48: {  	[bflag:$0x3] =	sbarrier.arrive $0xFFFF  }
0x49: {  	_ =	shalt  }

// kernel: kernel.41.cloned.1.call-start
scs
__scs_entry_jumppad:
0x0: {  	(pc) =	sbr.rel $0x88, $3  }
0x1: {  	(tag) =	ssettag $0x0;
	lr =	simm.s32 $0x1  }
0x2: {  	[smem:$0x3F76] =	sst lr;
	_ =	strace $0xD0000000  }
0x3: {  	_ = 	snop  }
0x4: {  	_ = 	snop  }
0x5: {  	_ = 	snop  }
0x6: {  	_ = 	snop  }
0x7: {  	_ = 	snop  }
__scs_overlays_trampoline_lowered:
0x8: {  	[smem:$0x3F85] =	sst s0  }
0x9: {  	[smem:$0x3F86] =	sst s1  }
0xa: {  	[smem:$0x3F87] =	sst s2  }
0xb: {  	[smem:$0x3F88] =	sst s3  }
0xc: {  	[smem:$0x3F89] =	sst s4  }
0xd: {  	[smem:$0x3F8A] =	sst s5  }
0xe: {  	[smem:$0x3F8B] =	sst s6  }
0xf: {  	[smem:$0x3F8C] =	sst s7  }
0x10: {  	[smem:$0x3F8D] =	sst s8  }
0x11: {  	[smem:$0x3F8E] =	sst s9;
	s0 =	simm.s32 @!p0 $0x0  }
0x12: {  	s1 =	sld [smem:$0x3F74];
	s0 =	simm.s32 @p0 $0x1  }
0x13: {  	[smem:$0x3F8F] =	sst s0;
	s0 =	simm.s32 @!p1 $0x0  }
0x14: {  	s2 =	sld [smem:$0x3F73];
	s0 =	simm.s32 @p1 $0x1  }
0x15: {  	[smem:$0x3F90] =	sst s0;
	s0 =	simm.s32 @!p2 $0x0  }
0x16: {  	s3 =	sld [smem:$0x3FDB];
	s0 =	simm.s32 @p2 $0x1  }
0x17: {  	s4 =	simm.s32 $0x1BF5;
	[smem:$0x3F92] =	sst s0  }
0x18: {  	s0 =	sld [smem:$0x3F75];
	_ =	swait.ge [sflag:s4], $0x0  }
0x19: {  	s7 =	sld [smem:$0x3F76]  }
0x1a: {  	s8 =	sadd.s32 $0xFFFFE003, lr  }
0x1b: {  	s9 =	sadd.s32 $0xFFFFFEF7, lr;
	s5 =	simm.s32 $0xFFFFFFFF;
	p2 =	slt.u32 s8, $0xFFFFF086  }
0x1c: {  	p1 =	slt.u32 s9, $0xF7A;
	s5 =	simm.s32 @!p2 $0x0  }
0x1d: {  	s5 =	simm.s32 @p1 $0x1;
	p0 =	seq.s32 s7, s2  }
0x1e: {  	s7 =	smul.u32 @!p0 $0xF7A, s2;
	p2 =	seq.s32 @!p0 s5, $0x0  }
0x1f: {  	s9 =	smul.u32 $0xF7A, s1;
	s8 =	simm.s32 @!p0 $0x1BF5;
	p2 =	por !p2, p0  }
0x20: {  	[sflag:s8] =	ssyncset.s32 @!p0 $0xFFFFF086;
	s6 =	sadd.s32 @!p0 s3, s7;
	s7 =	simm.s32 @!p0 $0x108  }
0x21: {  	s3 =	sadd.s32 s3, s9;
	s6 =	sadd.s32 @!p0 $0x88, s6;
	s7 =	simm.s32 @p2 $0x1082  }
0x22: {  	[simem:s7], [sflag:s8] =	dma.local @!p0 [hbm:s6], $0xF7A  }
0x23: {  	s9 =	sor.u32 $0xD0000000, s2;
	s6 =	simm.s32 $0x108;
	_ =	swait.ge @!p0 [sflag:s8], $0x0  }
0x24: {  	s3 =	sadd.s32 $0x88, s3;
	s6 =	simm.s32 @!p1 $0x1082;
	[sflag:s4] =	ssyncset.s32 $0xFFFFF086  }
0x25: {  	[simem:s6], [sflag:s4] =	dma.local [hbm:s3], $0xF7A  }
0x26: {  	[smem:$0x3F76] =	sst s1;
	(tag) =	ssettag s2;
	_ =	strace s9  }
0x27: {  	s1 =	sld [smem:$0x3F86]  }
0x28: {  	s2 =	sld [smem:$0x3F87]  }
0x29: {  	s4 =	sld [smem:$0x3F89]  }
0x2a: {  	p0 =	seq.s32 s5, $0x0;
	s5 =	sld [smem:$0x3F8A]  }
0x2b: {  	s6 =	sld [smem:$0x3F8B]  }
0x2c: {  	s7 =	sld [smem:$0x3F8C]  }
0x2d: {  	s3 =	simm.s32 $0x108;
	s8 =	sld [smem:$0x3F8D]  }
0x2e: {  	s3 =	simm.s32 @!p0 $0x1082;
	s9 =	sld [smem:$0x3F8E]  }
0x2f: {  	lr =	sadd.s32 s0, s3;
	s0 =	sld [smem:$0x3F85]  }
0x30: {  	s3 =	sld [smem:$0x3F88]  }
0x31: {  	[smem:$0x3F91] =	sst s10  }
0x32: {  	s10 =	sld [smem:$0x3F8F];
	_ =	sdelay $0x3  }
0x33: {  	p0 =	seq.s32 s10, $0x1;
	s10 =	sld [smem:$0x3F91];
	_ =	sdelay $0x3  }
0x34: {  	[smem:$0x3F91] =	sst s10  }
0x35: {  	s10 =	sld [smem:$0x3F90];
	_ =	sdelay $0x3  }
0x36: {  	p1 =	seq.s32 s10, $0x1;
	s10 =	sld [smem:$0x3F91];
	_ =	sdelay $0x3  }
0x37: {  	[smem:$0x3F91] =	sst s10  }
0x38: {  	s10 =	sld [smem:$0x3F92]  }
0x39: {  	_ = 	snop;
	(pc) =	sbr.ind lr, $3  }
0x3a: {  	_ = 	snop  }
0x3b: {  	_ = 	snop  }
0x3c: {  	p2 =	seq.s32 s10, $0x1;
	s10 =	sld [smem:$0x3F91]  }
0x3d: {  	_ =	shalt  }
0x3e: {  	_ =	shalt  }
0x3f: {  	_ =	shalt  }
0x40: {  	_ =	shalt  }
0x41: {  	_ =	shalt  }
0x42: {  	_ =	shalt  }
0x43: {  	_ =	shalt  }
0x44: {  	_ =	shalt  }
0x45: {  	_ =	shalt  }
0x46: {  	_ =	shalt  }
0x47: {  	_ =	shalt  }
0x48: {  	_ =	shalt  }
0x49: {  	_ =	shalt  }
0x4a: {  	_ =	shalt  }
0x4b: {  	_ =	shalt  }
0x4c: {  	_ =	shalt  }
0x4d: {  	_ =	shalt  }
0x4e: {  	_ =	shalt  }
0x4f: {  	_ =	shalt  }
0x50: {  	_ =	shalt  }
0x51: {  	_ =	shalt  }
0x52: {  	_ =	shalt  }
0x53: {  	_ =	shalt  }
0x54: {  	_ =	shalt  }
0x55: {  	_ =	shalt  }
0x56: {  	_ =	shalt  }
0x57: {  	_ =	shalt  }
0x58: {  	_ =	shalt  }
0x59: {  	_ =	shalt  }
0x5a: {  	_ =	shalt  }
0x5b: {  	_ =	shalt  }
0x5c: {  	_ =	shalt  }
0x5d: {  	_ =	shalt  }
0x5e: {  	_ =	shalt  }
0x5f: {  	_ =	shalt  }
0x60: {  	_ =	shalt  }
0x61: {  	_ =	shalt  }
0x62: {  	_ =	shalt  }
0x63: {  	_ =	shalt  }
0x64: {  	_ =	shalt  }
0x65: {  	_ =	shalt  }
0x66: {  	_ =	shalt  }
0x67: {  	_ =	shalt  }
0x68: {  	_ =	shalt  }
0x69: {  	_ =	shalt  }
0x6a: {  	_ =	shalt  }
0x6b: {  	_ =	shalt  }
0x6c: {  	_ =	shalt  }
0x6d: {  	_ =	shalt  }
0x6e: {  	_ =	shalt  }
0x6f: {  	_ =	shalt  }
0x70: {  	_ =	shalt  }
0x71: {  	_ =	shalt  }
0x72: {  	_ =	shalt  }
0x73: {  	_ =	shalt  }
0x74: {  	_ =	shalt  }
0x75: {  	_ =	shalt  }
0x76: {  	_ =	shalt  }
0x77: {  	_ =	shalt  }
0x78: {  	_ =	shalt  }
0x79: {  	_ =	shalt  }
0x7a: {  	_ =	shalt  }
0x7b: {  	_ =	shalt  }
0x7c: {  	_ =	shalt  }
0x7d: {  	_ =	shalt  }
0x7e: {  	_ =	shalt  }
0x7f: {  	_ =	shalt  }
0x80: {  	_ =	shalt  }
0x81: {  	_ =	shalt  }
0x82: {  	_ =	shalt  }
0x83: {  	_ =	shalt  }
0x84: {  	_ =	shalt  }
0x85: {  	_ =	shalt  }
0x86: {  	_ =	shalt  }
0x87: {  	_ =	shalt  }
.Lfunc_end0:
.L_simem_size_0:
called_computation.5_lowered:
.L_overlay_start_0:
0x88: {  	s2 =	sld [smem:$0x3FD9]  }
0x89: {  	s3 =	sld [smem:$0x3FFE];
	_ =	sdelay $0x1  }
0x8a: {  	s1 =	srdreg.scid  }
0x8b: {  	s0 =	sand.u32 $0x1, s1  }
0x8c: {  	s16 =	sshll.u32 s0, $0xA;
	s2 =	sadd.s32 s3, s2  }
0x8d: {  	s2 =	sadd.s32 s2, s16  }
0x8e: {  	[smem:$0x3F9D] =	sst s2  }
0x8f: {  	_ = 	snop  }
0x90: {  	(tm) =	ssettm $0x1  }
0x91: {  	s17 =	sld [smem:$0x3FFB];
	_ =	sdelay $0x3  }
0x92: {  	_ =	strace s17  }
0x93: {  	s2 =	sld [smem:$0x3FFC];
	_ =	sdelay $0x3  }
0x94: {  	_ =	strace s2  }
0x95: {  	s2 =	sld [smem:$0x3FFD];
	_ =	sdelay $0x3  }
0x96: {  	_ =	strace s2  }
0x97: {  	_ =	strace $0x8FFFFFFF  }
0x98: {  	s18 =	sld [smem:$0x3FDB];
	_ =	sdelay $0x1  }
0x99: {  	s19 =	simm.s32 $_scs_section_size  }
0x9a: {  	s4 =	simm.s32 $_size__tile_overlayer_lowered;
	s5 =	simm.s32 $_tile_overlayer_lowered  }
0x9b: {  	s22 =	simm.s32 $0x1BFF;
	s21 =	sshll.u32 s5, $0x1;
	s2 =	sadd.s32 s19, s18  }
0x9c: {  	s6 =	simm.s32 $0x0;
	s20 =	sshll.u32 s4, $0x1;
	s4 =	sadd.s32 s21, s2  }
0x9d: {  	[timem:s6], [sflag:s22] =	dma.local [hbm:s4], s20  }
0x9e: {  	_ =	swait.ge [sflag:s22], s20  }
0x9f: {  	s3 =	ssub.s32 $0x0, s20;
	[sflag:s22] =	ssyncset.done $0x0  }
0xa0: {  	[sflag:s22] =	ssyncadd.s32 s3;
	_ =	sdelay $0x1  }
0xa1: {  	s23 =	simm.s32 $0x1B8B  }
0xa2: {  	_ =	swait.ge [sflag:s23], $0x1  }
0xa3: {  	[sflag:s23] =	ssyncset.done $0x0  }
0xa4: {  	s25 =	simm.s32 $0x1B8E;
	s24 =	sld [smem:$0x3FFE];
	[sflag:s23] =	ssyncadd.s32 $0xFFFFFFFF  }
0xa5: {  	s26 =	simm.s32 $execute0_lowered;
	[smem:$0x3FD2] =	sst s25  }
0xa6: {  	s4 =	sshll.u32 s26, $0x1;
	_ =	strace $0x80000055;
	[dreg:$0x1] =	wrdreg $0xFFFFFFFF  }
0xa7: {  	s28 =	simm.s32 $_size_execute0_lowered;
	s2 =	sadd.s32 s2, s4;
	[dreg:$0x0] =	wrdreg $0x0  }
0xa8: {  	s4 =	sshll.u32 s28, $0x1;
	[dreg:$0x2] =	wrdreg s2  }
0xa9: {  	[dreg:$0x3] =	wrdreg s4  }
0xaa: {  	[dreg:$0x4] =	wrdreg $0xC0  }
0xab: {  	_ =	task [dreg:s6], $0x5FFFF  }
0xac: {  	[dreg:$0x1] =	wrdreg $0xFFFFFFFF  }
0xad: {  	[dreg:$0x0] =	wrdreg $0x60  }
0xae: {  	[dreg:$0x2] =	wrdreg s24  }
0xaf: {  	[dreg:$0x3] =	wrdreg $0x94100  }
0xb0: {  	[dreg:$0x4] =	wrdreg $0x9  }
0xb1: {  	_ =	task.clear_ibuf [dreg:s6], $0x5FFFF;
	_ =	strace $0x90000055  }
0xb2: {  	s29 =	simm.s32 $0x9;
	_ =	strace $0x80000057  }
0xb3: {  	_ =	swait.ge [sflag:s29], $0x1  }
0xb4: {  	[sflag:s29] =	ssyncadd.s32 $0xFFFFFFFF  }
0xb5: {  	_ =	strace $0x90000057  }
0xb6: {  	_ =	sfence  }
0xb7: {  	s30 =	sld [smem:$0x0];
	_ =	sdelay $0x2  }
0xb8: {  	s31 =	sshll.u32 s1, $0xD;
	s1 =	sshrl.u32 s1, $0x2  }
0xb9: {  	s3 =	sand.u32 $0x4000, s31;
	s1 =	sadd.s32 s1, s30  }
0xba: {  	s0 =	sor.u32 s3, s0;
	s1 =	sshll.u32 s1, $0x11  }
0xbb: {  	s0 =	sor.u32 s1, s0  }
0xbc: {  	s0 =	sadd.s32 $0x8F2B, s0  }
0xbd: {  	[sflag:s0] =	ssyncadd.remote.s32 $0x1  }
0xbe: {  	_ =	sfence.sel $0xFFFF  }
0xbf: {  	[dreg:$0x0] =	wrdreg $0xFFFFFFFF;
	(pc) =	sbr.abs _section_cstart, $3  }
0xc0: {  	[dreg:$0x1] =	wrdreg $0xFFFFFFFF  }
0xc1: {  	_ =	task.clear_ibuf [dreg:s6], $0x2FFFF;
	_ =	strace $0x9FFFFFFF  }
0xc2: {  	(tm) =	ssettm $0x7FFFFFFF  }
0xc3: {  	_ =	shalt  }
tec
execute0_lowered:
.L_overlay_start_1:
0x0: {  	(tag) =	ssettag $0x1  }
0x1: {  	s0 =	rddreg [dreg:$0x0]  }
0x2: {  	s1 =	rddreg [dreg:$0x1]  }
0x3: {  	s3 =	simm.s32 $0x0;
	s4 =	srdreg.scid;
	s2 =	stileid.u32  }
0x4: {  	s18 =	simm.s32 $0x2800;
	s20 =	simm.s32 $0x5410;
	s21 =	simm.s32 $0x5010  }
0x5: {  	s22 =	simm.s32 $0x5110;
	s23 =	simm.s32 $0x5210;
	s24 =	simm.s32 $0x100  }
0x6: {  	s25 =	simm.s32 $0x1;
	s26 =	simm.s32 $0x5310;
	s28 =	simm.s32 $0x0  }
0x7: {  	[smem:$0x7FF] =	sst s3;
	s12 =	sand.u32 $0x1, s4;
	s13 =	smul.u32 $0xA000, s2  }
0x8: {  	s4 =	sadd.s32 $0x21A00, s0;
	s5 =	sadd.s32 $0x17600, s0;
	s6 =	sadd.s32 $0x2BE00, s0  }
0x9: {  	s7 =	sadd.s32 $0x14200, s0;
	s8 =	sadd.s32 $0x13C00, s0;
	s9 =	sadd.s32 $0x12600, s0  }
0xa: {  	s10 =	sadd.s32 $0x36200, s0;
	_ =	strace $0x80000056;
	s11 =	smul.u32 $0xA0000, s12  }
0xb: {  	s15 =	ssub.s32 $0x2, s12;
	s17 =	sshll.u32 s12, $0x4;
	s12 =	sadd.s32 $0x4A200, s0  }
0xc: {  	s29 =	sshrl.u32 s15, $0x1;
	s31 =	sor.u32 s2, s17;
	s14 =	sadd.s32 s13, s11  }
0xd: {  	s17 =	simm.s32 $0x2;
	s11 =	sadd.s32 $0x12800, s0;
	s14 =	sshrl.u32 s14, $0x3  }
0xe: {  	s30 =	ssub.s32 s15, s29;
	s13 =	sadd.s32 s13, s1;
	s16 =	sadd.s32 s14, s0  }
0xf: {  	s14 =	smul.u32 $0x2900, s31;
	s15 =	sadd.s32 $0x54600, s16;
	s16 =	smax.u32 s30, $0x1  }
.LBB2_1:
0x10: {  	[tilespmem:s3], [sflag:$0x2] =	stream.linear.gather [hbm4b:s7+s3], $0x2800, $0x38;
	[tilespmem:$0x13410] =	vst v63  }
0x11: {  	_ =	swait.ge [sflag:s17], $0x2800  }
0x12: {  	[sflag:s17] =	ssyncset.done $0x0  }
0x13: {  	[sflag:s17] =	ssyncadd.s32 $0xFFFFD800  }
0x14: {  	[tilespmem:s18], [sflag:$0x2] =	stream.linear.gather [hbm4b:s8+s3], $0x2800, $0x38;
	[tilespmem:$0x13410] =	vst v63  }
0x15: {  	_ =	swait.ge [sflag:s17], $0x2800  }
0x16: {  	[sflag:s17] =	ssyncset.done $0x0  }
0x17: {  	s0 =	simm.s32 $0x5000;
	[sflag:s17] =	ssyncadd.s32 $0xFFFFD800  }
0x18: {  	[tilespmem:s0], [sflag:$0x2] =	stream.linear.gather [hbm4b:s9+s3], $0x10, $0x38;
	[tilespmem:$0x13410] =	vst v63  }
0x19: {  	_ =	swait.ge [sflag:s17], $0x10  }
0x1a: {  	[sflag:s17] =	ssyncset.done $0x0  }
0x1b: {  	[sflag:s17] =	ssyncadd.s32 $0xFFFFFFF0  }
0x1c: {  	[tilespmem:s20], [sflag:$0x2] =	stream.linear.gather [hbm4b:s11+s3], $0xA000, $0x38;
	[tilespmem:$0x13410] =	vst v63  }
0x1d: {  	_ =	swait.ge [sflag:s17], $0xA000  }
0x1e: {  	[sflag:s17] =	ssyncset.done $0x0  }
0x1f: {  	[sflag:s17] =	ssyncadd.s32 $0xFFFF6000  }
0x20: {  	[spmem:s13] =	stream.linear.scatter [tilespmem:s20], [sflag:$0x2], $0xA000, $0x38;
	[tilespmem:$0x13410] =	vst v63  }
0x21: {  	_ =	swait.ge [sflag:s17], $0xA000  }
0x22: {  	[sflag:s17] =	ssyncset.done $0x0  }
0x23: {  	[sflag:s17] =	ssyncadd.s32 $0xFFFF6000  }
0x24: {  	[bflag:$0x0] =	sbarrier.arrive $0xFFFF  }
0x25: {  	s29 =	simm.s32 $0x0;
	v0 =	vld [tilespmem:$0x5000]  }
.LBB2_2:
0x26: {  	s0 =	sshll.u32 s29, $0x8  }
0x27: {  	s0 =	sadd.s32 s14, s0  }
0x28: {  	s30 =	sshrl.u32 s0, $0x3  }
0x29: {  	s31 =	simm.s32 $0x0;
	s0 =	sadd.s32 s4, s30  }
0x2a: {  	[tilespmem:s21], [sflag:$0x2] =	stream.linear.gather [hbm4b:s0+s31], $0x100, $0x38;
	[tilespmem:$0x13410] =	vst v63  }
0x2b: {  	_ =	swait.ge [sflag:s17], $0x100  }
0x2c: {  	[sflag:s17] =	ssyncset.done $0x0  }
0x2d: {  	s2 =	sadd.s32 s5, s30;
	[sflag:s17] =	ssyncadd.s32 $0xFFFFFF00  }
0x2e: {  	[tilespmem:s22], [sflag:$0x2] =	stream.linear.gather [hbm4b:s2+s31], $0x100, $0x38;
	[tilespmem:$0x13410] =	vst v63  }
0x2f: {  	_ =	swait.ge [sflag:s17], $0x100  }
0x30: {  	[sflag:s17] =	ssyncset.done $0x0  }
0x31: {  	s19 =	sadd.s32 s6, s30;
	[sflag:s17] =	ssyncadd.s32 $0xFFFFFF00  }
0x32: {  	[tilespmem:s23], [sflag:$0x2] =	stream.linear.gather [hbm4b:s19+s31], $0x100, $0x38;
	[tilespmem:$0x13410] =	vst v63  }
0x33: {  	_ =	swait.ge [sflag:s17], $0x100  }
0x34: {  	[sflag:s17] =	ssyncset.done $0x0  }
0x35: {  	[sflag:s17] =	ssyncadd.s32 $0xFFFFFF00  }
0x36: {  	[tilespmem:s20], [sflag:$0x1] =	stream.indirect.gather [hbm4b:s10+s24], $0x40, s21, s24, $0xb8;
	[tilespmem:$0x13410] =	vst v63  }
0x37: {  	v1 =	vld [tilespmem:$0x5010]  }
0x38: {  	v2 =	vld [tilespmem:$0x5110];
	_ =	sdelay $0x6  }
0x39: {  	v1 =	vld.idx.msk [tilespmem:v1+s31+$0x0], $0xffff  }
0x3a: {  	v2 =	vld.idx.msk [tilespmem:v2+s18+$0x0], $0xffff;
	_ =	sdelay $0x1  }
0x3b: {  	v3 =	vld [tilespmem:$0x5210];
	_ =	sdelay $0x2  }
0x3c: {  	v1 =	vadd.f32 v2, v1;
	_ =	sdelay $0x1  }
0x3d: {  	v1 =	vadd.f32 v3, v1;
	_ =	sdelay $0x1  }
0x3e: {  	v2 =	vmul.f32 $2.000000030e-01, v1;
	_ =	sdelay $0x1  }
0x3f: {  	v1 =	vmax.f32 v1, v2  }
0x40: {  	v1 =	vsub.f32 v1, v0;
	_ =	sdelay $0x1  }
0x41: {  	v1 =	vmul.f32 $1.442695020e+00, v1;
	_ =	sdelay $0x1  }
0x42: {  	(erf) = vpow2.f32 v1;
	_ =	sdelay $0x2  }
0x43: {  	v1 =	vld [tilespmem:$0x5020]  }
0x44: {  	v2 =	vld [tilespmem:$0x5120];
	_ =	sdelay $0x4  }
0x45: {  	v3 =	vpop (erf)  }
0x46: {  	[tilespmem:$0x5310] =	vst v3  }
0x47: {  	v1 =	vld.idx.msk [tilespmem:v1+s31+$0x0], $0xffff  }
0x48: {  	v2 =	vld.idx.msk [tilespmem:v2+s18+$0x0], $0xffff;
	_ =	sdelay $0x1  }
0x49: {  	v3 =	vld [tilespmem:$0x5220];
	_ =	sdelay $0x2  }
0x4a: {  	v1 =	vadd.f32 v2, v1;
	_ =	sdelay $0x1  }
0x4b: {  	v1 =	vadd.f32 v3, v1;
	_ =	sdelay $0x1  }
0x4c: {  	v2 =	vmul.f32 $2.000000030e-01, v1;
	_ =	sdelay $0x1  }
0x4d: {  	v1 =	vmax.f32 v1, v2  }
0x4e: {  	v1 =	vsub.f32 v1, v0;
	_ =	sdelay $0x1  }
0x4f: {  	v1 =	vmul.f32 $1.442695020e+00, v1;
	_ =	sdelay $0x1  }
0x50: {  	(erf) = vpow2.f32 v1;
	_ =	sdelay $0x2  }
0x51: {  	v1 =	vld [tilespmem:$0x5030]  }
0x52: {  	v2 =	vld [tilespmem:$0x5130];
	_ =	sdelay $0x4  }
0x53: {  	v3 =	vpop (erf)  }
0x54: {  	[tilespmem:$0x5320] =	vst v3  }
0x55: {  	v1 =	vld.idx.msk [tilespmem:v1+s31+$0x0], $0xffff  }
0x56: {  	v2 =	vld.idx.msk [tilespmem:v2+s18+$0x0], $0xffff;
	_ =	sdelay $0x1  }
0x57: {  	v3 =	vld [tilespmem:$0x5230];
	_ =	sdelay $0x2  }
0x58: {  	v1 =	vadd.f32 v2, v1;
	_ =	sdelay $0x1  }
0x59: {  	v1 =	vadd.f32 v3, v1;
	_ =	sdelay $0x1  }
0x5a: {  	v2 =	vmul.f32 $2.000000030e-01, v1;
	_ =	sdelay $0x1  }
0x5b: {  	v1 =	vmax.f32 v1, v2  }
0x5c: {  	v1 =	vsub.f32 v1, v0;
	_ =	sdelay $0x1  }
0x5d: {  	v1 =	vmul.f32 $1.442695020e+00, v1;
	_ =	sdelay $0x1  }
0x5e: {  	(erf) = vpow2.f32 v1;
	_ =	sdelay $0x2  }
0x5f: {  	v1 =	vld [tilespmem:$0x5040]  }
0x60: {  	v2 =	vld [tilespmem:$0x5140];
	_ =	sdelay $0x4  }
0x61: {  	v3 =	vpop (erf)  }
0x62: {  	[tilespmem:$0x5330] =	vst v3  }
0x63: {  	v1 =	vld.idx.msk [tilespmem:v1+s31+$0x0], $0xffff  }
0x64: {  	v2 =	vld.idx.msk [tilespmem:v2+s18+$0x0], $0xffff;
	_ =	sdelay $0x1  }
0x65: {  	v3 =	vld [tilespmem:$0x5240];
	_ =	sdelay $0x2  }
0x66: {  	v1 =	vadd.f32 v2, v1;
	_ =	sdelay $0x1  }
0x67: {  	v1 =	vadd.f32 v3, v1;
	_ =	sdelay $0x1  }
0x68: {  	v2 =	vmul.f32 $2.000000030e-01, v1;
	_ =	sdelay $0x1  }
0x69: {  	v1 =	vmax.f32 v1, v2  }
0x6a: {  	v1 =	vsub.f32 v1, v0;
	_ =	sdelay $0x1  }
0x6b: {  	v1 =	vmul.f32 $1.442695020e+00, v1;
	_ =	sdelay $0x1  }
0x6c: {  	(erf) = vpow2.f32 v1;
	_ =	sdelay $0x2  }
0x6d: {  	v1 =	vld [tilespmem:$0x5050]  }
0x6e: {  	v2 =	vld [tilespmem:$0x5150];
	_ =	sdelay $0x4  }
0x6f: {  	v3 =	vpop (erf)  }
0x70: {  	[tilespmem:$0x5340] =	vst v3  }
0x71: {  	v1 =	vld.idx.msk [tilespmem:v1+s31+$0x0], $0xffff  }
0x72: {  	v2 =	vld.idx.msk [tilespmem:v2+s18+$0x0], $0xffff;
	_ =	sdelay $0x1  }
0x73: {  	v3 =	vld [tilespmem:$0x5250];
	_ =	sdelay $0x2  }
0x74: {  	v1 =	vadd.f32 v2, v1;
	_ =	sdelay $0x1  }
0x75: {  	v1 =	vadd.f32 v3, v1;
	_ =	sdelay $0x1  }
0x76: {  	v2 =	vmul.f32 $2.000000030e-01, v1;
	_ =	sdelay $0x1  }
0x77: {  	v1 =	vmax.f32 v1, v2  }
0x78: {  	v1 =	vsub.f32 v1, v0;
	_ =	sdelay $0x1  }
0x79: {  	v1 =	vmul.f32 $1.442695020e+00, v1;
	_ =	sdelay $0x1  }
0x7a: {  	(erf) = vpow2.f32 v1;
	_ =	sdelay $0x2  }
0x7b: {  	v1 =	vld [tilespmem:$0x5060]  }
0x7c: {  	v2 =	vld [tilespmem:$0x5160];
	_ =	sdelay $0x4  }
0x7d: {  	v3 =	vpop (erf)  }
0x7e: {  	[tilespmem:$0x5350] =	vst v3  }
0x7f: {  	v1 =	vld.idx.msk [tilespmem:v1+s31+$0x0], $0xffff  }
0x80: {  	v2 =	vld.idx.msk [tilespmem:v2+s18+$0x0], $0xffff;
	_ =	sdelay $0x1  }
0x81: {  	v3 =	vld [tilespmem:$0x5260];
	_ =	sdelay $0x2  }
0x82: {  	v1 =	vadd.f32 v2, v1;
	_ =	sdelay $0x1  }
0x83: {  	v1 =	vadd.f32 v3, v1;
	_ =	sdelay $0x1  }
0x84: {  	v2 =	vmul.f32 $2.000000030e-01, v1;
	_ =	sdelay $0x1  }
0x85: {  	v1 =	vmax.f32 v1, v2  }
0x86: {  	v1 =	vsub.f32 v1, v0;
	_ =	sdelay $0x1  }
0x87: {  	v1 =	vmul.f32 $1.442695020e+00, v1;
	_ =	sdelay $0x1  }
0x88: {  	(erf) = vpow2.f32 v1;
	_ =	sdelay $0x2  }
0x89: {  	v1 =	vld [tilespmem:$0x5070]  }
0x8a: {  	v2 =	vld [tilespmem:$0x5170];
	_ =	sdelay $0x4  }
0x8b: {  	v3 =	vpop (erf)  }
0x8c: {  	[tilespmem:$0x5360] =	vst v3  }
0x8d: {  	v1 =	vld.idx.msk [tilespmem:v1+s31+$0x0], $0xffff  }
0x8e: {  	v2 =	vld.idx.msk [tilespmem:v2+s18+$0x0], $0xffff;
	_ =	sdelay $0x1  }
0x8f: {  	v3 =	vld [tilespmem:$0x5270];
	_ =	sdelay $0x2  }
0x90: {  	v1 =	vadd.f32 v2, v1;
	_ =	sdelay $0x1  }
0x91: {  	v1 =	vadd.f32 v3, v1;
	_ =	sdelay $0x1  }
0x92: {  	v2 =	vmul.f32 $2.000000030e-01, v1;
	_ =	sdelay $0x1  }
0x93: {  	v1 =	vmax.f32 v1, v2  }
0x94: {  	v1 =	vsub.f32 v1, v0;
	_ =	sdelay $0x1  }
0x95: {  	v1 =	vmul.f32 $1.442695020e+00, v1;
	_ =	sdelay $0x1  }
0x96: {  	(erf) = vpow2.f32 v1;
	_ =	sdelay $0x2  }
0x97: {  	v1 =	vld [tilespmem:$0x5080]  }
0x98: {  	v2 =	vld [tilespmem:$0x5180];
	_ =	sdelay $0x4  }
0x99: {  	v3 =	vpop (erf)  }
0x9a: {  	[tilespmem:$0x5370] =	vst v3  }
0x9b: {  	v1 =	vld.idx.msk [tilespmem:v1+s31+$0x0], $0xffff  }
0x9c: {  	v2 =	vld.idx.msk [tilespmem:v2+s18+$0x0], $0xffff;
	_ =	sdelay $0x1  }
0x9d: {  	v3 =	vld [tilespmem:$0x5280];
	_ =	sdelay $0x2  }
0x9e: {  	v1 =	vadd.f32 v2, v1;
	_ =	sdelay $0x1  }
0x9f: {  	v1 =	vadd.f32 v3, v1;
	_ =	sdelay $0x1  }
0xa0: {  	v2 =	vmul.f32 $2.000000030e-01, v1;
	_ =	sdelay $0x1  }
0xa1: {  	v1 =	vmax.f32 v1, v2  }
0xa2: {  	v1 =	vsub.f32 v1, v0;
	_ =	sdelay $0x1  }
0xa3: {  	v1 =	vmul.f32 $1.442695020e+00, v1;
	_ =	sdelay $0x1  }
0xa4: {  	(erf) = vpow2.f32 v1;
	_ =	sdelay $0x2  }
0xa5: {  	v1 =	vld [tilespmem:$0x5090]  }
0xa6: {  	v2 =	vld [tilespmem:$0x5190];
	_ =	sdelay $0x4  }
0xa7: {  	v3 =	vpop (erf)  }
0xa8: {  	[tilespmem:$0x5380] =	vst v3  }
0xa9: {  	v1 =	vld.idx.msk [tilespmem:v1+s31+$0x0], $0xffff  }
0xaa: {  	v2 =	vld.idx.msk [tilespmem:v2+s18+$0x0], $0xffff;
	_ =	sdelay $0x1  }
0xab: {  	v3 =	vld [tilespmem:$0x5290];
	_ =	sdelay $0x2  }
0xac: {  	v1 =	vadd.f32 v2, v1;
	_ =	sdelay $0x1  }
0xad: {  	v1 =	vadd.f32 v3, v1;
	_ =	sdelay $0x1  }
0xae: {  	v2 =	vmul.f32 $2.000000030e-01, v1;
	_ =	sdelay $0x1  }
0xaf: {  	v1 =	vmax.f32 v1, v2  }
0xb0: {  	v1 =	vsub.f32 v1, v0;
	_ =	sdelay $0x1  }
0xb1: {  	v1 =	vmul.f32 $1.442695020e+00, v1;
	_ =	sdelay $0x1  }
0xb2: {  	(erf) = vpow2.f32 v1;
	_ =	sdelay $0x2  }
0xb3: {  	v1 =	vld [tilespmem:$0x50A0]  }
0xb4: {  	v2 =	vld [tilespmem:$0x51A0];
	_ =	sdelay $0x4  }
0xb5: {  	v3 =	vpop (erf)  }
0xb6: {  	[tilespmem:$0x5390] =	vst v3  }
0xb7: {  	v1 =	vld.idx.msk [tilespmem:v1+s31+$0x0], $0xffff  }
0xb8: {  	v2 =	vld.idx.msk [tilespmem:v2+s18+$0x0], $0xffff;
	_ =	sdelay $0x1  }
0xb9: {  	v3 =	vld [tilespmem:$0x52A0];
	_ =	sdelay $0x2  }
0xba: {  	v1 =	vadd.f32 v2, v1;
	_ =	sdelay $0x1  }
0xbb: {  	v1 =	vadd.f32 v3, v1;
	_ =	sdelay $0x1  }
0xbc: {  	v2 =	vmul.f32 $2.000000030e-01, v1;
	_ =	sdelay $0x1  }
0xbd: {  	v1 =	vmax.f32 v1, v2  }
0xbe: {  	v1 =	vsub.f32 v1, v0;
	_ =	sdelay $0x1  }
0xbf: {  	v1 =	vmul.f32 $1.442695020e+00, v1;
	_ =	sdelay $0x1  }
0xc0: {  	(erf) = vpow2.f32 v1;
	_ =	sdelay $0x2  }
0xc1: {  	v1 =	vld [tilespmem:$0x50B0]  }
0xc2: {  	v2 =	vld [tilespmem:$0x51B0];
	_ =	sdelay $0x4  }
0xc3: {  	v3 =	vpop (erf)  }
0xc4: {  	[tilespmem:$0x53A0] =	vst v3  }
0xc5: {  	v1 =	vld.idx.msk [tilespmem:v1+s31+$0x0], $0xffff  }
0xc6: {  	v2 =	vld.idx.msk [tilespmem:v2+s18+$0x0], $0xffff;
	_ =	sdelay $0x1  }
0xc7: {  	v3 =	vld [tilespmem:$0x52B0];
	_ =	sdelay $0x2  }
0xc8: {  	v1 =	vadd.f32 v2, v1;
	_ =	sdelay $0x1  }
0xc9: {  	v1 =	vadd.f32 v3, v1;
	_ =	sdelay $0x1  }
0xca: {  	v2 =	vmul.f32 $2.000000030e-01, v1;
	_ =	sdelay $0x1  }
0xcb: {  	v1 =	vmax.f32 v1, v2  }
0xcc: {  	v1 =	vsub.f32 v1, v0;
	_ =	sdelay $0x1  }
0xcd: {  	v1 =	vmul.f32 $1.442695020e+00, v1;
	_ =	sdelay $0x1  }
0xce: {  	(erf) = vpow2.f32 v1;
	_ =	sdelay $0x2  }
0xcf: {  	v1 =	vld [tilespmem:$0x50C0]  }
0xd0: {  	v2 =	vld [tilespmem:$0x51C0];
	_ =	sdelay $0x4  }
0xd1: {  	v3 =	vpop (erf)  }
0xd2: {  	[tilespmem:$0x53B0] =	vst v3  }
0xd3: {  	v1 =	vld.idx.msk [tilespmem:v1+s31+$0x0], $0xffff  }
0xd4: {  	v2 =	vld.idx.msk [tilespmem:v2+s18+$0x0], $0xffff;
	_ =	sdelay $0x1  }
0xd5: {  	v3 =	vld [tilespmem:$0x52C0];
	_ =	sdelay $0x2  }
0xd6: {  	v1 =	vadd.f32 v2, v1;
	_ =	sdelay $0x1  }
0xd7: {  	v1 =	vadd.f32 v3, v1;
	_ =	sdelay $0x1  }
0xd8: {  	v2 =	vmul.f32 $2.000000030e-01, v1;
	_ =	sdelay $0x1  }
0xd9: {  	v1 =	vmax.f32 v1, v2  }
0xda: {  	v1 =	vsub.f32 v1, v0;
	_ =	sdelay $0x1  }
0xdb: {  	v1 =	vmul.f32 $1.442695020e+00, v1;
	_ =	sdelay $0x1  }
0xdc: {  	(erf) = vpow2.f32 v1;
	_ =	sdelay $0x2  }
0xdd: {  	v1 =	vld [tilespmem:$0x50D0]  }
0xde: {  	v2 =	vld [tilespmem:$0x51D0];
	_ =	sdelay $0x4  }
0xdf: {  	v3 =	vpop (erf)  }
0xe0: {  	[tilespmem:$0x53C0] =	vst v3  }
0xe1: {  	v1 =	vld.idx.msk [tilespmem:v1+s31+$0x0], $0xffff  }
0xe2: {  	v2 =	vld.idx.msk [tilespmem:v2+s18+$0x0], $0xffff;
	_ =	sdelay $0x1  }
0xe3: {  	v3 =	vld [tilespmem:$0x52D0];
	_ =	sdelay $0x2  }
0xe4: {  	v1 =	vadd.f32 v2, v1;
	_ =	sdelay $0x1  }
0xe5: {  	v1 =	vadd.f32 v3, v1;
	_ =	sdelay $0x1  }
0xe6: {  	v2 =	vmul.f32 $2.000000030e-01, v1;
	_ =	sdelay $0x1  }
0xe7: {  	v1 =	vmax.f32 v1, v2  }
0xe8: {  	v1 =	vsub.f32 v1, v0;
	_ =	sdelay $0x1  }
0xe9: {  	v1 =	vmul.f32 $1.442695020e+00, v1;
	_ =	sdelay $0x1  }
0xea: {  	(erf) = vpow2.f32 v1;
	_ =	sdelay $0x2  }
0xeb: {  	v1 =	vld [tilespmem:$0x50E0]  }
0xec: {  	v2 =	vld [tilespmem:$0x51E0];
	_ =	sdelay $0x4  }
0xed: {  	v3 =	vpop (erf)  }
0xee: {  	[tilespmem:$0x53D0] =	vst v3  }
0xef: {  	v1 =	vld.idx.msk [tilespmem:v1+s31+$0x0], $0xffff  }
0xf0: {  	v2 =	vld.idx.msk [tilespmem:v2+s18+$0x0], $0xffff;
	_ =	sdelay $0x1  }
0xf1: {  	v3 =	vld [tilespmem:$0x52E0];
	_ =	sdelay $0x2  }
0xf2: {  	v1 =	vadd.f32 v2, v1;
	_ =	sdelay $0x1  }
0xf3: {  	v1 =	vadd.f32 v3, v1;
	_ =	sdelay $0x1  }
0xf4: {  	v2 =	vmul.f32 $2.000000030e-01, v1;
	_ =	sdelay $0x1  }
0xf5: {  	v1 =	vmax.f32 v1, v2  }
0xf6: {  	v1 =	vsub.f32 v1, v0;
	_ =	sdelay $0x1  }
0xf7: {  	v1 =	vmul.f32 $1.442695020e+00, v1;
	_ =	sdelay $0x1  }
0xf8: {  	(erf) = vpow2.f32 v1;
	_ =	sdelay $0x2  }
0xf9: {  	v1 =	vld [tilespmem:$0x50F0]  }
0xfa: {  	v2 =	vld [tilespmem:$0x51F0];
	_ =	sdelay $0x4  }
0xfb: {  	v3 =	vpop (erf)  }
0xfc: {  	[tilespmem:$0x53E0] =	vst v3  }
0xfd: {  	v1 =	vld.idx.msk [tilespmem:v1+s31+$0x0], $0xffff  }
0xfe: {  	v2 =	vld.idx.msk [tilespmem:v2+s18+$0x0], $0xffff;
	_ =	sdelay $0x1  }
0xff: {  	v3 =	vld [tilespmem:$0x52F0];
	_ =	sdelay $0x2  }
0x100: {  	v1 =	vadd.f32 v2, v1;
	_ =	sdelay $0x1  }
0x101: {  	v1 =	vadd.f32 v3, v1;
	_ =	sdelay $0x1  }
0x102: {  	v2 =	vmul.f32 $2.000000030e-01, v1;
	_ =	sdelay $0x1  }
0x103: {  	v1 =	vmax.f32 v1, v2  }
0x104: {  	v1 =	vsub.f32 v1, v0;
	_ =	sdelay $0x1  }
0x105: {  	v1 =	vmul.f32 $1.442695020e+00, v1;
	_ =	sdelay $0x1  }
0x106: {  	(erf) = vpow2.f32 v1;
	_ =	sdelay $0x2  }
0x107: {  	v1 =	vld [tilespmem:$0x5100]  }
0x108: {  	v2 =	vld [tilespmem:$0x5200];
	_ =	sdelay $0x4  }
0x109: {  	v3 =	vpop (erf)  }
0x10a: {  	[tilespmem:$0x53F0] =	vst v3  }
0x10b: {  	v1 =	vld.idx.msk [tilespmem:v1+s31+$0x0], $0xffff  }
0x10c: {  	v2 =	vld.idx.msk [tilespmem:v2+s18+$0x0], $0xffff;
	_ =	sdelay $0x1  }
0x10d: {  	v3 =	vld [tilespmem:$0x5300];
	_ =	sdelay $0x2  }
0x10e: {  	v1 =	vadd.f32 v2, v1;
	_ =	sdelay $0x1  }
0x10f: {  	v1 =	vadd.f32 v3, v1;
	_ =	sdelay $0x1  }
0x110: {  	v2 =	vmul.f32 $2.000000030e-01, v1;
	_ =	sdelay $0x1  }
0x111: {  	v1 =	vmax.f32 v1, v2  }
0x112: {  	v1 =	vsub.f32 v1, v0;
	_ =	sdelay $0x1  }
0x113: {  	v1 =	vmul.f32 $1.442695020e+00, v1;
	_ =	sdelay $0x1  }
0x114: {  	(erf) = vpow2.f32 v1;
	_ =	sdelay $0x8  }
0x115: {  	v1 =	vpop (erf)  }
0x116: {  	[tilespmem:$0x5400] =	vst v1  }
0x117: {  	v1 =	vmov s31;
	_ =	swait.ge [sflag:s25], $0x4000  }
0x118: {  	[sflag:s25] =	ssyncset.done $0x0  }
0x119: {  	s31 =	simm.s32 $0x5430;
	[sflag:s25] =	ssyncadd.s32 $0xFFFFC000  }
0x11a: {  	v3 =	vld [tilespmem:s31+$0xFFFFFFF0]  }
0x11b: {  	v4 =	vld [tilespmem:s31+$0x10]  }
0x11c: {  	v6 =	vld.idx.msk [tilespmem:v1+s26+$0x0], $0xffff  }
0x11d: {  	v1 =	vld [tilespmem:s31+$0xFFFFFFE0]  }
0x11e: {  	v7 =	vld [tilespmem:s31+$0x0];
	_ =	sdelay $0x3  }
0x11f: {  	s19 =	simm.s32 $0x1;
	v2 =	vmul.f32 v1, v6;
	v5 =	vmul.f32 v4, v6  }
0x120: {  	s0 =	simm.s32 $0x2;
	v1 =	vmov s19;
	v4 =	vmul.f32 v3, v6;
	v3 =	vmul.f32 v7, v6;
	s19 =	simm.s32 $0x5430  }
.LBB2_3:
0x121: {  	p0 =	sne.s32 s0, $0xFF  }
0x122: {  	[tilespmem:s31+$0x10] =	vst v5;
	s19 =	sadd.s32 $0x40, s19;
	s2 =	smov.u32 s0;
	s0 =	sadd.s32 $0x1, s0  }
0x123: {  	[tilespmem:s31+$0xFFFFFFE0] =	vst v2  }
0x124: {  	v6 =	vld [tilespmem:s19+$0xFFFFFFF0];
	[tilespmem:s31+$0xFFFFFFF0] =	vst v4  }
0x125: {  	v4 =	vld [tilespmem:s19+$0x10];
	[tilespmem:s31+$0x0] =	vst v3;
	s31 =	smov.u32 s19  }
0x126: {  	v3 =	vld.idx.msk [tilespmem:v1+s26+$0x0], $0xffff  }
0x127: {  	v1 =	vld [tilespmem:s19+$0xFFFFFFE0]  }
0x128: {  	v7 =	vld [tilespmem:s19+$0x0]  }
.Ltmp0:
0x129: {  	(pc) =	sbr.rel @p0 .LBB2_3-.Ltmp0, $3  }
0x12a: {  	_ =	sdelay $0x1  }
0x12b: {  	v5 =	vmul.f32 v4, v3;
	v2 =	vmul.f32 v1, v3  }
0x12c: {  	v4 =	vmul.f32 v6, v3;
	v1 =	vmov s2;
	v3 =	vmul.f32 v7, v3  }
0x12d: {  	[tilespmem:s31+$0x10] =	vst v5  }
0x12e: {  	s0 =	sadd.s32 $0x40, s19;
	[tilespmem:s31+$0xFFFFFFE0] =	vst v2  }
0x12f: {  	v2 =	vld [tilespmem:s0+$0xFFFFFFF0];
	[tilespmem:s31+$0xFFFFFFF0] =	vst v4  }
0x130: {  	v4 =	vld [tilespmem:s0+$0x10];
	[tilespmem:s31+$0x0] =	vst v3  }
0x131: {  	v1 =	vld.idx.msk [tilespmem:v1+s26+$0x0], $0xffff  }
0x132: {  	v3 =	vld [tilespmem:s0+$0xFFFFFFE0];
	_ =	sdelay $0x1  }
0x133: {  	v5 =	vld [tilespmem:s0+$0x0];
	_ =	sdelay $0x1  }
0x134: {  	v4 =	vmul.f32 v4, v1  }
0x135: {  	v3 =	vmul.f32 v3, v1  }
0x136: {  	v2 =	vmul.f32 v2, v1;
	[tilespmem:s0+$0x10] =	vst v4  }
0x137: {  	v1 =	vmul.f32 v5, v1;
	[tilespmem:s0+$0xFFFFFFE0] =	vst v3  }
0x138: {  	[tilespmem:s0+$0xFFFFFFF0] =	vst v2  }
0x139: {  	[tilespmem:s0+$0x0] =	vst v1  }
0x13a: {  	[spmem:s1] =	stream.indirect.scatter.add.f32 [tilespmem:s20], [sflag:$0x2], $0x40, s22, s24, $0xb8;
	[tilespmem:$0x13410] =	vst v63  }
0x13b: {  	s29 =	sadd.s32 $0x1, s29;
	_ =	swait.ge [sflag:s17], $0x4000  }
0x13c: {  	p0 =	sne.s32 s29, $0x29;
	[sflag:s17] =	ssyncset.done $0x0  }
.Ltmp1:
0x13d: {  	s31 =	sadd.s32 s12, s30;
	[sflag:s17] =	ssyncadd.s32 $0xFFFFC000;
	(pc) =	sbr.rel @p0 .LBB2_2-.Ltmp1, $4  }
0x13e: {  	[hbm4b:s31+s3] =	stream.linear.scatter [tilespmem:s26], [sflag:$0x2], $0x100, $0x38;
	[tilespmem:$0x13410] =	vst v63  }
0x13f: {  	_ =	swait.ge [sflag:s17], $0x100  }
0x140: {  	[sflag:s17] =	ssyncset.done $0x0  }
0x141: {  	[sflag:s17] =	ssyncadd.s32 $0xFFFFFF00  }
0x142: {  	s0 =	stileid.u32;
	s28 =	sadd.s32 $0x1, s28  }
0x143: {  	[bflag:$0x0] =	sbarrier.arrive $0xFFFF;
	s0 =	sshll.u32 s0, $0x6;
	p0 =	sne.s32 s28, s16  }
.Ltmp2:
0x144: {  	s2 =	sshrl.u32 s13, $0x3;
	s0 =	sor.u32 $0x1C02, s0;
	(pc) =	sbr.rel @p0 .LBB2_1-.Ltmp2, $4  }
0x145: {  	[hbm:s15], [sflag:s0] =	dma.local [spmem:s2], $0x1400  }
0x146: {  	_ =	swait.ge [sflag:s17], $0x1400  }
0x147: {  	[sflag:s17] =	ssyncset.done $0x0  }
0x148: {  	[sflag:s17] =	ssyncadd.s32 $0xFFFFEC00  }
0x149: {  	_ =	sfence.sel $0x180000  }
0x14a: {  	[bflag:$0x0] =	sbarrier.arrive $0xFFFF  }
0x14b: {  	_ =	strace $0x90000056  }
0x14c: {  	s0 =	stileid.u32;
	[bflag:$0x2] =	sbarrier.arrive $0xFFFF  }
0x14d: {  	p0 =	sne.s32 s0, $0x0;
	s0 =	rddreg [dreg:$0x2]  }
0x14e: {  	s0 =	sadd.s32 @!p0 $0x100000, s0  }
0x14f: {  	[sflag:s0] =	ssyncadd.tile.s32 @!p0 $0x1;
	_ =	shalt  }
.Lfunc_end2:
_tile_overlayer_lowered:
.L_overlay_start_2:
0x150: {  	(tag) =	ssettag $0x2  }
0x151: {  	s0 =	rddreg [dreg:$0x0];
	s2 =	stileid.u32  }
0x152: {  	s1 =	rddreg [dreg:$0x1];
	p0 =	sne.s32 s2, $0x0  }
0x153: {  	s3 =	rddreg [dreg:$0x2];
	[bflag:$0x3] =	sbarrier.arrive $0xFFFF;
	s2 =	simm.s32 @!p0 $0x1C02  }
0x154: {  	[timem:s3], [sflag:s2] =	dma.local @!p0 [hbm:s0], s1  }
0x155: {  	s0 =	simm.s32 @!p0 $0x2  }
0x156: {  	_ =	swait.ge @!p0 [sflag:s0], s1  }
0x157: {  	s1 =	ssub.s32 @!p0 $0x0, s1;
	[sflag:s0] =	ssyncset.done @!p0 $0x0  }
0x158: {  	[sflag:s0] =	ssyncadd.s32 @!p0 s1  }
0x159: {  	[bflag:$0x3] =	sbarrier.arrive $0xFFFF  }
0x15a: {  	_ =	shalt  }

// kernel: kernel.44.cloned.1.call-start
scs
__scs_entry_jumppad:
0x0: {  	(pc) =	sbr.rel $0x88, $3  }
0x1: {  	(tag) =	ssettag $0x0;
	lr =	simm.s32 $0x1  }
0x2: {  	[smem:$0x3F76] =	sst lr;
	_ =	strace $0xD0000000  }
0x3: {  	_ = 	snop  }
0x4: {  	_ = 	snop  }
0x5: {  	_ = 	snop  }
0x6: {  	_ = 	snop  }
0x7: {  	_ = 	snop  }
__scs_overlays_trampoline_lowered:
0x8: {  	[smem:$0x3F85] =	sst s0  }
0x9: {  	[smem:$0x3F86] =	sst s1  }
0xa: {  	[smem:$0x3F87] =	sst s2  }
0xb: {  	[smem:$0x3F88] =	sst s3  }
0xc: {  	[smem:$0x3F89] =	sst s4  }
0xd: {  	[smem:$0x3F8A] =	sst s5  }
0xe: {  	[smem:$0x3F8B] =	sst s6  }
0xf: {  	[smem:$0x3F8C] =	sst s7  }
0x10: {  	[smem:$0x3F8D] =	sst s8  }
0x11: {  	[smem:$0x3F8E] =	sst s9;
	s0 =	simm.s32 @!p0 $0x0  }
0x12: {  	s1 =	sld [smem:$0x3F74];
	s0 =	simm.s32 @p0 $0x1  }
0x13: {  	[smem:$0x3F8F] =	sst s0;
	s0 =	simm.s32 @!p1 $0x0  }
0x14: {  	s2 =	sld [smem:$0x3F73];
	s0 =	simm.s32 @p1 $0x1  }
0x15: {  	[smem:$0x3F90] =	sst s0;
	s0 =	simm.s32 @!p2 $0x0  }
0x16: {  	s3 =	sld [smem:$0x3FDB];
	s0 =	simm.s32 @p2 $0x1  }
0x17: {  	s4 =	simm.s32 $0x1BF5;
	[smem:$0x3F92] =	sst s0  }
0x18: {  	s0 =	sld [smem:$0x3F75];
	_ =	swait.ge [sflag:s4], $0x0  }
0x19: {  	s7 =	sld [smem:$0x3F76]  }
0x1a: {  	s8 =	sadd.s32 $0xFFFFE003, lr  }
0x1b: {  	s9 =	sadd.s32 $0xFFFFFEF7, lr;
	s5 =	simm.s32 $0xFFFFFFFF;
	p2 =	slt.u32 s8, $0xFFFFF086  }
0x1c: {  	p1 =	slt.u32 s9, $0xF7A;
	s5 =	simm.s32 @!p2 $0x0  }
0x1d: {  	s5 =	simm.s32 @p1 $0x1;
	p0 =	seq.s32 s7, s2  }
0x1e: {  	s7 =	smul.u32 @!p0 $0xF7A, s2;
	p2 =	seq.s32 @!p0 s5, $0x0  }
0x1f: {  	s9 =	smul.u32 $0xF7A, s1;
	s8 =	simm.s32 @!p0 $0x1BF5;
	p2 =	por !p2, p0  }
0x20: {  	[sflag:s8] =	ssyncset.s32 @!p0 $0xFFFFF086;
	s6 =	sadd.s32 @!p0 s3, s7;
	s7 =	simm.s32 @!p0 $0x108  }
0x21: {  	s3 =	sadd.s32 s3, s9;
	s6 =	sadd.s32 @!p0 $0x88, s6;
	s7 =	simm.s32 @p2 $0x1082  }
0x22: {  	[simem:s7], [sflag:s8] =	dma.local @!p0 [hbm:s6], $0xF7A  }
0x23: {  	s9 =	sor.u32 $0xD0000000, s2;
	s6 =	simm.s32 $0x108;
	_ =	swait.ge @!p0 [sflag:s8], $0x0  }
0x24: {  	s3 =	sadd.s32 $0x88, s3;
	s6 =	simm.s32 @!p1 $0x1082;
	[sflag:s4] =	ssyncset.s32 $0xFFFFF086  }
0x25: {  	[simem:s6], [sflag:s4] =	dma.local [hbm:s3], $0xF7A  }
0x26: {  	[smem:$0x3F76] =	sst s1;
	(tag) =	ssettag s2;
	_ =	strace s9  }
0x27: {  	s1 =	sld [smem:$0x3F86]  }
0x28: {  	s2 =	sld [smem:$0x3F87]  }
0x29: {  	s4 =	sld [smem:$0x3F89]  }
0x2a: {  	p0 =	seq.s32 s5, $0x0;
	s5 =	sld [smem:$0x3F8A]  }
0x2b: {  	s6 =	sld [smem:$0x3F8B]  }
0x2c: {  	s7 =	sld [smem:$0x3F8C]  }
0x2d: {  	s3 =	simm.s32 $0x108;
	s8 =	sld [smem:$0x3F8D]  }
0x2e: {  	s3 =	simm.s32 @!p0 $0x1082;
	s9 =	sld [smem:$0x3F8E]  }
0x2f: {  	lr =	sadd.s32 s0, s3;
	s0 =	sld [smem:$0x3F85]  }
0x30: {  	s3 =	sld [smem:$0x3F88]  }
0x31: {  	[smem:$0x3F91] =	sst s10  }
0x32: {  	s10 =	sld [smem:$0x3F8F];
	_ =	sdelay $0x3  }
0x33: {  	p0 =	seq.s32 s10, $0x1;
	s10 =	sld [smem:$0x3F91];
	_ =	sdelay $0x3  }
0x34: {  	[smem:$0x3F91] =	sst s10  }
0x35: {  	s10 =	sld [smem:$0x3F90];
	_ =	sdelay $0x3  }
0x36: {  	p1 =	seq.s32 s10, $0x1;
	s10 =	sld [smem:$0x3F91];
	_ =	sdelay $0x3  }
0x37: {  	[smem:$0x3F91] =	sst s10  }
0x38: {  	s10 =	sld [smem:$0x3F92]  }
0x39: {  	_ = 	snop;
	(pc) =	sbr.ind lr, $3  }
0x3a: {  	_ = 	snop  }
0x3b: {  	_ = 	snop  }
0x3c: {  	p2 =	seq.s32 s10, $0x1;
	s10 =	sld [smem:$0x3F91]  }
0x3d: {  	_ =	shalt  }
0x3e: {  	_ =	shalt  }
0x3f: {  	_ =	shalt  }
0x40: {  	_ =	shalt  }
0x41: {  	_ =	shalt  }
0x42: {  	_ =	shalt  }
0x43: {  	_ =	shalt  }
0x44: {  	_ =	shalt  }
0x45: {  	_ =	shalt  }
0x46: {  	_ =	shalt  }
0x47: {  	_ =	shalt  }
0x48: {  	_ =	shalt  }
0x49: {  	_ =	shalt  }
0x4a: {  	_ =	shalt  }
0x4b: {  	_ =	shalt  }
0x4c: {  	_ =	shalt  }
0x4d: {  	_ =	shalt  }
0x4e: {  	_ =	shalt  }
0x4f: {  	_ =	shalt  }
0x50: {  	_ =	shalt  }
0x51: {  	_ =	shalt  }
0x52: {  	_ =	shalt  }
0x53: {  	_ =	shalt  }
0x54: {  	_ =	shalt  }
0x55: {  	_ =	shalt  }
0x56: {  	_ =	shalt  }
0x57: {  	_ =	shalt  }
0x58: {  	_ =	shalt  }
0x59: {  	_ =	shalt  }
0x5a: {  	_ =	shalt  }
0x5b: {  	_ =	shalt  }
0x5c: {  	_ =	shalt  }
0x5d: {  	_ =	shalt  }
0x5e: {  	_ =	shalt  }
0x5f: {  	_ =	shalt  }
0x60: {  	_ =	shalt  }
0x61: {  	_ =	shalt  }
0x62: {  	_ =	shalt  }
0x63: {  	_ =	shalt  }
0x64: {  	_ =	shalt  }
0x65: {  	_ =	shalt  }
0x66: {  	_ =	shalt  }
0x67: {  	_ =	shalt  }
0x68: {  	_ =	shalt  }
0x69: {  	_ =	shalt  }
0x6a: {  	_ =	shalt  }
0x6b: {  	_ =	shalt  }
0x6c: {  	_ =	shalt  }
0x6d: {  	_ =	shalt  }
0x6e: {  	_ =	shalt  }
0x6f: {  	_ =	shalt  }
0x70: {  	_ =	shalt  }
0x71: {  	_ =	shalt  }
0x72: {  	_ =	shalt  }
0x73: {  	_ =	shalt  }
0x74: {  	_ =	shalt  }
0x75: {  	_ =	shalt  }
0x76: {  	_ =	shalt  }
0x77: {  	_ =	shalt  }
0x78: {  	_ =	shalt  }
0x79: {  	_ =	shalt  }
0x7a: {  	_ =	shalt  }
0x7b: {  	_ =	shalt  }
0x7c: {  	_ =	shalt  }
0x7d: {  	_ =	shalt  }
0x7e: {  	_ =	shalt  }
0x7f: {  	_ =	shalt  }
0x80: {  	_ =	shalt  }
0x81: {  	_ =	shalt  }
0x82: {  	_ =	shalt  }
0x83: {  	_ =	shalt  }
0x84: {  	_ =	shalt  }
0x85: {  	_ =	shalt  }
0x86: {  	_ =	shalt  }
0x87: {  	_ =	shalt  }
.Lfunc_end0:
.L_simem_size_0:
called_computation.6_lowered:
.L_overlay_start_0:
0x88: {  	s2 =	sld [smem:$0x3FD9]  }
0x89: {  	s3 =	sld [smem:$0x3FFE];
	_ =	sdelay $0x1  }
0x8a: {  	s1 =	srdreg.scid  }
0x8b: {  	s0 =	sand.u32 $0x1, s1  }
0x8c: {  	s16 =	sshll.u32 s0, $0xA;
	s2 =	sadd.s32 s3, s2  }
0x8d: {  	s2 =	sadd.s32 s2, s16  }
0x8e: {  	[smem:$0x3F9D] =	sst s2  }
0x8f: {  	_ = 	snop  }
0x90: {  	(tm) =	ssettm $0x1  }
0x91: {  	s17 =	sld [smem:$0x3FFB];
	_ =	sdelay $0x3  }
0x92: {  	_ =	strace s17  }
0x93: {  	s2 =	sld [smem:$0x3FFC];
	_ =	sdelay $0x3  }
0x94: {  	_ =	strace s2  }
0x95: {  	s2 =	sld [smem:$0x3FFD];
	_ =	sdelay $0x3  }
0x96: {  	_ =	strace s2  }
0x97: {  	_ =	strace $0x8FFFFFFF  }
0x98: {  	s18 =	sld [smem:$0x3FDB];
	_ =	sdelay $0x1  }
0x99: {  	s19 =	simm.s32 $_scs_section_size  }
0x9a: {  	s4 =	simm.s32 $_size__tile_overlayer_lowered;
	s5 =	simm.s32 $_tile_overlayer_lowered  }
0x9b: {  	s22 =	simm.s32 $0x1BFF;
	s21 =	sshll.u32 s5, $0x1;
	s2 =	sadd.s32 s19, s18  }
0x9c: {  	s6 =	simm.s32 $0x0;
	s20 =	sshll.u32 s4, $0x1;
	s4 =	sadd.s32 s21, s2  }
0x9d: {  	[timem:s6], [sflag:s22] =	dma.local [hbm:s4], s20  }
0x9e: {  	_ =	swait.ge [sflag:s22], s20  }
0x9f: {  	s3 =	ssub.s32 $0x0, s20;
	[sflag:s22] =	ssyncset.done $0x0  }
0xa0: {  	[sflag:s22] =	ssyncadd.s32 s3;
	_ =	sdelay $0x1  }
0xa1: {  	s23 =	simm.s32 $0x1B8B  }
0xa2: {  	_ =	swait.ge [sflag:s23], $0x1  }
0xa3: {  	[sflag:s23] =	ssyncset.done $0x0  }
0xa4: {  	s25 =	simm.s32 $0x1B8E;
	s24 =	sld [smem:$0x3FFE];
	[sflag:s23] =	ssyncadd.s32 $0xFFFFFFFF  }
0xa5: {  	s26 =	simm.s32 $execute0_lowered;
	[smem:$0x3FD2] =	sst s25  }
0xa6: {  	s4 =	sshll.u32 s26, $0x1;
	_ =	strace $0x80000058;
	[dreg:$0x1] =	wrdreg $0xFFFFFFFF  }
0xa7: {  	s28 =	simm.s32 $_size_execute0_lowered;
	s2 =	sadd.s32 s2, s4;
	[dreg:$0x0] =	wrdreg $0x0  }
0xa8: {  	s4 =	sshll.u32 s28, $0x1;
	[dreg:$0x2] =	wrdreg s2  }
0xa9: {  	[dreg:$0x3] =	wrdreg s4  }
0xaa: {  	[dreg:$0x4] =	wrdreg $0xC0  }
0xab: {  	_ =	task [dreg:s6], $0x5FFFF  }
0xac: {  	[dreg:$0x1] =	wrdreg $0xFFFFFFFF  }
0xad: {  	[dreg:$0x0] =	wrdreg $0x60  }
0xae: {  	[dreg:$0x2] =	wrdreg s24  }
0xaf: {  	[dreg:$0x3] =	wrdreg $0x185000  }
0xb0: {  	[dreg:$0x4] =	wrdreg $0x9  }
0xb1: {  	_ =	task.clear_ibuf [dreg:s6], $0x5FFFF;
	_ =	strace $0x90000058  }
0xb2: {  	s29 =	simm.s32 $0x9;
	_ =	strace $0x8000005A  }
0xb3: {  	_ =	swait.ge [sflag:s29], $0x1  }
0xb4: {  	[sflag:s29] =	ssyncadd.s32 $0xFFFFFFFF  }
0xb5: {  	_ =	strace $0x9000005A  }
0xb6: {  	_ =	sfence  }
0xb7: {  	s30 =	sld [smem:$0x0];
	_ =	sdelay $0x2  }
0xb8: {  	s31 =	sshll.u32 s1, $0xD;
	s1 =	sshrl.u32 s1, $0x2  }
0xb9: {  	s3 =	sand.u32 $0x4000, s31;
	s1 =	sadd.s32 s1, s30  }
0xba: {  	s0 =	sor.u32 s3, s0;
	s1 =	sshll.u32 s1, $0x11  }
0xbb: {  	s0 =	sor.u32 s1, s0  }
0xbc: {  	s0 =	sadd.s32 $0x8F2B, s0  }
0xbd: {  	[sflag:s0] =	ssyncadd.remote.s32 $0x1  }
0xbe: {  	_ =	sfence.sel $0xFFFF  }
0xbf: {  	[dreg:$0x0] =	wrdreg $0xFFFFFFFF;
	(pc) =	sbr.abs _section_cstart, $3  }
0xc0: {  	[dreg:$0x1] =	wrdreg $0xFFFFFFFF  }
0xc1: {  	_ =	task.clear_ibuf [dreg:s6], $0x2FFFF;
	_ =	strace $0x9FFFFFFF  }
0xc2: {  	(tm) =	ssettm $0x7FFFFFFF  }
0xc3: {  	_ =	shalt  }
tec
execute0_lowered:
.L_overlay_start_1:
0x0: {  	(tag) =	ssettag $0x1  }
0x1: {  	s11 =	rddreg [dreg:$0x0]  }
0x2: {  	s1 =	rddreg [dreg:$0x1]  }
0x3: {  	s0 =	rddreg [dreg:$0x2];
	s3 =	simm.s32 $0x0;
	s7 =	srdreg.scid  }
0x4: {  	s2 =	stileid.u32;
	s6 =	simm.s32 $0x17100;
	[smem:$0x7FF] =	sst s3  }
0x5: {  	s5 =	simm.s32 $0x1;
	s4 =	sadd.s32 $0x12200, s11;
	_ =	strace $0x80000059  }
0x6: {  	[tilespmem:s6], [sflag:$0x1] =	stream.linear.gather [hbm4b:s4+s3], $0x1400, $0x38;
	[tilespmem:$0x19900] =	vst v63  }
0x7: {  	s12 =	sand.u32 $0x1, s7;
	s13 =	smul.u32 $0x1400, s2;
	_ =	swait.ge [sflag:s5], $0x1400  }
0x8: {  	s7 =	sshll.u32 s12, $0x4;
	[sflag:s5] =	ssyncset.done $0x0  }
0x9: {  	s8 =	sor.u32 s2, s7;
	s7 =	sadd.s32 s13, s1;
	[sflag:s5] =	ssyncadd.s32 $0xFFFFEC00  }
0xa: {  	[spmem:s7] =	stream.linear.scatter [tilespmem:s6], [sflag:$0x1], $0x1400, $0x38;
	[tilespmem:$0x19900] =	vst v63  }
0xb: {  	s9 =	smul.u32 $0x520, s8;
	_ =	swait.ge [sflag:s5], $0x1400  }
0xc: {  	[sflag:s5] =	ssyncset.done $0x0  }
0xd: {  	s9 =	sadd.s32 s9, s11;
	[sflag:s5] =	ssyncadd.s32 $0xFFFFEC00  }
0xe: {  	s10 =	smul.u32 $0x2900, s8;
	s8 =	sadd.s32 $0x17600, s9;
	[bflag:$0x0] =	sbarrier.arrive $0xFFFF  }
0xf: {  	[tilespmem:s3], [sflag:$0x1] =	stream.linear.gather [hbm4b:s8+s3], $0x2900, $0x38;
	[tilespmem:$0x19900] =	vst v63  }
0x10: {  	_ =	swait.ge [sflag:s5], $0x2900  }
0x11: {  	s28 =	sadd.s32 s10, s11;
	[sflag:s5] =	ssyncset.done $0x0  }
0x12: {  	s10 =	simm.s32 $0x2900;
	s9 =	sadd.s32 $0x59C600, s28;
	[sflag:s5] =	ssyncadd.s32 $0xFFFFD700  }
0x13: {  	[tilespmem:s10], [sflag:$0x1] =	stream.linear.gather [hbm4b:s9+s3], $0x14800, $0x38;
	[tilespmem:$0x19900] =	vst v63  }
0x14: {  	s14 =	smul.u32 $0x14000, s12;
	s12 =	ssub.s32 $0x2, s12;
	_ =	swait.ge [sflag:s5], $0x14800  }
0x15: {  	s31 =	sshll.u32 s2, $0x6;
	s29 =	sshrl.u32 s12, $0x1;
	[sflag:s5] =	ssyncset.done $0x0  }
0x16: {  	s13 =	sadd.s32 s13, s14;
	s12 =	ssub.s32 s12, s29;
	[sflag:s5] =	ssyncadd.s32 $0xFFFEB800  }
0x17: {  	[spmem:s1] =	stream.indirect.scatter.add.f32 [tilespmem:s10], [sflag:$0x1], $0x8, s3, s10, $0xb8;
	[tilespmem:$0x19900] =	vst v63  }
0x18: {  	s13 =	sshrl.u32 s13, $0x3;
	s30 =	smax.u32 s12, $0x1;
	_ =	swait.ge [sflag:s5], $0x14800  }
0x19: {  	s12 =	sor.u32 $0x1C01, s31;
	p0 =	sne.s32 s30, $0x1;
	[sflag:s5] =	ssyncset.done $0x0  }
.Ltmp0:
0x1a: {  	s11 =	sadd.s32 s13, s11;
	[sflag:s5] =	ssyncadd.s32 $0xFFFEB800;
	(pc) =	sbr.rel @!p0 .LBB2_2-.Ltmp0, $4  }
0x1b: {  	s13 =	sshrl.u32 s7, $0x3;
	s11 =	sadd.s32 $0x12600, s11;
	[bflag:$0x0] =	sbarrier.arrive $0xFFFF  }
0x1c: {  	[hbm:s11], [sflag:s12] =	dma.local [spmem:s13], $0x280  }
0x1d: {  	_ =	swait.ge [sflag:s5], $0x280  }
0x1e: {  	s14 =	sadd.s32 $0xFFFFFFFF, s30;
	[sflag:s5] =	ssyncset.done $0x0  }
.LBB2_1:
0x1f: {  	p0 =	sne.s32 s14, $0x1;
	s14 =	sadd.s32 $0xFFFFFFFF, s14;
	[sflag:s5] =	ssyncadd.s32 $0xFFFFFD80  }
0x20: {  	[tilespmem:s6], [sflag:$0x1] =	stream.linear.gather [hbm4b:s4+s3], $0x1400, $0x38;
	[tilespmem:$0x19900] =	vst v63  }
0x21: {  	_ =	swait.ge [sflag:s5], $0x1400  }
0x22: {  	[sflag:s5] =	ssyncset.done $0x0  }
0x23: {  	[sflag:s5] =	ssyncadd.s32 $0xFFFFEC00  }
0x24: {  	[spmem:s7] =	stream.linear.scatter [tilespmem:s6], [sflag:$0x1], $0x1400, $0x38;
	[tilespmem:$0x19900] =	vst v63  }
0x25: {  	_ =	swait.ge [sflag:s5], $0x1400  }
0x26: {  	[sflag:s5] =	ssyncset.done $0x0  }
0x27: {  	[sflag:s5] =	ssyncadd.s32 $0xFFFFEC00  }
0x28: {  	[bflag:$0x0] =	sbarrier.arrive $0xFFFF  }
0x29: {  	[tilespmem:s3], [sflag:$0x1] =	stream.linear.gather [hbm4b:s8+s3], $0x2900, $0x38;
	[tilespmem:$0x19900] =	vst v63  }
0x2a: {  	_ =	swait.ge [sflag:s5], $0x2900  }
0x2b: {  	[sflag:s5] =	ssyncset.done $0x0  }
0x2c: {  	[sflag:s5] =	ssyncadd.s32 $0xFFFFD700  }
0x2d: {  	[tilespmem:s10], [sflag:$0x1] =	stream.linear.gather [hbm4b:s9+s3], $0x14800, $0x38;
	[tilespmem:$0x19900] =	vst v63  }
0x2e: {  	_ =	swait.ge [sflag:s5], $0x14800  }
0x2f: {  	[sflag:s5] =	ssyncset.done $0x0  }
0x30: {  	[sflag:s5] =	ssyncadd.s32 $0xFFFEB800  }
0x31: {  	[spmem:s1] =	stream.indirect.scatter.add.f32 [tilespmem:s10], [sflag:$0x1], $0x8, s3, s10, $0xb8;
	[tilespmem:$0x19900] =	vst v63  }
0x32: {  	_ =	swait.ge [sflag:s5], $0x14800  }
0x33: {  	[sflag:s5] =	ssyncset.done $0x0  }
.Ltmp1:
0x34: {  	[sflag:s5] =	ssyncadd.s32 $0xFFFEB800;
	(pc) =	sbr.rel @p0 .LBB2_1-.Ltmp1, $4  }
0x35: {  	[bflag:$0x0] =	sbarrier.arrive $0xFFFF  }
0x36: {  	[hbm:s11], [sflag:s12] =	dma.local [spmem:s13], $0x280  }
0x37: {  	_ =	swait.ge [sflag:s5], $0x280  }
0x38: {  	[sflag:s5] =	ssyncset.done $0x0  }
.LBB2_2:
0x39: {  	[sflag:s5] =	ssyncadd.s32 $0xFFFFFD80  }
0x3a: {  	_ =	sfence.sel $0x180000  }
0x3b: {  	[bflag:$0x0] =	sbarrier.arrive $0xFFFF  }
0x3c: {  	p0 =	sne.s32 s2, $0x0;
	_ =	strace $0x90000059  }
0x3d: {  	s0 =	sadd.s32 @!p0 $0x100000, s0;
	[bflag:$0x2] =	sbarrier.arrive $0xFFFF  }
0x3e: {  	[sflag:s0] =	ssyncadd.tile.s32 @!p0 $0x1;
	_ =	shalt  }
.Lfunc_end2:
_tile_overlayer_lowered:
.L_overlay_start_2:
0x3f: {  	(tag) =	ssettag $0x2  }
0x40: {  	s0 =	rddreg [dreg:$0x0];
	s2 =	stileid.u32  }
0x41: {  	s1 =	rddreg [dreg:$0x1];
	p0 =	sne.s32 s2, $0x0  }
0x42: {  	s3 =	rddreg [dreg:$0x2];
	[bflag:$0x3] =	sbarrier.arrive $0xFFFF;
	s2 =	simm.s32 @!p0 $0x1C01  }
0x43: {  	[timem:s3], [sflag:s2] =	dma.local @!p0 [hbm:s0], s1  }
0x44: {  	s0 =	simm.s32 @!p0 $0x1  }
0x45: {  	_ =	swait.ge @!p0 [sflag:s0], s1  }
0x46: {  	s1 =	ssub.s32 @!p0 $0x0, s1;
	[sflag:s0] =	ssyncset.done @!p0 $0x0  }
0x47: {  	[sflag:s0] =	ssyncadd.s32 @!p0 s1  }
0x48: {  	[bflag:$0x3] =	sbarrier.arrive $0xFFFF  }
0x49: {  	_ =	shalt  }

</sc_bundles>
